<compile_context>
chip_gen: v7x
topology: tpu7x:2x2x1
jax: 0.10.2.dev20260603
libtpu: 0.0.44.dev20260713+nightly
codegen_flags: <defaults>
</compile_context>

<pallas_src>
import jax
import jax.numpy as jnp
from jax import lax
from jax.experimental import pallas as pl
from jax.experimental.pallas import tpu as pltpu
from jax.experimental.pallas import tpu_sc as plsc

N = 50000
H = 128
EPS = 1e-5

_NC, _NS = 2, 16
_Q = 32
_GC = 128
_EPT = 50176
_NCH = _EPT // _GC
_ACC = 50048
_ZSPAN = _ACC // _NS


def _seg_body(src_hbm, dst_hbm, wr_hbm, out_hbm,
              acc, sbuf0, sbuf1, dbuf, gidx0, gidx1, rows0, rows1, zbuf,
              sem0, sem1, semS0, semS1):
    c = lax.axis_index("c")
    s = lax.axis_index("s")
    ebase = s * _EPT

    zv = jnp.zeros((16,), jnp.float32)

    def _zb(t, carry):
        zbuf[t // 2, pl.ds((t % 2) * 16, 16)] = zv
        return carry

    lax.fori_loop(0, 128, _zb, 0)

    def _load_async(j, sbuf, slot, sem):
        pltpu.async_copy(src_hbm.at[pl.ds(ebase + j * _GC, _GC)], sbuf, sem)
        pltpu.async_copy(dst_hbm.at[pl.ds(ebase + j * _GC, _GC)],
                         dbuf.at[slot], sem)

    def _wait_load(j, sbuf, slot, sem):
        pltpu.make_async_copy(src_hbm.at[pl.ds(ebase + j * _GC, _GC)],
                              sbuf, sem).wait()
        pltpu.make_async_copy(dst_hbm.at[pl.ds(ebase + j * _GC, _GC)],
                              dbuf.at[slot], sem).wait()

    def _fire(gidx, sbuf, rows, sem, q):
        for t in range(8):
            sv = sbuf[pl.ds(t * 16, 16)]
            gidx[pl.ds(t * 16, 16)] = sv * 4 + q
        pltpu.async_copy(wr_hbm.at[gidx], rows, sem)

    def _wait_gather(gidx, rows, sem):
        pltpu.make_async_copy(wr_hbm.at[gidx], rows, sem).wait()

    for k in range(2):
        q = 2 * k + c
        obase = q * N

        zb = s * _ZSPAN
        for t in range(48):
            pltpu.sync_copy(zbuf, acc.at[pl.ds(zb + t * 64, 64)])
        pltpu.sync_copy(zbuf.at[pl.ds(0, 56)], acc.at[pl.ds(zb + 3072, 56)])
        plsc.subcore_barrier()

        pltpu.sync_copy(src_hbm.at[pl.ds(ebase, _GC)], sbuf0)
        pltpu.sync_copy(dst_hbm.at[pl.ds(ebase, _GC)], dbuf.at[0])
        _fire(gidx0, sbuf0, rows0, sem0, q)
        _load_async(1, sbuf1, 1, semS1)

        def _pair(jj, carry):
            j0 = 2 * jj
            _wait_load(j0 + 1, sbuf1, 1, semS1)
            _fire(gidx1, sbuf1, rows1, sem1, q)
            _wait_gather(gidx0, rows0, sem0)
            pltpu.sync_copy(rows0, acc.at[dbuf.at[0]], add=True)

            @pl.when(jj < _NCH // 2 - 1)
            def _():
                _load_async(j0 + 2, sbuf0, 0, semS0)

            _wait_gather(gidx1, rows1, sem1)
            pltpu.sync_copy(rows1, acc.at[dbuf.at[1]], add=True)

            @pl.when(jj < _NCH // 2 - 1)
            def _():
                _wait_load(j0 + 2, sbuf0, 0, semS0)
                _fire(gidx0, sbuf0, rows0, sem0, q)
                _load_async(j0 + 3, sbuf1, 1, semS1)

            return carry

        lax.fori_loop(0, _NCH // 2, _pair, 0)
        plsc.subcore_barrier()

        @pl.when(s < _NS - 1)
        def _():
            pltpu.sync_copy(acc.at[pl.ds(s * _ZSPAN, _ZSPAN)],
                            out_hbm.at[pl.ds(obase + s * _ZSPAN, _ZSPAN)])

        @pl.when(s == _NS - 1)
        def _():
            last = N - (_NS - 1) * _ZSPAN
            pltpu.sync_copy(acc.at[pl.ds((_NS - 1) * _ZSPAN, last)],
                            out_hbm.at[pl.ds(obase + (_NS - 1) * _ZSPAN, last)])

        plsc.subcore_barrier()


def _segment_sum_sc(src_pad, dst_pad, w_r):
    mesh = plsc.VectorSubcoreMesh(
        core_axis_name="c", subcore_axis_name="s",
        num_cores=_NC, num_subcores=_NS)
    f = pl.kernel(
        _seg_body,
        out_type=jax.ShapeDtypeStruct((4 * N, _Q), jnp.float32),
        mesh=mesh,
        compiler_params=pltpu.CompilerParams(use_tc_tiling_on_sc=False),
        scratch_types=[
            pltpu.VMEM_SHARED((_ACC, _Q), jnp.float32),
            pltpu.VMEM((_GC,), jnp.int32),
            pltpu.VMEM((_GC,), jnp.int32),
            pltpu.VMEM((2, _GC), jnp.int32),
            pltpu.VMEM((_GC,), jnp.int32),
            pltpu.VMEM((_GC,), jnp.int32),
            pltpu.VMEM((_GC, _Q), jnp.float32),
            pltpu.VMEM((_GC, _Q), jnp.float32),
            pltpu.VMEM((64, _Q), jnp.float32),
            pltpu.SemaphoreType.DMA,
            pltpu.SemaphoreType.DMA,
            pltpu.SemaphoreType.DMA,
            pltpu.SemaphoreType.DMA,
        ],
    )
    return f(src_pad, dst_pad, w_r)


_BLK = 2000
_GRID = N // _BLK


def _bdot(a, b):
    return jnp.dot(a.astype(jnp.bfloat16), b.astype(jnp.bfloat16),
                   preferred_element_type=jnp.float32)


def _stats_update(h, s_ref, q_ref):
    bs = jnp.sum(h, axis=0, keepdims=True)
    bm = bs * (1.0 / _BLK)
    d = h - bm
    m2b = jnp.sum(d * d, axis=0, keepdims=True)
    i = pl.program_id(0)

    @pl.when(i == 0)
    def _():
        s_ref[...] = bs
        q_ref[...] = m2b

    @pl.when(i > 0)
    def _():
        no = (i * _BLK).astype(jnp.float32)
        delta = bm - s_ref[...] * (1.0 / no)
        q_ref[...] = (q_ref[...] + m2b
                      + delta * delta * (no * _BLK / (no + _BLK)))
        s_ref[...] = s_ref[...] + bs


def _k1_body(pos_ref, seg4_ref, Bt_ref, Wnt_ref, bn_ref, M2_ref, c1_ref,
             M1_ref, be_ref, W1_ref, b1_ref, h1_ref, s_ref, q_ref):
    p = pos_ref[...]
    vp = 2.0 * jnp.pi * _bdot(p, Bt_ref[...])
    x = jnp.concatenate([jnp.cos(vp), jnp.sin(vp)], axis=-1)
    seg4 = seg4_ref[...]
    seg = jnp.concatenate([seg4[0], seg4[1], seg4[2], seg4[3]], axis=-1)
    out0 = seg + be_ref[...]
    out = out0 + _bdot(out0, M1_ref[...]) + c1_ref[...]
    xn = _bdot(x, Wnt_ref[...]) + bn_ref[...]
    out = out + xn + _bdot(xn, M2_ref[...])
    h = jnp.maximum(out, 0.0)
    h1 = jnp.maximum(_bdot(h, W1_ref[...]) + b1_ref[...], 0.0)
    h1_ref[...] = h1
    _stats_update(h1, s_ref, q_ref)


def _k2_body(h1_ref, s_ref, q_ref, g_ref, be_ref, W2_ref, b2_ref,
             h2_ref, s2_ref, q2_ref):
    mean = s_ref[...] * (1.0 / N)
    var = q_ref[...] * (1.0 / N)
    scale = g_ref[...] * lax.rsqrt(var + EPS)
    shift = be_ref[...] - mean * scale
    h1n = h1_ref[...] * scale + shift
    h2 = jnp.maximum(_bdot(h1n, W2_ref[...]) + b2_ref[...], 0.0)
    h2_ref[...] = h2
    _stats_update(h2, s2_ref, q2_ref)


def _k3_body(h2_ref, s_ref, q_ref, g_ref, be_ref, W3_ref, b3_ref,
             x2_ref, mx_ref):
    mean = s_ref[...] * (1.0 / N)
    var = q_ref[...] * (1.0 / N)
    scale = g_ref[...] * lax.rsqrt(var + EPS)
    shift = be_ref[...] - mean * scale
    h2n = h2_ref[...] * scale + shift
    x2 = _bdot(h2n, W3_ref[...]) + b3_ref[...]
    x2_ref[...] = x2

    @pl.when(pl.program_id(0) == 0)
    def _():
        mx_ref[...] = jnp.full_like(mx_ref, -jnp.inf)

    mx_ref[...] = jnp.maximum(mx_ref[...], jnp.max(x2, axis=0, keepdims=True))


def _k4_body(x2_ref, mx_ref, Wg_ref, bg_ref, W1a_ref, W1b_ref, bt1_ref,
             W2t_ref, bt2_ref, t_ref, xcat_ref):
    hmax = mx_ref[...]
    hg = _bdot(hmax, Wg_ref[...]) + bg_ref[...]
    hg = jnp.maximum(hg, 0.2 * hg)
    x2 = x2_ref[...]
    u = (_bdot(x2, W1a_ref[...]) + _bdot(hg, W1b_ref[...]) + bt1_ref[...])
    u = jnp.maximum(u, 0.2 * u)
    t = jnp.tanh(_bdot(u, W2t_ref[...]) + bt2_ref[...])
    t_ref[...] = t
    xcat_ref[...] = jnp.concatenate(
        [x2, jnp.broadcast_to(hg, x2.shape)], axis=-1)


def _row_spec(width):
    return pl.BlockSpec((_BLK, width), lambda i: (i, 0))


def _full_spec(shape):
    return pl.BlockSpec(shape, lambda i: tuple(0 for _ in shape))


def kernel(pos, edge_index, batch, B, W_edge, b_edge, W_node, b_node,
           W_cat1, b_cat1, W_cat2, b_cat2, fW1, fb1, g1, be1, fW2, fb2,
           g2, be2, fW3, fb3, Wg, bg, Wt1, bt1, Wt2, bt2):
    f32 = jnp.float32
    M1 = W_cat1.T
    M2 = W_cat2.T
    c1 = (b_cat1 + b_cat2).reshape(1, H)

    E = edge_index.shape[1]
    npad = _NS * _EPT - E
    src_pad = jnp.concatenate(
        [edge_index[0], jnp.zeros((npad,), jnp.int32)])
    dst_pad = jnp.concatenate(
        [edge_index[1], jnp.full((npad,), N, jnp.int32)])
    w_r = W_edge.reshape(-1, _Q)

    seg_flat = _segment_sum_sc(src_pad, dst_pad, w_r)
    seg4 = seg_flat.reshape(4, N, _Q)

    row128 = _row_spec(H)
    w128 = _full_spec((H, H))
    vec128 = _full_spec((1, H))
    seg4_spec = pl.BlockSpec((4, _BLK, _Q), lambda i: (0, i, 0))

    pos8 = jnp.zeros((N, 8), f32).at[:, :3].set(pos)
    Bt8 = jnp.zeros((8, 64), f32).at[:3, :].set(B.T)

    h1, s1, q1 = pl.pallas_call(
        _k1_body,
        grid=(_GRID,),
        in_specs=[_row_spec(8), seg4_spec, _full_spec((8, 64)), w128, vec128,
                  w128, vec128, w128, vec128, w128, vec128],
        out_specs=[row128, vec128, vec128],
        out_shape=[jax.ShapeDtypeStruct((N, H), f32),
                   jax.ShapeDtypeStruct((1, H), f32),
                   jax.ShapeDtypeStruct((1, H), f32)],
    )(pos8, seg4, Bt8, W_node.T, b_node.reshape(1, H), M2, c1,
      M1, b_edge.reshape(1, H), fW1.T, fb1.reshape(1, H))

    h2, s2, q2 = pl.pallas_call(
        _k2_body,
        grid=(_GRID,),
        in_specs=[row128, vec128, vec128, vec128, vec128, w128, vec128],
        out_specs=[row128, vec128, vec128],
        out_shape=[jax.ShapeDtypeStruct((N, H), f32),
                   jax.ShapeDtypeStruct((1, H), f32),
                   jax.ShapeDtypeStruct((1, H), f32)],
    )(h1, s1, q1, g1.reshape(1, H), be1.reshape(1, H), fW2.T,
      fb2.reshape(1, H))

    x2, mx = pl.pallas_call(
        _k3_body,
        grid=(_GRID,),
        in_specs=[row128, vec128, vec128, vec128, vec128, w128, vec128],
        out_specs=[row128, vec128],
        out_shape=[jax.ShapeDtypeStruct((N, H), f32),
                   jax.ShapeDtypeStruct((1, H), f32)],
    )(h2, s2, q2, g2.reshape(1, H), be2.reshape(1, H), fW3.T,
      fb3.reshape(1, H))

    Wt2p = jnp.zeros((H, 8), f32).at[:, :3].set(Wt2.T)
    bt2p = jnp.zeros((1, 8), f32).at[:, :3].set(bt2.reshape(1, 3))

    t8, xcat = pl.pallas_call(
        _k4_body,
        grid=(_GRID,),
        in_specs=[row128, vec128, w128, vec128, w128, w128, vec128,
                  _full_spec((H, 8)), _full_spec((1, 8))],
        out_specs=[_row_spec(8), _row_spec(2 * H)],
        out_shape=[jax.ShapeDtypeStruct((N, 8), f32),
                   jax.ShapeDtypeStruct((N, 2 * H), f32)],
    )(x2, mx, Wg.T, bg.reshape(1, H), Wt1.T[:H], Wt1.T[H:],
      bt1.reshape(1, H), Wt2p, bt2p)

    return (t8[:, :3], xcat)

# --- scband reference (transcript-rebuilt; emitter-appended) ---
"""Pipeline reference for scband-point-generator-23038204576312 (READ-ONLY COPY).

The authoritative reference and input builder live on the scoring server;
editing this copy changes nothing except your own understanding.
"""

import jax, jax.numpy as jnp
import numpy as np

N = 50000
E = 800000
TABLE = 150000
H = 128


def _bn(x, gamma, beta, eps=1e-5):
    mu = jnp.mean(x, axis=0, keepdims=True)
    var = jnp.var(x, axis=0, keepdims=True)
    return (x - mu) / jnp.sqrt(var + eps) * gamma + beta


def setup_inputs(seed: int = 0):
    key = jax.random.key(seed)
    ks = jax.random.split(key, 32)
    inp = {}
    inp['pos'] = jax.random.normal(ks[0], (N, 3), dtype=jnp.float32)
    inp['edge_index'] = jax.random.randint(ks[1], (2, E), 0, N, dtype=jnp.int32)
    inp['batch'] = jnp.zeros((N,), dtype=jnp.int32)
    # rff.layers.GaussianEncoding(sigma=10, input_size=3, encoded_size=64): b ~ N(0, sigma^2)
    inp['B'] = jax.random.normal(ks[2], (64, 3), dtype=jnp.float32) * 10.0
    s = 0.05
    # LINKX(150000, 128, 128, 128, 3)
    inp['W_edge'] = jax.random.normal(ks[3], (TABLE, H), dtype=jnp.float32) * s
    inp['b_edge'] = jnp.zeros((H,), dtype=jnp.float32)
    inp['W_node'] = jax.random.normal(ks[4], (H, H), dtype=jnp.float32) * s
    inp['b_node'] = jnp.zeros((H,), dtype=jnp.float32)
    inp['W_cat1'] = jax.random.normal(ks[5], (H, H), dtype=jnp.float32) * s
    inp['b_cat1'] = jnp.zeros((H,), dtype=jnp.float32)
    inp['W_cat2'] = jax.random.normal(ks[6], (H, H), dtype=jnp.float32) * s
    inp['b_cat2'] = jnp.zeros((H,), dtype=jnp.float32)
    inp['fW1'] = jax.random.normal(ks[7], (H, H), dtype=jnp.float32) * s
    inp['fb1'] = jnp.zeros((H,), dtype=jnp.float32)
    inp['g1'] = jnp.ones((H,), dtype=jnp.float32)
    inp['be1'] = jnp.zeros((H,), dtype=jnp.float32)
    inp['fW2'] = jax.random.normal(ks[8], (H, H), dtype=jnp.float32) * s
    inp['fb2'] = jnp.zeros((H,), dtype=jnp.float32)
    inp['g2'] = jnp.ones((H,), dtype=jnp.float32)
    inp['be2'] = jnp.zeros((H,), dtype=jnp.float32)
    inp['fW3'] = jax.random.normal(ks[9], (H, H), dtype=jnp.float32) * s
    inp['fb3'] = jnp.zeros((H,), dtype=jnp.float32)
    # global_conv Linear(128,128)
    inp['Wg'] = jax.random.normal(ks[10], (H, H), dtype=jnp.float32) * s
    inp['bg'] = jnp.zeros((H,), dtype=jnp.float32)
    # tail Linear(256,128), Linear(128,3)
    inp['Wt1'] = jax.random.normal(ks[11], (H, 2 * H), dtype=jnp.float32) * s
    inp['bt1'] = jnp.zeros((H,), dtype=jnp.float32)
    inp['Wt2'] = jax.random.normal(ks[12], (3, H), dtype=jnp.float32) * s
    inp['bt2'] = jnp.zeros((3,), dtype=jnp.float32)
    return inp


def reference(pos, edge_index, batch, B, W_edge, b_edge, W_node, b_node, W_cat1, b_cat1, W_cat2, b_cat2, fW1, fb1, g1, be1, fW2, fb2, g2, be2, fW3, fb3, Wg, bg, Wt1, bt1, Wt2, bt2):
    n = pos.shape[0]
    # GaussianEncoding: vp = 2*pi*x@b^T; out = [cos(vp), sin(vp)] -> 128 dims
    vp = 2.0 * jnp.pi * (pos @ B.T)
    x = jnp.concatenate([jnp.cos(vp), jnp.sin(vp)], axis=-1)
    # LINKX: SparseLinear = A @ W_edge: gather weight rows by src, scatter-add by dst
    src = edge_index[0]
    dst = edge_index[1]
    out = jax.ops.segment_sum(jnp.take(W_edge, src, axis=0), dst, num_segments=n) + b_edge
    out = out + (out @ W_cat1.T + b_cat1)
    xn = x @ W_node.T + b_node
    out = out + xn + (xn @ W_cat2.T + b_cat2)
    h = jax.nn.relu(out)
    # final_mlp (3 layers, act_first=True, batch_norm)
    h = jax.nn.relu(h @ fW1.T + fb1)
    h = _bn(h, g1, be1)
    h = jax.nn.relu(h @ fW2.T + fb2)
    h = _bn(h, g2, be2)
    x2 = h @ fW3.T + fb3
    # global_max_pool (single graph, batch all zeros)
    hmax = jax.ops.segment_max(x2, batch, num_segments=1)
    hg = jax.nn.leaky_relu(hmax @ Wg.T + bg, 0.2)
    hg = jnp.tile(hg, (n, 1))
    xcat = jnp.concatenate([x2, hg], axis=1)
    t = jax.nn.leaky_relu(xcat @ Wt1.T + bt1, 0.2)
    t = jnp.tanh(t @ Wt2.T + bt2)
    return (t, xcat)

if __name__ == "__main__":
    import jax
    _d = setup_inputs()
    print(jax.jit(kernel)(*tuple(_d.values())))

</pallas_src>

<mosaic_0001>
#map = affine_map<(d0, d1) -> (0)>
#map1 = affine_map<(d0, d1) -> (0, 0)>
module attributes {stable_mosaic.version = 14 : i64} {
  func.func @_seg_body(%arg0: i32, %arg1: i32, %arg2: memref<802816xi32, #tpu.memory_space<hbm>>, %arg3: memref<802816xi32, #tpu.memory_space<hbm>>, %arg4: memref<600000x32xf32, #tpu.memory_space<hbm>>, %arg5: memref<200000x32xf32, #tpu.memory_space<hbm>>, %arg6: memref<50048x32xf32, #tpu.memory_space<vmem_shared>>, %arg7: memref<128xi32, #tpu.memory_space<vmem>>, %arg8: memref<128xi32, #tpu.memory_space<vmem>>, %arg9: memref<2x128xi32, #tpu.memory_space<vmem>>, %arg10: memref<128xi32, #tpu.memory_space<vmem>>, %arg11: memref<128xi32, #tpu.memory_space<vmem>>, %arg12: memref<128x32xf32, #tpu.memory_space<vmem>>, %arg13: memref<128x32xf32, #tpu.memory_space<vmem>>, %arg14: memref<64x32xf32, #tpu.memory_space<vmem>>, %arg15: memref<!tpu.dma_semaphore, #tpu.memory_space<semaphore_mem>>, %arg16: memref<!tpu.dma_semaphore, #tpu.memory_space<semaphore_mem>>, %arg17: memref<!tpu.dma_semaphore, #tpu.memory_space<semaphore_mem>>, %arg18: memref<!tpu.dma_semaphore, #tpu.memory_space<semaphore_mem>>) attributes {dimension_semantics = [#tpu.dimension_semantics<core_parallel>, #tpu.dimension_semantics<subcore_parallel>], iteration_bounds = array<i64: 2, 16>, scalar_prefetch = 0 : i64, scratch_operands = 13 : i64, tpu.core_type = #tpu.core_type<sc_vector_subcore>, window_params = [{transform_indices = #map}, {transform_indices = #map}, {transform_indices = #map1}, {transform_indices = #map1}]} {
    %mul3A = arith.constant 50176 : i32
    %mul3A_0 = arith.muli %arg1, %mul3A : i32
    %broadcast_in_dim3A = arith.constant 0.000000e+00 : f32
    %broadcast_in_dim3A_1 = vector.broadcast %broadcast_in_dim3A : f32 to vector<16xf32>
    %scan3A = arith.constant 0 : i32
    %scan3A_2 = arith.constant 0 : i32
    %scan3A_3 = arith.constant 128 : i32
    %scan3A_4 = arith.addi %scan3A_2, %scan3A_3 : i32
    %scan3A_5 = arith.constant 1 : i32
    scf.for %scan3A_473 = %scan3A_2 to %scan3A_4 step %scan3A_5  : i32 {
      %jit3A = arith.constant 2 : i32
      %div3A = arith.divsi %scan3A_473, %jit3A : i32
      %sign3A = arith.constant 0 : i32
      %sign3A_474 = arith.cmpi sgt, %scan3A_473, %sign3A : i32
      %sign3A_475 = arith.extui %sign3A_474 : i1 to i32
      %sign3A_476 = arith.constant 0 : i32
      %sign3A_477 = arith.cmpi slt, %scan3A_473, %sign3A_476 : i32
      %sign3A_478 = arith.extui %sign3A_477 : i1 to i32
      %sign3A_479 = arith.subi %sign3A_475, %sign3A_478 : i32
      %sign3A_480 = arith.constant 0 : i32
      %sign3A_481 = arith.cmpi sgt, %jit3A, %sign3A_480 : i32
      %sign3A_482 = arith.extui %sign3A_481 : i1 to i32
      %sign3A_483 = arith.constant 0 : i32
      %sign3A_484 = arith.cmpi slt, %jit3A, %sign3A_483 : i32
      %sign3A_485 = arith.extui %sign3A_484 : i1 to i32
      %sign3A_486 = arith.subi %sign3A_482, %sign3A_485 : i32
      %ne3A = arith.cmpi ne, %sign3A_479, %sign3A_486 : i32
      %rem3A = arith.remsi %scan3A_473, %jit3A : i32
      %ne3A_487 = arith.constant 0 : i32
      %ne3A_488 = arith.cmpi ne, %rem3A, %ne3A_487 : i32
      %and3A = arith.andi %ne3A, %ne3A_488 : i1
      %sub3A = arith.constant 1 : i32
      %sub3A_489 = arith.subi %div3A, %sub3A : i32
      %select_n3A = arith.select %and3A, %sub3A_489, %div3A : i32
      %jit3A_490 = arith.constant 2 : i32
      %eq3A_491 = arith.constant 0 : i32
      %eq3A_492 = arith.cmpi eq, %jit3A_490, %eq3A_491 : i32
      %jit3A_493 = arith.constant 1 : i32
      %select_n3A_494 = arith.select %eq3A_492, %jit3A_493, %jit3A_490 : i32
      %rem3A_495 = arith.remsi %scan3A_473, %select_n3A_494 : i32
      %ne3A_496 = arith.constant 0 : i32
      %ne3A_497 = arith.cmpi ne, %rem3A_495, %ne3A_496 : i32
      %lt3A_498 = arith.constant 0 : i32
      %lt3A_499 = arith.cmpi slt, %rem3A_495, %lt3A_498 : i32
      %lt3A_500 = arith.constant 0 : i32
      %lt3A_501 = arith.cmpi slt, %select_n3A_494, %lt3A_500 : i32
      %ne3A_502 = arith.xori %lt3A_499, %lt3A_501 : i1
      %and3A_503 = arith.andi %ne3A_502, %ne3A_497 : i1
      %add3A_504 = arith.addi %rem3A_495, %select_n3A_494 : i32
      %select_n3A_505 = arith.select %and3A_503, %add3A_504, %rem3A_495 : i32
      %mul3A_506 = arith.constant 16 : i32
      %mul3A_507 = arith.muli %select_n3A_505, %mul3A_506 : i32
      %swap3A_508 = arith.index_cast %select_n3A : i32 to index
      %swap3A_509 = arith.index_cast %mul3A_507 : i32 to index
      %swap3A_510 = tpu.vector_load %arg14[%swap3A_508, %swap3A_509] {strides = array<i32>} : memref<64x32xf32, #tpu.memory_space<vmem>>, vector<1x16xf32>,
      %swap3A_511 = vector.shape_cast %swap3A_510 : vector<1x16xf32> to vector<16xf32>
      %swap3A_512 = vector.shape_cast %broadcast_in_dim3A_1 : vector<16xf32> to vector<1x16xf32>
      tpu.vector_store %arg14[%swap3A_508, %swap3A_509], %swap3A_512 {strides = array<i32>} : memref<64x32xf32, #tpu.memory_space<vmem>>, vector<1x16xf32>,
    }
    %scan3A_6 = arith.constant 128 : i32
    %add3A = arith.constant 0 : i32
    %add3A_7 = arith.addi %add3A, %arg0 : i32
    %mul3A_8 = arith.constant 50000 : i32
    %mul3A_9 = arith.muli %add3A_7, %mul3A_8 : i32
    %mul3A_10 = arith.constant 3128 : i32
    %mul3A_11 = arith.muli %arg1, %mul3A_10 : i32
    %add3A_12 = arith.constant 0 : i32
    %add3A_13 = arith.addi %mul3A_11, %add3A_12 : i32
    "tpu.region"() ({
      %run_scoped3A_473 = tpu.sem_alloc : memref<!tpu.dma_semaphore, #tpu.memory_space<semaphore_mem>>
      %dma_start3A_474 = arith.constant 0 : i32
      %dma_start3A_475 = tpu.memref_slice %arg6[%add3A_13, %dma_start3A_474] : memref<50048x32xf32, #tpu.memory_space<vmem_shared>> -> memref<64x32xf32, #tpu.memory_space<vmem_shared>>
      %dma_start3A_476 = arith.constant 0 : i32
      %dma_start3A_477 = tpu.memref_slice %arg6[%add3A_13, %dma_start3A_476] : memref<50048x32xf32, #tpu.memory_space<vmem_shared>> -> memref<64x32xf32, #tpu.memory_space<vmem_shared>>
      tpu.enqueue_dma source(%arg14 : memref<64x32xf32, #tpu.memory_space<vmem>>) target(%dma_start3A_477 : memref<64x32xf32, #tpu.memory_space<vmem_shared>>) target_semaphore(%run_scoped3A_473 : memref<!tpu.dma_semaphore, #tpu.memory_space<semaphore_mem>>)
      %dma_wait3A = arith.constant 0 : i32
      %dma_wait3A_478 = tpu.memref_slice %arg6[%add3A_13, %dma_wait3A] : memref<50048x32xf32, #tpu.memory_space<vmem_shared>> -> memref<64x32xf32, #tpu.memory_space<vmem_shared>>
      %dma_wait3A_479 = arith.constant 0 : i32
      %dma_wait3A_480 = tpu.memref_slice %arg6[%add3A_13, %dma_wait3A_479] : memref<50048x32xf32, #tpu.memory_space<vmem_shared>> -> memref<64x32xf32, #tpu.memory_space<vmem_shared>>
      tpu.wait_dma2 semaphore(%run_scoped3A_473 : memref<!tpu.dma_semaphore, #tpu.memory_space<semaphore_mem>>) src(%arg14 : memref<64x32xf32, #tpu.memory_space<vmem>>) dst(%dma_wait3A_480 : memref<64x32xf32, #tpu.memory_space<vmem_shared>>)
      tpu.yield
    }) : () -> ()
    %add3A_14 = arith.constant 64 : i32
    %add3A_15 = arith.addi %mul3A_11, %add3A_14 : i32
    "tpu.region"() ({
      %run_scoped3A_473 = tpu.sem_alloc : memref<!tpu.dma_semaphore, #tpu.memory_space<semaphore_mem>>
      %dma_start3A_474 = arith.constant 0 : i32
      %dma_start3A_475 = tpu.memref_slice %arg6[%add3A_15, %dma_start3A_474] : memref<50048x32xf32, #tpu.memory_space<vmem_shared>> -> memref<64x32xf32, #tpu.memory_space<vmem_shared>>
      %dma_start3A_476 = arith.constant 0 : i32
      %dma_start3A_477 = tpu.memref_slice %arg6[%add3A_15, %dma_start3A_476] : memref<50048x32xf32, #tpu.memory_space<vmem_shared>> -> memref<64x32xf32, #tpu.memory_space<vmem_shared>>
      tpu.enqueue_dma source(%arg14 : memref<64x32xf32, #tpu.memory_space<vmem>>) target(%dma_start3A_477 : memref<64x32xf32, #tpu.memory_space<vmem_shared>>) target_semaphore(%run_scoped3A_473 : memref<!tpu.dma_semaphore, #tpu.memory_space<semaphore_mem>>)
      %dma_wait3A = arith.constant 0 : i32
      %dma_wait3A_478 = tpu.memref_slice %arg6[%add3A_15, %dma_wait3A] : memref<50048x32xf32, #tpu.memory_space<vmem_shared>> -> memref<64x32xf32, #tpu.memory_space<vmem_shared>>
      %dma_wait3A_479 = arith.constant 0 : i32
      %dma_wait3A_480 = tpu.memref_slice %arg6[%add3A_15, %dma_wait3A_479] : memref<50048x32xf32, #tpu.memory_space<vmem_shared>> -> memref<64x32xf32, #tpu.memory_space<vmem_shared>>
      tpu.wait_dma2 semaphore(%run_scoped3A_473 : memref<!tpu.dma_semaphore, #tpu.memory_space<semaphore_mem>>) src(%arg14 : memref<64x32xf32, #tpu.memory_space<vmem>>) dst(%dma_wait3A_480 : memref<64x32xf32, #tpu.memory_space<vmem_shared>>)
      tpu.yield
    }) : () -> ()
    %add3A_16 = arith.constant 128 : i32
    %add3A_17 = arith.addi %mul3A_11, %add3A_16 : i32
    "tpu.region"() ({
      %run_scoped3A_473 = tpu.sem_alloc : memref<!tpu.dma_semaphore, #tpu.memory_space<semaphore_mem>>
      %dma_start3A_474 = arith.constant 0 : i32
      %dma_start3A_475 = tpu.memref_slice %arg6[%add3A_17, %dma_start3A_474] : memref<50048x32xf32, #tpu.memory_space<vmem_shared>> -> memref<64x32xf32, #tpu.memory_space<vmem_shared>>
      %dma_start3A_476 = arith.constant 0 : i32
      %dma_start3A_477 = tpu.memref_slice %arg6[%add3A_17, %dma_start3A_476] : memref<50048x32xf32, #tpu.memory_space<vmem_shared>> -> memref<64x32xf32, #tpu.memory_space<vmem_shared>>
      tpu.enqueue_dma source(%arg14 : memref<64x32xf32, #tpu.memory_space<vmem>>) target(%dma_start3A_477 : memref<64x32xf32, #tpu.memory_space<vmem_shared>>) target_semaphore(%run_scoped3A_473 : memref<!tpu.dma_semaphore, #tpu.memory_space<semaphore_mem>>)
      %dma_wait3A = arith.constant 0 : i32
      %dma_wait3A_478 = tpu.memref_slice %arg6[%add3A_17, %dma_wait3A] : memref<50048x32xf32, #tpu.memory_space<vmem_shared>> -> memref<64x32xf32, #tpu.memory_space<vmem_shared>>
      %dma_wait3A_479 = arith.constant 0 : i32
      %dma_wait3A_480 = tpu.memref_slice %arg6[%add3A_17, %dma_wait3A_479] : memref<50048x32xf32, #tpu.memory_space<vmem_shared>> -> memref<64x32xf32, #tpu.memory_space<vmem_shared>>
      tpu.wait_dma2 semaphore(%run_scoped3A_473 : memref<!tpu.dma_semaphore, #tpu.memory_space<semaphore_mem>>) src(%arg14 : memref<64x32xf32, #tpu.memory_space<vmem>>) dst(%dma_wait3A_480 : memref<64x32xf32, #tpu.memory_space<vmem_shared>>)
      tpu.yield
    }) : () -> ()
    %add3A_18 = arith.constant 192 : i32
    %add3A_19 = arith.addi %mul3A_11, %add3A_18 : i32
    "tpu.region"() ({
      %run_scoped3A_473 = tpu.sem_alloc : memref<!tpu.dma_semaphore, #tpu.memory_space<semaphore_mem>>
      %dma_start3A_474 = arith.constant 0 : i32
      %dma_start3A_475 = tpu.memref_slice %arg6[%add3A_19, %dma_start3A_474] : memref<50048x32xf32, #tpu.memory_space<vmem_shared>> -> memref<64x32xf32, #tpu.memory_space<vmem_shared>>
      %dma_start3A_476 = arith.constant 0 : i32
      %dma_start3A_477 = tpu.memref_slice %arg6[%add3A_19, %dma_start3A_476] : memref<50048x32xf32, #tpu.memory_space<vmem_shared>> -> memref<64x32xf32, #tpu.memory_space<vmem_shared>>
      tpu.enqueue_dma source(%arg14 : memref<64x32xf32, #tpu.memory_space<vmem>>) target(%dma_start3A_477 : memref<64x32xf32, #tpu.memory_space<vmem_shared>>) target_semaphore(%run_scoped3A_473 : memref<!tpu.dma_semaphore, #tpu.memory_space<semaphore_mem>>)
      %dma_wait3A = arith.constant 0 : i32
      %dma_wait3A_478 = tpu.memref_slice %arg6[%add3A_19, %dma_wait3A] : memref<50048x32xf32, #tpu.memory_space<vmem_shared>> -> memref<64x32xf32, #tpu.memory_space<vmem_shared>>
      %dma_wait3A_479 = arith.constant 0 : i32
      %dma_wait3A_480 = tpu.memref_slice %arg6[%add3A_19, %dma_wait3A_479] : memref<50048x32xf32, #tpu.memory_space<vmem_shared>> -> memref<64x32xf32, #tpu.memory_space<vmem_shared>>
      tpu.wait_dma2 semaphore(%run_scoped3A_473 : memref<!tpu.dma_semaphore, #tpu.memory_space<semaphore_mem>>) src(%arg14 : memref<64x32xf32, #tpu.memory_space<vmem>>) dst(%dma_wait3A_480 : memref<64x32xf32, #tpu.memory_space<vmem_shared>>)
      tpu.yield
    }) : () -> ()
    %add3A_20 = arith.constant 256 : i32
    %add3A_21 = arith.addi %mul3A_11, %add3A_20 : i32
    "tpu.region"() ({
      %run_scoped3A_473 = tpu.sem_alloc : memref<!tpu.dma_semaphore, #tpu.memory_space<semaphore_mem>>
      %dma_start3A_474 = arith.constant 0 : i32
      %dma_start3A_475 = tpu.memref_slice %arg6[%add3A_21, %dma_start3A_474] : memref<50048x32xf32, #tpu.memory_space<vmem_shared>> -> memref<64x32xf32, #tpu.memory_space<vmem_shared>>
      %dma_start3A_476 = arith.constant 0 : i32
      %dma_start3A_477 = tpu.memref_slice %arg6[%add3A_21, %dma_start3A_476] : memref<50048x32xf32, #tpu.memory_space<vmem_shared>> -> memref<64x32xf32, #tpu.memory_space<vmem_shared>>
      tpu.enqueue_dma source(%arg14 : memref<64x32xf32, #tpu.memory_space<vmem>>) target(%dma_start3A_477 : memref<64x32xf32, #tpu.memory_space<vmem_shared>>) target_semaphore(%run_scoped3A_473 : memref<!tpu.dma_semaphore, #tpu.memory_space<semaphore_mem>>)
      %dma_wait3A = arith.constant 0 : i32
      %dma_wait3A_478 = tpu.memref_slice %arg6[%add3A_21, %dma_wait3A] : memref<50048x32xf32, #tpu.memory_space<vmem_shared>> -> memref<64x32xf32, #tpu.memory_space<vmem_shared>>
      %dma_wait3A_479 = arith.constant 0 : i32
      %dma_wait3A_480 = tpu.memref_slice %arg6[%add3A_21, %dma_wait3A_479] : memref<50048x32xf32, #tpu.memory_space<vmem_shared>> -> memref<64x32xf32, #tpu.memory_space<vmem_shared>>
      tpu.wait_dma2 semaphore(%run_scoped3A_473 : memref<!tpu.dma_semaphore, #tpu.memory_space<semaphore_mem>>) src(%arg14 : memref<64x32xf32, #tpu.memory_space<vmem>>) dst(%dma_wait3A_480 : memref<64x32xf32, #tpu.memory_space<vmem_shared>>)
      tpu.yield
    }) : () -> ()
    %add3A_22 = arith.constant 320 : i32
    %add3A_23 = arith.addi %mul3A_11, %add3A_22 : i32
    "tpu.region"() ({
      %run_scoped3A_473 = tpu.sem_alloc : memref<!tpu.dma_semaphore, #tpu.memory_space<semaphore_mem>>
      %dma_start3A_474 = arith.constant 0 : i32
      %dma_start3A_475 = tpu.memref_slice %arg6[%add3A_23, %dma_start3A_474] : memref<50048x32xf32, #tpu.memory_space<vmem_shared>> -> memref<64x32xf32, #tpu.memory_space<vmem_shared>>
      %dma_start3A_476 = arith.constant 0 : i32
      %dma_start3A_477 = tpu.memref_slice %arg6[%add3A_23, %dma_start3A_476] : memref<50048x32xf32, #tpu.memory_space<vmem_shared>> -> memref<64x32xf32, #tpu.memory_space<vmem_shared>>
      tpu.enqueue_dma source(%arg14 : memref<64x32xf32, #tpu.memory_space<vmem>>) target(%dma_start3A_477 : memref<64x32xf32, #tpu.memory_space<vmem_shared>>) target_semaphore(%run_scoped3A_473 : memref<!tpu.dma_semaphore, #tpu.memory_space<semaphore_mem>>)
      %dma_wait3A = arith.constant 0 : i32
      %dma_wait3A_478 = tpu.memref_slice %arg6[%add3A_23, %dma_wait3A] : memref<50048x32xf32, #tpu.memory_space<vmem_shared>> -> memref<64x32xf32, #tpu.memory_space<vmem_shared>>
      %dma_wait3A_479 = arith.constant 0 : i32
      %dma_wait3A_480 = tpu.memref_slice %arg6[%add3A_23, %dma_wait3A_479] : memref<50048x32xf32, #tpu.memory_space<vmem_shared>> -> memref<64x32xf32, #tpu.memory_space<vmem_shared>>
      tpu.wait_dma2 semaphore(%run_scoped3A_473 : memref<!tpu.dma_semaphore, #tpu.memory_space<semaphore_mem>>) src(%arg14 : memref<64x32xf32, #tpu.memory_space<vmem>>) dst(%dma_wait3A_480 : memref<64x32xf32, #tpu.memory_space<vmem_shared>>)
      tpu.yield
    }) : () -> ()
    %add3A_24 = arith.constant 384 : i32
    %add3A_25 = arith.addi %mul3A_11, %add3A_24 : i32
    "tpu.region"() ({
      %run_scoped3A_473 = tpu.sem_alloc : memref<!tpu.dma_semaphore, #tpu.memory_space<semaphore_mem>>
      %dma_start3A_474 = arith.constant 0 : i32
      %dma_start3A_475 = tpu.memref_slice %arg6[%add3A_25, %dma_start3A_474] : memref<50048x32xf32, #tpu.memory_space<vmem_shared>> -> memref<64x32xf32, #tpu.memory_space<vmem_shared>>
      %dma_start3A_476 = arith.constant 0 : i32
      %dma_start3A_477 = tpu.memref_slice %arg6[%add3A_25, %dma_start3A_476] : memref<50048x32xf32, #tpu.memory_space<vmem_shared>> -> memref<64x32xf32, #tpu.memory_space<vmem_shared>>
      tpu.enqueue_dma source(%arg14 : memref<64x32xf32, #tpu.memory_space<vmem>>) target(%dma_start3A_477 : memref<64x32xf32, #tpu.memory_space<vmem_shared>>) target_semaphore(%run_scoped3A_473 : memref<!tpu.dma_semaphore, #tpu.memory_space<semaphore_mem>>)
      %dma_wait3A = arith.constant 0 : i32
      %dma_wait3A_478 = tpu.memref_slice %arg6[%add3A_25, %dma_wait3A] : memref<50048x32xf32, #tpu.memory_space<vmem_shared>> -> memref<64x32xf32, #tpu.memory_space<vmem_shared>>
      %dma_wait3A_479 = arith.constant 0 : i32
      %dma_wait3A_480 = tpu.memref_slice %arg6[%add3A_25, %dma_wait3A_479] : memref<50048x32xf32, #tpu.memory_space<vmem_shared>> -> memref<64x32xf32, #tpu.memory_space<vmem_shared>>
      tpu.wait_dma2 semaphore(%run_scoped3A_473 : memref<!tpu.dma_semaphore, #tpu.memory_space<semaphore_mem>>) src(%arg14 : memref<64x32xf32, #tpu.memory_space<vmem>>) dst(%dma_wait3A_480 : memref<64x32xf32, #tpu.memory_space<vmem_shared>>)
      tpu.yield
    }) : () -> ()
    %add3A_26 = arith.constant 448 : i32
    %add3A_27 = arith.addi %mul3A_11, %add3A_26 : i32
    "tpu.region"() ({
      %run_scoped3A_473 = tpu.sem_alloc : memref<!tpu.dma_semaphore, #tpu.memory_space<semaphore_mem>>
      %dma_start3A_474 = arith.constant 0 : i32
      %dma_start3A_475 = tpu.memref_slice %arg6[%add3A_27, %dma_start3A_474] : memref<50048x32xf32, #tpu.memory_space<vmem_shared>> -> memref<64x32xf32, #tpu.memory_space<vmem_shared>>
      %dma_start3A_476 = arith.constant 0 : i32
      %dma_start3A_477 = tpu.memref_slice %arg6[%add3A_27, %dma_start3A_476] : memref<50048x32xf32, #tpu.memory_space<vmem_shared>> -> memref<64x32xf32, #tpu.memory_space<vmem_shared>>
      tpu.enqueue_dma source(%arg14 : memref<64x32xf32, #tpu.memory_space<vmem>>) target(%dma_start3A_477 : memref<64x32xf32, #tpu.memory_space<vmem_shared>>) target_semaphore(%run_scoped3A_473 : memref<!tpu.dma_semaphore, #tpu.memory_space<semaphore_mem>>)
      %dma_wait3A = arith.constant 0 : i32
      %dma_wait3A_478 = tpu.memref_slice %arg6[%add3A_27, %dma_wait3A] : memref<50048x32xf32, #tpu.memory_space<vmem_shared>> -> memref<64x32xf32, #tpu.memory_space<vmem_shared>>
      %dma_wait3A_479 = arith.constant 0 : i32
      %dma_wait3A_480 = tpu.memref_slice %arg6[%add3A_27, %dma_wait3A_479] : memref<50048x32xf32, #tpu.memory_space<vmem_shared>> -> memref<64x32xf32, #tpu.memory_space<vmem_shared>>
      tpu.wait_dma2 semaphore(%run_scoped3A_473 : memref<!tpu.dma_semaphore, #tpu.memory_space<semaphore_mem>>) src(%arg14 : memref<64x32xf32, #tpu.memory_space<vmem>>) dst(%dma_wait3A_480 : memref<64x32xf32, #tpu.memory_space<vmem_shared>>)
      tpu.yield
    }) : () -> ()
    %add3A_28 = arith.constant 512 : i32
    %add3A_29 = arith.addi %mul3A_11, %add3A_28 : i32
    "tpu.region"() ({
      %run_scoped3A_473 = tpu.sem_alloc : memref<!tpu.dma_semaphore, #tpu.memory_space<semaphore_mem>>
      %dma_start3A_474 = arith.constant 0 : i32
      %dma_start3A_475 = tpu.memref_slice %arg6[%add3A_29, %dma_start3A_474] : memref<50048x32xf32, #tpu.memory_space<vmem_shared>> -> memref<64x32xf32, #tpu.memory_space<vmem_shared>>
      %dma_start3A_476 = arith.constant 0 : i32
      %dma_start3A_477 = tpu.memref_slice %arg6[%add3A_29, %dma_start3A_476] : memref<50048x32xf32, #tpu.memory_space<vmem_shared>> -> memref<64x32xf32, #tpu.memory_space<vmem_shared>>
      tpu.enqueue_dma source(%arg14 : memref<64x32xf32, #tpu.memory_space<vmem>>) target(%dma_start3A_477 : memref<64x32xf32, #tpu.memory_space<vmem_shared>>) target_semaphore(%run_scoped3A_473 : memref<!tpu.dma_semaphore, #tpu.memory_space<semaphore_mem>>)
      %dma_wait3A = arith.constant 0 : i32
      %dma_wait3A_478 = tpu.memref_slice %arg6[%add3A_29, %dma_wait3A] : memref<50048x32xf32, #tpu.memory_space<vmem_shared>> -> memref<64x32xf32, #tpu.memory_space<vmem_shared>>
      %dma_wait3A_479 = arith.constant 0 : i32
      %dma_wait3A_480 = tpu.memref_slice %arg6[%add3A_29, %dma_wait3A_479] : memref<50048x32xf32, #tpu.memory_space<vmem_shared>> -> memref<64x32xf32, #tpu.memory_space<vmem_shared>>
      tpu.wait_dma2 semaphore(%run_scoped3A_473 : memref<!tpu.dma_semaphore, #tpu.memory_space<semaphore_mem>>) src(%arg14 : memref<64x32xf32, #tpu.memory_space<vmem>>) dst(%dma_wait3A_480 : memref<64x32xf32, #tpu.memory_space<vmem_shared>>)
      tpu.yield
    }) : () -> ()
    %add3A_30 = arith.constant 576 : i32
    %add3A_31 = arith.addi %mul3A_11, %add3A_30 : i32
    "tpu.region"() ({
      %run_scoped3A_473 = tpu.sem_alloc : memref<!tpu.dma_semaphore, #tpu.memory_space<semaphore_mem>>
      %dma_start3A_474 = arith.constant 0 : i32
      %dma_start3A_475 = tpu.memref_slice %arg6[%add3A_31, %dma_start3A_474] : memref<50048x32xf32, #tpu.memory_space<vmem_shared>> -> memref<64x32xf32, #tpu.memory_space<vmem_shared>>
      %dma_start3A_476 = arith.constant 0 : i32
      %dma_start3A_477 = tpu.memref_slice %arg6[%add3A_31, %dma_start3A_476] : memref<50048x32xf32, #tpu.memory_space<vmem_shared>> -> memref<64x32xf32, #tpu.memory_space<vmem_shared>>
      tpu.enqueue_dma source(%arg14 : memref<64x32xf32, #tpu.memory_space<vmem>>) target(%dma_start3A_477 : memref<64x32xf32, #tpu.memory_space<vmem_shared>>) target_semaphore(%run_scoped3A_473 : memref<!tpu.dma_semaphore, #tpu.memory_space<semaphore_mem>>)
      %dma_wait3A = arith.constant 0 : i32
      %dma_wait3A_478 = tpu.memref_slice %arg6[%add3A_31, %dma_wait3A] : memref<50048x32xf32, #tpu.memory_space<vmem_shared>> -> memref<64x32xf32, #tpu.memory_space<vmem_shared>>
      %dma_wait3A_479 = arith.constant 0 : i32
      %dma_wait3A_480 = tpu.memref_slice %arg6[%add3A_31, %dma_wait3A_479] : memref<50048x32xf32, #tpu.memory_space<vmem_shared>> -> memref<64x32xf32, #tpu.memory_space<vmem_shared>>
      tpu.wait_dma2 semaphore(%run_scoped3A_473 : memref<!tpu.dma_semaphore, #tpu.memory_space<semaphore_mem>>) src(%arg14 : memref<64x32xf32, #tpu.memory_space<vmem>>) dst(%dma_wait3A_480 : memref<64x32xf32, #tpu.memory_space<vmem_shared>>)
      tpu.yield
    }) : () -> ()
    %add3A_32 = arith.constant 640 : i32
    %add3A_33 = arith.addi %mul3A_11, %add3A_32 : i32
    "tpu.region"() ({
      %run_scoped3A_473 = tpu.sem_alloc : memref<!tpu.dma_semaphore, #tpu.memory_space<semaphore_mem>>
      %dma_start3A_474 = arith.constant 0 : i32
      %dma_start3A_475 = tpu.memref_slice %arg6[%add3A_33, %dma_start3A_474] : memref<50048x32xf32, #tpu.memory_space<vmem_shared>> -> memref<64x32xf32, #tpu.memory_space<vmem_shared>>
      %dma_start3A_476 = arith.constant 0 : i32
      %dma_start3A_477 = tpu.memref_slice %arg6[%add3A_33, %dma_start3A_476] : memref<50048x32xf32, #tpu.memory_space<vmem_shared>> -> memref<64x32xf32, #tpu.memory_space<vmem_shared>>
      tpu.enqueue_dma source(%arg14 : memref<64x32xf32, #tpu.memory_space<vmem>>) target(%dma_start3A_477 : memref<64x32xf32, #tpu.memory_space<vmem_shared>>) target_semaphore(%run_scoped3A_473 : memref<!tpu.dma_semaphore, #tpu.memory_space<semaphore_mem>>)
      %dma_wait3A = arith.constant 0 : i32
      %dma_wait3A_478 = tpu.memref_slice %arg6[%add3A_33, %dma_wait3A] : memref<50048x32xf32, #tpu.memory_space<vmem_shared>> -> memref<64x32xf32, #tpu.memory_space<vmem_shared>>
      %dma_wait3A_479 = arith.constant 0 : i32
      %dma_wait3A_480 = tpu.memref_slice %arg6[%add3A_33, %dma_wait3A_479] : memref<50048x32xf32, #tpu.memory_space<vmem_shared>> -> memref<64x32xf32, #tpu.memory_space<vmem_shared>>
      tpu.wait_dma2 semaphore(%run_scoped3A_473 : memref<!tpu.dma_semaphore, #tpu.memory_space<semaphore_mem>>) src(%arg14 : memref<64x32xf32, #tpu.memory_space<vmem>>) dst(%dma_wait3A_480 : memref<64x32xf32, #tpu.memory_space<vmem_shared>>)
      tpu.yield
    }) : () -> ()
    %add3A_34 = arith.constant 704 : i32
    %add3A_35 = arith.addi %mul3A_11, %add3A_34 : i32
    "tpu.region"() ({
      %run_scoped3A_473 = tpu.sem_alloc : memref<!tpu.dma_semaphore, #tpu.memory_space<semaphore_mem>>
      %dma_start3A_474 = arith.constant 0 : i32
      %dma_start3A_475 = tpu.memref_slice %arg6[%add3A_35, %dma_start3A_474] : memref<50048x32xf32, #tpu.memory_space<vmem_shared>> -> memref<64x32xf32, #tpu.memory_space<vmem_shared>>
      %dma_start3A_476 = arith.constant 0 : i32
      %dma_start3A_477 = tpu.memref_slice %arg6[%add3A_35, %dma_start3A_476] : memref<50048x32xf32, #tpu.memory_space<vmem_shared>> -> memref<64x32xf32, #tpu.memory_space<vmem_shared>>
      tpu.enqueue_dma source(%arg14 : memref<64x32xf32, #tpu.memory_space<vmem>>) target(%dma_start3A_477 : memref<64x32xf32, #tpu.memory_space<vmem_shared>>) target_semaphore(%run_scoped3A_473 : memref<!tpu.dma_semaphore, #tpu.memory_space<semaphore_mem>>)
      %dma_wait3A = arith.constant 0 : i32
      %dma_wait3A_478 = tpu.memref_slice %arg6[%add3A_35, %dma_wait3A] : memref<50048x32xf32, #tpu.memory_space<vmem_shared>> -> memref<64x32xf32, #tpu.memory_space<vmem_shared>>
      %dma_wait3A_479 = arith.constant 0 : i32
      %dma_wait3A_480 = tpu.memref_slice %arg6[%add3A_35, %dma_wait3A_479] : memref<50048x32xf32, #tpu.memory_space<vmem_shared>> -> memref<64x32xf32, #tpu.memory_space<vmem_shared>>
      tpu.wait_dma2 semaphore(%run_scoped3A_473 : memref<!tpu.dma_semaphore, #tpu.memory_space<semaphore_mem>>) src(%arg14 : memref<64x32xf32, #tpu.memory_space<vmem>>) dst(%dma_wait3A_480 : memref<64x32xf32, #tpu.memory_space<vmem_shared>>)
      tpu.yield
    }) : () -> ()
    %add3A_36 = arith.constant 768 : i32
    %add3A_37 = arith.addi %mul3A_11, %add3A_36 : i32
    "tpu.region"() ({
      %run_scoped3A_473 = tpu.sem_alloc : memref<!tpu.dma_semaphore, #tpu.memory_space<semaphore_mem>>
      %dma_start3A_474 = arith.constant 0 : i32
      %dma_start3A_475 = tpu.memref_slice %arg6[%add3A_37, %dma_start3A_474] : memref<50048x32xf32, #tpu.memory_space<vmem_shared>> -> memref<64x32xf32, #tpu.memory_space<vmem_shared>>
      %dma_start3A_476 = arith.constant 0 : i32
      %dma_start3A_477 = tpu.memref_slice %arg6[%add3A_37, %dma_start3A_476] : memref<50048x32xf32, #tpu.memory_space<vmem_shared>> -> memref<64x32xf32, #tpu.memory_space<vmem_shared>>
      tpu.enqueue_dma source(%arg14 : memref<64x32xf32, #tpu.memory_space<vmem>>) target(%dma_start3A_477 : memref<64x32xf32, #tpu.memory_space<vmem_shared>>) target_semaphore(%run_scoped3A_473 : memref<!tpu.dma_semaphore, #tpu.memory_space<semaphore_mem>>)
      %dma_wait3A = arith.constant 0 : i32
      %dma_wait3A_478 = tpu.memref_slice %arg6[%add3A_37, %dma_wait3A] : memref<50048x32xf32, #tpu.memory_space<vmem_shared>> -> memref<64x32xf32, #tpu.memory_space<vmem_shared>>
      %dma_wait3A_479 = arith.constant 0 : i32
      %dma_wait3A_480 = tpu.memref_slice %arg6[%add3A_37, %dma_wait3A_479] : memref<50048x32xf32, #tpu.memory_space<vmem_shared>> -> memref<64x32xf32, #tpu.memory_space<vmem_shared>>
      tpu.wait_dma2 semaphore(%run_scoped3A_473 : memref<!tpu.dma_semaphore, #tpu.memory_space<semaphore_mem>>) src(%arg14 : memref<64x32xf32, #tpu.memory_space<vmem>>) dst(%dma_wait3A_480 : memref<64x32xf32, #tpu.memory_space<vmem_shared>>)
      tpu.yield
    }) : () -> ()
    %add3A_38 = arith.constant 832 : i32
    %add3A_39 = arith.addi %mul3A_11, %add3A_38 : i32
    "tpu.region"() ({
      %run_scoped3A_473 = tpu.sem_alloc : memref<!tpu.dma_semaphore, #tpu.memory_space<semaphore_mem>>
      %dma_start3A_474 = arith.constant 0 : i32
      %dma_start3A_475 = tpu.memref_slice %arg6[%add3A_39, %dma_start3A_474] : memref<50048x32xf32, #tpu.memory_space<vmem_shared>> -> memref<64x32xf32, #tpu.memory_space<vmem_shared>>
      %dma_start3A_476 = arith.constant 0 : i32
      %dma_start3A_477 = tpu.memref_slice %arg6[%add3A_39, %dma_start3A_476] : memref<50048x32xf32, #tpu.memory_space<vmem_shared>> -> memref<64x32xf32, #tpu.memory_space<vmem_shared>>
      tpu.enqueue_dma source(%arg14 : memref<64x32xf32, #tpu.memory_space<vmem>>) target(%dma_start3A_477 : memref<64x32xf32, #tpu.memory_space<vmem_shared>>) target_semaphore(%run_scoped3A_473 : memref<!tpu.dma_semaphore, #tpu.memory_space<semaphore_mem>>)
      %dma_wait3A = arith.constant 0 : i32
      %dma_wait3A_478 = tpu.memref_slice %arg6[%add3A_39, %dma_wait3A] : memref<50048x32xf32, #tpu.memory_space<vmem_shared>> -> memref<64x32xf32, #tpu.memory_space<vmem_shared>>
      %dma_wait3A_479 = arith.constant 0 : i32
      %dma_wait3A_480 = tpu.memref_slice %arg6[%add3A_39, %dma_wait3A_479] : memref<50048x32xf32, #tpu.memory_space<vmem_shared>> -> memref<64x32xf32, #tpu.memory_space<vmem_shared>>
      tpu.wait_dma2 semaphore(%run_scoped3A_473 : memref<!tpu.dma_semaphore, #tpu.memory_space<semaphore_mem>>) src(%arg14 : memref<64x32xf32, #tpu.memory_space<vmem>>) dst(%dma_wait3A_480 : memref<64x32xf32, #tpu.memory_space<vmem_shared>>)
      tpu.yield
    }) : () -> ()
    %add3A_40 = arith.constant 896 : i32
    %add3A_41 = arith.addi %mul3A_11, %add3A_40 : i32
    "tpu.region"() ({
      %run_scoped3A_473 = tpu.sem_alloc : memref<!tpu.dma_semaphore, #tpu.memory_space<semaphore_mem>>
      %dma_start3A_474 = arith.constant 0 : i32
      %dma_start3A_475 = tpu.memref_slice %arg6[%add3A_41, %dma_start3A_474] : memref<50048x32xf32, #tpu.memory_space<vmem_shared>> -> memref<64x32xf32, #tpu.memory_space<vmem_shared>>
      %dma_start3A_476 = arith.constant 0 : i32
      %dma_start3A_477 = tpu.memref_slice %arg6[%add3A_41, %dma_start3A_476] : memref<50048x32xf32, #tpu.memory_space<vmem_shared>> -> memref<64x32xf32, #tpu.memory_space<vmem_shared>>
      tpu.enqueue_dma source(%arg14 : memref<64x32xf32, #tpu.memory_space<vmem>>) target(%dma_start3A_477 : memref<64x32xf32, #tpu.memory_space<vmem_shared>>) target_semaphore(%run_scoped3A_473 : memref<!tpu.dma_semaphore, #tpu.memory_space<semaphore_mem>>)
      %dma_wait3A = arith.constant 0 : i32
      %dma_wait3A_478 = tpu.memref_slice %arg6[%add3A_41, %dma_wait3A] : memref<50048x32xf32, #tpu.memory_space<vmem_shared>> -> memref<64x32xf32, #tpu.memory_space<vmem_shared>>
      %dma_wait3A_479 = arith.constant 0 : i32
      %dma_wait3A_480 = tpu.memref_slice %arg6[%add3A_41, %dma_wait3A_479] : memref<50048x32xf32, #tpu.memory_space<vmem_shared>> -> memref<64x32xf32, #tpu.memory_space<vmem_shared>>
      tpu.wait_dma2 semaphore(%run_scoped3A_473 : memref<!tpu.dma_semaphore, #tpu.memory_space<semaphore_mem>>) src(%arg14 : memref<64x32xf32, #tpu.memory_space<vmem>>) dst(%dma_wait3A_480 : memref<64x32xf32, #tpu.memory_space<vmem_shared>>)
      tpu.yield
    }) : () -> ()
    %add3A_42 = arith.constant 960 : i32
    %add3A_43 = arith.addi %mul3A_11, %add3A_42 : i32
    "tpu.region"() ({
      %run_scoped3A_473 = tpu.sem_alloc : memref<!tpu.dma_semaphore, #tpu.memory_space<semaphore_mem>>
      %dma_start3A_474 = arith.constant 0 : i32
      %dma_start3A_475 = tpu.memref_slice %arg6[%add3A_43, %dma_start3A_474] : memref<50048x32xf32, #tpu.memory_space<vmem_shared>> -> memref<64x32xf32, #tpu.memory_space<vmem_shared>>
      %dma_start3A_476 = arith.constant 0 : i32
      %dma_start3A_477 = tpu.memref_slice %arg6[%add3A_43, %dma_start3A_476] : memref<50048x32xf32, #tpu.memory_space<vmem_shared>> -> memref<64x32xf32, #tpu.memory_space<vmem_shared>>
      tpu.enqueue_dma source(%arg14 : memref<64x32xf32, #tpu.memory_space<vmem>>) target(%dma_start3A_477 : memref<64x32xf32, #tpu.memory_space<vmem_shared>>) target_semaphore(%run_scoped3A_473 : memref<!tpu.dma_semaphore, #tpu.memory_space<semaphore_mem>>)
      %dma_wait3A = arith.constant 0 : i32
      %dma_wait3A_478 = tpu.memref_slice %arg6[%add3A_43, %dma_wait3A] : memref<50048x32xf32, #tpu.memory_space<vmem_shared>> -> memref<64x32xf32, #tpu.memory_space<vmem_shared>>
      %dma_wait3A_479 = arith.constant 0 : i32
      %dma_wait3A_480 = tpu.memref_slice %arg6[%add3A_43, %dma_wait3A_479] : memref<50048x32xf32, #tpu.memory_space<vmem_shared>> -> memref<64x32xf32, #tpu.memory_space<vmem_shared>>
      tpu.wait_dma2 semaphore(%run_scoped3A_473 : memref<!tpu.dma_semaphore, #tpu.memory_space<semaphore_mem>>) src(%arg14 : memref<64x32xf32, #tpu.memory_space<vmem>>) dst(%dma_wait3A_480 : memref<64x32xf32, #tpu.memory_space<vmem_shared>>)
      tpu.yield
    }) : () -> ()
    %add3A_44 = arith.constant 1024 : i32
    %add3A_45 = arith.addi %mul3A_11, %add3A_44 : i32
    "tpu.region"() ({
      %run_scoped3A_473 = tpu.sem_alloc : memref<!tpu.dma_semaphore, #tpu.memory_space<semaphore_mem>>
      %dma_start3A_474 = arith.constant 0 : i32
      %dma_start3A_475 = tpu.memref_slice %arg6[%add3A_45, %dma_start3A_474] : memref<50048x32xf32, #tpu.memory_space<vmem_shared>> -> memref<64x32xf32, #tpu.memory_space<vmem_shared>>
      %dma_start3A_476 = arith.constant 0 : i32
      %dma_start3A_477 = tpu.memref_slice %arg6[%add3A_45, %dma_start3A_476] : memref<50048x32xf32, #tpu.memory_space<vmem_shared>> -> memref<64x32xf32, #tpu.memory_space<vmem_shared>>
      tpu.enqueue_dma source(%arg14 : memref<64x32xf32, #tpu.memory_space<vmem>>) target(%dma_start3A_477 : memref<64x32xf32, #tpu.memory_space<vmem_shared>>) target_semaphore(%run_scoped3A_473 : memref<!tpu.dma_semaphore, #tpu.memory_space<semaphore_mem>>)
      %dma_wait3A = arith.constant 0 : i32
      %dma_wait3A_478 = tpu.memref_slice %arg6[%add3A_45, %dma_wait3A] : memref<50048x32xf32, #tpu.memory_space<vmem_shared>> -> memref<64x32xf32, #tpu.memory_space<vmem_shared>>
      %dma_wait3A_479 = arith.constant 0 : i32
      %dma_wait3A_480 = tpu.memref_slice %arg6[%add3A_45, %dma_wait3A_479] : memref<50048x32xf32, #tpu.memory_space<vmem_shared>> -> memref<64x32xf32, #tpu.memory_space<vmem_shared>>
      tpu.wait_dma2 semaphore(%run_scoped3A_473 : memref<!tpu.dma_semaphore, #tpu.memory_space<semaphore_mem>>) src(%arg14 : memref<64x32xf32, #tpu.memory_space<vmem>>) dst(%dma_wait3A_480 : memref<64x32xf32, #tpu.memory_space<vmem_shared>>)
      tpu.yield
    }) : () -> ()
    %add3A_46 = arith.constant 1088 : i32
    %add3A_47 = arith.addi %mul3A_11, %add3A_46 : i32
    "tpu.region"() ({
      %run_scoped3A_473 = tpu.sem_alloc : memref<!tpu.dma_semaphore, #tpu.memory_space<semaphore_mem>>
      %dma_start3A_474 = arith.constant 0 : i32
      %dma_start3A_475 = tpu.memref_slice %arg6[%add3A_47, %dma_start3A_474] : memref<50048x32xf32, #tpu.memory_space<vmem_shared>> -> memref<64x32xf32, #tpu.memory_space<vmem_shared>>
      %dma_start3A_476 = arith.constant 0 : i32
      %dma_start3A_477 = tpu.memref_slice %arg6[%add3A_47, %dma_start3A_476] : memref<50048x32xf32, #tpu.memory_space<vmem_shared>> -> memref<64x32xf32, #tpu.memory_space<vmem_shared>>
      tpu.enqueue_dma source(%arg14 : memref<64x32xf32, #tpu.memory_space<vmem>>) target(%dma_start3A_477 : memref<64x32xf32, #tpu.memory_space<vmem_shared>>) target_semaphore(%run_scoped3A_473 : memref<!tpu.dma_semaphore, #tpu.memory_space<semaphore_mem>>)
      %dma_wait3A = arith.constant 0 : i32
      %dma_wait3A_478 = tpu.memref_slice %arg6[%add3A_47, %dma_wait3A] : memref<50048x32xf32, #tpu.memory_space<vmem_shared>> -> memref<64x32xf32, #tpu.memory_space<vmem_shared>>
      %dma_wait3A_479 = arith.constant 0 : i32
      %dma_wait3A_480 = tpu.memref_slice %arg6[%add3A_47, %dma_wait3A_479] : memref<50048x32xf32, #tpu.memory_space<vmem_shared>> -> memref<64x32xf32, #tpu.memory_space<vmem_shared>>
      tpu.wait_dma2 semaphore(%run_scoped3A_473 : memref<!tpu.dma_semaphore, #tpu.memory_space<semaphore_mem>>) src(%arg14 : memref<64x32xf32, #tpu.memory_space<vmem>>) dst(%dma_wait3A_480 : memref<64x32xf32, #tpu.memory_space<vmem_shared>>)
      tpu.yield
    }) : () -> ()
    %add3A_48 = arith.constant 1152 : i32
    %add3A_49 = arith.addi %mul3A_11, %add3A_48 : i32
    "tpu.region"() ({
      %run_scoped3A_473 = tpu.sem_alloc : memref<!tpu.dma_semaphore, #tpu.memory_space<semaphore_mem>>
      %dma_start3A_474 = arith.constant 0 : i32
      %dma_start3A_475 = tpu.memref_slice %arg6[%add3A_49, %dma_start3A_474] : memref<50048x32xf32, #tpu.memory_space<vmem_shared>> -> memref<64x32xf32, #tpu.memory_space<vmem_shared>>
      %dma_start3A_476 = arith.constant 0 : i32
      %dma_start3A_477 = tpu.memref_slice %arg6[%add3A_49, %dma_start3A_476] : memref<50048x32xf32, #tpu.memory_space<vmem_shared>> -> memref<64x32xf32, #tpu.memory_space<vmem_shared>>
      tpu.enqueue_dma source(%arg14 : memref<64x32xf32, #tpu.memory_space<vmem>>) target(%dma_start3A_477 : memref<64x32xf32, #tpu.memory_space<vmem_shared>>) target_semaphore(%run_scoped3A_473 : memref<!tpu.dma_semaphore, #tpu.memory_space<semaphore_mem>>)
      %dma_wait3A = arith.constant 0 : i32
      %dma_wait3A_478 = tpu.memref_slice %arg6[%add3A_49, %dma_wait3A] : memref<50048x32xf32, #tpu.memory_space<vmem_shared>> -> memref<64x32xf32, #tpu.memory_space<vmem_shared>>
      %dma_wait3A_479 = arith.constant 0 : i32
      %dma_wait3A_480 = tpu.memref_slice %arg6[%add3A_49, %dma_wait3A_479] : memref<50048x32xf32, #tpu.memory_space<vmem_shared>> -> memref<64x32xf32, #tpu.memory_space<vmem_shared>>
      tpu.wait_dma2 semaphore(%run_scoped3A_473 : memref<!tpu.dma_semaphore, #tpu.memory_space<semaphore_mem>>) src(%arg14 : memref<64x32xf32, #tpu.memory_space<vmem>>) dst(%dma_wait3A_480 : memref<64x32xf32, #tpu.memory_space<vmem_shared>>)
      tpu.yield
    }) : () -> ()
    %add3A_50 = arith.constant 1216 : i32
    %add3A_51 = arith.addi %mul3A_11, %add3A_50 : i32
    "tpu.region"() ({
      %run_scoped3A_473 = tpu.sem_alloc : memref<!tpu.dma_semaphore, #tpu.memory_space<semaphore_mem>>
      %dma_start3A_474 = arith.constant 0 : i32
      %dma_start3A_475 = tpu.memref_slice %arg6[%add3A_51, %dma_start3A_474] : memref<50048x32xf32, #tpu.memory_space<vmem_shared>> -> memref<64x32xf32, #tpu.memory_space<vmem_shared>>
      %dma_start3A_476 = arith.constant 0 : i32
      %dma_start3A_477 = tpu.memref_slice %arg6[%add3A_51, %dma_start3A_476] : memref<50048x32xf32, #tpu.memory_space<vmem_shared>> -> memref<64x32xf32, #tpu.memory_space<vmem_shared>>
      tpu.enqueue_dma source(%arg14 : memref<64x32xf32, #tpu.memory_space<vmem>>) target(%dma_start3A_477 : memref<64x32xf32, #tpu.memory_space<vmem_shared>>) target_semaphore(%run_scoped3A_473 : memref<!tpu.dma_semaphore, #tpu.memory_space<semaphore_mem>>)
      %dma_wait3A = arith.constant 0 : i32
      %dma_wait3A_478 = tpu.memref_slice %arg6[%add3A_51, %dma_wait3A] : memref<50048x32xf32, #tpu.memory_space<vmem_shared>> -> memref<64x32xf32, #tpu.memory_space<vmem_shared>>
      %dma_wait3A_479 = arith.constant 0 : i32
      %dma_wait3A_480 = tpu.memref_slice %arg6[%add3A_51, %dma_wait3A_479] : memref<50048x32xf32, #tpu.memory_space<vmem_shared>> -> memref<64x32xf32, #tpu.memory_space<vmem_shared>>
      tpu.wait_dma2 semaphore(%run_scoped3A_473 : memref<!tpu.dma_semaphore, #tpu.memory_space<semaphore_mem>>) src(%arg14 : memref<64x32xf32, #tpu.memory_space<vmem>>) dst(%dma_wait3A_480 : memref<64x32xf32, #tpu.memory_space<vmem_shared>>)
      tpu.yield
    }) : () -> ()
    %add3A_52 = arith.constant 1280 : i32
    %add3A_53 = arith.addi %mul3A_11, %add3A_52 : i32
    "tpu.region"() ({
      %run_scoped3A_473 = tpu.sem_alloc : memref<!tpu.dma_semaphore, #tpu.memory_space<semaphore_mem>>
      %dma_start3A_474 = arith.constant 0 : i32
      %dma_start3A_475 = tpu.memref_slice %arg6[%add3A_53, %dma_start3A_474] : memref<50048x32xf32, #tpu.memory_space<vmem_shared>> -> memref<64x32xf32, #tpu.memory_space<vmem_shared>>
      %dma_start3A_476 = arith.constant 0 : i32
      %dma_start3A_477 = tpu.memref_slice %arg6[%add3A_53, %dma_start3A_476] : memref<50048x32xf32, #tpu.memory_space<vmem_shared>> -> memref<64x32xf32, #tpu.memory_space<vmem_shared>>
      tpu.enqueue_dma source(%arg14 : memref<64x32xf32, #tpu.memory_space<vmem>>) target(%dma_start3A_477 : memref<64x32xf32, #tpu.memory_space<vmem_shared>>) target_semaphore(%run_scoped3A_473 : memref<!tpu.dma_semaphore, #tpu.memory_space<semaphore_mem>>)
      %dma_wait3A = arith.constant 0 : i32
      %dma_wait3A_478 = tpu.memref_slice %arg6[%add3A_53, %dma_wait3A] : memref<50048x32xf32, #tpu.memory_space<vmem_shared>> -> memref<64x32xf32, #tpu.memory_space<vmem_shared>>
      %dma_wait3A_479 = arith.constant 0 : i32
      %dma_wait3A_480 = tpu.memref_slice %arg6[%add3A_53, %dma_wait3A_479] : memref<50048x32xf32, #tpu.memory_space<vmem_shared>> -> memref<64x32xf32, #tpu.memory_space<vmem_shared>>
      tpu.wait_dma2 semaphore(%run_scoped3A_473 : memref<!tpu.dma_semaphore, #tpu.memory_space<semaphore_mem>>) src(%arg14 : memref<64x32xf32, #tpu.memory_space<vmem>>) dst(%dma_wait3A_480 : memref<64x32xf32, #tpu.memory_space<vmem_shared>>)
      tpu.yield
    }) : () -> ()
    %add3A_54 = arith.constant 1344 : i32
    %add3A_55 = arith.addi %mul3A_11, %add3A_54 : i32
    "tpu.region"() ({
      %run_scoped3A_473 = tpu.sem_alloc : memref<!tpu.dma_semaphore, #tpu.memory_space<semaphore_mem>>
      %dma_start3A_474 = arith.constant 0 : i32
      %dma_start3A_475 = tpu.memref_slice %arg6[%add3A_55, %dma_start3A_474] : memref<50048x32xf32, #tpu.memory_space<vmem_shared>> -> memref<64x32xf32, #tpu.memory_space<vmem_shared>>
      %dma_start3A_476 = arith.constant 0 : i32
      %dma_start3A_477 = tpu.memref_slice %arg6[%add3A_55, %dma_start3A_476] : memref<50048x32xf32, #tpu.memory_space<vmem_shared>> -> memref<64x32xf32, #tpu.memory_space<vmem_shared>>
      tpu.enqueue_dma source(%arg14 : memref<64x32xf32, #tpu.memory_space<vmem>>) target(%dma_start3A_477 : memref<64x32xf32, #tpu.memory_space<vmem_shared>>) target_semaphore(%run_scoped3A_473 : memref<!tpu.dma_semaphore, #tpu.memory_space<semaphore_mem>>)
      %dma_wait3A = arith.constant 0 : i32
      %dma_wait3A_478 = tpu.memref_slice %arg6[%add3A_55, %dma_wait3A] : memref<50048x32xf32, #tpu.memory_space<vmem_shared>> -> memref<64x32xf32, #tpu.memory_space<vmem_shared>>
      %dma_wait3A_479 = arith.constant 0 : i32
      %dma_wait3A_480 = tpu.memref_slice %arg6[%add3A_55, %dma_wait3A_479] : memref<50048x32xf32, #tpu.memory_space<vmem_shared>> -> memref<64x32xf32, #tpu.memory_space<vmem_shared>>
      tpu.wait_dma2 semaphore(%run_scoped3A_473 : memref<!tpu.dma_semaphore, #tpu.memory_space<semaphore_mem>>) src(%arg14 : memref<64x32xf32, #tpu.memory_space<vmem>>) dst(%dma_wait3A_480 : memref<64x32xf32, #tpu.memory_space<vmem_shared>>)
      tpu.yield
    }) : () -> ()
    %add3A_56 = arith.constant 1408 : i32
    %add3A_57 = arith.addi %mul3A_11, %add3A_56 : i32
    "tpu.region"() ({
      %run_scoped3A_473 = tpu.sem_alloc : memref<!tpu.dma_semaphore, #tpu.memory_space<semaphore_mem>>
      %dma_start3A_474 = arith.constant 0 : i32
      %dma_start3A_475 = tpu.memref_slice %arg6[%add3A_57, %dma_start3A_474] : memref<50048x32xf32, #tpu.memory_space<vmem_shared>> -> memref<64x32xf32, #tpu.memory_space<vmem_shared>>
      %dma_start3A_476 = arith.constant 0 : i32
      %dma_start3A_477 = tpu.memref_slice %arg6[%add3A_57, %dma_start3A_476] : memref<50048x32xf32, #tpu.memory_space<vmem_shared>> -> memref<64x32xf32, #tpu.memory_space<vmem_shared>>
      tpu.enqueue_dma source(%arg14 : memref<64x32xf32, #tpu.memory_space<vmem>>) target(%dma_start3A_477 : memref<64x32xf32, #tpu.memory_space<vmem_shared>>) target_semaphore(%run_scoped3A_473 : memref<!tpu.dma_semaphore, #tpu.memory_space<semaphore_mem>>)
      %dma_wait3A = arith.constant 0 : i32
      %dma_wait3A_478 = tpu.memref_slice %arg6[%add3A_57, %dma_wait3A] : memref<50048x32xf32, #tpu.memory_space<vmem_shared>> -> memref<64x32xf32, #tpu.memory_space<vmem_shared>>
      %dma_wait3A_479 = arith.constant 0 : i32
      %dma_wait3A_480 = tpu.memref_slice %arg6[%add3A_57, %dma_wait3A_479] : memref<50048x32xf32, #tpu.memory_space<vmem_shared>> -> memref<64x32xf32, #tpu.memory_space<vmem_shared>>
      tpu.wait_dma2 semaphore(%run_scoped3A_473 : memref<!tpu.dma_semaphore, #tpu.memory_space<semaphore_mem>>) src(%arg14 : memref<64x32xf32, #tpu.memory_space<vmem>>) dst(%dma_wait3A_480 : memref<64x32xf32, #tpu.memory_space<vmem_shared>>)
      tpu.yield
    }) : () -> ()
    %add3A_58 = arith.constant 1472 : i32
    %add3A_59 = arith.addi %mul3A_11, %add3A_58 : i32
    "tpu.region"() ({
      %run_scoped3A_473 = tpu.sem_alloc : memref<!tpu.dma_semaphore, #tpu.memory_space<semaphore_mem>>
      %dma_start3A_474 = arith.constant 0 : i32
      %dma_start3A_475 = tpu.memref_slice %arg6[%add3A_59, %dma_start3A_474] : memref<50048x32xf32, #tpu.memory_space<vmem_shared>> -> memref<64x32xf32, #tpu.memory_space<vmem_shared>>
      %dma_start3A_476 = arith.constant 0 : i32
      %dma_start3A_477 = tpu.memref_slice %arg6[%add3A_59, %dma_start3A_476] : memref<50048x32xf32, #tpu.memory_space<vmem_shared>> -> memref<64x32xf32, #tpu.memory_space<vmem_shared>>
      tpu.enqueue_dma source(%arg14 : memref<64x32xf32, #tpu.memory_space<vmem>>) target(%dma_start3A_477 : memref<64x32xf32, #tpu.memory_space<vmem_shared>>) target_semaphore(%run_scoped3A_473 : memref<!tpu.dma_semaphore, #tpu.memory_space<semaphore_mem>>)
      %dma_wait3A = arith.constant 0 : i32
      %dma_wait3A_478 = tpu.memref_slice %arg6[%add3A_59, %dma_wait3A] : memref<50048x32xf32, #tpu.memory_space<vmem_shared>> -> memref<64x32xf32, #tpu.memory_space<vmem_shared>>
      %dma_wait3A_479 = arith.constant 0 : i32
      %dma_wait3A_480 = tpu.memref_slice %arg6[%add3A_59, %dma_wait3A_479] : memref<50048x32xf32, #tpu.memory_space<vmem_shared>> -> memref<64x32xf32, #tpu.memory_space<vmem_shared>>
      tpu.wait_dma2 semaphore(%run_scoped3A_473 : memref<!tpu.dma_semaphore, #tpu.memory_space<semaphore_mem>>) src(%arg14 : memref<64x32xf32, #tpu.memory_space<vmem>>) dst(%dma_wait3A_480 : memref<64x32xf32, #tpu.memory_space<vmem_shared>>)
      tpu.yield
    }) : () -> ()
    %add3A_60 = arith.constant 1536 : i32
    %add3A_61 = arith.addi %mul3A_11, %add3A_60 : i32
    "tpu.region"() ({
      %run_scoped3A_473 = tpu.sem_alloc : memref<!tpu.dma_semaphore, #tpu.memory_space<semaphore_mem>>
      %dma_start3A_474 = arith.constant 0 : i32
      %dma_start3A_475 = tpu.memref_slice %arg6[%add3A_61, %dma_start3A_474] : memref<50048x32xf32, #tpu.memory_space<vmem_shared>> -> memref<64x32xf32, #tpu.memory_space<vmem_shared>>
      %dma_start3A_476 = arith.constant 0 : i32
      %dma_start3A_477 = tpu.memref_slice %arg6[%add3A_61, %dma_start3A_476] : memref<50048x32xf32, #tpu.memory_space<vmem_shared>> -> memref<64x32xf32, #tpu.memory_space<vmem_shared>>
      tpu.enqueue_dma source(%arg14 : memref<64x32xf32, #tpu.memory_space<vmem>>) target(%dma_start3A_477 : memref<64x32xf32, #tpu.memory_space<vmem_shared>>) target_semaphore(%run_scoped3A_473 : memref<!tpu.dma_semaphore, #tpu.memory_space<semaphore_mem>>)
      %dma_wait3A = arith.constant 0 : i32
      %dma_wait3A_478 = tpu.memref_slice %arg6[%add3A_61, %dma_wait3A] : memref<50048x32xf32, #tpu.memory_space<vmem_shared>> -> memref<64x32xf32, #tpu.memory_space<vmem_shared>>
      %dma_wait3A_479 = arith.constant 0 : i32
      %dma_wait3A_480 = tpu.memref_slice %arg6[%add3A_61, %dma_wait3A_479] : memref<50048x32xf32, #tpu.memory_space<vmem_shared>> -> memref<64x32xf32, #tpu.memory_space<vmem_shared>>
      tpu.wait_dma2 semaphore(%run_scoped3A_473 : memref<!tpu.dma_semaphore, #tpu.memory_space<semaphore_mem>>) src(%arg14 : memref<64x32xf32, #tpu.memory_space<vmem>>) dst(%dma_wait3A_480 : memref<64x32xf32, #tpu.memory_space<vmem_shared>>)
      tpu.yield
    }) : () -> ()
    %add3A_62 = arith.constant 1600 : i32
    %add3A_63 = arith.addi %mul3A_11, %add3A_62 : i32
    "tpu.region"() ({
      %run_scoped3A_473 = tpu.sem_alloc : memref<!tpu.dma_semaphore, #tpu.memory_space<semaphore_mem>>
      %dma_start3A_474 = arith.constant 0 : i32
      %dma_start3A_475 = tpu.memref_slice %arg6[%add3A_63, %dma_start3A_474] : memref<50048x32xf32, #tpu.memory_space<vmem_shared>> -> memref<64x32xf32, #tpu.memory_space<vmem_shared>>
      %dma_start3A_476 = arith.constant 0 : i32
      %dma_start3A_477 = tpu.memref_slice %arg6[%add3A_63, %dma_start3A_476] : memref<50048x32xf32, #tpu.memory_space<vmem_shared>> -> memref<64x32xf32, #tpu.memory_space<vmem_shared>>
      tpu.enqueue_dma source(%arg14 : memref<64x32xf32, #tpu.memory_space<vmem>>) target(%dma_start3A_477 : memref<64x32xf32, #tpu.memory_space<vmem_shared>>) target_semaphore(%run_scoped3A_473 : memref<!tpu.dma_semaphore, #tpu.memory_space<semaphore_mem>>)
      %dma_wait3A = arith.constant 0 : i32
      %dma_wait3A_478 = tpu.memref_slice %arg6[%add3A_63, %dma_wait3A] : memref<50048x32xf32, #tpu.memory_space<vmem_shared>> -> memref<64x32xf32, #tpu.memory_space<vmem_shared>>
      %dma_wait3A_479 = arith.constant 0 : i32
      %dma_wait3A_480 = tpu.memref_slice %arg6[%add3A_63, %dma_wait3A_479] : memref<50048x32xf32, #tpu.memory_space<vmem_shared>> -> memref<64x32xf32, #tpu.memory_space<vmem_shared>>
      tpu.wait_dma2 semaphore(%run_scoped3A_473 : memref<!tpu.dma_semaphore, #tpu.memory_space<semaphore_mem>>) src(%arg14 : memref<64x32xf32, #tpu.memory_space<vmem>>) dst(%dma_wait3A_480 : memref<64x32xf32, #tpu.memory_space<vmem_shared>>)
      tpu.yield
    }) : () -> ()
    %add3A_64 = arith.constant 1664 : i32
    %add3A_65 = arith.addi %mul3A_11, %add3A_64 : i32
    "tpu.region"() ({
      %run_scoped3A_473 = tpu.sem_alloc : memref<!tpu.dma_semaphore, #tpu.memory_space<semaphore_mem>>
      %dma_start3A_474 = arith.constant 0 : i32
      %dma_start3A_475 = tpu.memref_slice %arg6[%add3A_65, %dma_start3A_474] : memref<50048x32xf32, #tpu.memory_space<vmem_shared>> -> memref<64x32xf32, #tpu.memory_space<vmem_shared>>
      %dma_start3A_476 = arith.constant 0 : i32
      %dma_start3A_477 = tpu.memref_slice %arg6[%add3A_65, %dma_start3A_476] : memref<50048x32xf32, #tpu.memory_space<vmem_shared>> -> memref<64x32xf32, #tpu.memory_space<vmem_shared>>
      tpu.enqueue_dma source(%arg14 : memref<64x32xf32, #tpu.memory_space<vmem>>) target(%dma_start3A_477 : memref<64x32xf32, #tpu.memory_space<vmem_shared>>) target_semaphore(%run_scoped3A_473 : memref<!tpu.dma_semaphore, #tpu.memory_space<semaphore_mem>>)
      %dma_wait3A = arith.constant 0 : i32
      %dma_wait3A_478 = tpu.memref_slice %arg6[%add3A_65, %dma_wait3A] : memref<50048x32xf32, #tpu.memory_space<vmem_shared>> -> memref<64x32xf32, #tpu.memory_space<vmem_shared>>
      %dma_wait3A_479 = arith.constant 0 : i32
      %dma_wait3A_480 = tpu.memref_slice %arg6[%add3A_65, %dma_wait3A_479] : memref<50048x32xf32, #tpu.memory_space<vmem_shared>> -> memref<64x32xf32, #tpu.memory_space<vmem_shared>>
      tpu.wait_dma2 semaphore(%run_scoped3A_473 : memref<!tpu.dma_semaphore, #tpu.memory_space<semaphore_mem>>) src(%arg14 : memref<64x32xf32, #tpu.memory_space<vmem>>) dst(%dma_wait3A_480 : memref<64x32xf32, #tpu.memory_space<vmem_shared>>)
      tpu.yield
    }) : () -> ()
    %add3A_66 = arith.constant 1728 : i32
    %add3A_67 = arith.addi %mul3A_11, %add3A_66 : i32
    "tpu.region"() ({
      %run_scoped3A_473 = tpu.sem_alloc : memref<!tpu.dma_semaphore, #tpu.memory_space<semaphore_mem>>
      %dma_start3A_474 = arith.constant 0 : i32
      %dma_start3A_475 = tpu.memref_slice %arg6[%add3A_67, %dma_start3A_474] : memref<50048x32xf32, #tpu.memory_space<vmem_shared>> -> memref<64x32xf32, #tpu.memory_space<vmem_shared>>
      %dma_start3A_476 = arith.constant 0 : i32
      %dma_start3A_477 = tpu.memref_slice %arg6[%add3A_67, %dma_start3A_476] : memref<50048x32xf32, #tpu.memory_space<vmem_shared>> -> memref<64x32xf32, #tpu.memory_space<vmem_shared>>
      tpu.enqueue_dma source(%arg14 : memref<64x32xf32, #tpu.memory_space<vmem>>) target(%dma_start3A_477 : memref<64x32xf32, #tpu.memory_space<vmem_shared>>) target_semaphore(%run_scoped3A_473 : memref<!tpu.dma_semaphore, #tpu.memory_space<semaphore_mem>>)
      %dma_wait3A = arith.constant 0 : i32
      %dma_wait3A_478 = tpu.memref_slice %arg6[%add3A_67, %dma_wait3A] : memref<50048x32xf32, #tpu.memory_space<vmem_shared>> -> memref<64x32xf32, #tpu.memory_space<vmem_shared>>
      %dma_wait3A_479 = arith.constant 0 : i32
      %dma_wait3A_480 = tpu.memref_slice %arg6[%add3A_67, %dma_wait3A_479] : memref<50048x32xf32, #tpu.memory_space<vmem_shared>> -> memref<64x32xf32, #tpu.memory_space<vmem_shared>>
      tpu.wait_dma2 semaphore(%run_scoped3A_473 : memref<!tpu.dma_semaphore, #tpu.memory_space<semaphore_mem>>) src(%arg14 : memref<64x32xf32, #tpu.memory_space<vmem>>) dst(%dma_wait3A_480 : memref<64x32xf32, #tpu.memory_space<vmem_shared>>)
      tpu.yield
    }) : () -> ()
    %add3A_68 = arith.constant 1792 : i32
    %add3A_69 = arith.addi %mul3A_11, %add3A_68 : i32
    "tpu.region"() ({
      %run_scoped3A_473 = tpu.sem_alloc : memref<!tpu.dma_semaphore, #tpu.memory_space<semaphore_mem>>
      %dma_start3A_474 = arith.constant 0 : i32
      %dma_start3A_475 = tpu.memref_slice %arg6[%add3A_69, %dma_start3A_474] : memref<50048x32xf32, #tpu.memory_space<vmem_shared>> -> memref<64x32xf32, #tpu.memory_space<vmem_shared>>
      %dma_start3A_476 = arith.constant 0 : i32
      %dma_start3A_477 = tpu.memref_slice %arg6[%add3A_69, %dma_start3A_476] : memref<50048x32xf32, #tpu.memory_space<vmem_shared>> -> memref<64x32xf32, #tpu.memory_space<vmem_shared>>
      tpu.enqueue_dma source(%arg14 : memref<64x32xf32, #tpu.memory_space<vmem>>) target(%dma_start3A_477 : memref<64x32xf32, #tpu.memory_space<vmem_shared>>) target_semaphore(%run_scoped3A_473 : memref<!tpu.dma_semaphore, #tpu.memory_space<semaphore_mem>>)
      %dma_wait3A = arith.constant 0 : i32
      %dma_wait3A_478 = tpu.memref_slice %arg6[%add3A_69, %dma_wait3A] : memref<50048x32xf32, #tpu.memory_space<vmem_shared>> -> memref<64x32xf32, #tpu.memory_space<vmem_shared>>
      %dma_wait3A_479 = arith.constant 0 : i32
      %dma_wait3A_480 = tpu.memref_slice %arg6[%add3A_69, %dma_wait3A_479] : memref<50048x32xf32, #tpu.memory_space<vmem_shared>> -> memref<64x32xf32, #tpu.memory_space<vmem_shared>>
      tpu.wait_dma2 semaphore(%run_scoped3A_473 : memref<!tpu.dma_semaphore, #tpu.memory_space<semaphore_mem>>) src(%arg14 : memref<64x32xf32, #tpu.memory_space<vmem>>) dst(%dma_wait3A_480 : memref<64x32xf32, #tpu.memory_space<vmem_shared>>)
      tpu.yield
    }) : () -> ()
    %add3A_70 = arith.constant 1856 : i32
    %add3A_71 = arith.addi %mul3A_11, %add3A_70 : i32
    "tpu.region"() ({
      %run_scoped3A_473 = tpu.sem_alloc : memref<!tpu.dma_semaphore, #tpu.memory_space<semaphore_mem>>
      %dma_start3A_474 = arith.constant 0 : i32
      %dma_start3A_475 = tpu.memref_slice %arg6[%add3A_71, %dma_start3A_474] : memref<50048x32xf32, #tpu.memory_space<vmem_shared>> -> memref<64x32xf32, #tpu.memory_space<vmem_shared>>
      %dma_start3A_476 = arith.constant 0 : i32
      %dma_start3A_477 = tpu.memref_slice %arg6[%add3A_71, %dma_start3A_476] : memref<50048x32xf32, #tpu.memory_space<vmem_shared>> -> memref<64x32xf32, #tpu.memory_space<vmem_shared>>
      tpu.enqueue_dma source(%arg14 : memref<64x32xf32, #tpu.memory_space<vmem>>) target(%dma_start3A_477 : memref<64x32xf32, #tpu.memory_space<vmem_shared>>) target_semaphore(%run_scoped3A_473 : memref<!tpu.dma_semaphore, #tpu.memory_space<semaphore_mem>>)
      %dma_wait3A = arith.constant 0 : i32
      %dma_wait3A_478 = tpu.memref_slice %arg6[%add3A_71, %dma_wait3A] : memref<50048x32xf32, #tpu.memory_space<vmem_shared>> -> memref<64x32xf32, #tpu.memory_space<vmem_shared>>
      %dma_wait3A_479 = arith.constant 0 : i32
      %dma_wait3A_480 = tpu.memref_slice %arg6[%add3A_71, %dma_wait3A_479] : memref<50048x32xf32, #tpu.memory_space<vmem_shared>> -> memref<64x32xf32, #tpu.memory_space<vmem_shared>>
      tpu.wait_dma2 semaphore(%run_scoped3A_473 : memref<!tpu.dma_semaphore, #tpu.memory_space<semaphore_mem>>) src(%arg14 : memref<64x32xf32, #tpu.memory_space<vmem>>) dst(%dma_wait3A_480 : memref<64x32xf32, #tpu.memory_space<vmem_shared>>)
      tpu.yield
    }) : () -> ()
    %add3A_72 = arith.constant 1920 : i32
    %add3A_73 = arith.addi %mul3A_11, %add3A_72 : i32
    "tpu.region"() ({
      %run_scoped3A_473 = tpu.sem_alloc : memref<!tpu.dma_semaphore, #tpu.memory_space<semaphore_mem>>
      %dma_start3A_474 = arith.constant 0 : i32
      %dma_start3A_475 = tpu.memref_slice %arg6[%add3A_73, %dma_start3A_474] : memref<50048x32xf32, #tpu.memory_space<vmem_shared>> -> memref<64x32xf32, #tpu.memory_space<vmem_shared>>
      %dma_start3A_476 = arith.constant 0 : i32
      %dma_start3A_477 = tpu.memref_slice %arg6[%add3A_73, %dma_start3A_476] : memref<50048x32xf32, #tpu.memory_space<vmem_shared>> -> memref<64x32xf32, #tpu.memory_space<vmem_shared>>
      tpu.enqueue_dma source(%arg14 : memref<64x32xf32, #tpu.memory_space<vmem>>) target(%dma_start3A_477 : memref<64x32xf32, #tpu.memory_space<vmem_shared>>) target_semaphore(%run_scoped3A_473 : memref<!tpu.dma_semaphore, #tpu.memory_space<semaphore_mem>>)
      %dma_wait3A = arith.constant 0 : i32
      %dma_wait3A_478 = tpu.memref_slice %arg6[%add3A_73, %dma_wait3A] : memref<50048x32xf32, #tpu.memory_space<vmem_shared>> -> memref<64x32xf32, #tpu.memory_space<vmem_shared>>
      %dma_wait3A_479 = arith.constant 0 : i32
      %dma_wait3A_480 = tpu.memref_slice %arg6[%add3A_73, %dma_wait3A_479] : memref<50048x32xf32, #tpu.memory_space<vmem_shared>> -> memref<64x32xf32, #tpu.memory_space<vmem_shared>>
      tpu.wait_dma2 semaphore(%run_scoped3A_473 : memref<!tpu.dma_semaphore, #tpu.memory_space<semaphore_mem>>) src(%arg14 : memref<64x32xf32, #tpu.memory_space<vmem>>) dst(%dma_wait3A_480 : memref<64x32xf32, #tpu.memory_space<vmem_shared>>)
      tpu.yield
    }) : () -> ()
    %add3A_74 = arith.constant 1984 : i32
    %add3A_75 = arith.addi %mul3A_11, %add3A_74 : i32
    "tpu.region"() ({
      %run_scoped3A_473 = tpu.sem_alloc : memref<!tpu.dma_semaphore, #tpu.memory_space<semaphore_mem>>
      %dma_start3A_474 = arith.constant 0 : i32
      %dma_start3A_475 = tpu.memref_slice %arg6[%add3A_75, %dma_start3A_474] : memref<50048x32xf32, #tpu.memory_space<vmem_shared>> -> memref<64x32xf32, #tpu.memory_space<vmem_shared>>
      %dma_start3A_476 = arith.constant 0 : i32
      %dma_start3A_477 = tpu.memref_slice %arg6[%add3A_75, %dma_start3A_476] : memref<50048x32xf32, #tpu.memory_space<vmem_shared>> -> memref<64x32xf32, #tpu.memory_space<vmem_shared>>
      tpu.enqueue_dma source(%arg14 : memref<64x32xf32, #tpu.memory_space<vmem>>) target(%dma_start3A_477 : memref<64x32xf32, #tpu.memory_space<vmem_shared>>) target_semaphore(%run_scoped3A_473 : memref<!tpu.dma_semaphore, #tpu.memory_space<semaphore_mem>>)
      %dma_wait3A = arith.constant 0 : i32
      %dma_wait3A_478 = tpu.memref_slice %arg6[%add3A_75, %dma_wait3A] : memref<50048x32xf32, #tpu.memory_space<vmem_shared>> -> memref<64x32xf32, #tpu.memory_space<vmem_shared>>
      %dma_wait3A_479 = arith.constant 0 : i32
      %dma_wait3A_480 = tpu.memref_slice %arg6[%add3A_75, %dma_wait3A_479] : memref<50048x32xf32, #tpu.memory_space<vmem_shared>> -> memref<64x32xf32, #tpu.memory_space<vmem_shared>>
      tpu.wait_dma2 semaphore(%run_scoped3A_473 : memref<!tpu.dma_semaphore, #tpu.memory_space<semaphore_mem>>) src(%arg14 : memref<64x32xf32, #tpu.memory_space<vmem>>) dst(%dma_wait3A_480 : memref<64x32xf32, #tpu.memory_space<vmem_shared>>)
      tpu.yield
    }) : () -> ()
    %add3A_76 = arith.constant 2048 : i32
    %add3A_77 = arith.addi %mul3A_11, %add3A_76 : i32
    "tpu.region"() ({
      %run_scoped3A_473 = tpu.sem_alloc : memref<!tpu.dma_semaphore, #tpu.memory_space<semaphore_mem>>
      %dma_start3A_474 = arith.constant 0 : i32
      %dma_start3A_475 = tpu.memref_slice %arg6[%add3A_77, %dma_start3A_474] : memref<50048x32xf32, #tpu.memory_space<vmem_shared>> -> memref<64x32xf32, #tpu.memory_space<vmem_shared>>
      %dma_start3A_476 = arith.constant 0 : i32
      %dma_start3A_477 = tpu.memref_slice %arg6[%add3A_77, %dma_start3A_476] : memref<50048x32xf32, #tpu.memory_space<vmem_shared>> -> memref<64x32xf32, #tpu.memory_space<vmem_shared>>
      tpu.enqueue_dma source(%arg14 : memref<64x32xf32, #tpu.memory_space<vmem>>) target(%dma_start3A_477 : memref<64x32xf32, #tpu.memory_space<vmem_shared>>) target_semaphore(%run_scoped3A_473 : memref<!tpu.dma_semaphore, #tpu.memory_space<semaphore_mem>>)
      %dma_wait3A = arith.constant 0 : i32
      %dma_wait3A_478 = tpu.memref_slice %arg6[%add3A_77, %dma_wait3A] : memref<50048x32xf32, #tpu.memory_space<vmem_shared>> -> memref<64x32xf32, #tpu.memory_space<vmem_shared>>
      %dma_wait3A_479 = arith.constant 0 : i32
      %dma_wait3A_480 = tpu.memref_slice %arg6[%add3A_77, %dma_wait3A_479] : memref<50048x32xf32, #tpu.memory_space<vmem_shared>> -> memref<64x32xf32, #tpu.memory_space<vmem_shared>>
      tpu.wait_dma2 semaphore(%run_scoped3A_473 : memref<!tpu.dma_semaphore, #tpu.memory_space<semaphore_mem>>) src(%arg14 : memref<64x32xf32, #tpu.memory_space<vmem>>) dst(%dma_wait3A_480 : memref<64x32xf32, #tpu.memory_space<vmem_shared>>)
      tpu.yield
    }) : () -> ()
    %add3A_78 = arith.constant 2112 : i32
    %add3A_79 = arith.addi %mul3A_11, %add3A_78 : i32
    "tpu.region"() ({
      %run_scoped3A_473 = tpu.sem_alloc : memref<!tpu.dma_semaphore, #tpu.memory_space<semaphore_mem>>
      %dma_start3A_474 = arith.constant 0 : i32
      %dma_start3A_475 = tpu.memref_slice %arg6[%add3A_79, %dma_start3A_474] : memref<50048x32xf32, #tpu.memory_space<vmem_shared>> -> memref<64x32xf32, #tpu.memory_space<vmem_shared>>
      %dma_start3A_476 = arith.constant 0 : i32
      %dma_start3A_477 = tpu.memref_slice %arg6[%add3A_79, %dma_start3A_476] : memref<50048x32xf32, #tpu.memory_space<vmem_shared>> -> memref<64x32xf32, #tpu.memory_space<vmem_shared>>
      tpu.enqueue_dma source(%arg14 : memref<64x32xf32, #tpu.memory_space<vmem>>) target(%dma_start3A_477 : memref<64x32xf32, #tpu.memory_space<vmem_shared>>) target_semaphore(%run_scoped3A_473 : memref<!tpu.dma_semaphore, #tpu.memory_space<semaphore_mem>>)
      %dma_wait3A = arith.constant 0 : i32
      %dma_wait3A_478 = tpu.memref_slice %arg6[%add3A_79, %dma_wait3A] : memref<50048x32xf32, #tpu.memory_space<vmem_shared>> -> memref<64x32xf32, #tpu.memory_space<vmem_shared>>
      %dma_wait3A_479 = arith.constant 0 : i32
      %dma_wait3A_480 = tpu.memref_slice %arg6[%add3A_79, %dma_wait3A_479] : memref<50048x32xf32, #tpu.memory_space<vmem_shared>> -> memref<64x32xf32, #tpu.memory_space<vmem_shared>>
      tpu.wait_dma2 semaphore(%run_scoped3A_473 : memref<!tpu.dma_semaphore, #tpu.memory_space<semaphore_mem>>) src(%arg14 : memref<64x32xf32, #tpu.memory_space<vmem>>) dst(%dma_wait3A_480 : memref<64x32xf32, #tpu.memory_space<vmem_shared>>)
      tpu.yield
    }) : () -> ()
    %add3A_80 = arith.constant 2176 : i32
    %add3A_81 = arith.addi %mul3A_11, %add3A_80 : i32
    "tpu.region"() ({
      %run_scoped3A_473 = tpu.sem_alloc : memref<!tpu.dma_semaphore, #tpu.memory_space<semaphore_mem>>
      %dma_start3A_474 = arith.constant 0 : i32
      %dma_start3A_475 = tpu.memref_slice %arg6[%add3A_81, %dma_start3A_474] : memref<50048x32xf32, #tpu.memory_space<vmem_shared>> -> memref<64x32xf32, #tpu.memory_space<vmem_shared>>
      %dma_start3A_476 = arith.constant 0 : i32
      %dma_start3A_477 = tpu.memref_slice %arg6[%add3A_81, %dma_start3A_476] : memref<50048x32xf32, #tpu.memory_space<vmem_shared>> -> memref<64x32xf32, #tpu.memory_space<vmem_shared>>
      tpu.enqueue_dma source(%arg14 : memref<64x32xf32, #tpu.memory_space<vmem>>) target(%dma_start3A_477 : memref<64x32xf32, #tpu.memory_space<vmem_shared>>) target_semaphore(%run_scoped3A_473 : memref<!tpu.dma_semaphore, #tpu.memory_space<semaphore_mem>>)
      %dma_wait3A = arith.constant 0 : i32
      %dma_wait3A_478 = tpu.memref_slice %arg6[%add3A_81, %dma_wait3A] : memref<50048x32xf32, #tpu.memory_space<vmem_shared>> -> memref<64x32xf32, #tpu.memory_space<vmem_shared>>
      %dma_wait3A_479 = arith.constant 0 : i32
      %dma_wait3A_480 = tpu.memref_slice %arg6[%add3A_81, %dma_wait3A_479] : memref<50048x32xf32, #tpu.memory_space<vmem_shared>> -> memref<64x32xf32, #tpu.memory_space<vmem_shared>>
      tpu.wait_dma2 semaphore(%run_scoped3A_473 : memref<!tpu.dma_semaphore, #tpu.memory_space<semaphore_mem>>) src(%arg14 : memref<64x32xf32, #tpu.memory_space<vmem>>) dst(%dma_wait3A_480 : memref<64x32xf32, #tpu.memory_space<vmem_shared>>)
      tpu.yield
    }) : () -> ()
    %add3A_82 = arith.constant 2240 : i32
    %add3A_83 = arith.addi %mul3A_11, %add3A_82 : i32
    "tpu.region"() ({
      %run_scoped3A_473 = tpu.sem_alloc : memref<!tpu.dma_semaphore, #tpu.memory_space<semaphore_mem>>
      %dma_start3A_474 = arith.constant 0 : i32
      %dma_start3A_475 = tpu.memref_slice %arg6[%add3A_83, %dma_start3A_474] : memref<50048x32xf32, #tpu.memory_space<vmem_shared>> -> memref<64x32xf32, #tpu.memory_space<vmem_shared>>
      %dma_start3A_476 = arith.constant 0 : i32
      %dma_start3A_477 = tpu.memref_slice %arg6[%add3A_83, %dma_start3A_476] : memref<50048x32xf32, #tpu.memory_space<vmem_shared>> -> memref<64x32xf32, #tpu.memory_space<vmem_shared>>
      tpu.enqueue_dma source(%arg14 : memref<64x32xf32, #tpu.memory_space<vmem>>) target(%dma_start3A_477 : memref<64x32xf32, #tpu.memory_space<vmem_shared>>) target_semaphore(%run_scoped3A_473 : memref<!tpu.dma_semaphore, #tpu.memory_space<semaphore_mem>>)
      %dma_wait3A = arith.constant 0 : i32
      %dma_wait3A_478 = tpu.memref_slice %arg6[%add3A_83, %dma_wait3A] : memref<50048x32xf32, #tpu.memory_space<vmem_shared>> -> memref<64x32xf32, #tpu.memory_space<vmem_shared>>
      %dma_wait3A_479 = arith.constant 0 : i32
      %dma_wait3A_480 = tpu.memref_slice %arg6[%add3A_83, %dma_wait3A_479] : memref<50048x32xf32, #tpu.memory_space<vmem_shared>> -> memref<64x32xf32, #tpu.memory_space<vmem_shared>>
      tpu.wait_dma2 semaphore(%run_scoped3A_473 : memref<!tpu.dma_semaphore, #tpu.memory_space<semaphore_mem>>) src(%arg14 : memref<64x32xf32, #tpu.memory_space<vmem>>) dst(%dma_wait3A_480 : memref<64x32xf32, #tpu.memory_space<vmem_shared>>)
      tpu.yield
    }) : () -> ()
    %add3A_84 = arith.constant 2304 : i32
    %add3A_85 = arith.addi %mul3A_11, %add3A_84 : i32
    "tpu.region"() ({
      %run_scoped3A_473 = tpu.sem_alloc : memref<!tpu.dma_semaphore, #tpu.memory_space<semaphore_mem>>
      %dma_start3A_474 = arith.constant 0 : i32
      %dma_start3A_475 = tpu.memref_slice %arg6[%add3A_85, %dma_start3A_474] : memref<50048x32xf32, #tpu.memory_space<vmem_shared>> -> memref<64x32xf32, #tpu.memory_space<vmem_shared>>
      %dma_start3A_476 = arith.constant 0 : i32
      %dma_start3A_477 = tpu.memref_slice %arg6[%add3A_85, %dma_start3A_476] : memref<50048x32xf32, #tpu.memory_space<vmem_shared>> -> memref<64x32xf32, #tpu.memory_space<vmem_shared>>
      tpu.enqueue_dma source(%arg14 : memref<64x32xf32, #tpu.memory_space<vmem>>) target(%dma_start3A_477 : memref<64x32xf32, #tpu.memory_space<vmem_shared>>) target_semaphore(%run_scoped3A_473 : memref<!tpu.dma_semaphore, #tpu.memory_space<semaphore_mem>>)
      %dma_wait3A = arith.constant 0 : i32
      %dma_wait3A_478 = tpu.memref_slice %arg6[%add3A_85, %dma_wait3A] : memref<50048x32xf32, #tpu.memory_space<vmem_shared>> -> memref<64x32xf32, #tpu.memory_space<vmem_shared>>
      %dma_wait3A_479 = arith.constant 0 : i32
      %dma_wait3A_480 = tpu.memref_slice %arg6[%add3A_85, %dma_wait3A_479] : memref<50048x32xf32, #tpu.memory_space<vmem_shared>> -> memref<64x32xf32, #tpu.memory_space<vmem_shared>>
      tpu.wait_dma2 semaphore(%run_scoped3A_473 : memref<!tpu.dma_semaphore, #tpu.memory_space<semaphore_mem>>) src(%arg14 : memref<64x32xf32, #tpu.memory_space<vmem>>) dst(%dma_wait3A_480 : memref<64x32xf32, #tpu.memory_space<vmem_shared>>)
      tpu.yield
    }) : () -> ()
    %add3A_86 = arith.constant 2368 : i32
    %add3A_87 = arith.addi %mul3A_11, %add3A_86 : i32
    "tpu.region"() ({
      %run_scoped3A_473 = tpu.sem_alloc : memref<!tpu.dma_semaphore, #tpu.memory_space<semaphore_mem>>
      %dma_start3A_474 = arith.constant 0 : i32
      %dma_start3A_475 = tpu.memref_slice %arg6[%add3A_87, %dma_start3A_474] : memref<50048x32xf32, #tpu.memory_space<vmem_shared>> -> memref<64x32xf32, #tpu.memory_space<vmem_shared>>
      %dma_start3A_476 = arith.constant 0 : i32
      %dma_start3A_477 = tpu.memref_slice %arg6[%add3A_87, %dma_start3A_476] : memref<50048x32xf32, #tpu.memory_space<vmem_shared>> -> memref<64x32xf32, #tpu.memory_space<vmem_shared>>
      tpu.enqueue_dma source(%arg14 : memref<64x32xf32, #tpu.memory_space<vmem>>) target(%dma_start3A_477 : memref<64x32xf32, #tpu.memory_space<vmem_shared>>) target_semaphore(%run_scoped3A_473 : memref<!tpu.dma_semaphore, #tpu.memory_space<semaphore_mem>>)
      %dma_wait3A = arith.constant 0 : i32
      %dma_wait3A_478 = tpu.memref_slice %arg6[%add3A_87, %dma_wait3A] : memref<50048x32xf32, #tpu.memory_space<vmem_shared>> -> memref<64x32xf32, #tpu.memory_space<vmem_shared>>
      %dma_wait3A_479 = arith.constant 0 : i32
      %dma_wait3A_480 = tpu.memref_slice %arg6[%add3A_87, %dma_wait3A_479] : memref<50048x32xf32, #tpu.memory_space<vmem_shared>> -> memref<64x32xf32, #tpu.memory_space<vmem_shared>>
      tpu.wait_dma2 semaphore(%run_scoped3A_473 : memref<!tpu.dma_semaphore, #tpu.memory_space<semaphore_mem>>) src(%arg14 : memref<64x32xf32, #tpu.memory_space<vmem>>) dst(%dma_wait3A_480 : memref<64x32xf32, #tpu.memory_space<vmem_shared>>)
      tpu.yield
    }) : () -> ()
    %add3A_88 = arith.constant 2432 : i32
    %add3A_89 = arith.addi %mul3A_11, %add3A_88 : i32
    "tpu.region"() ({
      %run_scoped3A_473 = tpu.sem_alloc : memref<!tpu.dma_semaphore, #tpu.memory_space<semaphore_mem>>
      %dma_start3A_474 = arith.constant 0 : i32
      %dma_start3A_475 = tpu.memref_slice %arg6[%add3A_89, %dma_start3A_474] : memref<50048x32xf32, #tpu.memory_space<vmem_shared>> -> memref<64x32xf32, #tpu.memory_space<vmem_shared>>
      %dma_start3A_476 = arith.constant 0 : i32
      %dma_start3A_477 = tpu.memref_slice %arg6[%add3A_89, %dma_start3A_476] : memref<50048x32xf32, #tpu.memory_space<vmem_shared>> -> memref<64x32xf32, #tpu.memory_space<vmem_shared>>
      tpu.enqueue_dma source(%arg14 : memref<64x32xf32, #tpu.memory_space<vmem>>) target(%dma_start3A_477 : memref<64x32xf32, #tpu.memory_space<vmem_shared>>) target_semaphore(%run_scoped3A_473 : memref<!tpu.dma_semaphore, #tpu.memory_space<semaphore_mem>>)
      %dma_wait3A = arith.constant 0 : i32
      %dma_wait3A_478 = tpu.memref_slice %arg6[%add3A_89, %dma_wait3A] : memref<50048x32xf32, #tpu.memory_space<vmem_shared>> -> memref<64x32xf32, #tpu.memory_space<vmem_shared>>
      %dma_wait3A_479 = arith.constant 0 : i32
      %dma_wait3A_480 = tpu.memref_slice %arg6[%add3A_89, %dma_wait3A_479] : memref<50048x32xf32, #tpu.memory_space<vmem_shared>> -> memref<64x32xf32, #tpu.memory_space<vmem_shared>>
      tpu.wait_dma2 semaphore(%run_scoped3A_473 : memref<!tpu.dma_semaphore, #tpu.memory_space<semaphore_mem>>) src(%arg14 : memref<64x32xf32, #tpu.memory_space<vmem>>) dst(%dma_wait3A_480 : memref<64x32xf32, #tpu.memory_space<vmem_shared>>)
      tpu.yield
    }) : () -> ()
    %add3A_90 = arith.constant 2496 : i32
    %add3A_91 = arith.addi %mul3A_11, %add3A_90 : i32
    "tpu.region"() ({
      %run_scoped3A_473 = tpu.sem_alloc : memref<!tpu.dma_semaphore, #tpu.memory_space<semaphore_mem>>
      %dma_start3A_474 = arith.constant 0 : i32
      %dma_start3A_475 = tpu.memref_slice %arg6[%add3A_91, %dma_start3A_474] : memref<50048x32xf32, #tpu.memory_space<vmem_shared>> -> memref<64x32xf32, #tpu.memory_space<vmem_shared>>
      %dma_start3A_476 = arith.constant 0 : i32
      %dma_start3A_477 = tpu.memref_slice %arg6[%add3A_91, %dma_start3A_476] : memref<50048x32xf32, #tpu.memory_space<vmem_shared>> -> memref<64x32xf32, #tpu.memory_space<vmem_shared>>
      tpu.enqueue_dma source(%arg14 : memref<64x32xf32, #tpu.memory_space<vmem>>) target(%dma_start3A_477 : memref<64x32xf32, #tpu.memory_space<vmem_shared>>) target_semaphore(%run_scoped3A_473 : memref<!tpu.dma_semaphore, #tpu.memory_space<semaphore_mem>>)
      %dma_wait3A = arith.constant 0 : i32
      %dma_wait3A_478 = tpu.memref_slice %arg6[%add3A_91, %dma_wait3A] : memref<50048x32xf32, #tpu.memory_space<vmem_shared>> -> memref<64x32xf32, #tpu.memory_space<vmem_shared>>
      %dma_wait3A_479 = arith.constant 0 : i32
      %dma_wait3A_480 = tpu.memref_slice %arg6[%add3A_91, %dma_wait3A_479] : memref<50048x32xf32, #tpu.memory_space<vmem_shared>> -> memref<64x32xf32, #tpu.memory_space<vmem_shared>>
      tpu.wait_dma2 semaphore(%run_scoped3A_473 : memref<!tpu.dma_semaphore, #tpu.memory_space<semaphore_mem>>) src(%arg14 : memref<64x32xf32, #tpu.memory_space<vmem>>) dst(%dma_wait3A_480 : memref<64x32xf32, #tpu.memory_space<vmem_shared>>)
      tpu.yield
    }) : () -> ()
    %add3A_92 = arith.constant 2560 : i32
    %add3A_93 = arith.addi %mul3A_11, %add3A_92 : i32
    "tpu.region"() ({
      %run_scoped3A_473 = tpu.sem_alloc : memref<!tpu.dma_semaphore, #tpu.memory_space<semaphore_mem>>
      %dma_start3A_474 = arith.constant 0 : i32
      %dma_start3A_475 = tpu.memref_slice %arg6[%add3A_93, %dma_start3A_474] : memref<50048x32xf32, #tpu.memory_space<vmem_shared>> -> memref<64x32xf32, #tpu.memory_space<vmem_shared>>
      %dma_start3A_476 = arith.constant 0 : i32
      %dma_start3A_477 = tpu.memref_slice %arg6[%add3A_93, %dma_start3A_476] : memref<50048x32xf32, #tpu.memory_space<vmem_shared>> -> memref<64x32xf32, #tpu.memory_space<vmem_shared>>
      tpu.enqueue_dma source(%arg14 : memref<64x32xf32, #tpu.memory_space<vmem>>) target(%dma_start3A_477 : memref<64x32xf32, #tpu.memory_space<vmem_shared>>) target_semaphore(%run_scoped3A_473 : memref<!tpu.dma_semaphore, #tpu.memory_space<semaphore_mem>>)
      %dma_wait3A = arith.constant 0 : i32
      %dma_wait3A_478 = tpu.memref_slice %arg6[%add3A_93, %dma_wait3A] : memref<50048x32xf32, #tpu.memory_space<vmem_shared>> -> memref<64x32xf32, #tpu.memory_space<vmem_shared>>
      %dma_wait3A_479 = arith.constant 0 : i32
      %dma_wait3A_480 = tpu.memref_slice %arg6[%add3A_93, %dma_wait3A_479] : memref<50048x32xf32, #tpu.memory_space<vmem_shared>> -> memref<64x32xf32, #tpu.memory_space<vmem_shared>>
      tpu.wait_dma2 semaphore(%run_scoped3A_473 : memref<!tpu.dma_semaphore, #tpu.memory_space<semaphore_mem>>) src(%arg14 : memref<64x32xf32, #tpu.memory_space<vmem>>) dst(%dma_wait3A_480 : memref<64x32xf32, #tpu.memory_space<vmem_shared>>)
      tpu.yield
    }) : () -> ()
    %add3A_94 = arith.constant 2624 : i32
    %add3A_95 = arith.addi %mul3A_11, %add3A_94 : i32
    "tpu.region"() ({
      %run_scoped3A_473 = tpu.sem_alloc : memref<!tpu.dma_semaphore, #tpu.memory_space<semaphore_mem>>
      %dma_start3A_474 = arith.constant 0 : i32
      %dma_start3A_475 = tpu.memref_slice %arg6[%add3A_95, %dma_start3A_474] : memref<50048x32xf32, #tpu.memory_space<vmem_shared>> -> memref<64x32xf32, #tpu.memory_space<vmem_shared>>
      %dma_start3A_476 = arith.constant 0 : i32
      %dma_start3A_477 = tpu.memref_slice %arg6[%add3A_95, %dma_start3A_476] : memref<50048x32xf32, #tpu.memory_space<vmem_shared>> -> memref<64x32xf32, #tpu.memory_space<vmem_shared>>
      tpu.enqueue_dma source(%arg14 : memref<64x32xf32, #tpu.memory_space<vmem>>) target(%dma_start3A_477 : memref<64x32xf32, #tpu.memory_space<vmem_shared>>) target_semaphore(%run_scoped3A_473 : memref<!tpu.dma_semaphore, #tpu.memory_space<semaphore_mem>>)
      %dma_wait3A = arith.constant 0 : i32
      %dma_wait3A_478 = tpu.memref_slice %arg6[%add3A_95, %dma_wait3A] : memref<50048x32xf32, #tpu.memory_space<vmem_shared>> -> memref<64x32xf32, #tpu.memory_space<vmem_shared>>
      %dma_wait3A_479 = arith.constant 0 : i32
      %dma_wait3A_480 = tpu.memref_slice %arg6[%add3A_95, %dma_wait3A_479] : memref<50048x32xf32, #tpu.memory_space<vmem_shared>> -> memref<64x32xf32, #tpu.memory_space<vmem_shared>>
      tpu.wait_dma2 semaphore(%run_scoped3A_473 : memref<!tpu.dma_semaphore, #tpu.memory_space<semaphore_mem>>) src(%arg14 : memref<64x32xf32, #tpu.memory_space<vmem>>) dst(%dma_wait3A_480 : memref<64x32xf32, #tpu.memory_space<vmem_shared>>)
      tpu.yield
    }) : () -> ()
    %add3A_96 = arith.constant 2688 : i32
    %add3A_97 = arith.addi %mul3A_11, %add3A_96 : i32
    "tpu.region"() ({
      %run_scoped3A_473 = tpu.sem_alloc : memref<!tpu.dma_semaphore, #tpu.memory_space<semaphore_mem>>
      %dma_start3A_474 = arith.constant 0 : i32
      %dma_start3A_475 = tpu.memref_slice %arg6[%add3A_97, %dma_start3A_474] : memref<50048x32xf32, #tpu.memory_space<vmem_shared>> -> memref<64x32xf32, #tpu.memory_space<vmem_shared>>
      %dma_start3A_476 = arith.constant 0 : i32
      %dma_start3A_477 = tpu.memref_slice %arg6[%add3A_97, %dma_start3A_476] : memref<50048x32xf32, #tpu.memory_space<vmem_shared>> -> memref<64x32xf32, #tpu.memory_space<vmem_shared>>
      tpu.enqueue_dma source(%arg14 : memref<64x32xf32, #tpu.memory_space<vmem>>) target(%dma_start3A_477 : memref<64x32xf32, #tpu.memory_space<vmem_shared>>) target_semaphore(%run_scoped3A_473 : memref<!tpu.dma_semaphore, #tpu.memory_space<semaphore_mem>>)
      %dma_wait3A = arith.constant 0 : i32
      %dma_wait3A_478 = tpu.memref_slice %arg6[%add3A_97, %dma_wait3A] : memref<50048x32xf32, #tpu.memory_space<vmem_shared>> -> memref<64x32xf32, #tpu.memory_space<vmem_shared>>
      %dma_wait3A_479 = arith.constant 0 : i32
      %dma_wait3A_480 = tpu.memref_slice %arg6[%add3A_97, %dma_wait3A_479] : memref<50048x32xf32, #tpu.memory_space<vmem_shared>> -> memref<64x32xf32, #tpu.memory_space<vmem_shared>>
      tpu.wait_dma2 semaphore(%run_scoped3A_473 : memref<!tpu.dma_semaphore, #tpu.memory_space<semaphore_mem>>) src(%arg14 : memref<64x32xf32, #tpu.memory_space<vmem>>) dst(%dma_wait3A_480 : memref<64x32xf32, #tpu.memory_space<vmem_shared>>)
      tpu.yield
    }) : () -> ()
    %add3A_98 = arith.constant 2752 : i32
    %add3A_99 = arith.addi %mul3A_11, %add3A_98 : i32
    "tpu.region"() ({
      %run_scoped3A_473 = tpu.sem_alloc : memref<!tpu.dma_semaphore, #tpu.memory_space<semaphore_mem>>
      %dma_start3A_474 = arith.constant 0 : i32
      %dma_start3A_475 = tpu.memref_slice %arg6[%add3A_99, %dma_start3A_474] : memref<50048x32xf32, #tpu.memory_space<vmem_shared>> -> memref<64x32xf32, #tpu.memory_space<vmem_shared>>
      %dma_start3A_476 = arith.constant 0 : i32
      %dma_start3A_477 = tpu.memref_slice %arg6[%add3A_99, %dma_start3A_476] : memref<50048x32xf32, #tpu.memory_space<vmem_shared>> -> memref<64x32xf32, #tpu.memory_space<vmem_shared>>
      tpu.enqueue_dma source(%arg14 : memref<64x32xf32, #tpu.memory_space<vmem>>) target(%dma_start3A_477 : memref<64x32xf32, #tpu.memory_space<vmem_shared>>) target_semaphore(%run_scoped3A_473 : memref<!tpu.dma_semaphore, #tpu.memory_space<semaphore_mem>>)
      %dma_wait3A = arith.constant 0 : i32
      %dma_wait3A_478 = tpu.memref_slice %arg6[%add3A_99, %dma_wait3A] : memref<50048x32xf32, #tpu.memory_space<vmem_shared>> -> memref<64x32xf32, #tpu.memory_space<vmem_shared>>
      %dma_wait3A_479 = arith.constant 0 : i32
      %dma_wait3A_480 = tpu.memref_slice %arg6[%add3A_99, %dma_wait3A_479] : memref<50048x32xf32, #tpu.memory_space<vmem_shared>> -> memref<64x32xf32, #tpu.memory_space<vmem_shared>>
      tpu.wait_dma2 semaphore(%run_scoped3A_473 : memref<!tpu.dma_semaphore, #tpu.memory_space<semaphore_mem>>) src(%arg14 : memref<64x32xf32, #tpu.memory_space<vmem>>) dst(%dma_wait3A_480 : memref<64x32xf32, #tpu.memory_space<vmem_shared>>)
      tpu.yield
    }) : () -> ()
    %add3A_100 = arith.constant 2816 : i32
    %add3A_101 = arith.addi %mul3A_11, %add3A_100 : i32
    "tpu.region"() ({
      %run_scoped3A_473 = tpu.sem_alloc : memref<!tpu.dma_semaphore, #tpu.memory_space<semaphore_mem>>
      %dma_start3A_474 = arith.constant 0 : i32
      %dma_start3A_475 = tpu.memref_slice %arg6[%add3A_101, %dma_start3A_474] : memref<50048x32xf32, #tpu.memory_space<vmem_shared>> -> memref<64x32xf32, #tpu.memory_space<vmem_shared>>
      %dma_start3A_476 = arith.constant 0 : i32
      %dma_start3A_477 = tpu.memref_slice %arg6[%add3A_101, %dma_start3A_476] : memref<50048x32xf32, #tpu.memory_space<vmem_shared>> -> memref<64x32xf32, #tpu.memory_space<vmem_shared>>
      tpu.enqueue_dma source(%arg14 : memref<64x32xf32, #tpu.memory_space<vmem>>) target(%dma_start3A_477 : memref<64x32xf32, #tpu.memory_space<vmem_shared>>) target_semaphore(%run_scoped3A_473 : memref<!tpu.dma_semaphore, #tpu.memory_space<semaphore_mem>>)
      %dma_wait3A = arith.constant 0 : i32
      %dma_wait3A_478 = tpu.memref_slice %arg6[%add3A_101, %dma_wait3A] : memref<50048x32xf32, #tpu.memory_space<vmem_shared>> -> memref<64x32xf32, #tpu.memory_space<vmem_shared>>
      %dma_wait3A_479 = arith.constant 0 : i32
      %dma_wait3A_480 = tpu.memref_slice %arg6[%add3A_101, %dma_wait3A_479] : memref<50048x32xf32, #tpu.memory_space<vmem_shared>> -> memref<64x32xf32, #tpu.memory_space<vmem_shared>>
      tpu.wait_dma2 semaphore(%run_scoped3A_473 : memref<!tpu.dma_semaphore, #tpu.memory_space<semaphore_mem>>) src(%arg14 : memref<64x32xf32, #tpu.memory_space<vmem>>) dst(%dma_wait3A_480 : memref<64x32xf32, #tpu.memory_space<vmem_shared>>)
      tpu.yield
    }) : () -> ()
    %add3A_102 = arith.constant 2880 : i32
    %add3A_103 = arith.addi %mul3A_11, %add3A_102 : i32
    "tpu.region"() ({
      %run_scoped3A_473 = tpu.sem_alloc : memref<!tpu.dma_semaphore, #tpu.memory_space<semaphore_mem>>
      %dma_start3A_474 = arith.constant 0 : i32
      %dma_start3A_475 = tpu.memref_slice %arg6[%add3A_103, %dma_start3A_474] : memref<50048x32xf32, #tpu.memory_space<vmem_shared>> -> memref<64x32xf32, #tpu.memory_space<vmem_shared>>
      %dma_start3A_476 = arith.constant 0 : i32
      %dma_start3A_477 = tpu.memref_slice %arg6[%add3A_103, %dma_start3A_476] : memref<50048x32xf32, #tpu.memory_space<vmem_shared>> -> memref<64x32xf32, #tpu.memory_space<vmem_shared>>
      tpu.enqueue_dma source(%arg14 : memref<64x32xf32, #tpu.memory_space<vmem>>) target(%dma_start3A_477 : memref<64x32xf32, #tpu.memory_space<vmem_shared>>) target_semaphore(%run_scoped3A_473 : memref<!tpu.dma_semaphore, #tpu.memory_space<semaphore_mem>>)
      %dma_wait3A = arith.constant 0 : i32
      %dma_wait3A_478 = tpu.memref_slice %arg6[%add3A_103, %dma_wait3A] : memref<50048x32xf32, #tpu.memory_space<vmem_shared>> -> memref<64x32xf32, #tpu.memory_space<vmem_shared>>
      %dma_wait3A_479 = arith.constant 0 : i32
      %dma_wait3A_480 = tpu.memref_slice %arg6[%add3A_103, %dma_wait3A_479] : memref<50048x32xf32, #tpu.memory_space<vmem_shared>> -> memref<64x32xf32, #tpu.memory_space<vmem_shared>>
      tpu.wait_dma2 semaphore(%run_scoped3A_473 : memref<!tpu.dma_semaphore, #tpu.memory_space<semaphore_mem>>) src(%arg14 : memref<64x32xf32, #tpu.memory_space<vmem>>) dst(%dma_wait3A_480 : memref<64x32xf32, #tpu.memory_space<vmem_shared>>)
      tpu.yield
    }) : () -> ()
    %add3A_104 = arith.constant 2944 : i32
    %add3A_105 = arith.addi %mul3A_11, %add3A_104 : i32
    "tpu.region"() ({
      %run_scoped3A_473 = tpu.sem_alloc : memref<!tpu.dma_semaphore, #tpu.memory_space<semaphore_mem>>
      %dma_start3A_474 = arith.constant 0 : i32
      %dma_start3A_475 = tpu.memref_slice %arg6[%add3A_105, %dma_start3A_474] : memref<50048x32xf32, #tpu.memory_space<vmem_shared>> -> memref<64x32xf32, #tpu.memory_space<vmem_shared>>
      %dma_start3A_476 = arith.constant 0 : i32
      %dma_start3A_477 = tpu.memref_slice %arg6[%add3A_105, %dma_start3A_476] : memref<50048x32xf32, #tpu.memory_space<vmem_shared>> -> memref<64x32xf32, #tpu.memory_space<vmem_shared>>
      tpu.enqueue_dma source(%arg14 : memref<64x32xf32, #tpu.memory_space<vmem>>) target(%dma_start3A_477 : memref<64x32xf32, #tpu.memory_space<vmem_shared>>) target_semaphore(%run_scoped3A_473 : memref<!tpu.dma_semaphore, #tpu.memory_space<semaphore_mem>>)
      %dma_wait3A = arith.constant 0 : i32
      %dma_wait3A_478 = tpu.memref_slice %arg6[%add3A_105, %dma_wait3A] : memref<50048x32xf32, #tpu.memory_space<vmem_shared>> -> memref<64x32xf32, #tpu.memory_space<vmem_shared>>
      %dma_wait3A_479 = arith.constant 0 : i32
      %dma_wait3A_480 = tpu.memref_slice %arg6[%add3A_105, %dma_wait3A_479] : memref<50048x32xf32, #tpu.memory_space<vmem_shared>> -> memref<64x32xf32, #tpu.memory_space<vmem_shared>>
      tpu.wait_dma2 semaphore(%run_scoped3A_473 : memref<!tpu.dma_semaphore, #tpu.memory_space<semaphore_mem>>) src(%arg14 : memref<64x32xf32, #tpu.memory_space<vmem>>) dst(%dma_wait3A_480 : memref<64x32xf32, #tpu.memory_space<vmem_shared>>)
      tpu.yield
    }) : () -> ()
    %add3A_106 = arith.constant 3008 : i32
    %add3A_107 = arith.addi %mul3A_11, %add3A_106 : i32
    "tpu.region"() ({
      %run_scoped3A_473 = tpu.sem_alloc : memref<!tpu.dma_semaphore, #tpu.memory_space<semaphore_mem>>
      %dma_start3A_474 = arith.constant 0 : i32
      %dma_start3A_475 = tpu.memref_slice %arg6[%add3A_107, %dma_start3A_474] : memref<50048x32xf32, #tpu.memory_space<vmem_shared>> -> memref<64x32xf32, #tpu.memory_space<vmem_shared>>
      %dma_start3A_476 = arith.constant 0 : i32
      %dma_start3A_477 = tpu.memref_slice %arg6[%add3A_107, %dma_start3A_476] : memref<50048x32xf32, #tpu.memory_space<vmem_shared>> -> memref<64x32xf32, #tpu.memory_space<vmem_shared>>
      tpu.enqueue_dma source(%arg14 : memref<64x32xf32, #tpu.memory_space<vmem>>) target(%dma_start3A_477 : memref<64x32xf32, #tpu.memory_space<vmem_shared>>) target_semaphore(%run_scoped3A_473 : memref<!tpu.dma_semaphore, #tpu.memory_space<semaphore_mem>>)
      %dma_wait3A = arith.constant 0 : i32
      %dma_wait3A_478 = tpu.memref_slice %arg6[%add3A_107, %dma_wait3A] : memref<50048x32xf32, #tpu.memory_space<vmem_shared>> -> memref<64x32xf32, #tpu.memory_space<vmem_shared>>
      %dma_wait3A_479 = arith.constant 0 : i32
      %dma_wait3A_480 = tpu.memref_slice %arg6[%add3A_107, %dma_wait3A_479] : memref<50048x32xf32, #tpu.memory_space<vmem_shared>> -> memref<64x32xf32, #tpu.memory_space<vmem_shared>>
      tpu.wait_dma2 semaphore(%run_scoped3A_473 : memref<!tpu.dma_semaphore, #tpu.memory_space<semaphore_mem>>) src(%arg14 : memref<64x32xf32, #tpu.memory_space<vmem>>) dst(%dma_wait3A_480 : memref<64x32xf32, #tpu.memory_space<vmem_shared>>)
      tpu.yield
    }) : () -> ()
    %add3A_108 = arith.constant 3072 : i32
    %add3A_109 = arith.addi %mul3A_11, %add3A_108 : i32
    "tpu.region"() ({
      %run_scoped3A_473 = tpu.sem_alloc : memref<!tpu.dma_semaphore, #tpu.memory_space<semaphore_mem>>
      %dma_start3A_474 = arith.constant 0 : i32
      %dma_start3A_475 = arith.constant 0 : i32
      %dma_start3A_476 = tpu.memref_slice %arg14[%dma_start3A_474, %dma_start3A_475] : memref<64x32xf32, #tpu.memory_space<vmem>> -> memref<56x32xf32, #tpu.memory_space<vmem>>
      %dma_start3A_477 = arith.constant 0 : i32
      %dma_start3A_478 = tpu.memref_slice %arg6[%add3A_109, %dma_start3A_477] : memref<50048x32xf32, #tpu.memory_space<vmem_shared>> -> memref<56x32xf32, #tpu.memory_space<vmem_shared>>
      %dma_start3A_479 = arith.constant 0 : i32
      %dma_start3A_480 = tpu.memref_slice %arg6[%add3A_109, %dma_start3A_479] : memref<50048x32xf32, #tpu.memory_space<vmem_shared>> -> memref<56x32xf32, #tpu.memory_space<vmem_shared>>
      %dma_start3A_481 = arith.constant 0 : i32
      %dma_start3A_482 = arith.constant 0 : i32
      %dma_start3A_483 = tpu.memref_slice %arg14[%dma_start3A_481, %dma_start3A_482] : memref<64x32xf32, #tpu.memory_space<vmem>> -> memref<56x32xf32, #tpu.memory_space<vmem>>
      tpu.enqueue_dma source(%dma_start3A_483 : memref<56x32xf32, #tpu.memory_space<vmem>>) target(%dma_start3A_480 : memref<56x32xf32, #tpu.memory_space<vmem_shared>>) target_semaphore(%run_scoped3A_473 : memref<!tpu.dma_semaphore, #tpu.memory_space<semaphore_mem>>)
      %dma_wait3A = arith.constant 0 : i32
      %dma_wait3A_484 = arith.constant 0 : i32
      %dma_wait3A_485 = tpu.memref_slice %arg14[%dma_wait3A, %dma_wait3A_484] : memref<64x32xf32, #tpu.memory_space<vmem>> -> memref<56x32xf32, #tpu.memory_space<vmem>>
      %dma_wait3A_486 = arith.constant 0 : i32
      %dma_wait3A_487 = tpu.memref_slice %arg6[%add3A_109, %dma_wait3A_486] : memref<50048x32xf32, #tpu.memory_space<vmem_shared>> -> memref<56x32xf32, #tpu.memory_space<vmem_shared>>
      %dma_wait3A_488 = arith.constant 0 : i32
      %dma_wait3A_489 = tpu.memref_slice %arg6[%add3A_109, %dma_wait3A_488] : memref<50048x32xf32, #tpu.memory_space<vmem_shared>> -> memref<56x32xf32, #tpu.memory_space<vmem_shared>>
      %dma_wait3A_490 = arith.constant 0 : i32
      %dma_wait3A_491 = arith.constant 0 : i32
      %dma_wait3A_492 = tpu.memref_slice %arg14[%dma_wait3A_490, %dma_wait3A_491] : memref<64x32xf32, #tpu.memory_space<vmem>> -> memref<56x32xf32, #tpu.memory_space<vmem>>
      tpu.wait_dma2 semaphore(%run_scoped3A_473 : memref<!tpu.dma_semaphore, #tpu.memory_space<semaphore_mem>>) src(%dma_wait3A_492 : memref<56x32xf32, #tpu.memory_space<vmem>>) dst(%dma_wait3A_489 : memref<56x32xf32, #tpu.memory_space<vmem_shared>>)
      tpu.yield
    }) : () -> ()
    %barrier3A = arith.constant 0 : index
    tpu.barrier barrier_id(%barrier3A)
    "tpu.region"() ({
      %run_scoped3A_473 = tpu.sem_alloc : memref<!tpu.dma_semaphore, #tpu.memory_space<semaphore_mem>>
      %dma_start3A_474 = tpu.memref_slice %arg2[%mul3A_0] : memref<802816xi32, #tpu.memory_space<hbm>> -> memref<128xi32, #tpu.memory_space<hbm>>
      %dma_start3A_475 = tpu.memref_slice %arg2[%mul3A_0] : memref<802816xi32, #tpu.memory_space<hbm>> -> memref<128xi32, #tpu.memory_space<hbm>>
      tpu.enqueue_dma source(%dma_start3A_475 : memref<128xi32, #tpu.memory_space<hbm>>) target(%arg7 : memref<128xi32, #tpu.memory_space<vmem>>) target_semaphore(%run_scoped3A_473 : memref<!tpu.dma_semaphore, #tpu.memory_space<semaphore_mem>>)
      %dma_wait3A = tpu.memref_slice %arg2[%mul3A_0] : memref<802816xi32, #tpu.memory_space<hbm>> -> memref<128xi32, #tpu.memory_space<hbm>>
      %dma_wait3A_476 = tpu.memref_slice %arg2[%mul3A_0] : memref<802816xi32, #tpu.memory_space<hbm>> -> memref<128xi32, #tpu.memory_space<hbm>>
      tpu.wait_dma2 semaphore(%run_scoped3A_473 : memref<!tpu.dma_semaphore, #tpu.memory_space<semaphore_mem>>) src(%dma_wait3A_476 : memref<128xi32, #tpu.memory_space<hbm>>) dst(%arg7 : memref<128xi32, #tpu.memory_space<vmem>>)
      tpu.yield
    }) : () -> ()
    %run_scoped3A = arith.constant 0 : i32
    "tpu.region"() ({
      %run_scoped3A_473 = tpu.sem_alloc : memref<!tpu.dma_semaphore, #tpu.memory_space<semaphore_mem>>
      %dma_start3A_474 = arith.constant 0 : i32
      %dma_start3A_475 = tpu.memref_slice %arg9[%run_scoped3A, %dma_start3A_474] : memref<2x128xi32, #tpu.memory_space<vmem>> -> memref<1x128xi32, #tpu.memory_space<vmem>>
      %dma_start3A_476 = tpu.memref_squeeze %dma_start3A_475 : memref<1x128xi32, #tpu.memory_space<vmem>> -> memref<128xi32, #tpu.memory_space<vmem>>
      %dma_start3A_477 = tpu.memref_slice %arg3[%mul3A_0] : memref<802816xi32, #tpu.memory_space<hbm>> -> memref<128xi32, #tpu.memory_space<hbm>>
      %dma_start3A_478 = arith.constant 0 : i32
      %dma_start3A_479 = tpu.memref_slice %arg9[%run_scoped3A, %dma_start3A_478] : memref<2x128xi32, #tpu.memory_space<vmem>> -> memref<1x128xi32, #tpu.memory_space<vmem>>
      %dma_start3A_480 = tpu.memref_squeeze %dma_start3A_479 : memref<1x128xi32, #tpu.memory_space<vmem>> -> memref<128xi32, #tpu.memory_space<vmem>>
      %dma_start3A_481 = tpu.memref_slice %arg3[%mul3A_0] : memref<802816xi32, #tpu.memory_space<hbm>> -> memref<128xi32, #tpu.memory_space<hbm>>
      tpu.enqueue_dma source(%dma_start3A_481 : memref<128xi32, #tpu.memory_space<hbm>>) target(%dma_start3A_480 : memref<128xi32, #tpu.memory_space<vmem>>) target_semaphore(%run_scoped3A_473 : memref<!tpu.dma_semaphore, #tpu.memory_space<semaphore_mem>>)
      %dma_wait3A = arith.constant 0 : i32
      %dma_wait3A_482 = tpu.memref_slice %arg9[%run_scoped3A, %dma_wait3A] : memref<2x128xi32, #tpu.memory_space<vmem>> -> memref<1x128xi32, #tpu.memory_space<vmem>>
      %dma_wait3A_483 = tpu.memref_squeeze %dma_wait3A_482 : memref<1x128xi32, #tpu.memory_space<vmem>> -> memref<128xi32, #tpu.memory_space<vmem>>
      %dma_wait3A_484 = tpu.memref_slice %arg3[%mul3A_0] : memref<802816xi32, #tpu.memory_space<hbm>> -> memref<128xi32, #tpu.memory_space<hbm>>
      %dma_wait3A_485 = arith.constant 0 : i32
      %dma_wait3A_486 = tpu.memref_slice %arg9[%run_scoped3A, %dma_wait3A_485] : memref<2x128xi32, #tpu.memory_space<vmem>> -> memref<1x128xi32, #tpu.memory_space<vmem>>
      %dma_wait3A_487 = tpu.memref_squeeze %dma_wait3A_486 : memref<1x128xi32, #tpu.memory_space<vmem>> -> memref<128xi32, #tpu.memory_space<vmem>>
      %dma_wait3A_488 = tpu.memref_slice %arg3[%mul3A_0] : memref<802816xi32, #tpu.memory_space<hbm>> -> memref<128xi32, #tpu.memory_space<hbm>>
      tpu.wait_dma2 semaphore(%run_scoped3A_473 : memref<!tpu.dma_semaphore, #tpu.memory_space<semaphore_mem>>) src(%dma_wait3A_488 : memref<128xi32, #tpu.memory_space<hbm>>) dst(%dma_wait3A_487 : memref<128xi32, #tpu.memory_space<vmem>>)
      tpu.yield
    }) : () -> ()
    %get3A = arith.constant 0 : index
    %get3A_110 = tpu.vector_load %arg7[%get3A] {strides = array<i32>} : memref<128xi32, #tpu.memory_space<vmem>>, vector<16xi32>,
    %get3A_111 = vector.shape_cast %get3A_110 : vector<16xi32> to vector<16xi32>
    %mul3A_112 = arith.constant 4 : i32
    %mul3A_113 = vector.broadcast %mul3A_112 : i32 to vector<16xi32>
    %mul3A_114 = arith.muli %get3A_111, %mul3A_113 : vector<16xi32>
    %add3A_115 = vector.broadcast %add3A_7 : i32 to vector<16xi32>
    %add3A_116 = arith.addi %mul3A_114, %add3A_115 : vector<16xi32>
    %swap3A = arith.constant 0 : index
    %swap3A_117 = tpu.vector_load %arg10[%swap3A] {strides = array<i32>} : memref<128xi32, #tpu.memory_space<vmem>>, vector<16xi32>,
    %swap3A_118 = vector.shape_cast %swap3A_117 : vector<16xi32> to vector<16xi32>
    %swap3A_119 = vector.shape_cast %add3A_116 : vector<16xi32> to vector<16xi32>
    tpu.vector_store %arg10[%swap3A], %swap3A_119 {strides = array<i32>} : memref<128xi32, #tpu.memory_space<vmem>>, vector<16xi32>,
    %get3A_120 = arith.constant 16 : index
    %get3A_121 = tpu.vector_load %arg7[%get3A_120] {strides = array<i32>} : memref<128xi32, #tpu.memory_space<vmem>>, vector<16xi32>,
    %get3A_122 = vector.shape_cast %get3A_121 : vector<16xi32> to vector<16xi32>
    %mul3A_123 = arith.constant 4 : i32
    %mul3A_124 = vector.broadcast %mul3A_123 : i32 to vector<16xi32>
    %mul3A_125 = arith.muli %get3A_122, %mul3A_124 : vector<16xi32>
    %add3A_126 = vector.broadcast %add3A_7 : i32 to vector<16xi32>
    %add3A_127 = arith.addi %mul3A_125, %add3A_126 : vector<16xi32>
    %swap3A_128 = arith.constant 16 : index
    %swap3A_129 = tpu.vector_load %arg10[%swap3A_128] {strides = array<i32>} : memref<128xi32, #tpu.memory_space<vmem>>, vector<16xi32>,
    %swap3A_130 = vector.shape_cast %swap3A_129 : vector<16xi32> to vector<16xi32>
    %swap3A_131 = vector.shape_cast %add3A_127 : vector<16xi32> to vector<16xi32>
    tpu.vector_store %arg10[%swap3A_128], %swap3A_131 {strides = array<i32>} : memref<128xi32, #tpu.memory_space<vmem>>, vector<16xi32>,
    %get3A_132 = arith.constant 32 : index
    %get3A_133 = tpu.vector_load %arg7[%get3A_132] {strides = array<i32>} : memref<128xi32, #tpu.memory_space<vmem>>, vector<16xi32>,
    %get3A_134 = vector.shape_cast %get3A_133 : vector<16xi32> to vector<16xi32>
    %mul3A_135 = arith.constant 4 : i32
    %mul3A_136 = vector.broadcast %mul3A_135 : i32 to vector<16xi32>
    %mul3A_137 = arith.muli %get3A_134, %mul3A_136 : vector<16xi32>
    %add3A_138 = vector.broadcast %add3A_7 : i32 to vector<16xi32>
    %add3A_139 = arith.addi %mul3A_137, %add3A_138 : vector<16xi32>
    %swap3A_140 = arith.constant 32 : index
    %swap3A_141 = tpu.vector_load %arg10[%swap3A_140] {strides = array<i32>} : memref<128xi32, #tpu.memory_space<vmem>>, vector<16xi32>,
    %swap3A_142 = vector.shape_cast %swap3A_141 : vector<16xi32> to vector<16xi32>
    %swap3A_143 = vector.shape_cast %add3A_139 : vector<16xi32> to vector<16xi32>
    tpu.vector_store %arg10[%swap3A_140], %swap3A_143 {strides = array<i32>} : memref<128xi32, #tpu.memory_space<vmem>>, vector<16xi32>,
    %get3A_144 = arith.constant 48 : index
    %get3A_145 = tpu.vector_load %arg7[%get3A_144] {strides = array<i32>} : memref<128xi32, #tpu.memory_space<vmem>>, vector<16xi32>,
    %get3A_146 = vector.shape_cast %get3A_145 : vector<16xi32> to vector<16xi32>
    %mul3A_147 = arith.constant 4 : i32
    %mul3A_148 = vector.broadcast %mul3A_147 : i32 to vector<16xi32>
    %mul3A_149 = arith.muli %get3A_146, %mul3A_148 : vector<16xi32>
    %add3A_150 = vector.broadcast %add3A_7 : i32 to vector<16xi32>
    %add3A_151 = arith.addi %mul3A_149, %add3A_150 : vector<16xi32>
    %swap3A_152 = arith.constant 48 : index
    %swap3A_153 = tpu.vector_load %arg10[%swap3A_152] {strides = array<i32>} : memref<128xi32, #tpu.memory_space<vmem>>, vector<16xi32>,
    %swap3A_154 = vector.shape_cast %swap3A_153 : vector<16xi32> to vector<16xi32>
    %swap3A_155 = vector.shape_cast %add3A_151 : vector<16xi32> to vector<16xi32>
    tpu.vector_store %arg10[%swap3A_152], %swap3A_155 {strides = array<i32>} : memref<128xi32, #tpu.memory_space<vmem>>, vector<16xi32>,
    %get3A_156 = arith.constant 64 : index
    %get3A_157 = tpu.vector_load %arg7[%get3A_156] {strides = array<i32>} : memref<128xi32, #tpu.memory_space<vmem>>, vector<16xi32>,
    %get3A_158 = vector.shape_cast %get3A_157 : vector<16xi32> to vector<16xi32>
    %mul3A_159 = arith.constant 4 : i32
    %mul3A_160 = vector.broadcast %mul3A_159 : i32 to vector<16xi32>
    %mul3A_161 = arith.muli %get3A_158, %mul3A_160 : vector<16xi32>
    %add3A_162 = vector.broadcast %add3A_7 : i32 to vector<16xi32>
    %add3A_163 = arith.addi %mul3A_161, %add3A_162 : vector<16xi32>
    %swap3A_164 = arith.constant 64 : index
    %swap3A_165 = tpu.vector_load %arg10[%swap3A_164] {strides = array<i32>} : memref<128xi32, #tpu.memory_space<vmem>>, vector<16xi32>,
    %swap3A_166 = vector.shape_cast %swap3A_165 : vector<16xi32> to vector<16xi32>
    %swap3A_167 = vector.shape_cast %add3A_163 : vector<16xi32> to vector<16xi32>
    tpu.vector_store %arg10[%swap3A_164], %swap3A_167 {strides = array<i32>} : memref<128xi32, #tpu.memory_space<vmem>>, vector<16xi32>,
    %get3A_168 = arith.constant 80 : index
    %get3A_169 = tpu.vector_load %arg7[%get3A_168] {strides = array<i32>} : memref<128xi32, #tpu.memory_space<vmem>>, vector<16xi32>,
    %get3A_170 = vector.shape_cast %get3A_169 : vector<16xi32> to vector<16xi32>
    %mul3A_171 = arith.constant 4 : i32
    %mul3A_172 = vector.broadcast %mul3A_171 : i32 to vector<16xi32>
    %mul3A_173 = arith.muli %get3A_170, %mul3A_172 : vector<16xi32>
    %add3A_174 = vector.broadcast %add3A_7 : i32 to vector<16xi32>
    %add3A_175 = arith.addi %mul3A_173, %add3A_174 : vector<16xi32>
    %swap3A_176 = arith.constant 80 : index
    %swap3A_177 = tpu.vector_load %arg10[%swap3A_176] {strides = array<i32>} : memref<128xi32, #tpu.memory_space<vmem>>, vector<16xi32>,
    %swap3A_178 = vector.shape_cast %swap3A_177 : vector<16xi32> to vector<16xi32>
    %swap3A_179 = vector.shape_cast %add3A_175 : vector<16xi32> to vector<16xi32>
    tpu.vector_store %arg10[%swap3A_176], %swap3A_179 {strides = array<i32>} : memref<128xi32, #tpu.memory_space<vmem>>, vector<16xi32>,
    %get3A_180 = arith.constant 96 : index
    %get3A_181 = tpu.vector_load %arg7[%get3A_180] {strides = array<i32>} : memref<128xi32, #tpu.memory_space<vmem>>, vector<16xi32>,
    %get3A_182 = vector.shape_cast %get3A_181 : vector<16xi32> to vector<16xi32>
    %mul3A_183 = arith.constant 4 : i32
    %mul3A_184 = vector.broadcast %mul3A_183 : i32 to vector<16xi32>
    %mul3A_185 = arith.muli %get3A_182, %mul3A_184 : vector<16xi32>
    %add3A_186 = vector.broadcast %add3A_7 : i32 to vector<16xi32>
    %add3A_187 = arith.addi %mul3A_185, %add3A_186 : vector<16xi32>
    %swap3A_188 = arith.constant 96 : index
    %swap3A_189 = tpu.vector_load %arg10[%swap3A_188] {strides = array<i32>} : memref<128xi32, #tpu.memory_space<vmem>>, vector<16xi32>,
    %swap3A_190 = vector.shape_cast %swap3A_189 : vector<16xi32> to vector<16xi32>
    %swap3A_191 = vector.shape_cast %add3A_187 : vector<16xi32> to vector<16xi32>
    tpu.vector_store %arg10[%swap3A_188], %swap3A_191 {strides = array<i32>} : memref<128xi32, #tpu.memory_space<vmem>>, vector<16xi32>,
    %get3A_192 = arith.constant 112 : index
    %get3A_193 = tpu.vector_load %arg7[%get3A_192] {strides = array<i32>} : memref<128xi32, #tpu.memory_space<vmem>>, vector<16xi32>,
    %get3A_194 = vector.shape_cast %get3A_193 : vector<16xi32> to vector<16xi32>
    %mul3A_195 = arith.constant 4 : i32
    %mul3A_196 = vector.broadcast %mul3A_195 : i32 to vector<16xi32>
    %mul3A_197 = arith.muli %get3A_194, %mul3A_196 : vector<16xi32>
    %add3A_198 = vector.broadcast %add3A_7 : i32 to vector<16xi32>
    %add3A_199 = arith.addi %mul3A_197, %add3A_198 : vector<16xi32>
    %swap3A_200 = arith.constant 112 : index
    %swap3A_201 = tpu.vector_load %arg10[%swap3A_200] {strides = array<i32>} : memref<128xi32, #tpu.memory_space<vmem>>, vector<16xi32>,
    %swap3A_202 = vector.shape_cast %swap3A_201 : vector<16xi32> to vector<16xi32>
    %swap3A_203 = vector.shape_cast %add3A_199 : vector<16xi32> to vector<16xi32>
    tpu.vector_store %arg10[%swap3A_200], %swap3A_203 {strides = array<i32>} : memref<128xi32, #tpu.memory_space<vmem>>, vector<16xi32>,
    %dma_start3A = arith.constant 0 : i32
    %dma_start3A_204 = arith.constant 0 : i32
    %dma_start3A_205 = tpu.memref_slice %arg4[%dma_start3A, %dma_start3A_204] : memref<600000x32xf32, #tpu.memory_space<hbm>> -> memref<600000x32xf32, #tpu.memory_space<hbm>>
    tpu.enqueue_indirect_dma source(%dma_start3A_205 : memref<600000x32xf32, #tpu.memory_space<hbm>>) target(%arg12 : memref<128x32xf32, #tpu.memory_space<vmem>>) offsets(%arg10 : memref<128xi32, #tpu.memory_space<vmem>>) semaphore(%arg15 : memref<!tpu.dma_semaphore, #tpu.memory_space<semaphore_mem>>)
    %add3A_206 = arith.constant 128 : i32
    %add3A_207 = arith.addi %mul3A_0, %add3A_206 : i32
    %dma_start3A_208 = tpu.memref_slice %arg2[%add3A_207] : memref<802816xi32, #tpu.memory_space<hbm>> -> memref<128xi32, #tpu.memory_space<hbm>>
    %dma_start3A_209 = tpu.memref_slice %arg2[%add3A_207] : memref<802816xi32, #tpu.memory_space<hbm>> -> memref<128xi32, #tpu.memory_space<hbm>>
    tpu.enqueue_dma source(%dma_start3A_209 : memref<128xi32, #tpu.memory_space<hbm>>) target(%arg8 : memref<128xi32, #tpu.memory_space<vmem>>) target_semaphore(%arg18 : memref<!tpu.dma_semaphore, #tpu.memory_space<semaphore_mem>>)
    %add3A_210 = arith.constant 128 : i32
    %add3A_211 = arith.addi %mul3A_0, %add3A_210 : i32
    %dma_start3A_212 = arith.constant 1 : i32
    %dma_start3A_213 = arith.constant 0 : i32
    %dma_start3A_214 = tpu.memref_slice %arg9[%dma_start3A_212, %dma_start3A_213] : memref<2x128xi32, #tpu.memory_space<vmem>> -> memref<1x128xi32, #tpu.memory_space<vmem>>
    %dma_start3A_215 = tpu.memref_squeeze %dma_start3A_214 : memref<1x128xi32, #tpu.memory_space<vmem>> -> memref<128xi32, #tpu.memory_space<vmem>>
    %dma_start3A_216 = tpu.memref_slice %arg3[%add3A_211] : memref<802816xi32, #tpu.memory_space<hbm>> -> memref<128xi32, #tpu.memory_space<hbm>>
    %dma_start3A_217 = arith.constant 0 : i32
    %dma_start3A_218 = tpu.memref_slice %arg9[%dma_start3A_212, %dma_start3A_217] : memref<2x128xi32, #tpu.memory_space<vmem>> -> memref<1x128xi32, #tpu.memory_space<vmem>>
    %dma_start3A_219 = tpu.memref_squeeze %dma_start3A_218 : memref<1x128xi32, #tpu.memory_space<vmem>> -> memref<128xi32, #tpu.memory_space<vmem>>
    %dma_start3A_220 = tpu.memref_slice %arg3[%add3A_211] : memref<802816xi32, #tpu.memory_space<hbm>> -> memref<128xi32, #tpu.memory_space<hbm>>
    tpu.enqueue_dma source(%dma_start3A_220 : memref<128xi32, #tpu.memory_space<hbm>>) target(%dma_start3A_219 : memref<128xi32, #tpu.memory_space<vmem>>) target_semaphore(%arg18 : memref<!tpu.dma_semaphore, #tpu.memory_space<semaphore_mem>>)
    %scan3A_221 = arith.constant 0 : i32
    %scan3A_222 = arith.constant 0 : i32
    %scan3A_223 = arith.constant 196 : i32
    %scan3A_224 = arith.addi %scan3A_222, %scan3A_223 : i32
    %scan3A_225 = arith.constant 1 : i32
    scf.for %scan3A_473 = %scan3A_222 to %scan3A_224 step %scan3A_225  : i32 {
      %mul3A_474 = arith.constant 2 : i32
      %mul3A_475 = arith.muli %mul3A_474, %scan3A_473 : i32
      %add3A_476 = arith.constant 1 : i32
      %add3A_477 = arith.addi %mul3A_475, %add3A_476 : i32
      %mul3A_478 = arith.constant 128 : i32
      %mul3A_479 = arith.muli %add3A_477, %mul3A_478 : i32
      %add3A_480 = arith.addi %mul3A_0, %mul3A_479 : i32
      %dma_wait3A = tpu.memref_slice %arg2[%add3A_480] : memref<802816xi32, #tpu.memory_space<hbm>> -> memref<128xi32, #tpu.memory_space<hbm>>
      %dma_wait3A_481 = tpu.memref_slice %arg2[%add3A_480] : memref<802816xi32, #tpu.memory_space<hbm>> -> memref<128xi32, #tpu.memory_space<hbm>>
      tpu.wait_dma2 semaphore(%arg18 : memref<!tpu.dma_semaphore, #tpu.memory_space<semaphore_mem>>) src(%dma_wait3A_481 : memref<128xi32, #tpu.memory_space<hbm>>) dst(%arg8 : memref<128xi32, #tpu.memory_space<vmem>>)
      %mul3A_482 = arith.constant 128 : i32
      %mul3A_483 = arith.muli %add3A_477, %mul3A_482 : i32
      %add3A_484 = arith.addi %mul3A_0, %mul3A_483 : i32
      %dma_wait3A_485 = arith.constant 1 : i32
      %dma_wait3A_486 = arith.constant 0 : i32
      %dma_wait3A_487 = tpu.memref_slice %arg9[%dma_wait3A_485, %dma_wait3A_486] : memref<2x128xi32, #tpu.memory_space<vmem>> -> memref<1x128xi32, #tpu.memory_space<vmem>>
      %dma_wait3A_488 = tpu.memref_squeeze %dma_wait3A_487 : memref<1x128xi32, #tpu.memory_space<vmem>> -> memref<128xi32, #tpu.memory_space<vmem>>
      %dma_wait3A_489 = tpu.memref_slice %arg3[%add3A_484] : memref<802816xi32, #tpu.memory_space<hbm>> -> memref<128xi32, #tpu.memory_space<hbm>>
      %dma_wait3A_490 = arith.constant 0 : i32
      %dma_wait3A_491 = tpu.memref_slice %arg9[%dma_wait3A_485, %dma_wait3A_490] : memref<2x128xi32, #tpu.memory_space<vmem>> -> memref<1x128xi32, #tpu.memory_space<vmem>>
      %dma_wait3A_492 = tpu.memref_squeeze %dma_wait3A_491 : memref<1x128xi32, #tpu.memory_space<vmem>> -> memref<128xi32, #tpu.memory_space<vmem>>
      %dma_wait3A_493 = tpu.memref_slice %arg3[%add3A_484] : memref<802816xi32, #tpu.memory_space<hbm>> -> memref<128xi32, #tpu.memory_space<hbm>>
      tpu.wait_dma2 semaphore(%arg18 : memref<!tpu.dma_semaphore, #tpu.memory_space<semaphore_mem>>) src(%dma_wait3A_493 : memref<128xi32, #tpu.memory_space<hbm>>) dst(%dma_wait3A_492 : memref<128xi32, #tpu.memory_space<vmem>>)
      %get3A_494 = arith.constant 0 : index
      %get3A_495 = tpu.vector_load %arg8[%get3A_494] {strides = array<i32>} : memref<128xi32, #tpu.memory_space<vmem>>, vector<16xi32>,
      %get3A_496 = vector.shape_cast %get3A_495 : vector<16xi32> to vector<16xi32>
      %mul3A_497 = arith.constant 4 : i32
      %mul3A_498 = vector.broadcast %mul3A_497 : i32 to vector<16xi32>
      %mul3A_499 = arith.muli %get3A_496, %mul3A_498 : vector<16xi32>
      %add3A_500 = vector.broadcast %add3A_7 : i32 to vector<16xi32>
      %add3A_501 = arith.addi %mul3A_499, %add3A_500 : vector<16xi32>
      %swap3A_502 = arith.constant 0 : index
      %swap3A_503 = tpu.vector_load %arg11[%swap3A_502] {strides = array<i32>} : memref<128xi32, #tpu.memory_space<vmem>>, vector<16xi32>,
      %swap3A_504 = vector.shape_cast %swap3A_503 : vector<16xi32> to vector<16xi32>
      %swap3A_505 = vector.shape_cast %add3A_501 : vector<16xi32> to vector<16xi32>
      tpu.vector_store %arg11[%swap3A_502], %swap3A_505 {strides = array<i32>} : memref<128xi32, #tpu.memory_space<vmem>>, vector<16xi32>,
      %get3A_506 = arith.constant 16 : index
      %get3A_507 = tpu.vector_load %arg8[%get3A_506] {strides = array<i32>} : memref<128xi32, #tpu.memory_space<vmem>>, vector<16xi32>,
      %get3A_508 = vector.shape_cast %get3A_507 : vector<16xi32> to vector<16xi32>
      %mul3A_509 = arith.constant 4 : i32
      %mul3A_510 = vector.broadcast %mul3A_509 : i32 to vector<16xi32>
      %mul3A_511 = arith.muli %get3A_508, %mul3A_510 : vector<16xi32>
      %add3A_512 = vector.broadcast %add3A_7 : i32 to vector<16xi32>
      %add3A_513 = arith.addi %mul3A_511, %add3A_512 : vector<16xi32>
      %swap3A_514 = arith.constant 16 : index
      %swap3A_515 = tpu.vector_load %arg11[%swap3A_514] {strides = array<i32>} : memref<128xi32, #tpu.memory_space<vmem>>, vector<16xi32>,
      %swap3A_516 = vector.shape_cast %swap3A_515 : vector<16xi32> to vector<16xi32>
      %swap3A_517 = vector.shape_cast %add3A_513 : vector<16xi32> to vector<16xi32>
      tpu.vector_store %arg11[%swap3A_514], %swap3A_517 {strides = array<i32>} : memref<128xi32, #tpu.memory_space<vmem>>, vector<16xi32>,
      %get3A_518 = arith.constant 32 : index
      %get3A_519 = tpu.vector_load %arg8[%get3A_518] {strides = array<i32>} : memref<128xi32, #tpu.memory_space<vmem>>, vector<16xi32>,
      %get3A_520 = vector.shape_cast %get3A_519 : vector<16xi32> to vector<16xi32>
      %mul3A_521 = arith.constant 4 : i32
      %mul3A_522 = vector.broadcast %mul3A_521 : i32 to vector<16xi32>
      %mul3A_523 = arith.muli %get3A_520, %mul3A_522 : vector<16xi32>
      %add3A_524 = vector.broadcast %add3A_7 : i32 to vector<16xi32>
      %add3A_525 = arith.addi %mul3A_523, %add3A_524 : vector<16xi32>
      %swap3A_526 = arith.constant 32 : index
      %swap3A_527 = tpu.vector_load %arg11[%swap3A_526] {strides = array<i32>} : memref<128xi32, #tpu.memory_space<vmem>>, vector<16xi32>,
      %swap3A_528 = vector.shape_cast %swap3A_527 : vector<16xi32> to vector<16xi32>
      %swap3A_529 = vector.shape_cast %add3A_525 : vector<16xi32> to vector<16xi32>
      tpu.vector_store %arg11[%swap3A_526], %swap3A_529 {strides = array<i32>} : memref<128xi32, #tpu.memory_space<vmem>>, vector<16xi32>,
      %get3A_530 = arith.constant 48 : index
      %get3A_531 = tpu.vector_load %arg8[%get3A_530] {strides = array<i32>} : memref<128xi32, #tpu.memory_space<vmem>>, vector<16xi32>,
      %get3A_532 = vector.shape_cast %get3A_531 : vector<16xi32> to vector<16xi32>
      %mul3A_533 = arith.constant 4 : i32
      %mul3A_534 = vector.broadcast %mul3A_533 : i32 to vector<16xi32>
      %mul3A_535 = arith.muli %get3A_532, %mul3A_534 : vector<16xi32>
      %add3A_536 = vector.broadcast %add3A_7 : i32 to vector<16xi32>
      %add3A_537 = arith.addi %mul3A_535, %add3A_536 : vector<16xi32>
      %swap3A_538 = arith.constant 48 : index
      %swap3A_539 = tpu.vector_load %arg11[%swap3A_538] {strides = array<i32>} : memref<128xi32, #tpu.memory_space<vmem>>, vector<16xi32>,
      %swap3A_540 = vector.shape_cast %swap3A_539 : vector<16xi32> to vector<16xi32>
      %swap3A_541 = vector.shape_cast %add3A_537 : vector<16xi32> to vector<16xi32>
      tpu.vector_store %arg11[%swap3A_538], %swap3A_541 {strides = array<i32>} : memref<128xi32, #tpu.memory_space<vmem>>, vector<16xi32>,
      %get3A_542 = arith.constant 64 : index
      %get3A_543 = tpu.vector_load %arg8[%get3A_542] {strides = array<i32>} : memref<128xi32, #tpu.memory_space<vmem>>, vector<16xi32>,
      %get3A_544 = vector.shape_cast %get3A_543 : vector<16xi32> to vector<16xi32>
      %mul3A_545 = arith.constant 4 : i32
      %mul3A_546 = vector.broadcast %mul3A_545 : i32 to vector<16xi32>
      %mul3A_547 = arith.muli %get3A_544, %mul3A_546 : vector<16xi32>
      %add3A_548 = vector.broadcast %add3A_7 : i32 to vector<16xi32>
      %add3A_549 = arith.addi %mul3A_547, %add3A_548 : vector<16xi32>
      %swap3A_550 = arith.constant 64 : index
      %swap3A_551 = tpu.vector_load %arg11[%swap3A_550] {strides = array<i32>} : memref<128xi32, #tpu.memory_space<vmem>>, vector<16xi32>,
      %swap3A_552 = vector.shape_cast %swap3A_551 : vector<16xi32> to vector<16xi32>
      %swap3A_553 = vector.shape_cast %add3A_549 : vector<16xi32> to vector<16xi32>
      tpu.vector_store %arg11[%swap3A_550], %swap3A_553 {strides = array<i32>} : memref<128xi32, #tpu.memory_space<vmem>>, vector<16xi32>,
      %get3A_554 = arith.constant 80 : index
      %get3A_555 = tpu.vector_load %arg8[%get3A_554] {strides = array<i32>} : memref<128xi32, #tpu.memory_space<vmem>>, vector<16xi32>,
      %get3A_556 = vector.shape_cast %get3A_555 : vector<16xi32> to vector<16xi32>
      %mul3A_557 = arith.constant 4 : i32
      %mul3A_558 = vector.broadcast %mul3A_557 : i32 to vector<16xi32>
      %mul3A_559 = arith.muli %get3A_556, %mul3A_558 : vector<16xi32>
      %add3A_560 = vector.broadcast %add3A_7 : i32 to vector<16xi32>
      %add3A_561 = arith.addi %mul3A_559, %add3A_560 : vector<16xi32>
      %swap3A_562 = arith.constant 80 : index
      %swap3A_563 = tpu.vector_load %arg11[%swap3A_562] {strides = array<i32>} : memref<128xi32, #tpu.memory_space<vmem>>, vector<16xi32>,
      %swap3A_564 = vector.shape_cast %swap3A_563 : vector<16xi32> to vector<16xi32>
      %swap3A_565 = vector.shape_cast %add3A_561 : vector<16xi32> to vector<16xi32>
      tpu.vector_store %arg11[%swap3A_562], %swap3A_565 {strides = array<i32>} : memref<128xi32, #tpu.memory_space<vmem>>, vector<16xi32>,
      %get3A_566 = arith.constant 96 : index
      %get3A_567 = tpu.vector_load %arg8[%get3A_566] {strides = array<i32>} : memref<128xi32, #tpu.memory_space<vmem>>, vector<16xi32>,
      %get3A_568 = vector.shape_cast %get3A_567 : vector<16xi32> to vector<16xi32>
      %mul3A_569 = arith.constant 4 : i32
      %mul3A_570 = vector.broadcast %mul3A_569 : i32 to vector<16xi32>
      %mul3A_571 = arith.muli %get3A_568, %mul3A_570 : vector<16xi32>
      %add3A_572 = vector.broadcast %add3A_7 : i32 to vector<16xi32>
      %add3A_573 = arith.addi %mul3A_571, %add3A_572 : vector<16xi32>
      %swap3A_574 = arith.constant 96 : index
      %swap3A_575 = tpu.vector_load %arg11[%swap3A_574] {strides = array<i32>} : memref<128xi32, #tpu.memory_space<vmem>>, vector<16xi32>,
      %swap3A_576 = vector.shape_cast %swap3A_575 : vector<16xi32> to vector<16xi32>
      %swap3A_577 = vector.shape_cast %add3A_573 : vector<16xi32> to vector<16xi32>
      tpu.vector_store %arg11[%swap3A_574], %swap3A_577 {strides = array<i32>} : memref<128xi32, #tpu.memory_space<vmem>>, vector<16xi32>,
      %get3A_578 = arith.constant 112 : index
      %get3A_579 = tpu.vector_load %arg8[%get3A_578] {strides = array<i32>} : memref<128xi32, #tpu.memory_space<vmem>>, vector<16xi32>,
      %get3A_580 = vector.shape_cast %get3A_579 : vector<16xi32> to vector<16xi32>
      %mul3A_581 = arith.constant 4 : i32
      %mul3A_582 = vector.broadcast %mul3A_581 : i32 to vector<16xi32>
      %mul3A_583 = arith.muli %get3A_580, %mul3A_582 : vector<16xi32>
      %add3A_584 = vector.broadcast %add3A_7 : i32 to vector<16xi32>
      %add3A_585 = arith.addi %mul3A_583, %add3A_584 : vector<16xi32>
      %swap3A_586 = arith.constant 112 : index
      %swap3A_587 = tpu.vector_load %arg11[%swap3A_586] {strides = array<i32>} : memref<128xi32, #tpu.memory_space<vmem>>, vector<16xi32>,
      %swap3A_588 = vector.shape_cast %swap3A_587 : vector<16xi32> to vector<16xi32>
      %swap3A_589 = vector.shape_cast %add3A_585 : vector<16xi32> to vector<16xi32>
      tpu.vector_store %arg11[%swap3A_586], %swap3A_589 {strides = array<i32>} : memref<128xi32, #tpu.memory_space<vmem>>, vector<16xi32>,
      %dma_start3A_590 = arith.constant 0 : i32
      %dma_start3A_591 = arith.constant 0 : i32
      %dma_start3A_592 = tpu.memref_slice %arg4[%dma_start3A_590, %dma_start3A_591] : memref<600000x32xf32, #tpu.memory_space<hbm>> -> memref<600000x32xf32, #tpu.memory_space<hbm>>
      tpu.enqueue_indirect_dma source(%dma_start3A_592 : memref<600000x32xf32, #tpu.memory_space<hbm>>) target(%arg13 : memref<128x32xf32, #tpu.memory_space<vmem>>) offsets(%arg11 : memref<128xi32, #tpu.memory_space<vmem>>) semaphore(%arg16 : memref<!tpu.dma_semaphore, #tpu.memory_space<semaphore_mem>>)
      %dma_wait3A_593 = arith.constant 0 : i32
      %dma_wait3A_594 = arith.constant 0 : i32
      %dma_wait3A_595 = tpu.memref_slice %arg4[%dma_wait3A_593, %dma_wait3A_594] : memref<600000x32xf32, #tpu.memory_space<hbm>> -> memref<600000x32xf32, #tpu.memory_space<hbm>>
      tpu.wait_indirect_dma semaphore(%arg15 : memref<!tpu.dma_semaphore, #tpu.memory_space<semaphore_mem>>) src(%dma_wait3A_595 : memref<600000x32xf32, #tpu.memory_space<hbm>>) dst(%arg12 : memref<128x32xf32, #tpu.memory_space<vmem>>)
      %run_scoped3A_596 = arith.constant 0 : i32
      "tpu.region"() ({
        %run_scoped3A_611 = tpu.sem_alloc : memref<!tpu.dma_semaphore, #tpu.memory_space<semaphore_mem>>
        %dma_start3A_612 = arith.constant 0 : i32
        %dma_start3A_613 = tpu.memref_slice %arg9[%run_scoped3A_596, %dma_start3A_612] : memref<2x128xi32, #tpu.memory_space<vmem>> -> memref<1x128xi32, #tpu.memory_space<vmem>>
        %dma_start3A_614 = tpu.memref_squeeze %dma_start3A_613 : memref<1x128xi32, #tpu.memory_space<vmem>> -> memref<128xi32, #tpu.memory_space<vmem>>
        %dma_start3A_615 = arith.constant 0 : i32
        %dma_start3A_616 = arith.constant 0 : i32
        %dma_start3A_617 = tpu.memref_slice %arg6[%dma_start3A_615, %dma_start3A_616] : memref<50048x32xf32, #tpu.memory_space<vmem_shared>> -> memref<50048x32xf32, #tpu.memory_space<vmem_shared>>
        tpu.enqueue_indirect_dma source(%arg12 : memref<128x32xf32, #tpu.memory_space<vmem>>) target(%dma_start3A_617 : memref<50048x32xf32, #tpu.memory_space<vmem_shared>>) offsets(%dma_start3A_614 : memref<128xi32, #tpu.memory_space<vmem>>) semaphore(%run_scoped3A_611 : memref<!tpu.dma_semaphore, #tpu.memory_space<semaphore_mem>>) {add = true}
        %dma_wait3A_618 = arith.constant 0 : i32
        %dma_wait3A_619 = tpu.memref_slice %arg9[%run_scoped3A_596, %dma_wait3A_618] : memref<2x128xi32, #tpu.memory_space<vmem>> -> memref<1x128xi32, #tpu.memory_space<vmem>>
        %dma_wait3A_620 = tpu.memref_squeeze %dma_wait3A_619 : memref<1x128xi32, #tpu.memory_space<vmem>> -> memref<128xi32, #tpu.memory_space<vmem>>
        %dma_wait3A_621 = arith.constant 0 : i32
        %dma_wait3A_622 = arith.constant 0 : i32
        %dma_wait3A_623 = tpu.memref_slice %arg6[%dma_wait3A_621, %dma_wait3A_622] : memref<50048x32xf32, #tpu.memory_space<vmem_shared>> -> memref<50048x32xf32, #tpu.memory_space<vmem_shared>>
        tpu.wait_indirect_dma semaphore(%run_scoped3A_611 : memref<!tpu.dma_semaphore, #tpu.memory_space<semaphore_mem>>) src(%arg12 : memref<128x32xf32, #tpu.memory_space<vmem>>) dst(%dma_wait3A_623 : memref<50048x32xf32, #tpu.memory_space<vmem_shared>>)
        tpu.yield
      }) : () -> ()
      %lt3A_597 = arith.constant 195 : i32
      %lt3A_598 = arith.cmpi slt, %scan3A_473, %lt3A_597 : i32
      %convert_element_type3A_599 = arith.extui %lt3A_598 : i1 to i32
      %cond3A_600 = arith.constant 0 : i32
      %cond3A_601 = arith.cmpi ne, %convert_element_type3A_599, %cond3A_600 : i32
      scf.if %cond3A_601 {
        %add3A_611 = arith.constant 2 : i32
        %add3A_612 = arith.addi %mul3A_475, %add3A_611 : i32
        %mul3A_613 = arith.constant 128 : i32
        %mul3A_614 = arith.muli %add3A_612, %mul3A_613 : i32
        %add3A_615 = arith.addi %mul3A_0, %mul3A_614 : i32
        %dma_start3A_616 = tpu.memref_slice %arg2[%add3A_615] : memref<802816xi32, #tpu.memory_space<hbm>> -> memref<128xi32, #tpu.memory_space<hbm>>
        %dma_start3A_617 = tpu.memref_slice %arg2[%add3A_615] : memref<802816xi32, #tpu.memory_space<hbm>> -> memref<128xi32, #tpu.memory_space<hbm>>
        tpu.enqueue_dma source(%dma_start3A_617 : memref<128xi32, #tpu.memory_space<hbm>>) target(%arg7 : memref<128xi32, #tpu.memory_space<vmem>>) target_semaphore(%arg17 : memref<!tpu.dma_semaphore, #tpu.memory_space<semaphore_mem>>)
        %mul3A_618 = arith.constant 128 : i32
        %mul3A_619 = arith.muli %add3A_612, %mul3A_618 : i32
        %add3A_620 = arith.addi %mul3A_0, %mul3A_619 : i32
        %dma_start3A_621 = arith.constant 0 : i32
        %dma_start3A_622 = arith.constant 0 : i32
        %dma_start3A_623 = tpu.memref_slice %arg9[%dma_start3A_621, %dma_start3A_622] : memref<2x128xi32, #tpu.memory_space<vmem>> -> memref<1x128xi32, #tpu.memory_space<vmem>>
        %dma_start3A_624 = tpu.memref_squeeze %dma_start3A_623 : memref<1x128xi32, #tpu.memory_space<vmem>> -> memref<128xi32, #tpu.memory_space<vmem>>
        %dma_start3A_625 = tpu.memref_slice %arg3[%add3A_620] : memref<802816xi32, #tpu.memory_space<hbm>> -> memref<128xi32, #tpu.memory_space<hbm>>
        %dma_start3A_626 = arith.constant 0 : i32
        %dma_start3A_627 = tpu.memref_slice %arg9[%dma_start3A_621, %dma_start3A_626] : memref<2x128xi32, #tpu.memory_space<vmem>> -> memref<1x128xi32, #tpu.memory_space<vmem>>
        %dma_start3A_628 = tpu.memref_squeeze %dma_start3A_627 : memref<1x128xi32, #tpu.memory_space<vmem>> -> memref<128xi32, #tpu.memory_space<vmem>>
        %dma_start3A_629 = tpu.memref_slice %arg3[%add3A_620] : memref<802816xi32, #tpu.memory_space<hbm>> -> memref<128xi32, #tpu.memory_space<hbm>>
        tpu.enqueue_dma source(%dma_start3A_629 : memref<128xi32, #tpu.memory_space<hbm>>) target(%dma_start3A_628 : memref<128xi32, #tpu.memory_space<vmem>>) target_semaphore(%arg17 : memref<!tpu.dma_semaphore, #tpu.memory_space<semaphore_mem>>)
      } else {
      }
      %dma_wait3A_602 = arith.constant 0 : i32
      %dma_wait3A_603 = arith.constant 0 : i32
      %dma_wait3A_604 = tpu.memref_slice %arg4[%dma_wait3A_602, %dma_wait3A_603] : memref<600000x32xf32, #tpu.memory_space<hbm>> -> memref<600000x32xf32, #tpu.memory_space<hbm>>
      tpu.wait_indirect_dma semaphore(%arg16 : memref<!tpu.dma_semaphore, #tpu.memory_space<semaphore_mem>>) src(%dma_wait3A_604 : memref<600000x32xf32, #tpu.memory_space<hbm>>) dst(%arg13 : memref<128x32xf32, #tpu.memory_space<vmem>>)
      %run_scoped3A_605 = arith.constant 1 : i32
      "tpu.region"() ({
        %run_scoped3A_611 = tpu.sem_alloc : memref<!tpu.dma_semaphore, #tpu.memory_space<semaphore_mem>>
        %dma_start3A_612 = arith.constant 0 : i32
        %dma_start3A_613 = tpu.memref_slice %arg9[%run_scoped3A_605, %dma_start3A_612] : memref<2x128xi32, #tpu.memory_space<vmem>> -> memref<1x128xi32, #tpu.memory_space<vmem>>
        %dma_start3A_614 = tpu.memref_squeeze %dma_start3A_613 : memref<1x128xi32, #tpu.memory_space<vmem>> -> memref<128xi32, #tpu.memory_space<vmem>>
        %dma_start3A_615 = arith.constant 0 : i32
        %dma_start3A_616 = arith.constant 0 : i32
        %dma_start3A_617 = tpu.memref_slice %arg6[%dma_start3A_615, %dma_start3A_616] : memref<50048x32xf32, #tpu.memory_space<vmem_shared>> -> memref<50048x32xf32, #tpu.memory_space<vmem_shared>>
        tpu.enqueue_indirect_dma source(%arg13 : memref<128x32xf32, #tpu.memory_space<vmem>>) target(%dma_start3A_617 : memref<50048x32xf32, #tpu.memory_space<vmem_shared>>) offsets(%dma_start3A_614 : memref<128xi32, #tpu.memory_space<vmem>>) semaphore(%run_scoped3A_611 : memref<!tpu.dma_semaphore, #tpu.memory_space<semaphore_mem>>) {add = true}
        %dma_wait3A_618 = arith.constant 0 : i32
        %dma_wait3A_619 = tpu.memref_slice %arg9[%run_scoped3A_605, %dma_wait3A_618] : memref<2x128xi32, #tpu.memory_space<vmem>> -> memref<1x128xi32, #tpu.memory_space<vmem>>
        %dma_wait3A_620 = tpu.memref_squeeze %dma_wait3A_619 : memref<1x128xi32, #tpu.memory_space<vmem>> -> memref<128xi32, #tpu.memory_space<vmem>>
        %dma_wait3A_621 = arith.constant 0 : i32
        %dma_wait3A_622 = arith.constant 0 : i32
        %dma_wait3A_623 = tpu.memref_slice %arg6[%dma_wait3A_621, %dma_wait3A_622] : memref<50048x32xf32, #tpu.memory_space<vmem_shared>> -> memref<50048x32xf32, #tpu.memory_space<vmem_shared>>
        tpu.wait_indirect_dma semaphore(%run_scoped3A_611 : memref<!tpu.dma_semaphore, #tpu.memory_space<semaphore_mem>>) src(%arg13 : memref<128x32xf32, #tpu.memory_space<vmem>>) dst(%dma_wait3A_623 : memref<50048x32xf32, #tpu.memory_space<vmem_shared>>)
        tpu.yield
      }) : () -> ()
      %lt3A_606 = arith.constant 195 : i32
      %lt3A_607 = arith.cmpi slt, %scan3A_473, %lt3A_606 : i32
      %convert_element_type3A_608 = arith.extui %lt3A_607 : i1 to i32
      %cond3A_609 = arith.constant 0 : i32
      %cond3A_610 = arith.cmpi ne, %convert_element_type3A_608, %cond3A_609 : i32
      scf.if %cond3A_610 {
        %add3A_611 = arith.constant 2 : i32
        %add3A_612 = arith.addi %mul3A_475, %add3A_611 : i32
        %mul3A_613 = arith.constant 128 : i32
        %mul3A_614 = arith.muli %add3A_612, %mul3A_613 : i32
        %add3A_615 = arith.addi %mul3A_0, %mul3A_614 : i32
        %dma_wait3A_616 = tpu.memref_slice %arg2[%add3A_615] : memref<802816xi32, #tpu.memory_space<hbm>> -> memref<128xi32, #tpu.memory_space<hbm>>
        %dma_wait3A_617 = tpu.memref_slice %arg2[%add3A_615] : memref<802816xi32, #tpu.memory_space<hbm>> -> memref<128xi32, #tpu.memory_space<hbm>>
        tpu.wait_dma2 semaphore(%arg17 : memref<!tpu.dma_semaphore, #tpu.memory_space<semaphore_mem>>) src(%dma_wait3A_617 : memref<128xi32, #tpu.memory_space<hbm>>) dst(%arg7 : memref<128xi32, #tpu.memory_space<vmem>>)
        %mul3A_618 = arith.constant 128 : i32
        %mul3A_619 = arith.muli %add3A_612, %mul3A_618 : i32
        %add3A_620 = arith.addi %mul3A_0, %mul3A_619 : i32
        %dma_wait3A_621 = arith.constant 0 : i32
        %dma_wait3A_622 = arith.constant 0 : i32
        %dma_wait3A_623 = tpu.memref_slice %arg9[%dma_wait3A_621, %dma_wait3A_622] : memref<2x128xi32, #tpu.memory_space<vmem>> -> memref<1x128xi32, #tpu.memory_space<vmem>>
        %dma_wait3A_624 = tpu.memref_squeeze %dma_wait3A_623 : memref<1x128xi32, #tpu.memory_space<vmem>> -> memref<128xi32, #tpu.memory_space<vmem>>
        %dma_wait3A_625 = tpu.memref_slice %arg3[%add3A_620] : memref<802816xi32, #tpu.memory_space<hbm>> -> memref<128xi32, #tpu.memory_space<hbm>>
        %dma_wait3A_626 = arith.constant 0 : i32
        %dma_wait3A_627 = tpu.memref_slice %arg9[%dma_wait3A_621, %dma_wait3A_626] : memref<2x128xi32, #tpu.memory_space<vmem>> -> memref<1x128xi32, #tpu.memory_space<vmem>>
        %dma_wait3A_628 = tpu.memref_squeeze %dma_wait3A_627 : memref<1x128xi32, #tpu.memory_space<vmem>> -> memref<128xi32, #tpu.memory_space<vmem>>
        %dma_wait3A_629 = tpu.memref_slice %arg3[%add3A_620] : memref<802816xi32, #tpu.memory_space<hbm>> -> memref<128xi32, #tpu.memory_space<hbm>>
        tpu.wait_dma2 semaphore(%arg17 : memref<!tpu.dma_semaphore, #tpu.memory_space<semaphore_mem>>) src(%dma_wait3A_629 : memref<128xi32, #tpu.memory_space<hbm>>) dst(%dma_wait3A_628 : memref<128xi32, #tpu.memory_space<vmem>>)
        %get3A_630 = arith.constant 0 : index
        %get3A_631 = tpu.vector_load %arg7[%get3A_630] {strides = array<i32>} : memref<128xi32, #tpu.memory_space<vmem>>, vector<16xi32>,
        %get3A_632 = vector.shape_cast %get3A_631 : vector<16xi32> to vector<16xi32>
        %mul3A_633 = arith.constant 4 : i32
        %mul3A_634 = vector.broadcast %mul3A_633 : i32 to vector<16xi32>
        %mul3A_635 = arith.muli %get3A_632, %mul3A_634 : vector<16xi32>
        %add3A_636 = vector.broadcast %add3A_7 : i32 to vector<16xi32>
        %add3A_637 = arith.addi %mul3A_635, %add3A_636 : vector<16xi32>
        %swap3A_638 = arith.constant 0 : index
        %swap3A_639 = tpu.vector_load %arg10[%swap3A_638] {strides = array<i32>} : memref<128xi32, #tpu.memory_space<vmem>>, vector<16xi32>,
        %swap3A_640 = vector.shape_cast %swap3A_639 : vector<16xi32> to vector<16xi32>
        %swap3A_641 = vector.shape_cast %add3A_637 : vector<16xi32> to vector<16xi32>
        tpu.vector_store %arg10[%swap3A_638], %swap3A_641 {strides = array<i32>} : memref<128xi32, #tpu.memory_space<vmem>>, vector<16xi32>,
        %get3A_642 = arith.constant 16 : index
        %get3A_643 = tpu.vector_load %arg7[%get3A_642] {strides = array<i32>} : memref<128xi32, #tpu.memory_space<vmem>>, vector<16xi32>,
        %get3A_644 = vector.shape_cast %get3A_643 : vector<16xi32> to vector<16xi32>
        %mul3A_645 = arith.constant 4 : i32
        %mul3A_646 = vector.broadcast %mul3A_645 : i32 to vector<16xi32>
        %mul3A_647 = arith.muli %get3A_644, %mul3A_646 : vector<16xi32>
        %add3A_648 = vector.broadcast %add3A_7 : i32 to vector<16xi32>
        %add3A_649 = arith.addi %mul3A_647, %add3A_648 : vector<16xi32>
        %swap3A_650 = arith.constant 16 : index
        %swap3A_651 = tpu.vector_load %arg10[%swap3A_650] {strides = array<i32>} : memref<128xi32, #tpu.memory_space<vmem>>, vector<16xi32>,
        %swap3A_652 = vector.shape_cast %swap3A_651 : vector<16xi32> to vector<16xi32>
        %swap3A_653 = vector.shape_cast %add3A_649 : vector<16xi32> to vector<16xi32>
        tpu.vector_store %arg10[%swap3A_650], %swap3A_653 {strides = array<i32>} : memref<128xi32, #tpu.memory_space<vmem>>, vector<16xi32>,
        %get3A_654 = arith.constant 32 : index
        %get3A_655 = tpu.vector_load %arg7[%get3A_654] {strides = array<i32>} : memref<128xi32, #tpu.memory_space<vmem>>, vector<16xi32>,
        %get3A_656 = vector.shape_cast %get3A_655 : vector<16xi32> to vector<16xi32>
        %mul3A_657 = arith.constant 4 : i32
        %mul3A_658 = vector.broadcast %mul3A_657 : i32 to vector<16xi32>
        %mul3A_659 = arith.muli %get3A_656, %mul3A_658 : vector<16xi32>
        %add3A_660 = vector.broadcast %add3A_7 : i32 to vector<16xi32>
        %add3A_661 = arith.addi %mul3A_659, %add3A_660 : vector<16xi32>
        %swap3A_662 = arith.constant 32 : index
        %swap3A_663 = tpu.vector_load %arg10[%swap3A_662] {strides = array<i32>} : memref<128xi32, #tpu.memory_space<vmem>>, vector<16xi32>,
        %swap3A_664 = vector.shape_cast %swap3A_663 : vector<16xi32> to vector<16xi32>
        %swap3A_665 = vector.shape_cast %add3A_661 : vector<16xi32> to vector<16xi32>
        tpu.vector_store %arg10[%swap3A_662], %swap3A_665 {strides = array<i32>} : memref<128xi32, #tpu.memory_space<vmem>>, vector<16xi32>,
        %get3A_666 = arith.constant 48 : index
        %get3A_667 = tpu.vector_load %arg7[%get3A_666] {strides = array<i32>} : memref<128xi32, #tpu.memory_space<vmem>>, vector<16xi32>,
        %get3A_668 = vector.shape_cast %get3A_667 : vector<16xi32> to vector<16xi32>
        %mul3A_669 = arith.constant 4 : i32
        %mul3A_670 = vector.broadcast %mul3A_669 : i32 to vector<16xi32>
        %mul3A_671 = arith.muli %get3A_668, %mul3A_670 : vector<16xi32>
        %add3A_672 = vector.broadcast %add3A_7 : i32 to vector<16xi32>
        %add3A_673 = arith.addi %mul3A_671, %add3A_672 : vector<16xi32>
        %swap3A_674 = arith.constant 48 : index
        %swap3A_675 = tpu.vector_load %arg10[%swap3A_674] {strides = array<i32>} : memref<128xi32, #tpu.memory_space<vmem>>, vector<16xi32>,
        %swap3A_676 = vector.shape_cast %swap3A_675 : vector<16xi32> to vector<16xi32>
        %swap3A_677 = vector.shape_cast %add3A_673 : vector<16xi32> to vector<16xi32>
        tpu.vector_store %arg10[%swap3A_674], %swap3A_677 {strides = array<i32>} : memref<128xi32, #tpu.memory_space<vmem>>, vector<16xi32>,
        %get3A_678 = arith.constant 64 : index
        %get3A_679 = tpu.vector_load %arg7[%get3A_678] {strides = array<i32>} : memref<128xi32, #tpu.memory_space<vmem>>, vector<16xi32>,
        %get3A_680 = vector.shape_cast %get3A_679 : vector<16xi32> to vector<16xi32>
        %mul3A_681 = arith.constant 4 : i32
        %mul3A_682 = vector.broadcast %mul3A_681 : i32 to vector<16xi32>
        %mul3A_683 = arith.muli %get3A_680, %mul3A_682 : vector<16xi32>
        %add3A_684 = vector.broadcast %add3A_7 : i32 to vector<16xi32>
        %add3A_685 = arith.addi %mul3A_683, %add3A_684 : vector<16xi32>
        %swap3A_686 = arith.constant 64 : index
        %swap3A_687 = tpu.vector_load %arg10[%swap3A_686] {strides = array<i32>} : memref<128xi32, #tpu.memory_space<vmem>>, vector<16xi32>,
        %swap3A_688 = vector.shape_cast %swap3A_687 : vector<16xi32> to vector<16xi32>
        %swap3A_689 = vector.shape_cast %add3A_685 : vector<16xi32> to vector<16xi32>
        tpu.vector_store %arg10[%swap3A_686], %swap3A_689 {strides = array<i32>} : memref<128xi32, #tpu.memory_space<vmem>>, vector<16xi32>,
        %get3A_690 = arith.constant 80 : index
        %get3A_691 = tpu.vector_load %arg7[%get3A_690] {strides = array<i32>} : memref<128xi32, #tpu.memory_space<vmem>>, vector<16xi32>,
        %get3A_692 = vector.shape_cast %get3A_691 : vector<16xi32> to vector<16xi32>
        %mul3A_693 = arith.constant 4 : i32
        %mul3A_694 = vector.broadcast %mul3A_693 : i32 to vector<16xi32>
        %mul3A_695 = arith.muli %get3A_692, %mul3A_694 : vector<16xi32>
        %add3A_696 = vector.broadcast %add3A_7 : i32 to vector<16xi32>
        %add3A_697 = arith.addi %mul3A_695, %add3A_696 : vector<16xi32>
        %swap3A_698 = arith.constant 80 : index
        %swap3A_699 = tpu.vector_load %arg10[%swap3A_698] {strides = array<i32>} : memref<128xi32, #tpu.memory_space<vmem>>, vector<16xi32>,
        %swap3A_700 = vector.shape_cast %swap3A_699 : vector<16xi32> to vector<16xi32>
        %swap3A_701 = vector.shape_cast %add3A_697 : vector<16xi32> to vector<16xi32>
        tpu.vector_store %arg10[%swap3A_698], %swap3A_701 {strides = array<i32>} : memref<128xi32, #tpu.memory_space<vmem>>, vector<16xi32>,
        %get3A_702 = arith.constant 96 : index
        %get3A_703 = tpu.vector_load %arg7[%get3A_702] {strides = array<i32>} : memref<128xi32, #tpu.memory_space<vmem>>, vector<16xi32>,
        %get3A_704 = vector.shape_cast %get3A_703 : vector<16xi32> to vector<16xi32>
        %mul3A_705 = arith.constant 4 : i32
        %mul3A_706 = vector.broadcast %mul3A_705 : i32 to vector<16xi32>
        %mul3A_707 = arith.muli %get3A_704, %mul3A_706 : vector<16xi32>
        %add3A_708 = vector.broadcast %add3A_7 : i32 to vector<16xi32>
        %add3A_709 = arith.addi %mul3A_707, %add3A_708 : vector<16xi32>
        %swap3A_710 = arith.constant 96 : index
        %swap3A_711 = tpu.vector_load %arg10[%swap3A_710] {strides = array<i32>} : memref<128xi32, #tpu.memory_space<vmem>>, vector<16xi32>,
        %swap3A_712 = vector.shape_cast %swap3A_711 : vector<16xi32> to vector<16xi32>
        %swap3A_713 = vector.shape_cast %add3A_709 : vector<16xi32> to vector<16xi32>
        tpu.vector_store %arg10[%swap3A_710], %swap3A_713 {strides = array<i32>} : memref<128xi32, #tpu.memory_space<vmem>>, vector<16xi32>,
        %get3A_714 = arith.constant 112 : index
        %get3A_715 = tpu.vector_load %arg7[%get3A_714] {strides = array<i32>} : memref<128xi32, #tpu.memory_space<vmem>>, vector<16xi32>,
        %get3A_716 = vector.shape_cast %get3A_715 : vector<16xi32> to vector<16xi32>
        %mul3A_717 = arith.constant 4 : i32
        %mul3A_718 = vector.broadcast %mul3A_717 : i32 to vector<16xi32>
        %mul3A_719 = arith.muli %get3A_716, %mul3A_718 : vector<16xi32>
        %add3A_720 = vector.broadcast %add3A_7 : i32 to vector<16xi32>
        %add3A_721 = arith.addi %mul3A_719, %add3A_720 : vector<16xi32>
        %swap3A_722 = arith.constant 112 : index
        %swap3A_723 = tpu.vector_load %arg10[%swap3A_722] {strides = array<i32>} : memref<128xi32, #tpu.memory_space<vmem>>, vector<16xi32>,
        %swap3A_724 = vector.shape_cast %swap3A_723 : vector<16xi32> to vector<16xi32>
        %swap3A_725 = vector.shape_cast %add3A_721 : vector<16xi32> to vector<16xi32>
        tpu.vector_store %arg10[%swap3A_722], %swap3A_725 {strides = array<i32>} : memref<128xi32, #tpu.memory_space<vmem>>, vector<16xi32>,
        %dma_start3A_726 = arith.constant 0 : i32
        %dma_start3A_727 = arith.constant 0 : i32
        %dma_start3A_728 = tpu.memref_slice %arg4[%dma_start3A_726, %dma_start3A_727] : memref<600000x32xf32, #tpu.memory_space<hbm>> -> memref<600000x32xf32, #tpu.memory_space<hbm>>
        tpu.enqueue_indirect_dma source(%dma_start3A_728 : memref<600000x32xf32, #tpu.memory_space<hbm>>) target(%arg12 : memref<128x32xf32, #tpu.memory_space<vmem>>) offsets(%arg10 : memref<128xi32, #tpu.memory_space<vmem>>) semaphore(%arg15 : memref<!tpu.dma_semaphore, #tpu.memory_space<semaphore_mem>>)
        %add3A_729 = arith.constant 3 : i32
        %add3A_730 = arith.addi %mul3A_475, %add3A_729 : i32
        %mul3A_731 = arith.constant 128 : i32
        %mul3A_732 = arith.muli %add3A_730, %mul3A_731 : i32
        %add3A_733 = arith.addi %mul3A_0, %mul3A_732 : i32
        %dma_start3A_734 = tpu.memref_slice %arg2[%add3A_733] : memref<802816xi32, #tpu.memory_space<hbm>> -> memref<128xi32, #tpu.memory_space<hbm>>
        %dma_start3A_735 = tpu.memref_slice %arg2[%add3A_733] : memref<802816xi32, #tpu.memory_space<hbm>> -> memref<128xi32, #tpu.memory_space<hbm>>
        tpu.enqueue_dma source(%dma_start3A_735 : memref<128xi32, #tpu.memory_space<hbm>>) target(%arg8 : memref<128xi32, #tpu.memory_space<vmem>>) target_semaphore(%arg18 : memref<!tpu.dma_semaphore, #tpu.memory_space<semaphore_mem>>)
        %mul3A_736 = arith.constant 128 : i32
        %mul3A_737 = arith.muli %add3A_730, %mul3A_736 : i32
        %add3A_738 = arith.addi %mul3A_0, %mul3A_737 : i32
        %dma_start3A_739 = arith.constant 1 : i32
        %dma_start3A_740 = arith.constant 0 : i32
        %dma_start3A_741 = tpu.memref_slice %arg9[%dma_start3A_739, %dma_start3A_740] : memref<2x128xi32, #tpu.memory_space<vmem>> -> memref<1x128xi32, #tpu.memory_space<vmem>>
        %dma_start3A_742 = tpu.memref_squeeze %dma_start3A_741 : memref<1x128xi32, #tpu.memory_space<vmem>> -> memref<128xi32, #tpu.memory_space<vmem>>
        %dma_start3A_743 = tpu.memref_slice %arg3[%add3A_738] : memref<802816xi32, #tpu.memory_space<hbm>> -> memref<128xi32, #tpu.memory_space<hbm>>
        %dma_start3A_744 = arith.constant 0 : i32
        %dma_start3A_745 = tpu.memref_slice %arg9[%dma_start3A_739, %dma_start3A_744] : memref<2x128xi32, #tpu.memory_space<vmem>> -> memref<1x128xi32, #tpu.memory_space<vmem>>
        %dma_start3A_746 = tpu.memref_squeeze %dma_start3A_745 : memref<1x128xi32, #tpu.memory_space<vmem>> -> memref<128xi32, #tpu.memory_space<vmem>>
        %dma_start3A_747 = tpu.memref_slice %arg3[%add3A_738] : memref<802816xi32, #tpu.memory_space<hbm>> -> memref<128xi32, #tpu.memory_space<hbm>>
        tpu.enqueue_dma source(%dma_start3A_747 : memref<128xi32, #tpu.memory_space<hbm>>) target(%dma_start3A_746 : memref<128xi32, #tpu.memory_space<vmem>>) target_semaphore(%arg18 : memref<!tpu.dma_semaphore, #tpu.memory_space<semaphore_mem>>)
      } else {
      }
    }
    %scan3A_226 = arith.constant 196 : i32
    %barrier3A_227 = arith.constant 0 : index
    tpu.barrier barrier_id(%barrier3A_227)
    %lt3A = arith.constant 15 : i32
    %lt3A_228 = arith.cmpi slt, %arg1, %lt3A : i32
    %convert_element_type3A = arith.extui %lt3A_228 : i1 to i32
    %cond3A = arith.constant 0 : i32
    %cond3A_229 = arith.cmpi ne, %convert_element_type3A, %cond3A : i32
    scf.if %cond3A_229 {
      %mul3A_473 = arith.constant 3128 : i32
      %mul3A_474 = arith.muli %arg1, %mul3A_473 : i32
      %mul3A_475 = arith.constant 3128 : i32
      %mul3A_476 = arith.muli %arg1, %mul3A_475 : i32
      %add3A_477 = arith.addi %mul3A_9, %mul3A_476 : i32
      "tpu.region"() ({
        %run_scoped3A_478 = tpu.sem_alloc : memref<!tpu.dma_semaphore, #tpu.memory_space<semaphore_mem>>
        %dma_start3A_479 = arith.constant 0 : i32
        %dma_start3A_480 = tpu.memref_slice %arg5[%add3A_477, %dma_start3A_479] : memref<200000x32xf32, #tpu.memory_space<hbm>> -> memref<3128x32xf32, #tpu.memory_space<hbm>>
        %dma_start3A_481 = arith.constant 0 : i32
        %dma_start3A_482 = tpu.memref_slice %arg6[%mul3A_474, %dma_start3A_481] : memref<50048x32xf32, #tpu.memory_space<vmem_shared>> -> memref<3128x32xf32, #tpu.memory_space<vmem_shared>>
        tpu.enqueue_dma source(%dma_start3A_482 : memref<3128x32xf32, #tpu.memory_space<vmem_shared>>) target(%dma_start3A_480 : memref<3128x32xf32, #tpu.memory_space<hbm>>) target_semaphore(%run_scoped3A_478 : memref<!tpu.dma_semaphore, #tpu.memory_space<semaphore_mem>>)
        %dma_wait3A = arith.constant 0 : i32
        %dma_wait3A_483 = tpu.memref_slice %arg5[%add3A_477, %dma_wait3A] : memref<200000x32xf32, #tpu.memory_space<hbm>> -> memref<3128x32xf32, #tpu.memory_space<hbm>>
        %dma_wait3A_484 = arith.constant 0 : i32
        %dma_wait3A_485 = tpu.memref_slice %arg6[%mul3A_474, %dma_wait3A_484] : memref<50048x32xf32, #tpu.memory_space<vmem_shared>> -> memref<3128x32xf32, #tpu.memory_space<vmem_shared>>
        tpu.wait_dma2 semaphore(%run_scoped3A_478 : memref<!tpu.dma_semaphore, #tpu.memory_space<semaphore_mem>>) src(%dma_wait3A_485 : memref<3128x32xf32, #tpu.memory_space<vmem_shared>>) dst(%dma_wait3A_483 : memref<3128x32xf32, #tpu.memory_space<hbm>>)
        tpu.yield
      }) : () -> ()
    } else {
    }
    %eq3A = arith.constant 15 : i32
    %eq3A_230 = arith.cmpi eq, %arg1, %eq3A : i32
    %convert_element_type3A_231 = arith.extui %eq3A_230 : i1 to i32
    %cond3A_232 = arith.constant 0 : i32
    %cond3A_233 = arith.cmpi ne, %convert_element_type3A_231, %cond3A_232 : i32
    scf.if %cond3A_233 {
      %add3A_473 = arith.constant 46920 : i32
      %add3A_474 = arith.addi %mul3A_9, %add3A_473 : i32
      "tpu.region"() ({
        %run_scoped3A_475 = tpu.sem_alloc : memref<!tpu.dma_semaphore, #tpu.memory_space<semaphore_mem>>
        %dma_start3A_476 = arith.constant 0 : i32
        %dma_start3A_477 = tpu.memref_slice %arg5[%add3A_474, %dma_start3A_476] : memref<200000x32xf32, #tpu.memory_space<hbm>> -> memref<3080x32xf32, #tpu.memory_space<hbm>>
        %dma_start3A_478 = arith.constant 46920 : i32
        %dma_start3A_479 = arith.constant 0 : i32
        %dma_start3A_480 = tpu.memref_slice %arg6[%dma_start3A_478, %dma_start3A_479] : memref<50048x32xf32, #tpu.memory_space<vmem_shared>> -> memref<3080x32xf32, #tpu.memory_space<vmem_shared>>
        tpu.enqueue_dma source(%dma_start3A_480 : memref<3080x32xf32, #tpu.memory_space<vmem_shared>>) target(%dma_start3A_477 : memref<3080x32xf32, #tpu.memory_space<hbm>>) target_semaphore(%run_scoped3A_475 : memref<!tpu.dma_semaphore, #tpu.memory_space<semaphore_mem>>)
        %dma_wait3A = arith.constant 0 : i32
        %dma_wait3A_481 = tpu.memref_slice %arg5[%add3A_474, %dma_wait3A] : memref<200000x32xf32, #tpu.memory_space<hbm>> -> memref<3080x32xf32, #tpu.memory_space<hbm>>
        %dma_wait3A_482 = arith.constant 46920 : i32
        %dma_wait3A_483 = arith.constant 0 : i32
        %dma_wait3A_484 = tpu.memref_slice %arg6[%dma_wait3A_482, %dma_wait3A_483] : memref<50048x32xf32, #tpu.memory_space<vmem_shared>> -> memref<3080x32xf32, #tpu.memory_space<vmem_shared>>
        tpu.wait_dma2 semaphore(%run_scoped3A_475 : memref<!tpu.dma_semaphore, #tpu.memory_space<semaphore_mem>>) src(%dma_wait3A_484 : memref<3080x32xf32, #tpu.memory_space<vmem_shared>>) dst(%dma_wait3A_481 : memref<3080x32xf32, #tpu.memory_space<hbm>>)
        tpu.yield
      }) : () -> ()
    } else {
    }
    %barrier3A_234 = arith.constant 0 : index
    tpu.barrier barrier_id(%barrier3A_234)
    %add3A_235 = arith.constant 2 : i32
    %add3A_236 = arith.addi %add3A_235, %arg0 : i32
    %mul3A_237 = arith.constant 50000 : i32
    %mul3A_238 = arith.muli %add3A_236, %mul3A_237 : i32
    %mul3A_239 = arith.constant 3128 : i32
    %mul3A_240 = arith.muli %arg1, %mul3A_239 : i32
    %add3A_241 = arith.constant 0 : i32
    %add3A_242 = arith.addi %mul3A_240, %add3A_241 : i32
    "tpu.region"() ({
      %run_scoped3A_473 = tpu.sem_alloc : memref<!tpu.dma_semaphore, #tpu.memory_space<semaphore_mem>>
      %dma_start3A_474 = arith.constant 0 : i32
      %dma_start3A_475 = tpu.memref_slice %arg6[%add3A_242, %dma_start3A_474] : memref<50048x32xf32, #tpu.memory_space<vmem_shared>> -> memref<64x32xf32, #tpu.memory_space<vmem_shared>>
      %dma_start3A_476 = arith.constant 0 : i32
      %dma_start3A_477 = tpu.memref_slice %arg6[%add3A_242, %dma_start3A_476] : memref<50048x32xf32, #tpu.memory_space<vmem_shared>> -> memref<64x32xf32, #tpu.memory_space<vmem_shared>>
      tpu.enqueue_dma source(%arg14 : memref<64x32xf32, #tpu.memory_space<vmem>>) target(%dma_start3A_477 : memref<64x32xf32, #tpu.memory_space<vmem_shared>>) target_semaphore(%run_scoped3A_473 : memref<!tpu.dma_semaphore, #tpu.memory_space<semaphore_mem>>)
      %dma_wait3A = arith.constant 0 : i32
      %dma_wait3A_478 = tpu.memref_slice %arg6[%add3A_242, %dma_wait3A] : memref<50048x32xf32, #tpu.memory_space<vmem_shared>> -> memref<64x32xf32, #tpu.memory_space<vmem_shared>>
      %dma_wait3A_479 = arith.constant 0 : i32
      %dma_wait3A_480 = tpu.memref_slice %arg6[%add3A_242, %dma_wait3A_479] : memref<50048x32xf32, #tpu.memory_space<vmem_shared>> -> memref<64x32xf32, #tpu.memory_space<vmem_shared>>
      tpu.wait_dma2 semaphore(%run_scoped3A_473 : memref<!tpu.dma_semaphore, #tpu.memory_space<semaphore_mem>>) src(%arg14 : memref<64x32xf32, #tpu.memory_space<vmem>>) dst(%dma_wait3A_480 : memref<64x32xf32, #tpu.memory_space<vmem_shared>>)
      tpu.yield
    }) : () -> ()
    %add3A_243 = arith.constant 64 : i32
    %add3A_244 = arith.addi %mul3A_240, %add3A_243 : i32
    "tpu.region"() ({
      %run_scoped3A_473 = tpu.sem_alloc : memref<!tpu.dma_semaphore, #tpu.memory_space<semaphore_mem>>
      %dma_start3A_474 = arith.constant 0 : i32
      %dma_start3A_475 = tpu.memref_slice %arg6[%add3A_244, %dma_start3A_474] : memref<50048x32xf32, #tpu.memory_space<vmem_shared>> -> memref<64x32xf32, #tpu.memory_space<vmem_shared>>
      %dma_start3A_476 = arith.constant 0 : i32
      %dma_start3A_477 = tpu.memref_slice %arg6[%add3A_244, %dma_start3A_476] : memref<50048x32xf32, #tpu.memory_space<vmem_shared>> -> memref<64x32xf32, #tpu.memory_space<vmem_shared>>
      tpu.enqueue_dma source(%arg14 : memref<64x32xf32, #tpu.memory_space<vmem>>) target(%dma_start3A_477 : memref<64x32xf32, #tpu.memory_space<vmem_shared>>) target_semaphore(%run_scoped3A_473 : memref<!tpu.dma_semaphore, #tpu.memory_space<semaphore_mem>>)
      %dma_wait3A = arith.constant 0 : i32
      %dma_wait3A_478 = tpu.memref_slice %arg6[%add3A_244, %dma_wait3A] : memref<50048x32xf32, #tpu.memory_space<vmem_shared>> -> memref<64x32xf32, #tpu.memory_space<vmem_shared>>
      %dma_wait3A_479 = arith.constant 0 : i32
      %dma_wait3A_480 = tpu.memref_slice %arg6[%add3A_244, %dma_wait3A_479] : memref<50048x32xf32, #tpu.memory_space<vmem_shared>> -> memref<64x32xf32, #tpu.memory_space<vmem_shared>>
      tpu.wait_dma2 semaphore(%run_scoped3A_473 : memref<!tpu.dma_semaphore, #tpu.memory_space<semaphore_mem>>) src(%arg14 : memref<64x32xf32, #tpu.memory_space<vmem>>) dst(%dma_wait3A_480 : memref<64x32xf32, #tpu.memory_space<vmem_shared>>)
      tpu.yield
    }) : () -> ()
    %add3A_245 = arith.constant 128 : i32
    %add3A_246 = arith.addi %mul3A_240, %add3A_245 : i32
    "tpu.region"() ({
      %run_scoped3A_473 = tpu.sem_alloc : memref<!tpu.dma_semaphore, #tpu.memory_space<semaphore_mem>>
      %dma_start3A_474 = arith.constant 0 : i32
      %dma_start3A_475 = tpu.memref_slice %arg6[%add3A_246, %dma_start3A_474] : memref<50048x32xf32, #tpu.memory_space<vmem_shared>> -> memref<64x32xf32, #tpu.memory_space<vmem_shared>>
      %dma_start3A_476 = arith.constant 0 : i32
      %dma_start3A_477 = tpu.memref_slice %arg6[%add3A_246, %dma_start3A_476] : memref<50048x32xf32, #tpu.memory_space<vmem_shared>> -> memref<64x32xf32, #tpu.memory_space<vmem_shared>>
      tpu.enqueue_dma source(%arg14 : memref<64x32xf32, #tpu.memory_space<vmem>>) target(%dma_start3A_477 : memref<64x32xf32, #tpu.memory_space<vmem_shared>>) target_semaphore(%run_scoped3A_473 : memref<!tpu.dma_semaphore, #tpu.memory_space<semaphore_mem>>)
      %dma_wait3A = arith.constant 0 : i32
      %dma_wait3A_478 = tpu.memref_slice %arg6[%add3A_246, %dma_wait3A] : memref<50048x32xf32, #tpu.memory_space<vmem_shared>> -> memref<64x32xf32, #tpu.memory_space<vmem_shared>>
      %dma_wait3A_479 = arith.constant 0 : i32
      %dma_wait3A_480 = tpu.memref_slice %arg6[%add3A_246, %dma_wait3A_479] : memref<50048x32xf32, #tpu.memory_space<vmem_shared>> -> memref<64x32xf32, #tpu.memory_space<vmem_shared>>
      tpu.wait_dma2 semaphore(%run_scoped3A_473 : memref<!tpu.dma_semaphore, #tpu.memory_space<semaphore_mem>>) src(%arg14 : memref<64x32xf32, #tpu.memory_space<vmem>>) dst(%dma_wait3A_480 : memref<64x32xf32, #tpu.memory_space<vmem_shared>>)
      tpu.yield
    }) : () -> ()
    %add3A_247 = arith.constant 192 : i32
    %add3A_248 = arith.addi %mul3A_240, %add3A_247 : i32
    "tpu.region"() ({
      %run_scoped3A_473 = tpu.sem_alloc : memref<!tpu.dma_semaphore, #tpu.memory_space<semaphore_mem>>
      %dma_start3A_474 = arith.constant 0 : i32
      %dma_start3A_475 = tpu.memref_slice %arg6[%add3A_248, %dma_start3A_474] : memref<50048x32xf32, #tpu.memory_space<vmem_shared>> -> memref<64x32xf32, #tpu.memory_space<vmem_shared>>
      %dma_start3A_476 = arith.constant 0 : i32
      %dma_start3A_477 = tpu.memref_slice %arg6[%add3A_248, %dma_start3A_476] : memref<50048x32xf32, #tpu.memory_space<vmem_shared>> -> memref<64x32xf32, #tpu.memory_space<vmem_shared>>
      tpu.enqueue_dma source(%arg14 : memref<64x32xf32, #tpu.memory_space<vmem>>) target(%dma_start3A_477 : memref<64x32xf32, #tpu.memory_space<vmem_shared>>) target_semaphore(%run_scoped3A_473 : memref<!tpu.dma_semaphore, #tpu.memory_space<semaphore_mem>>)
      %dma_wait3A = arith.constant 0 : i32
      %dma_wait3A_478 = tpu.memref_slice %arg6[%add3A_248, %dma_wait3A] : memref<50048x32xf32, #tpu.memory_space<vmem_shared>> -> memref<64x32xf32, #tpu.memory_space<vmem_shared>>
      %dma_wait3A_479 = arith.constant 0 : i32
      %dma_wait3A_480 = tpu.memref_slice %arg6[%add3A_248, %dma_wait3A_479] : memref<50048x32xf32, #tpu.memory_space<vmem_shared>> -> memref<64x32xf32, #tpu.memory_space<vmem_shared>>
      tpu.wait_dma2 semaphore(%run_scoped3A_473 : memref<!tpu.dma_semaphore, #tpu.memory_space<semaphore_mem>>) src(%arg14 : memref<64x32xf32, #tpu.memory_space<vmem>>) dst(%dma_wait3A_480 : memref<64x32xf32, #tpu.memory_space<vmem_shared>>)
      tpu.yield
    }) : () -> ()
    %add3A_249 = arith.constant 256 : i32
    %add3A_250 = arith.addi %mul3A_240, %add3A_249 : i32
    "tpu.region"() ({
      %run_scoped3A_473 = tpu.sem_alloc : memref<!tpu.dma_semaphore, #tpu.memory_space<semaphore_mem>>
      %dma_start3A_474 = arith.constant 0 : i32
      %dma_start3A_475 = tpu.memref_slice %arg6[%add3A_250, %dma_start3A_474] : memref<50048x32xf32, #tpu.memory_space<vmem_shared>> -> memref<64x32xf32, #tpu.memory_space<vmem_shared>>
      %dma_start3A_476 = arith.constant 0 : i32
      %dma_start3A_477 = tpu.memref_slice %arg6[%add3A_250, %dma_start3A_476] : memref<50048x32xf32, #tpu.memory_space<vmem_shared>> -> memref<64x32xf32, #tpu.memory_space<vmem_shared>>
      tpu.enqueue_dma source(%arg14 : memref<64x32xf32, #tpu.memory_space<vmem>>) target(%dma_start3A_477 : memref<64x32xf32, #tpu.memory_space<vmem_shared>>) target_semaphore(%run_scoped3A_473 : memref<!tpu.dma_semaphore, #tpu.memory_space<semaphore_mem>>)
      %dma_wait3A = arith.constant 0 : i32
      %dma_wait3A_478 = tpu.memref_slice %arg6[%add3A_250, %dma_wait3A] : memref<50048x32xf32, #tpu.memory_space<vmem_shared>> -> memref<64x32xf32, #tpu.memory_space<vmem_shared>>
      %dma_wait3A_479 = arith.constant 0 : i32
      %dma_wait3A_480 = tpu.memref_slice %arg6[%add3A_250, %dma_wait3A_479] : memref<50048x32xf32, #tpu.memory_space<vmem_shared>> -> memref<64x32xf32, #tpu.memory_space<vmem_shared>>
      tpu.wait_dma2 semaphore(%run_scoped3A_473 : memref<!tpu.dma_semaphore, #tpu.memory_space<semaphore_mem>>) src(%arg14 : memref<64x32xf32, #tpu.memory_space<vmem>>) dst(%dma_wait3A_480 : memref<64x32xf32, #tpu.memory_space<vmem_shared>>)
      tpu.yield
    }) : () -> ()
    %add3A_251 = arith.constant 320 : i32
    %add3A_252 = arith.addi %mul3A_240, %add3A_251 : i32
    "tpu.region"() ({
      %run_scoped3A_473 = tpu.sem_alloc : memref<!tpu.dma_semaphore, #tpu.memory_space<semaphore_mem>>
      %dma_start3A_474 = arith.constant 0 : i32
      %dma_start3A_475 = tpu.memref_slice %arg6[%add3A_252, %dma_start3A_474] : memref<50048x32xf32, #tpu.memory_space<vmem_shared>> -> memref<64x32xf32, #tpu.memory_space<vmem_shared>>
      %dma_start3A_476 = arith.constant 0 : i32
      %dma_start3A_477 = tpu.memref_slice %arg6[%add3A_252, %dma_start3A_476] : memref<50048x32xf32, #tpu.memory_space<vmem_shared>> -> memref<64x32xf32, #tpu.memory_space<vmem_shared>>
      tpu.enqueue_dma source(%arg14 : memref<64x32xf32, #tpu.memory_space<vmem>>) target(%dma_start3A_477 : memref<64x32xf32, #tpu.memory_space<vmem_shared>>) target_semaphore(%run_scoped3A_473 : memref<!tpu.dma_semaphore, #tpu.memory_space<semaphore_mem>>)
      %dma_wait3A = arith.constant 0 : i32
      %dma_wait3A_478 = tpu.memref_slice %arg6[%add3A_252, %dma_wait3A] : memref<50048x32xf32, #tpu.memory_space<vmem_shared>> -> memref<64x32xf32, #tpu.memory_space<vmem_shared>>
      %dma_wait3A_479 = arith.constant 0 : i32
      %dma_wait3A_480 = tpu.memref_slice %arg6[%add3A_252, %dma_wait3A_479] : memref<50048x32xf32, #tpu.memory_space<vmem_shared>> -> memref<64x32xf32, #tpu.memory_space<vmem_shared>>
      tpu.wait_dma2 semaphore(%run_scoped3A_473 : memref<!tpu.dma_semaphore, #tpu.memory_space<semaphore_mem>>) src(%arg14 : memref<64x32xf32, #tpu.memory_space<vmem>>) dst(%dma_wait3A_480 : memref<64x32xf32, #tpu.memory_space<vmem_shared>>)
      tpu.yield
    }) : () -> ()
    %add3A_253 = arith.constant 384 : i32
    %add3A_254 = arith.addi %mul3A_240, %add3A_253 : i32
    "tpu.region"() ({
      %run_scoped3A_473 = tpu.sem_alloc : memref<!tpu.dma_semaphore, #tpu.memory_space<semaphore_mem>>
      %dma_start3A_474 = arith.constant 0 : i32
      %dma_start3A_475 = tpu.memref_slice %arg6[%add3A_254, %dma_start3A_474] : memref<50048x32xf32, #tpu.memory_space<vmem_shared>> -> memref<64x32xf32, #tpu.memory_space<vmem_shared>>
      %dma_start3A_476 = arith.constant 0 : i32
      %dma_start3A_477 = tpu.memref_slice %arg6[%add3A_254, %dma_start3A_476] : memref<50048x32xf32, #tpu.memory_space<vmem_shared>> -> memref<64x32xf32, #tpu.memory_space<vmem_shared>>
      tpu.enqueue_dma source(%arg14 : memref<64x32xf32, #tpu.memory_space<vmem>>) target(%dma_start3A_477 : memref<64x32xf32, #tpu.memory_space<vmem_shared>>) target_semaphore(%run_scoped3A_473 : memref<!tpu.dma_semaphore, #tpu.memory_space<semaphore_mem>>)
      %dma_wait3A = arith.constant 0 : i32
      %dma_wait3A_478 = tpu.memref_slice %arg6[%add3A_254, %dma_wait3A] : memref<50048x32xf32, #tpu.memory_space<vmem_shared>> -> memref<64x32xf32, #tpu.memory_space<vmem_shared>>
      %dma_wait3A_479 = arith.constant 0 : i32
      %dma_wait3A_480 = tpu.memref_slice %arg6[%add3A_254, %dma_wait3A_479] : memref<50048x32xf32, #tpu.memory_space<vmem_shared>> -> memref<64x32xf32, #tpu.memory_space<vmem_shared>>
      tpu.wait_dma2 semaphore(%run_scoped3A_473 : memref<!tpu.dma_semaphore, #tpu.memory_space<semaphore_mem>>) src(%arg14 : memref<64x32xf32, #tpu.memory_space<vmem>>) dst(%dma_wait3A_480 : memref<64x32xf32, #tpu.memory_space<vmem_shared>>)
      tpu.yield
    }) : () -> ()
    %add3A_255 = arith.constant 448 : i32
    %add3A_256 = arith.addi %mul3A_240, %add3A_255 : i32
    "tpu.region"() ({
      %run_scoped3A_473 = tpu.sem_alloc : memref<!tpu.dma_semaphore, #tpu.memory_space<semaphore_mem>>
      %dma_start3A_474 = arith.constant 0 : i32
      %dma_start3A_475 = tpu.memref_slice %arg6[%add3A_256, %dma_start3A_474] : memref<50048x32xf32, #tpu.memory_space<vmem_shared>> -> memref<64x32xf32, #tpu.memory_space<vmem_shared>>
      %dma_start3A_476 = arith.constant 0 : i32
      %dma_start3A_477 = tpu.memref_slice %arg6[%add3A_256, %dma_start3A_476] : memref<50048x32xf32, #tpu.memory_space<vmem_shared>> -> memref<64x32xf32, #tpu.memory_space<vmem_shared>>
      tpu.enqueue_dma source(%arg14 : memref<64x32xf32, #tpu.memory_space<vmem>>) target(%dma_start3A_477 : memref<64x32xf32, #tpu.memory_space<vmem_shared>>) target_semaphore(%run_scoped3A_473 : memref<!tpu.dma_semaphore, #tpu.memory_space<semaphore_mem>>)
      %dma_wait3A = arith.constant 0 : i32
      %dma_wait3A_478 = tpu.memref_slice %arg6[%add3A_256, %dma_wait3A] : memref<50048x32xf32, #tpu.memory_space<vmem_shared>> -> memref<64x32xf32, #tpu.memory_space<vmem_shared>>
      %dma_wait3A_479 = arith.constant 0 : i32
      %dma_wait3A_480 = tpu.memref_slice %arg6[%add3A_256, %dma_wait3A_479] : memref<50048x32xf32, #tpu.memory_space<vmem_shared>> -> memref<64x32xf32, #tpu.memory_space<vmem_shared>>
      tpu.wait_dma2 semaphore(%run_scoped3A_473 : memref<!tpu.dma_semaphore, #tpu.memory_space<semaphore_mem>>) src(%arg14 : memref<64x32xf32, #tpu.memory_space<vmem>>) dst(%dma_wait3A_480 : memref<64x32xf32, #tpu.memory_space<vmem_shared>>)
      tpu.yield
    }) : () -> ()
    %add3A_257 = arith.constant 512 : i32
    %add3A_258 = arith.addi %mul3A_240, %add3A_257 : i32
    "tpu.region"() ({
      %run_scoped3A_473 = tpu.sem_alloc : memref<!tpu.dma_semaphore, #tpu.memory_space<semaphore_mem>>
      %dma_start3A_474 = arith.constant 0 : i32
      %dma_start3A_475 = tpu.memref_slice %arg6[%add3A_258, %dma_start3A_474] : memref<50048x32xf32, #tpu.memory_space<vmem_shared>> -> memref<64x32xf32, #tpu.memory_space<vmem_shared>>
      %dma_start3A_476 = arith.constant 0 : i32
      %dma_start3A_477 = tpu.memref_slice %arg6[%add3A_258, %dma_start3A_476] : memref<50048x32xf32, #tpu.memory_space<vmem_shared>> -> memref<64x32xf32, #tpu.memory_space<vmem_shared>>
      tpu.enqueue_dma source(%arg14 : memref<64x32xf32, #tpu.memory_space<vmem>>) target(%dma_start3A_477 : memref<64x32xf32, #tpu.memory_space<vmem_shared>>) target_semaphore(%run_scoped3A_473 : memref<!tpu.dma_semaphore, #tpu.memory_space<semaphore_mem>>)
      %dma_wait3A = arith.constant 0 : i32
      %dma_wait3A_478 = tpu.memref_slice %arg6[%add3A_258, %dma_wait3A] : memref<50048x32xf32, #tpu.memory_space<vmem_shared>> -> memref<64x32xf32, #tpu.memory_space<vmem_shared>>
      %dma_wait3A_479 = arith.constant 0 : i32
      %dma_wait3A_480 = tpu.memref_slice %arg6[%add3A_258, %dma_wait3A_479] : memref<50048x32xf32, #tpu.memory_space<vmem_shared>> -> memref<64x32xf32, #tpu.memory_space<vmem_shared>>
      tpu.wait_dma2 semaphore(%run_scoped3A_473 : memref<!tpu.dma_semaphore, #tpu.memory_space<semaphore_mem>>) src(%arg14 : memref<64x32xf32, #tpu.memory_space<vmem>>) dst(%dma_wait3A_480 : memref<64x32xf32, #tpu.memory_space<vmem_shared>>)
      tpu.yield
    }) : () -> ()
    %add3A_259 = arith.constant 576 : i32
    %add3A_260 = arith.addi %mul3A_240, %add3A_259 : i32
    "tpu.region"() ({
      %run_scoped3A_473 = tpu.sem_alloc : memref<!tpu.dma_semaphore, #tpu.memory_space<semaphore_mem>>
      %dma_start3A_474 = arith.constant 0 : i32
      %dma_start3A_475 = tpu.memref_slice %arg6[%add3A_260, %dma_start3A_474] : memref<50048x32xf32, #tpu.memory_space<vmem_shared>> -> memref<64x32xf32, #tpu.memory_space<vmem_shared>>
      %dma_start3A_476 = arith.constant 0 : i32
      %dma_start3A_477 = tpu.memref_slice %arg6[%add3A_260, %dma_start3A_476] : memref<50048x32xf32, #tpu.memory_space<vmem_shared>> -> memref<64x32xf32, #tpu.memory_space<vmem_shared>>
      tpu.enqueue_dma source(%arg14 : memref<64x32xf32, #tpu.memory_space<vmem>>) target(%dma_start3A_477 : memref<64x32xf32, #tpu.memory_space<vmem_shared>>) target_semaphore(%run_scoped3A_473 : memref<!tpu.dma_semaphore, #tpu.memory_space<semaphore_mem>>)
      %dma_wait3A = arith.constant 0 : i32
      %dma_wait3A_478 = tpu.memref_slice %arg6[%add3A_260, %dma_wait3A] : memref<50048x32xf32, #tpu.memory_space<vmem_shared>> -> memref<64x32xf32, #tpu.memory_space<vmem_shared>>
      %dma_wait3A_479 = arith.constant 0 : i32
      %dma_wait3A_480 = tpu.memref_slice %arg6[%add3A_260, %dma_wait3A_479] : memref<50048x32xf32, #tpu.memory_space<vmem_shared>> -> memref<64x32xf32, #tpu.memory_space<vmem_shared>>
      tpu.wait_dma2 semaphore(%run_scoped3A_473 : memref<!tpu.dma_semaphore, #tpu.memory_space<semaphore_mem>>) src(%arg14 : memref<64x32xf32, #tpu.memory_space<vmem>>) dst(%dma_wait3A_480 : memref<64x32xf32, #tpu.memory_space<vmem_shared>>)
      tpu.yield
    }) : () -> ()
    %add3A_261 = arith.constant 640 : i32
    %add3A_262 = arith.addi %mul3A_240, %add3A_261 : i32
    "tpu.region"() ({
      %run_scoped3A_473 = tpu.sem_alloc : memref<!tpu.dma_semaphore, #tpu.memory_space<semaphore_mem>>
      %dma_start3A_474 = arith.constant 0 : i32
      %dma_start3A_475 = tpu.memref_slice %arg6[%add3A_262, %dma_start3A_474] : memref<50048x32xf32, #tpu.memory_space<vmem_shared>> -> memref<64x32xf32, #tpu.memory_space<vmem_shared>>
      %dma_start3A_476 = arith.constant 0 : i32
      %dma_start3A_477 = tpu.memref_slice %arg6[%add3A_262, %dma_start3A_476] : memref<50048x32xf32, #tpu.memory_space<vmem_shared>> -> memref<64x32xf32, #tpu.memory_space<vmem_shared>>
      tpu.enqueue_dma source(%arg14 : memref<64x32xf32, #tpu.memory_space<vmem>>) target(%dma_start3A_477 : memref<64x32xf32, #tpu.memory_space<vmem_shared>>) target_semaphore(%run_scoped3A_473 : memref<!tpu.dma_semaphore, #tpu.memory_space<semaphore_mem>>)
      %dma_wait3A = arith.constant 0 : i32
      %dma_wait3A_478 = tpu.memref_slice %arg6[%add3A_262, %dma_wait3A] : memref<50048x32xf32, #tpu.memory_space<vmem_shared>> -> memref<64x32xf32, #tpu.memory_space<vmem_shared>>
      %dma_wait3A_479 = arith.constant 0 : i32
      %dma_wait3A_480 = tpu.memref_slice %arg6[%add3A_262, %dma_wait3A_479] : memref<50048x32xf32, #tpu.memory_space<vmem_shared>> -> memref<64x32xf32, #tpu.memory_space<vmem_shared>>
      tpu.wait_dma2 semaphore(%run_scoped3A_473 : memref<!tpu.dma_semaphore, #tpu.memory_space<semaphore_mem>>) src(%arg14 : memref<64x32xf32, #tpu.memory_space<vmem>>) dst(%dma_wait3A_480 : memref<64x32xf32, #tpu.memory_space<vmem_shared>>)
      tpu.yield
    }) : () -> ()
    %add3A_263 = arith.constant 704 : i32
    %add3A_264 = arith.addi %mul3A_240, %add3A_263 : i32
    "tpu.region"() ({
      %run_scoped3A_473 = tpu.sem_alloc : memref<!tpu.dma_semaphore, #tpu.memory_space<semaphore_mem>>
      %dma_start3A_474 = arith.constant 0 : i32
      %dma_start3A_475 = tpu.memref_slice %arg6[%add3A_264, %dma_start3A_474] : memref<50048x32xf32, #tpu.memory_space<vmem_shared>> -> memref<64x32xf32, #tpu.memory_space<vmem_shared>>
      %dma_start3A_476 = arith.constant 0 : i32
      %dma_start3A_477 = tpu.memref_slice %arg6[%add3A_264, %dma_start3A_476] : memref<50048x32xf32, #tpu.memory_space<vmem_shared>> -> memref<64x32xf32, #tpu.memory_space<vmem_shared>>
      tpu.enqueue_dma source(%arg14 : memref<64x32xf32, #tpu.memory_space<vmem>>) target(%dma_start3A_477 : memref<64x32xf32, #tpu.memory_space<vmem_shared>>) target_semaphore(%run_scoped3A_473 : memref<!tpu.dma_semaphore, #tpu.memory_space<semaphore_mem>>)
      %dma_wait3A = arith.constant 0 : i32
      %dma_wait3A_478 = tpu.memref_slice %arg6[%add3A_264, %dma_wait3A] : memref<50048x32xf32, #tpu.memory_space<vmem_shared>> -> memref<64x32xf32, #tpu.memory_space<vmem_shared>>
      %dma_wait3A_479 = arith.constant 0 : i32
      %dma_wait3A_480 = tpu.memref_slice %arg6[%add3A_264, %dma_wait3A_479] : memref<50048x32xf32, #tpu.memory_space<vmem_shared>> -> memref<64x32xf32, #tpu.memory_space<vmem_shared>>
      tpu.wait_dma2 semaphore(%run_scoped3A_473 : memref<!tpu.dma_semaphore, #tpu.memory_space<semaphore_mem>>) src(%arg14 : memref<64x32xf32, #tpu.memory_space<vmem>>) dst(%dma_wait3A_480 : memref<64x32xf32, #tpu.memory_space<vmem_shared>>)
      tpu.yield
    }) : () -> ()
    %add3A_265 = arith.constant 768 : i32
    %add3A_266 = arith.addi %mul3A_240, %add3A_265 : i32
    "tpu.region"() ({
      %run_scoped3A_473 = tpu.sem_alloc : memref<!tpu.dma_semaphore, #tpu.memory_space<semaphore_mem>>
      %dma_start3A_474 = arith.constant 0 : i32
      %dma_start3A_475 = tpu.memref_slice %arg6[%add3A_266, %dma_start3A_474] : memref<50048x32xf32, #tpu.memory_space<vmem_shared>> -> memref<64x32xf32, #tpu.memory_space<vmem_shared>>
      %dma_start3A_476 = arith.constant 0 : i32
      %dma_start3A_477 = tpu.memref_slice %arg6[%add3A_266, %dma_start3A_476] : memref<50048x32xf32, #tpu.memory_space<vmem_shared>> -> memref<64x32xf32, #tpu.memory_space<vmem_shared>>
      tpu.enqueue_dma source(%arg14 : memref<64x32xf32, #tpu.memory_space<vmem>>) target(%dma_start3A_477 : memref<64x32xf32, #tpu.memory_space<vmem_shared>>) target_semaphore(%run_scoped3A_473 : memref<!tpu.dma_semaphore, #tpu.memory_space<semaphore_mem>>)
      %dma_wait3A = arith.constant 0 : i32
      %dma_wait3A_478 = tpu.memref_slice %arg6[%add3A_266, %dma_wait3A] : memref<50048x32xf32, #tpu.memory_space<vmem_shared>> -> memref<64x32xf32, #tpu.memory_space<vmem_shared>>
      %dma_wait3A_479 = arith.constant 0 : i32
      %dma_wait3A_480 = tpu.memref_slice %arg6[%add3A_266, %dma_wait3A_479] : memref<50048x32xf32, #tpu.memory_space<vmem_shared>> -> memref<64x32xf32, #tpu.memory_space<vmem_shared>>
      tpu.wait_dma2 semaphore(%run_scoped3A_473 : memref<!tpu.dma_semaphore, #tpu.memory_space<semaphore_mem>>) src(%arg14 : memref<64x32xf32, #tpu.memory_space<vmem>>) dst(%dma_wait3A_480 : memref<64x32xf32, #tpu.memory_space<vmem_shared>>)
      tpu.yield
    }) : () -> ()
    %add3A_267 = arith.constant 832 : i32
    %add3A_268 = arith.addi %mul3A_240, %add3A_267 : i32
    "tpu.region"() ({
      %run_scoped3A_473 = tpu.sem_alloc : memref<!tpu.dma_semaphore, #tpu.memory_space<semaphore_mem>>
      %dma_start3A_474 = arith.constant 0 : i32
      %dma_start3A_475 = tpu.memref_slice %arg6[%add3A_268, %dma_start3A_474] : memref<50048x32xf32, #tpu.memory_space<vmem_shared>> -> memref<64x32xf32, #tpu.memory_space<vmem_shared>>
      %dma_start3A_476 = arith.constant 0 : i32
      %dma_start3A_477 = tpu.memref_slice %arg6[%add3A_268, %dma_start3A_476] : memref<50048x32xf32, #tpu.memory_space<vmem_shared>> -> memref<64x32xf32, #tpu.memory_space<vmem_shared>>
      tpu.enqueue_dma source(%arg14 : memref<64x32xf32, #tpu.memory_space<vmem>>) target(%dma_start3A_477 : memref<64x32xf32, #tpu.memory_space<vmem_shared>>) target_semaphore(%run_scoped3A_473 : memref<!tpu.dma_semaphore, #tpu.memory_space<semaphore_mem>>)
      %dma_wait3A = arith.constant 0 : i32
      %dma_wait3A_478 = tpu.memref_slice %arg6[%add3A_268, %dma_wait3A] : memref<50048x32xf32, #tpu.memory_space<vmem_shared>> -> memref<64x32xf32, #tpu.memory_space<vmem_shared>>
      %dma_wait3A_479 = arith.constant 0 : i32
      %dma_wait3A_480 = tpu.memref_slice %arg6[%add3A_268, %dma_wait3A_479] : memref<50048x32xf32, #tpu.memory_space<vmem_shared>> -> memref<64x32xf32, #tpu.memory_space<vmem_shared>>
      tpu.wait_dma2 semaphore(%run_scoped3A_473 : memref<!tpu.dma_semaphore, #tpu.memory_space<semaphore_mem>>) src(%arg14 : memref<64x32xf32, #tpu.memory_space<vmem>>) dst(%dma_wait3A_480 : memref<64x32xf32, #tpu.memory_space<vmem_shared>>)
      tpu.yield
    }) : () -> ()
    %add3A_269 = arith.constant 896 : i32
    %add3A_270 = arith.addi %mul3A_240, %add3A_269 : i32
    "tpu.region"() ({
      %run_scoped3A_473 = tpu.sem_alloc : memref<!tpu.dma_semaphore, #tpu.memory_space<semaphore_mem>>
      %dma_start3A_474 = arith.constant 0 : i32
      %dma_start3A_475 = tpu.memref_slice %arg6[%add3A_270, %dma_start3A_474] : memref<50048x32xf32, #tpu.memory_space<vmem_shared>> -> memref<64x32xf32, #tpu.memory_space<vmem_shared>>
      %dma_start3A_476 = arith.constant 0 : i32
      %dma_start3A_477 = tpu.memref_slice %arg6[%add3A_270, %dma_start3A_476] : memref<50048x32xf32, #tpu.memory_space<vmem_shared>> -> memref<64x32xf32, #tpu.memory_space<vmem_shared>>
      tpu.enqueue_dma source(%arg14 : memref<64x32xf32, #tpu.memory_space<vmem>>) target(%dma_start3A_477 : memref<64x32xf32, #tpu.memory_space<vmem_shared>>) target_semaphore(%run_scoped3A_473 : memref<!tpu.dma_semaphore, #tpu.memory_space<semaphore_mem>>)
      %dma_wait3A = arith.constant 0 : i32
      %dma_wait3A_478 = tpu.memref_slice %arg6[%add3A_270, %dma_wait3A] : memref<50048x32xf32, #tpu.memory_space<vmem_shared>> -> memref<64x32xf32, #tpu.memory_space<vmem_shared>>
      %dma_wait3A_479 = arith.constant 0 : i32
      %dma_wait3A_480 = tpu.memref_slice %arg6[%add3A_270, %dma_wait3A_479] : memref<50048x32xf32, #tpu.memory_space<vmem_shared>> -> memref<64x32xf32, #tpu.memory_space<vmem_shared>>
      tpu.wait_dma2 semaphore(%run_scoped3A_473 : memref<!tpu.dma_semaphore, #tpu.memory_space<semaphore_mem>>) src(%arg14 : memref<64x32xf32, #tpu.memory_space<vmem>>) dst(%dma_wait3A_480 : memref<64x32xf32, #tpu.memory_space<vmem_shared>>)
      tpu.yield
    }) : () -> ()
    %add3A_271 = arith.constant 960 : i32
    %add3A_272 = arith.addi %mul3A_240, %add3A_271 : i32
    "tpu.region"() ({
      %run_scoped3A_473 = tpu.sem_alloc : memref<!tpu.dma_semaphore, #tpu.memory_space<semaphore_mem>>
      %dma_start3A_474 = arith.constant 0 : i32
      %dma_start3A_475 = tpu.memref_slice %arg6[%add3A_272, %dma_start3A_474] : memref<50048x32xf32, #tpu.memory_space<vmem_shared>> -> memref<64x32xf32, #tpu.memory_space<vmem_shared>>
      %dma_start3A_476 = arith.constant 0 : i32
      %dma_start3A_477 = tpu.memref_slice %arg6[%add3A_272, %dma_start3A_476] : memref<50048x32xf32, #tpu.memory_space<vmem_shared>> -> memref<64x32xf32, #tpu.memory_space<vmem_shared>>
      tpu.enqueue_dma source(%arg14 : memref<64x32xf32, #tpu.memory_space<vmem>>) target(%dma_start3A_477 : memref<64x32xf32, #tpu.memory_space<vmem_shared>>) target_semaphore(%run_scoped3A_473 : memref<!tpu.dma_semaphore, #tpu.memory_space<semaphore_mem>>)
      %dma_wait3A = arith.constant 0 : i32
      %dma_wait3A_478 = tpu.memref_slice %arg6[%add3A_272, %dma_wait3A] : memref<50048x32xf32, #tpu.memory_space<vmem_shared>> -> memref<64x32xf32, #tpu.memory_space<vmem_shared>>
      %dma_wait3A_479 = arith.constant 0 : i32
      %dma_wait3A_480 = tpu.memref_slice %arg6[%add3A_272, %dma_wait3A_479] : memref<50048x32xf32, #tpu.memory_space<vmem_shared>> -> memref<64x32xf32, #tpu.memory_space<vmem_shared>>
      tpu.wait_dma2 semaphore(%run_scoped3A_473 : memref<!tpu.dma_semaphore, #tpu.memory_space<semaphore_mem>>) src(%arg14 : memref<64x32xf32, #tpu.memory_space<vmem>>) dst(%dma_wait3A_480 : memref<64x32xf32, #tpu.memory_space<vmem_shared>>)
      tpu.yield
    }) : () -> ()
    %add3A_273 = arith.constant 1024 : i32
    %add3A_274 = arith.addi %mul3A_240, %add3A_273 : i32
    "tpu.region"() ({
      %run_scoped3A_473 = tpu.sem_alloc : memref<!tpu.dma_semaphore, #tpu.memory_space<semaphore_mem>>
      %dma_start3A_474 = arith.constant 0 : i32
      %dma_start3A_475 = tpu.memref_slice %arg6[%add3A_274, %dma_start3A_474] : memref<50048x32xf32, #tpu.memory_space<vmem_shared>> -> memref<64x32xf32, #tpu.memory_space<vmem_shared>>
      %dma_start3A_476 = arith.constant 0 : i32
      %dma_start3A_477 = tpu.memref_slice %arg6[%add3A_274, %dma_start3A_476] : memref<50048x32xf32, #tpu.memory_space<vmem_shared>> -> memref<64x32xf32, #tpu.memory_space<vmem_shared>>
      tpu.enqueue_dma source(%arg14 : memref<64x32xf32, #tpu.memory_space<vmem>>) target(%dma_start3A_477 : memref<64x32xf32, #tpu.memory_space<vmem_shared>>) target_semaphore(%run_scoped3A_473 : memref<!tpu.dma_semaphore, #tpu.memory_space<semaphore_mem>>)
      %dma_wait3A = arith.constant 0 : i32
      %dma_wait3A_478 = tpu.memref_slice %arg6[%add3A_274, %dma_wait3A] : memref<50048x32xf32, #tpu.memory_space<vmem_shared>> -> memref<64x32xf32, #tpu.memory_space<vmem_shared>>
      %dma_wait3A_479 = arith.constant 0 : i32
      %dma_wait3A_480 = tpu.memref_slice %arg6[%add3A_274, %dma_wait3A_479] : memref<50048x32xf32, #tpu.memory_space<vmem_shared>> -> memref<64x32xf32, #tpu.memory_space<vmem_shared>>
      tpu.wait_dma2 semaphore(%run_scoped3A_473 : memref<!tpu.dma_semaphore, #tpu.memory_space<semaphore_mem>>) src(%arg14 : memref<64x32xf32, #tpu.memory_space<vmem>>) dst(%dma_wait3A_480 : memref<64x32xf32, #tpu.memory_space<vmem_shared>>)
      tpu.yield
    }) : () -> ()
    %add3A_275 = arith.constant 1088 : i32
    %add3A_276 = arith.addi %mul3A_240, %add3A_275 : i32
    "tpu.region"() ({
      %run_scoped3A_473 = tpu.sem_alloc : memref<!tpu.dma_semaphore, #tpu.memory_space<semaphore_mem>>
      %dma_start3A_474 = arith.constant 0 : i32
      %dma_start3A_475 = tpu.memref_slice %arg6[%add3A_276, %dma_start3A_474] : memref<50048x32xf32, #tpu.memory_space<vmem_shared>> -> memref<64x32xf32, #tpu.memory_space<vmem_shared>>
      %dma_start3A_476 = arith.constant 0 : i32
      %dma_start3A_477 = tpu.memref_slice %arg6[%add3A_276, %dma_start3A_476] : memref<50048x32xf32, #tpu.memory_space<vmem_shared>> -> memref<64x32xf32, #tpu.memory_space<vmem_shared>>
      tpu.enqueue_dma source(%arg14 : memref<64x32xf32, #tpu.memory_space<vmem>>) target(%dma_start3A_477 : memref<64x32xf32, #tpu.memory_space<vmem_shared>>) target_semaphore(%run_scoped3A_473 : memref<!tpu.dma_semaphore, #tpu.memory_space<semaphore_mem>>)
      %dma_wait3A = arith.constant 0 : i32
      %dma_wait3A_478 = tpu.memref_slice %arg6[%add3A_276, %dma_wait3A] : memref<50048x32xf32, #tpu.memory_space<vmem_shared>> -> memref<64x32xf32, #tpu.memory_space<vmem_shared>>
      %dma_wait3A_479 = arith.constant 0 : i32
      %dma_wait3A_480 = tpu.memref_slice %arg6[%add3A_276, %dma_wait3A_479] : memref<50048x32xf32, #tpu.memory_space<vmem_shared>> -> memref<64x32xf32, #tpu.memory_space<vmem_shared>>
      tpu.wait_dma2 semaphore(%run_scoped3A_473 : memref<!tpu.dma_semaphore, #tpu.memory_space<semaphore_mem>>) src(%arg14 : memref<64x32xf32, #tpu.memory_space<vmem>>) dst(%dma_wait3A_480 : memref<64x32xf32, #tpu.memory_space<vmem_shared>>)
      tpu.yield
    }) : () -> ()
    %add3A_277 = arith.constant 1152 : i32
    %add3A_278 = arith.addi %mul3A_240, %add3A_277 : i32
    "tpu.region"() ({
      %run_scoped3A_473 = tpu.sem_alloc : memref<!tpu.dma_semaphore, #tpu.memory_space<semaphore_mem>>
      %dma_start3A_474 = arith.constant 0 : i32
      %dma_start3A_475 = tpu.memref_slice %arg6[%add3A_278, %dma_start3A_474] : memref<50048x32xf32, #tpu.memory_space<vmem_shared>> -> memref<64x32xf32, #tpu.memory_space<vmem_shared>>
      %dma_start3A_476 = arith.constant 0 : i32
      %dma_start3A_477 = tpu.memref_slice %arg6[%add3A_278, %dma_start3A_476] : memref<50048x32xf32, #tpu.memory_space<vmem_shared>> -> memref<64x32xf32, #tpu.memory_space<vmem_shared>>
      tpu.enqueue_dma source(%arg14 : memref<64x32xf32, #tpu.memory_space<vmem>>) target(%dma_start3A_477 : memref<64x32xf32, #tpu.memory_space<vmem_shared>>) target_semaphore(%run_scoped3A_473 : memref<!tpu.dma_semaphore, #tpu.memory_space<semaphore_mem>>)
      %dma_wait3A = arith.constant 0 : i32
      %dma_wait3A_478 = tpu.memref_slice %arg6[%add3A_278, %dma_wait3A] : memref<50048x32xf32, #tpu.memory_space<vmem_shared>> -> memref<64x32xf32, #tpu.memory_space<vmem_shared>>
      %dma_wait3A_479 = arith.constant 0 : i32
      %dma_wait3A_480 = tpu.memref_slice %arg6[%add3A_278, %dma_wait3A_479] : memref<50048x32xf32, #tpu.memory_space<vmem_shared>> -> memref<64x32xf32, #tpu.memory_space<vmem_shared>>
      tpu.wait_dma2 semaphore(%run_scoped3A_473 : memref<!tpu.dma_semaphore, #tpu.memory_space<semaphore_mem>>) src(%arg14 : memref<64x32xf32, #tpu.memory_space<vmem>>) dst(%dma_wait3A_480 : memref<64x32xf32, #tpu.memory_space<vmem_shared>>)
      tpu.yield
    }) : () -> ()
    %add3A_279 = arith.constant 1216 : i32
    %add3A_280 = arith.addi %mul3A_240, %add3A_279 : i32
    "tpu.region"() ({
      %run_scoped3A_473 = tpu.sem_alloc : memref<!tpu.dma_semaphore, #tpu.memory_space<semaphore_mem>>
      %dma_start3A_474 = arith.constant 0 : i32
      %dma_start3A_475 = tpu.memref_slice %arg6[%add3A_280, %dma_start3A_474] : memref<50048x32xf32, #tpu.memory_space<vmem_shared>> -> memref<64x32xf32, #tpu.memory_space<vmem_shared>>
      %dma_start3A_476 = arith.constant 0 : i32
      %dma_start3A_477 = tpu.memref_slice %arg6[%add3A_280, %dma_start3A_476] : memref<50048x32xf32, #tpu.memory_space<vmem_shared>> -> memref<64x32xf32, #tpu.memory_space<vmem_shared>>
      tpu.enqueue_dma source(%arg14 : memref<64x32xf32, #tpu.memory_space<vmem>>) target(%dma_start3A_477 : memref<64x32xf32, #tpu.memory_space<vmem_shared>>) target_semaphore(%run_scoped3A_473 : memref<!tpu.dma_semaphore, #tpu.memory_space<semaphore_mem>>)
      %dma_wait3A = arith.constant 0 : i32
      %dma_wait3A_478 = tpu.memref_slice %arg6[%add3A_280, %dma_wait3A] : memref<50048x32xf32, #tpu.memory_space<vmem_shared>> -> memref<64x32xf32, #tpu.memory_space<vmem_shared>>
      %dma_wait3A_479 = arith.constant 0 : i32
      %dma_wait3A_480 = tpu.memref_slice %arg6[%add3A_280, %dma_wait3A_479] : memref<50048x32xf32, #tpu.memory_space<vmem_shared>> -> memref<64x32xf32, #tpu.memory_space<vmem_shared>>
      tpu.wait_dma2 semaphore(%run_scoped3A_473 : memref<!tpu.dma_semaphore, #tpu.memory_space<semaphore_mem>>) src(%arg14 : memref<64x32xf32, #tpu.memory_space<vmem>>) dst(%dma_wait3A_480 : memref<64x32xf32, #tpu.memory_space<vmem_shared>>)
      tpu.yield
    }) : () -> ()
    %add3A_281 = arith.constant 1280 : i32
    %add3A_282 = arith.addi %mul3A_240, %add3A_281 : i32
    "tpu.region"() ({
      %run_scoped3A_473 = tpu.sem_alloc : memref<!tpu.dma_semaphore, #tpu.memory_space<semaphore_mem>>
      %dma_start3A_474 = arith.constant 0 : i32
      %dma_start3A_475 = tpu.memref_slice %arg6[%add3A_282, %dma_start3A_474] : memref<50048x32xf32, #tpu.memory_space<vmem_shared>> -> memref<64x32xf32, #tpu.memory_space<vmem_shared>>
      %dma_start3A_476 = arith.constant 0 : i32
      %dma_start3A_477 = tpu.memref_slice %arg6[%add3A_282, %dma_start3A_476] : memref<50048x32xf32, #tpu.memory_space<vmem_shared>> -> memref<64x32xf32, #tpu.memory_space<vmem_shared>>
      tpu.enqueue_dma source(%arg14 : memref<64x32xf32, #tpu.memory_space<vmem>>) target(%dma_start3A_477 : memref<64x32xf32, #tpu.memory_space<vmem_shared>>) target_semaphore(%run_scoped3A_473 : memref<!tpu.dma_semaphore, #tpu.memory_space<semaphore_mem>>)
      %dma_wait3A = arith.constant 0 : i32
      %dma_wait3A_478 = tpu.memref_slice %arg6[%add3A_282, %dma_wait3A] : memref<50048x32xf32, #tpu.memory_space<vmem_shared>> -> memref<64x32xf32, #tpu.memory_space<vmem_shared>>
      %dma_wait3A_479 = arith.constant 0 : i32
      %dma_wait3A_480 = tpu.memref_slice %arg6[%add3A_282, %dma_wait3A_479] : memref<50048x32xf32, #tpu.memory_space<vmem_shared>> -> memref<64x32xf32, #tpu.memory_space<vmem_shared>>
      tpu.wait_dma2 semaphore(%run_scoped3A_473 : memref<!tpu.dma_semaphore, #tpu.memory_space<semaphore_mem>>) src(%arg14 : memref<64x32xf32, #tpu.memory_space<vmem>>) dst(%dma_wait3A_480 : memref<64x32xf32, #tpu.memory_space<vmem_shared>>)
      tpu.yield
    }) : () -> ()
    %add3A_283 = arith.constant 1344 : i32
    %add3A_284 = arith.addi %mul3A_240, %add3A_283 : i32
    "tpu.region"() ({
      %run_scoped3A_473 = tpu.sem_alloc : memref<!tpu.dma_semaphore, #tpu.memory_space<semaphore_mem>>
      %dma_start3A_474 = arith.constant 0 : i32
      %dma_start3A_475 = tpu.memref_slice %arg6[%add3A_284, %dma_start3A_474] : memref<50048x32xf32, #tpu.memory_space<vmem_shared>> -> memref<64x32xf32, #tpu.memory_space<vmem_shared>>
      %dma_start3A_476 = arith.constant 0 : i32
      %dma_start3A_477 = tpu.memref_slice %arg6[%add3A_284, %dma_start3A_476] : memref<50048x32xf32, #tpu.memory_space<vmem_shared>> -> memref<64x32xf32, #tpu.memory_space<vmem_shared>>
      tpu.enqueue_dma source(%arg14 : memref<64x32xf32, #tpu.memory_space<vmem>>) target(%dma_start3A_477 : memref<64x32xf32, #tpu.memory_space<vmem_shared>>) target_semaphore(%run_scoped3A_473 : memref<!tpu.dma_semaphore, #tpu.memory_space<semaphore_mem>>)
      %dma_wait3A = arith.constant 0 : i32
      %dma_wait3A_478 = tpu.memref_slice %arg6[%add3A_284, %dma_wait3A] : memref<50048x32xf32, #tpu.memory_space<vmem_shared>> -> memref<64x32xf32, #tpu.memory_space<vmem_shared>>
      %dma_wait3A_479 = arith.constant 0 : i32
      %dma_wait3A_480 = tpu.memref_slice %arg6[%add3A_284, %dma_wait3A_479] : memref<50048x32xf32, #tpu.memory_space<vmem_shared>> -> memref<64x32xf32, #tpu.memory_space<vmem_shared>>
      tpu.wait_dma2 semaphore(%run_scoped3A_473 : memref<!tpu.dma_semaphore, #tpu.memory_space<semaphore_mem>>) src(%arg14 : memref<64x32xf32, #tpu.memory_space<vmem>>) dst(%dma_wait3A_480 : memref<64x32xf32, #tpu.memory_space<vmem_shared>>)
      tpu.yield
    }) : () -> ()
    %add3A_285 = arith.constant 1408 : i32
    %add3A_286 = arith.addi %mul3A_240, %add3A_285 : i32
    "tpu.region"() ({
      %run_scoped3A_473 = tpu.sem_alloc : memref<!tpu.dma_semaphore, #tpu.memory_space<semaphore_mem>>
      %dma_start3A_474 = arith.constant 0 : i32
      %dma_start3A_475 = tpu.memref_slice %arg6[%add3A_286, %dma_start3A_474] : memref<50048x32xf32, #tpu.memory_space<vmem_shared>> -> memref<64x32xf32, #tpu.memory_space<vmem_shared>>
      %dma_start3A_476 = arith.constant 0 : i32
      %dma_start3A_477 = tpu.memref_slice %arg6[%add3A_286, %dma_start3A_476] : memref<50048x32xf32, #tpu.memory_space<vmem_shared>> -> memref<64x32xf32, #tpu.memory_space<vmem_shared>>
      tpu.enqueue_dma source(%arg14 : memref<64x32xf32, #tpu.memory_space<vmem>>) target(%dma_start3A_477 : memref<64x32xf32, #tpu.memory_space<vmem_shared>>) target_semaphore(%run_scoped3A_473 : memref<!tpu.dma_semaphore, #tpu.memory_space<semaphore_mem>>)
      %dma_wait3A = arith.constant 0 : i32
      %dma_wait3A_478 = tpu.memref_slice %arg6[%add3A_286, %dma_wait3A] : memref<50048x32xf32, #tpu.memory_space<vmem_shared>> -> memref<64x32xf32, #tpu.memory_space<vmem_shared>>
      %dma_wait3A_479 = arith.constant 0 : i32
      %dma_wait3A_480 = tpu.memref_slice %arg6[%add3A_286, %dma_wait3A_479] : memref<50048x32xf32, #tpu.memory_space<vmem_shared>> -> memref<64x32xf32, #tpu.memory_space<vmem_shared>>
      tpu.wait_dma2 semaphore(%run_scoped3A_473 : memref<!tpu.dma_semaphore, #tpu.memory_space<semaphore_mem>>) src(%arg14 : memref<64x32xf32, #tpu.memory_space<vmem>>) dst(%dma_wait3A_480 : memref<64x32xf32, #tpu.memory_space<vmem_shared>>)
      tpu.yield
    }) : () -> ()
    %add3A_287 = arith.constant 1472 : i32
    %add3A_288 = arith.addi %mul3A_240, %add3A_287 : i32
    "tpu.region"() ({
      %run_scoped3A_473 = tpu.sem_alloc : memref<!tpu.dma_semaphore, #tpu.memory_space<semaphore_mem>>
      %dma_start3A_474 = arith.constant 0 : i32
      %dma_start3A_475 = tpu.memref_slice %arg6[%add3A_288, %dma_start3A_474] : memref<50048x32xf32, #tpu.memory_space<vmem_shared>> -> memref<64x32xf32, #tpu.memory_space<vmem_shared>>
      %dma_start3A_476 = arith.constant 0 : i32
      %dma_start3A_477 = tpu.memref_slice %arg6[%add3A_288, %dma_start3A_476] : memref<50048x32xf32, #tpu.memory_space<vmem_shared>> -> memref<64x32xf32, #tpu.memory_space<vmem_shared>>
      tpu.enqueue_dma source(%arg14 : memref<64x32xf32, #tpu.memory_space<vmem>>) target(%dma_start3A_477 : memref<64x32xf32, #tpu.memory_space<vmem_shared>>) target_semaphore(%run_scoped3A_473 : memref<!tpu.dma_semaphore, #tpu.memory_space<semaphore_mem>>)
      %dma_wait3A = arith.constant 0 : i32
      %dma_wait3A_478 = tpu.memref_slice %arg6[%add3A_288, %dma_wait3A] : memref<50048x32xf32, #tpu.memory_space<vmem_shared>> -> memref<64x32xf32, #tpu.memory_space<vmem_shared>>
      %dma_wait3A_479 = arith.constant 0 : i32
      %dma_wait3A_480 = tpu.memref_slice %arg6[%add3A_288, %dma_wait3A_479] : memref<50048x32xf32, #tpu.memory_space<vmem_shared>> -> memref<64x32xf32, #tpu.memory_space<vmem_shared>>
      tpu.wait_dma2 semaphore(%run_scoped3A_473 : memref<!tpu.dma_semaphore, #tpu.memory_space<semaphore_mem>>) src(%arg14 : memref<64x32xf32, #tpu.memory_space<vmem>>) dst(%dma_wait3A_480 : memref<64x32xf32, #tpu.memory_space<vmem_shared>>)
      tpu.yield
    }) : () -> ()
    %add3A_289 = arith.constant 1536 : i32
    %add3A_290 = arith.addi %mul3A_240, %add3A_289 : i32
    "tpu.region"() ({
      %run_scoped3A_473 = tpu.sem_alloc : memref<!tpu.dma_semaphore, #tpu.memory_space<semaphore_mem>>
      %dma_start3A_474 = arith.constant 0 : i32
      %dma_start3A_475 = tpu.memref_slice %arg6[%add3A_290, %dma_start3A_474] : memref<50048x32xf32, #tpu.memory_space<vmem_shared>> -> memref<64x32xf32, #tpu.memory_space<vmem_shared>>
      %dma_start3A_476 = arith.constant 0 : i32
      %dma_start3A_477 = tpu.memref_slice %arg6[%add3A_290, %dma_start3A_476] : memref<50048x32xf32, #tpu.memory_space<vmem_shared>> -> memref<64x32xf32, #tpu.memory_space<vmem_shared>>
      tpu.enqueue_dma source(%arg14 : memref<64x32xf32, #tpu.memory_space<vmem>>) target(%dma_start3A_477 : memref<64x32xf32, #tpu.memory_space<vmem_shared>>) target_semaphore(%run_scoped3A_473 : memref<!tpu.dma_semaphore, #tpu.memory_space<semaphore_mem>>)
      %dma_wait3A = arith.constant 0 : i32
      %dma_wait3A_478 = tpu.memref_slice %arg6[%add3A_290, %dma_wait3A] : memref<50048x32xf32, #tpu.memory_space<vmem_shared>> -> memref<64x32xf32, #tpu.memory_space<vmem_shared>>
      %dma_wait3A_479 = arith.constant 0 : i32
      %dma_wait3A_480 = tpu.memref_slice %arg6[%add3A_290, %dma_wait3A_479] : memref<50048x32xf32, #tpu.memory_space<vmem_shared>> -> memref<64x32xf32, #tpu.memory_space<vmem_shared>>
      tpu.wait_dma2 semaphore(%run_scoped3A_473 : memref<!tpu.dma_semaphore, #tpu.memory_space<semaphore_mem>>) src(%arg14 : memref<64x32xf32, #tpu.memory_space<vmem>>) dst(%dma_wait3A_480 : memref<64x32xf32, #tpu.memory_space<vmem_shared>>)
      tpu.yield
    }) : () -> ()
    %add3A_291 = arith.constant 1600 : i32
    %add3A_292 = arith.addi %mul3A_240, %add3A_291 : i32
    "tpu.region"() ({
      %run_scoped3A_473 = tpu.sem_alloc : memref<!tpu.dma_semaphore, #tpu.memory_space<semaphore_mem>>
      %dma_start3A_474 = arith.constant 0 : i32
      %dma_start3A_475 = tpu.memref_slice %arg6[%add3A_292, %dma_start3A_474] : memref<50048x32xf32, #tpu.memory_space<vmem_shared>> -> memref<64x32xf32, #tpu.memory_space<vmem_shared>>
      %dma_start3A_476 = arith.constant 0 : i32
      %dma_start3A_477 = tpu.memref_slice %arg6[%add3A_292, %dma_start3A_476] : memref<50048x32xf32, #tpu.memory_space<vmem_shared>> -> memref<64x32xf32, #tpu.memory_space<vmem_shared>>
      tpu.enqueue_dma source(%arg14 : memref<64x32xf32, #tpu.memory_space<vmem>>) target(%dma_start3A_477 : memref<64x32xf32, #tpu.memory_space<vmem_shared>>) target_semaphore(%run_scoped3A_473 : memref<!tpu.dma_semaphore, #tpu.memory_space<semaphore_mem>>)
      %dma_wait3A = arith.constant 0 : i32
      %dma_wait3A_478 = tpu.memref_slice %arg6[%add3A_292, %dma_wait3A] : memref<50048x32xf32, #tpu.memory_space<vmem_shared>> -> memref<64x32xf32, #tpu.memory_space<vmem_shared>>
      %dma_wait3A_479 = arith.constant 0 : i32
      %dma_wait3A_480 = tpu.memref_slice %arg6[%add3A_292, %dma_wait3A_479] : memref<50048x32xf32, #tpu.memory_space<vmem_shared>> -> memref<64x32xf32, #tpu.memory_space<vmem_shared>>
      tpu.wait_dma2 semaphore(%run_scoped3A_473 : memref<!tpu.dma_semaphore, #tpu.memory_space<semaphore_mem>>) src(%arg14 : memref<64x32xf32, #tpu.memory_space<vmem>>) dst(%dma_wait3A_480 : memref<64x32xf32, #tpu.memory_space<vmem_shared>>)
      tpu.yield
    }) : () -> ()
    %add3A_293 = arith.constant 1664 : i32
    %add3A_294 = arith.addi %mul3A_240, %add3A_293 : i32
    "tpu.region"() ({
      %run_scoped3A_473 = tpu.sem_alloc : memref<!tpu.dma_semaphore, #tpu.memory_space<semaphore_mem>>
      %dma_start3A_474 = arith.constant 0 : i32
      %dma_start3A_475 = tpu.memref_slice %arg6[%add3A_294, %dma_start3A_474] : memref<50048x32xf32, #tpu.memory_space<vmem_shared>> -> memref<64x32xf32, #tpu.memory_space<vmem_shared>>
      %dma_start3A_476 = arith.constant 0 : i32
      %dma_start3A_477 = tpu.memref_slice %arg6[%add3A_294, %dma_start3A_476] : memref<50048x32xf32, #tpu.memory_space<vmem_shared>> -> memref<64x32xf32, #tpu.memory_space<vmem_shared>>
      tpu.enqueue_dma source(%arg14 : memref<64x32xf32, #tpu.memory_space<vmem>>) target(%dma_start3A_477 : memref<64x32xf32, #tpu.memory_space<vmem_shared>>) target_semaphore(%run_scoped3A_473 : memref<!tpu.dma_semaphore, #tpu.memory_space<semaphore_mem>>)
      %dma_wait3A = arith.constant 0 : i32
      %dma_wait3A_478 = tpu.memref_slice %arg6[%add3A_294, %dma_wait3A] : memref<50048x32xf32, #tpu.memory_space<vmem_shared>> -> memref<64x32xf32, #tpu.memory_space<vmem_shared>>
      %dma_wait3A_479 = arith.constant 0 : i32
      %dma_wait3A_480 = tpu.memref_slice %arg6[%add3A_294, %dma_wait3A_479] : memref<50048x32xf32, #tpu.memory_space<vmem_shared>> -> memref<64x32xf32, #tpu.memory_space<vmem_shared>>
      tpu.wait_dma2 semaphore(%run_scoped3A_473 : memref<!tpu.dma_semaphore, #tpu.memory_space<semaphore_mem>>) src(%arg14 : memref<64x32xf32, #tpu.memory_space<vmem>>) dst(%dma_wait3A_480 : memref<64x32xf32, #tpu.memory_space<vmem_shared>>)
      tpu.yield
    }) : () -> ()
    %add3A_295 = arith.constant 1728 : i32
    %add3A_296 = arith.addi %mul3A_240, %add3A_295 : i32
    "tpu.region"() ({
      %run_scoped3A_473 = tpu.sem_alloc : memref<!tpu.dma_semaphore, #tpu.memory_space<semaphore_mem>>
      %dma_start3A_474 = arith.constant 0 : i32
      %dma_start3A_475 = tpu.memref_slice %arg6[%add3A_296, %dma_start3A_474] : memref<50048x32xf32, #tpu.memory_space<vmem_shared>> -> memref<64x32xf32, #tpu.memory_space<vmem_shared>>
      %dma_start3A_476 = arith.constant 0 : i32
      %dma_start3A_477 = tpu.memref_slice %arg6[%add3A_296, %dma_start3A_476] : memref<50048x32xf32, #tpu.memory_space<vmem_shared>> -> memref<64x32xf32, #tpu.memory_space<vmem_shared>>
      tpu.enqueue_dma source(%arg14 : memref<64x32xf32, #tpu.memory_space<vmem>>) target(%dma_start3A_477 : memref<64x32xf32, #tpu.memory_space<vmem_shared>>) target_semaphore(%run_scoped3A_473 : memref<!tpu.dma_semaphore, #tpu.memory_space<semaphore_mem>>)
      %dma_wait3A = arith.constant 0 : i32
      %dma_wait3A_478 = tpu.memref_slice %arg6[%add3A_296, %dma_wait3A] : memref<50048x32xf32, #tpu.memory_space<vmem_shared>> -> memref<64x32xf32, #tpu.memory_space<vmem_shared>>
      %dma_wait3A_479 = arith.constant 0 : i32
      %dma_wait3A_480 = tpu.memref_slice %arg6[%add3A_296, %dma_wait3A_479] : memref<50048x32xf32, #tpu.memory_space<vmem_shared>> -> memref<64x32xf32, #tpu.memory_space<vmem_shared>>
      tpu.wait_dma2 semaphore(%run_scoped3A_473 : memref<!tpu.dma_semaphore, #tpu.memory_space<semaphore_mem>>) src(%arg14 : memref<64x32xf32, #tpu.memory_space<vmem>>) dst(%dma_wait3A_480 : memref<64x32xf32, #tpu.memory_space<vmem_shared>>)
      tpu.yield
    }) : () -> ()
    %add3A_297 = arith.constant 1792 : i32
    %add3A_298 = arith.addi %mul3A_240, %add3A_297 : i32
    "tpu.region"() ({
      %run_scoped3A_473 = tpu.sem_alloc : memref<!tpu.dma_semaphore, #tpu.memory_space<semaphore_mem>>
      %dma_start3A_474 = arith.constant 0 : i32
      %dma_start3A_475 = tpu.memref_slice %arg6[%add3A_298, %dma_start3A_474] : memref<50048x32xf32, #tpu.memory_space<vmem_shared>> -> memref<64x32xf32, #tpu.memory_space<vmem_shared>>
      %dma_start3A_476 = arith.constant 0 : i32
      %dma_start3A_477 = tpu.memref_slice %arg6[%add3A_298, %dma_start3A_476] : memref<50048x32xf32, #tpu.memory_space<vmem_shared>> -> memref<64x32xf32, #tpu.memory_space<vmem_shared>>
      tpu.enqueue_dma source(%arg14 : memref<64x32xf32, #tpu.memory_space<vmem>>) target(%dma_start3A_477 : memref<64x32xf32, #tpu.memory_space<vmem_shared>>) target_semaphore(%run_scoped3A_473 : memref<!tpu.dma_semaphore, #tpu.memory_space<semaphore_mem>>)
      %dma_wait3A = arith.constant 0 : i32
      %dma_wait3A_478 = tpu.memref_slice %arg6[%add3A_298, %dma_wait3A] : memref<50048x32xf32, #tpu.memory_space<vmem_shared>> -> memref<64x32xf32, #tpu.memory_space<vmem_shared>>
      %dma_wait3A_479 = arith.constant 0 : i32
      %dma_wait3A_480 = tpu.memref_slice %arg6[%add3A_298, %dma_wait3A_479] : memref<50048x32xf32, #tpu.memory_space<vmem_shared>> -> memref<64x32xf32, #tpu.memory_space<vmem_shared>>
      tpu.wait_dma2 semaphore(%run_scoped3A_473 : memref<!tpu.dma_semaphore, #tpu.memory_space<semaphore_mem>>) src(%arg14 : memref<64x32xf32, #tpu.memory_space<vmem>>) dst(%dma_wait3A_480 : memref<64x32xf32, #tpu.memory_space<vmem_shared>>)
      tpu.yield
    }) : () -> ()
    %add3A_299 = arith.constant 1856 : i32
    %add3A_300 = arith.addi %mul3A_240, %add3A_299 : i32
    "tpu.region"() ({
      %run_scoped3A_473 = tpu.sem_alloc : memref<!tpu.dma_semaphore, #tpu.memory_space<semaphore_mem>>
      %dma_start3A_474 = arith.constant 0 : i32
      %dma_start3A_475 = tpu.memref_slice %arg6[%add3A_300, %dma_start3A_474] : memref<50048x32xf32, #tpu.memory_space<vmem_shared>> -> memref<64x32xf32, #tpu.memory_space<vmem_shared>>
      %dma_start3A_476 = arith.constant 0 : i32
      %dma_start3A_477 = tpu.memref_slice %arg6[%add3A_300, %dma_start3A_476] : memref<50048x32xf32, #tpu.memory_space<vmem_shared>> -> memref<64x32xf32, #tpu.memory_space<vmem_shared>>
      tpu.enqueue_dma source(%arg14 : memref<64x32xf32, #tpu.memory_space<vmem>>) target(%dma_start3A_477 : memref<64x32xf32, #tpu.memory_space<vmem_shared>>) target_semaphore(%run_scoped3A_473 : memref<!tpu.dma_semaphore, #tpu.memory_space<semaphore_mem>>)
      %dma_wait3A = arith.constant 0 : i32
      %dma_wait3A_478 = tpu.memref_slice %arg6[%add3A_300, %dma_wait3A] : memref<50048x32xf32, #tpu.memory_space<vmem_shared>> -> memref<64x32xf32, #tpu.memory_space<vmem_shared>>
      %dma_wait3A_479 = arith.constant 0 : i32
      %dma_wait3A_480 = tpu.memref_slice %arg6[%add3A_300, %dma_wait3A_479] : memref<50048x32xf32, #tpu.memory_space<vmem_shared>> -> memref<64x32xf32, #tpu.memory_space<vmem_shared>>
      tpu.wait_dma2 semaphore(%run_scoped3A_473 : memref<!tpu.dma_semaphore, #tpu.memory_space<semaphore_mem>>) src(%arg14 : memref<64x32xf32, #tpu.memory_space<vmem>>) dst(%dma_wait3A_480 : memref<64x32xf32, #tpu.memory_space<vmem_shared>>)
      tpu.yield
    }) : () -> ()
    %add3A_301 = arith.constant 1920 : i32
    %add3A_302 = arith.addi %mul3A_240, %add3A_301 : i32
    "tpu.region"() ({
      %run_scoped3A_473 = tpu.sem_alloc : memref<!tpu.dma_semaphore, #tpu.memory_space<semaphore_mem>>
      %dma_start3A_474 = arith.constant 0 : i32
      %dma_start3A_475 = tpu.memref_slice %arg6[%add3A_302, %dma_start3A_474] : memref<50048x32xf32, #tpu.memory_space<vmem_shared>> -> memref<64x32xf32, #tpu.memory_space<vmem_shared>>
      %dma_start3A_476 = arith.constant 0 : i32
      %dma_start3A_477 = tpu.memref_slice %arg6[%add3A_302, %dma_start3A_476] : memref<50048x32xf32, #tpu.memory_space<vmem_shared>> -> memref<64x32xf32, #tpu.memory_space<vmem_shared>>
      tpu.enqueue_dma source(%arg14 : memref<64x32xf32, #tpu.memory_space<vmem>>) target(%dma_start3A_477 : memref<64x32xf32, #tpu.memory_space<vmem_shared>>) target_semaphore(%run_scoped3A_473 : memref<!tpu.dma_semaphore, #tpu.memory_space<semaphore_mem>>)
      %dma_wait3A = arith.constant 0 : i32
      %dma_wait3A_478 = tpu.memref_slice %arg6[%add3A_302, %dma_wait3A] : memref<50048x32xf32, #tpu.memory_space<vmem_shared>> -> memref<64x32xf32, #tpu.memory_space<vmem_shared>>
      %dma_wait3A_479 = arith.constant 0 : i32
      %dma_wait3A_480 = tpu.memref_slice %arg6[%add3A_302, %dma_wait3A_479] : memref<50048x32xf32, #tpu.memory_space<vmem_shared>> -> memref<64x32xf32, #tpu.memory_space<vmem_shared>>
      tpu.wait_dma2 semaphore(%run_scoped3A_473 : memref<!tpu.dma_semaphore, #tpu.memory_space<semaphore_mem>>) src(%arg14 : memref<64x32xf32, #tpu.memory_space<vmem>>) dst(%dma_wait3A_480 : memref<64x32xf32, #tpu.memory_space<vmem_shared>>)
      tpu.yield
    }) : () -> ()
    %add3A_303 = arith.constant 1984 : i32
    %add3A_304 = arith.addi %mul3A_240, %add3A_303 : i32
    "tpu.region"() ({
      %run_scoped3A_473 = tpu.sem_alloc : memref<!tpu.dma_semaphore, #tpu.memory_space<semaphore_mem>>
      %dma_start3A_474 = arith.constant 0 : i32
      %dma_start3A_475 = tpu.memref_slice %arg6[%add3A_304, %dma_start3A_474] : memref<50048x32xf32, #tpu.memory_space<vmem_shared>> -> memref<64x32xf32, #tpu.memory_space<vmem_shared>>
      %dma_start3A_476 = arith.constant 0 : i32
      %dma_start3A_477 = tpu.memref_slice %arg6[%add3A_304, %dma_start3A_476] : memref<50048x32xf32, #tpu.memory_space<vmem_shared>> -> memref<64x32xf32, #tpu.memory_space<vmem_shared>>
      tpu.enqueue_dma source(%arg14 : memref<64x32xf32, #tpu.memory_space<vmem>>) target(%dma_start3A_477 : memref<64x32xf32, #tpu.memory_space<vmem_shared>>) target_semaphore(%run_scoped3A_473 : memref<!tpu.dma_semaphore, #tpu.memory_space<semaphore_mem>>)
      %dma_wait3A = arith.constant 0 : i32
      %dma_wait3A_478 = tpu.memref_slice %arg6[%add3A_304, %dma_wait3A] : memref<50048x32xf32, #tpu.memory_space<vmem_shared>> -> memref<64x32xf32, #tpu.memory_space<vmem_shared>>
      %dma_wait3A_479 = arith.constant 0 : i32
      %dma_wait3A_480 = tpu.memref_slice %arg6[%add3A_304, %dma_wait3A_479] : memref<50048x32xf32, #tpu.memory_space<vmem_shared>> -> memref<64x32xf32, #tpu.memory_space<vmem_shared>>
      tpu.wait_dma2 semaphore(%run_scoped3A_473 : memref<!tpu.dma_semaphore, #tpu.memory_space<semaphore_mem>>) src(%arg14 : memref<64x32xf32, #tpu.memory_space<vmem>>) dst(%dma_wait3A_480 : memref<64x32xf32, #tpu.memory_space<vmem_shared>>)
      tpu.yield
    }) : () -> ()
    %add3A_305 = arith.constant 2048 : i32
    %add3A_306 = arith.addi %mul3A_240, %add3A_305 : i32
    "tpu.region"() ({
      %run_scoped3A_473 = tpu.sem_alloc : memref<!tpu.dma_semaphore, #tpu.memory_space<semaphore_mem>>
      %dma_start3A_474 = arith.constant 0 : i32
      %dma_start3A_475 = tpu.memref_slice %arg6[%add3A_306, %dma_start3A_474] : memref<50048x32xf32, #tpu.memory_space<vmem_shared>> -> memref<64x32xf32, #tpu.memory_space<vmem_shared>>
      %dma_start3A_476 = arith.constant 0 : i32
      %dma_start3A_477 = tpu.memref_slice %arg6[%add3A_306, %dma_start3A_476] : memref<50048x32xf32, #tpu.memory_space<vmem_shared>> -> memref<64x32xf32, #tpu.memory_space<vmem_shared>>
      tpu.enqueue_dma source(%arg14 : memref<64x32xf32, #tpu.memory_space<vmem>>) target(%dma_start3A_477 : memref<64x32xf32, #tpu.memory_space<vmem_shared>>) target_semaphore(%run_scoped3A_473 : memref<!tpu.dma_semaphore, #tpu.memory_space<semaphore_mem>>)
      %dma_wait3A = arith.constant 0 : i32
      %dma_wait3A_478 = tpu.memref_slice %arg6[%add3A_306, %dma_wait3A] : memref<50048x32xf32, #tpu.memory_space<vmem_shared>> -> memref<64x32xf32, #tpu.memory_space<vmem_shared>>
      %dma_wait3A_479 = arith.constant 0 : i32
      %dma_wait3A_480 = tpu.memref_slice %arg6[%add3A_306, %dma_wait3A_479] : memref<50048x32xf32, #tpu.memory_space<vmem_shared>> -> memref<64x32xf32, #tpu.memory_space<vmem_shared>>
      tpu.wait_dma2 semaphore(%run_scoped3A_473 : memref<!tpu.dma_semaphore, #tpu.memory_space<semaphore_mem>>) src(%arg14 : memref<64x32xf32, #tpu.memory_space<vmem>>) dst(%dma_wait3A_480 : memref<64x32xf32, #tpu.memory_space<vmem_shared>>)
      tpu.yield
    }) : () -> ()
    %add3A_307 = arith.constant 2112 : i32
    %add3A_308 = arith.addi %mul3A_240, %add3A_307 : i32
    "tpu.region"() ({
      %run_scoped3A_473 = tpu.sem_alloc : memref<!tpu.dma_semaphore, #tpu.memory_space<semaphore_mem>>
      %dma_start3A_474 = arith.constant 0 : i32
      %dma_start3A_475 = tpu.memref_slice %arg6[%add3A_308, %dma_start3A_474] : memref<50048x32xf32, #tpu.memory_space<vmem_shared>> -> memref<64x32xf32, #tpu.memory_space<vmem_shared>>
      %dma_start3A_476 = arith.constant 0 : i32
      %dma_start3A_477 = tpu.memref_slice %arg6[%add3A_308, %dma_start3A_476] : memref<50048x32xf32, #tpu.memory_space<vmem_shared>> -> memref<64x32xf32, #tpu.memory_space<vmem_shared>>
      tpu.enqueue_dma source(%arg14 : memref<64x32xf32, #tpu.memory_space<vmem>>) target(%dma_start3A_477 : memref<64x32xf32, #tpu.memory_space<vmem_shared>>) target_semaphore(%run_scoped3A_473 : memref<!tpu.dma_semaphore, #tpu.memory_space<semaphore_mem>>)
      %dma_wait3A = arith.constant 0 : i32
      %dma_wait3A_478 = tpu.memref_slice %arg6[%add3A_308, %dma_wait3A] : memref<50048x32xf32, #tpu.memory_space<vmem_shared>> -> memref<64x32xf32, #tpu.memory_space<vmem_shared>>
      %dma_wait3A_479 = arith.constant 0 : i32
      %dma_wait3A_480 = tpu.memref_slice %arg6[%add3A_308, %dma_wait3A_479] : memref<50048x32xf32, #tpu.memory_space<vmem_shared>> -> memref<64x32xf32, #tpu.memory_space<vmem_shared>>
      tpu.wait_dma2 semaphore(%run_scoped3A_473 : memref<!tpu.dma_semaphore, #tpu.memory_space<semaphore_mem>>) src(%arg14 : memref<64x32xf32, #tpu.memory_space<vmem>>) dst(%dma_wait3A_480 : memref<64x32xf32, #tpu.memory_space<vmem_shared>>)
      tpu.yield
    }) : () -> ()
    %add3A_309 = arith.constant 2176 : i32
    %add3A_310 = arith.addi %mul3A_240, %add3A_309 : i32
    "tpu.region"() ({
      %run_scoped3A_473 = tpu.sem_alloc : memref<!tpu.dma_semaphore, #tpu.memory_space<semaphore_mem>>
      %dma_start3A_474 = arith.constant 0 : i32
      %dma_start3A_475 = tpu.memref_slice %arg6[%add3A_310, %dma_start3A_474] : memref<50048x32xf32, #tpu.memory_space<vmem_shared>> -> memref<64x32xf32, #tpu.memory_space<vmem_shared>>
      %dma_start3A_476 = arith.constant 0 : i32
      %dma_start3A_477 = tpu.memref_slice %arg6[%add3A_310, %dma_start3A_476] : memref<50048x32xf32, #tpu.memory_space<vmem_shared>> -> memref<64x32xf32, #tpu.memory_space<vmem_shared>>
      tpu.enqueue_dma source(%arg14 : memref<64x32xf32, #tpu.memory_space<vmem>>) target(%dma_start3A_477 : memref<64x32xf32, #tpu.memory_space<vmem_shared>>) target_semaphore(%run_scoped3A_473 : memref<!tpu.dma_semaphore, #tpu.memory_space<semaphore_mem>>)
      %dma_wait3A = arith.constant 0 : i32
      %dma_wait3A_478 = tpu.memref_slice %arg6[%add3A_310, %dma_wait3A] : memref<50048x32xf32, #tpu.memory_space<vmem_shared>> -> memref<64x32xf32, #tpu.memory_space<vmem_shared>>
      %dma_wait3A_479 = arith.constant 0 : i32
      %dma_wait3A_480 = tpu.memref_slice %arg6[%add3A_310, %dma_wait3A_479] : memref<50048x32xf32, #tpu.memory_space<vmem_shared>> -> memref<64x32xf32, #tpu.memory_space<vmem_shared>>
      tpu.wait_dma2 semaphore(%run_scoped3A_473 : memref<!tpu.dma_semaphore, #tpu.memory_space<semaphore_mem>>) src(%arg14 : memref<64x32xf32, #tpu.memory_space<vmem>>) dst(%dma_wait3A_480 : memref<64x32xf32, #tpu.memory_space<vmem_shared>>)
      tpu.yield
    }) : () -> ()
    %add3A_311 = arith.constant 2240 : i32
    %add3A_312 = arith.addi %mul3A_240, %add3A_311 : i32
    "tpu.region"() ({
      %run_scoped3A_473 = tpu.sem_alloc : memref<!tpu.dma_semaphore, #tpu.memory_space<semaphore_mem>>
      %dma_start3A_474 = arith.constant 0 : i32
      %dma_start3A_475 = tpu.memref_slice %arg6[%add3A_312, %dma_start3A_474] : memref<50048x32xf32, #tpu.memory_space<vmem_shared>> -> memref<64x32xf32, #tpu.memory_space<vmem_shared>>
      %dma_start3A_476 = arith.constant 0 : i32
      %dma_start3A_477 = tpu.memref_slice %arg6[%add3A_312, %dma_start3A_476] : memref<50048x32xf32, #tpu.memory_space<vmem_shared>> -> memref<64x32xf32, #tpu.memory_space<vmem_shared>>
      tpu.enqueue_dma source(%arg14 : memref<64x32xf32, #tpu.memory_space<vmem>>) target(%dma_start3A_477 : memref<64x32xf32, #tpu.memory_space<vmem_shared>>) target_semaphore(%run_scoped3A_473 : memref<!tpu.dma_semaphore, #tpu.memory_space<semaphore_mem>>)
      %dma_wait3A = arith.constant 0 : i32
      %dma_wait3A_478 = tpu.memref_slice %arg6[%add3A_312, %dma_wait3A] : memref<50048x32xf32, #tpu.memory_space<vmem_shared>> -> memref<64x32xf32, #tpu.memory_space<vmem_shared>>
      %dma_wait3A_479 = arith.constant 0 : i32
      %dma_wait3A_480 = tpu.memref_slice %arg6[%add3A_312, %dma_wait3A_479] : memref<50048x32xf32, #tpu.memory_space<vmem_shared>> -> memref<64x32xf32, #tpu.memory_space<vmem_shared>>
      tpu.wait_dma2 semaphore(%run_scoped3A_473 : memref<!tpu.dma_semaphore, #tpu.memory_space<semaphore_mem>>) src(%arg14 : memref<64x32xf32, #tpu.memory_space<vmem>>) dst(%dma_wait3A_480 : memref<64x32xf32, #tpu.memory_space<vmem_shared>>)
      tpu.yield
    }) : () -> ()
    %add3A_313 = arith.constant 2304 : i32
    %add3A_314 = arith.addi %mul3A_240, %add3A_313 : i32
    "tpu.region"() ({
      %run_scoped3A_473 = tpu.sem_alloc : memref<!tpu.dma_semaphore, #tpu.memory_space<semaphore_mem>>
      %dma_start3A_474 = arith.constant 0 : i32
      %dma_start3A_475 = tpu.memref_slice %arg6[%add3A_314, %dma_start3A_474] : memref<50048x32xf32, #tpu.memory_space<vmem_shared>> -> memref<64x32xf32, #tpu.memory_space<vmem_shared>>
      %dma_start3A_476 = arith.constant 0 : i32
      %dma_start3A_477 = tpu.memref_slice %arg6[%add3A_314, %dma_start3A_476] : memref<50048x32xf32, #tpu.memory_space<vmem_shared>> -> memref<64x32xf32, #tpu.memory_space<vmem_shared>>
      tpu.enqueue_dma source(%arg14 : memref<64x32xf32, #tpu.memory_space<vmem>>) target(%dma_start3A_477 : memref<64x32xf32, #tpu.memory_space<vmem_shared>>) target_semaphore(%run_scoped3A_473 : memref<!tpu.dma_semaphore, #tpu.memory_space<semaphore_mem>>)
      %dma_wait3A = arith.constant 0 : i32
      %dma_wait3A_478 = tpu.memref_slice %arg6[%add3A_314, %dma_wait3A] : memref<50048x32xf32, #tpu.memory_space<vmem_shared>> -> memref<64x32xf32, #tpu.memory_space<vmem_shared>>
      %dma_wait3A_479 = arith.constant 0 : i32
      %dma_wait3A_480 = tpu.memref_slice %arg6[%add3A_314, %dma_wait3A_479] : memref<50048x32xf32, #tpu.memory_space<vmem_shared>> -> memref<64x32xf32, #tpu.memory_space<vmem_shared>>
      tpu.wait_dma2 semaphore(%run_scoped3A_473 : memref<!tpu.dma_semaphore, #tpu.memory_space<semaphore_mem>>) src(%arg14 : memref<64x32xf32, #tpu.memory_space<vmem>>) dst(%dma_wait3A_480 : memref<64x32xf32, #tpu.memory_space<vmem_shared>>)
      tpu.yield
    }) : () -> ()
    %add3A_315 = arith.constant 2368 : i32
    %add3A_316 = arith.addi %mul3A_240, %add3A_315 : i32
    "tpu.region"() ({
      %run_scoped3A_473 = tpu.sem_alloc : memref<!tpu.dma_semaphore, #tpu.memory_space<semaphore_mem>>
      %dma_start3A_474 = arith.constant 0 : i32
      %dma_start3A_475 = tpu.memref_slice %arg6[%add3A_316, %dma_start3A_474] : memref<50048x32xf32, #tpu.memory_space<vmem_shared>> -> memref<64x32xf32, #tpu.memory_space<vmem_shared>>
      %dma_start3A_476 = arith.constant 0 : i32
      %dma_start3A_477 = tpu.memref_slice %arg6[%add3A_316, %dma_start3A_476] : memref<50048x32xf32, #tpu.memory_space<vmem_shared>> -> memref<64x32xf32, #tpu.memory_space<vmem_shared>>
      tpu.enqueue_dma source(%arg14 : memref<64x32xf32, #tpu.memory_space<vmem>>) target(%dma_start3A_477 : memref<64x32xf32, #tpu.memory_space<vmem_shared>>) target_semaphore(%run_scoped3A_473 : memref<!tpu.dma_semaphore, #tpu.memory_space<semaphore_mem>>)
      %dma_wait3A = arith.constant 0 : i32
      %dma_wait3A_478 = tpu.memref_slice %arg6[%add3A_316, %dma_wait3A] : memref<50048x32xf32, #tpu.memory_space<vmem_shared>> -> memref<64x32xf32, #tpu.memory_space<vmem_shared>>
      %dma_wait3A_479 = arith.constant 0 : i32
      %dma_wait3A_480 = tpu.memref_slice %arg6[%add3A_316, %dma_wait3A_479] : memref<50048x32xf32, #tpu.memory_space<vmem_shared>> -> memref<64x32xf32, #tpu.memory_space<vmem_shared>>
      tpu.wait_dma2 semaphore(%run_scoped3A_473 : memref<!tpu.dma_semaphore, #tpu.memory_space<semaphore_mem>>) src(%arg14 : memref<64x32xf32, #tpu.memory_space<vmem>>) dst(%dma_wait3A_480 : memref<64x32xf32, #tpu.memory_space<vmem_shared>>)
      tpu.yield
    }) : () -> ()
    %add3A_317 = arith.constant 2432 : i32
    %add3A_318 = arith.addi %mul3A_240, %add3A_317 : i32
    "tpu.region"() ({
      %run_scoped3A_473 = tpu.sem_alloc : memref<!tpu.dma_semaphore, #tpu.memory_space<semaphore_mem>>
      %dma_start3A_474 = arith.constant 0 : i32
      %dma_start3A_475 = tpu.memref_slice %arg6[%add3A_318, %dma_start3A_474] : memref<50048x32xf32, #tpu.memory_space<vmem_shared>> -> memref<64x32xf32, #tpu.memory_space<vmem_shared>>
      %dma_start3A_476 = arith.constant 0 : i32
      %dma_start3A_477 = tpu.memref_slice %arg6[%add3A_318, %dma_start3A_476] : memref<50048x32xf32, #tpu.memory_space<vmem_shared>> -> memref<64x32xf32, #tpu.memory_space<vmem_shared>>
      tpu.enqueue_dma source(%arg14 : memref<64x32xf32, #tpu.memory_space<vmem>>) target(%dma_start3A_477 : memref<64x32xf32, #tpu.memory_space<vmem_shared>>) target_semaphore(%run_scoped3A_473 : memref<!tpu.dma_semaphore, #tpu.memory_space<semaphore_mem>>)
      %dma_wait3A = arith.constant 0 : i32
      %dma_wait3A_478 = tpu.memref_slice %arg6[%add3A_318, %dma_wait3A] : memref<50048x32xf32, #tpu.memory_space<vmem_shared>> -> memref<64x32xf32, #tpu.memory_space<vmem_shared>>
      %dma_wait3A_479 = arith.constant 0 : i32
      %dma_wait3A_480 = tpu.memref_slice %arg6[%add3A_318, %dma_wait3A_479] : memref<50048x32xf32, #tpu.memory_space<vmem_shared>> -> memref<64x32xf32, #tpu.memory_space<vmem_shared>>
      tpu.wait_dma2 semaphore(%run_scoped3A_473 : memref<!tpu.dma_semaphore, #tpu.memory_space<semaphore_mem>>) src(%arg14 : memref<64x32xf32, #tpu.memory_space<vmem>>) dst(%dma_wait3A_480 : memref<64x32xf32, #tpu.memory_space<vmem_shared>>)
      tpu.yield
    }) : () -> ()
    %add3A_319 = arith.constant 2496 : i32
    %add3A_320 = arith.addi %mul3A_240, %add3A_319 : i32
    "tpu.region"() ({
      %run_scoped3A_473 = tpu.sem_alloc : memref<!tpu.dma_semaphore, #tpu.memory_space<semaphore_mem>>
      %dma_start3A_474 = arith.constant 0 : i32
      %dma_start3A_475 = tpu.memref_slice %arg6[%add3A_320, %dma_start3A_474] : memref<50048x32xf32, #tpu.memory_space<vmem_shared>> -> memref<64x32xf32, #tpu.memory_space<vmem_shared>>
      %dma_start3A_476 = arith.constant 0 : i32
      %dma_start3A_477 = tpu.memref_slice %arg6[%add3A_320, %dma_start3A_476] : memref<50048x32xf32, #tpu.memory_space<vmem_shared>> -> memref<64x32xf32, #tpu.memory_space<vmem_shared>>
      tpu.enqueue_dma source(%arg14 : memref<64x32xf32, #tpu.memory_space<vmem>>) target(%dma_start3A_477 : memref<64x32xf32, #tpu.memory_space<vmem_shared>>) target_semaphore(%run_scoped3A_473 : memref<!tpu.dma_semaphore, #tpu.memory_space<semaphore_mem>>)
      %dma_wait3A = arith.constant 0 : i32
      %dma_wait3A_478 = tpu.memref_slice %arg6[%add3A_320, %dma_wait3A] : memref<50048x32xf32, #tpu.memory_space<vmem_shared>> -> memref<64x32xf32, #tpu.memory_space<vmem_shared>>
      %dma_wait3A_479 = arith.constant 0 : i32
      %dma_wait3A_480 = tpu.memref_slice %arg6[%add3A_320, %dma_wait3A_479] : memref<50048x32xf32, #tpu.memory_space<vmem_shared>> -> memref<64x32xf32, #tpu.memory_space<vmem_shared>>
      tpu.wait_dma2 semaphore(%run_scoped3A_473 : memref<!tpu.dma_semaphore, #tpu.memory_space<semaphore_mem>>) src(%arg14 : memref<64x32xf32, #tpu.memory_space<vmem>>) dst(%dma_wait3A_480 : memref<64x32xf32, #tpu.memory_space<vmem_shared>>)
      tpu.yield
    }) : () -> ()
    %add3A_321 = arith.constant 2560 : i32
    %add3A_322 = arith.addi %mul3A_240, %add3A_321 : i32
    "tpu.region"() ({
      %run_scoped3A_473 = tpu.sem_alloc : memref<!tpu.dma_semaphore, #tpu.memory_space<semaphore_mem>>
      %dma_start3A_474 = arith.constant 0 : i32
      %dma_start3A_475 = tpu.memref_slice %arg6[%add3A_322, %dma_start3A_474] : memref<50048x32xf32, #tpu.memory_space<vmem_shared>> -> memref<64x32xf32, #tpu.memory_space<vmem_shared>>
      %dma_start3A_476 = arith.constant 0 : i32
      %dma_start3A_477 = tpu.memref_slice %arg6[%add3A_322, %dma_start3A_476] : memref<50048x32xf32, #tpu.memory_space<vmem_shared>> -> memref<64x32xf32, #tpu.memory_space<vmem_shared>>
      tpu.enqueue_dma source(%arg14 : memref<64x32xf32, #tpu.memory_space<vmem>>) target(%dma_start3A_477 : memref<64x32xf32, #tpu.memory_space<vmem_shared>>) target_semaphore(%run_scoped3A_473 : memref<!tpu.dma_semaphore, #tpu.memory_space<semaphore_mem>>)
      %dma_wait3A = arith.constant 0 : i32
      %dma_wait3A_478 = tpu.memref_slice %arg6[%add3A_322, %dma_wait3A] : memref<50048x32xf32, #tpu.memory_space<vmem_shared>> -> memref<64x32xf32, #tpu.memory_space<vmem_shared>>
      %dma_wait3A_479 = arith.constant 0 : i32
      %dma_wait3A_480 = tpu.memref_slice %arg6[%add3A_322, %dma_wait3A_479] : memref<50048x32xf32, #tpu.memory_space<vmem_shared>> -> memref<64x32xf32, #tpu.memory_space<vmem_shared>>
      tpu.wait_dma2 semaphore(%run_scoped3A_473 : memref<!tpu.dma_semaphore, #tpu.memory_space<semaphore_mem>>) src(%arg14 : memref<64x32xf32, #tpu.memory_space<vmem>>) dst(%dma_wait3A_480 : memref<64x32xf32, #tpu.memory_space<vmem_shared>>)
      tpu.yield
    }) : () -> ()
    %add3A_323 = arith.constant 2624 : i32
    %add3A_324 = arith.addi %mul3A_240, %add3A_323 : i32
    "tpu.region"() ({
      %run_scoped3A_473 = tpu.sem_alloc : memref<!tpu.dma_semaphore, #tpu.memory_space<semaphore_mem>>
      %dma_start3A_474 = arith.constant 0 : i32
      %dma_start3A_475 = tpu.memref_slice %arg6[%add3A_324, %dma_start3A_474] : memref<50048x32xf32, #tpu.memory_space<vmem_shared>> -> memref<64x32xf32, #tpu.memory_space<vmem_shared>>
      %dma_start3A_476 = arith.constant 0 : i32
      %dma_start3A_477 = tpu.memref_slice %arg6[%add3A_324, %dma_start3A_476] : memref<50048x32xf32, #tpu.memory_space<vmem_shared>> -> memref<64x32xf32, #tpu.memory_space<vmem_shared>>
      tpu.enqueue_dma source(%arg14 : memref<64x32xf32, #tpu.memory_space<vmem>>) target(%dma_start3A_477 : memref<64x32xf32, #tpu.memory_space<vmem_shared>>) target_semaphore(%run_scoped3A_473 : memref<!tpu.dma_semaphore, #tpu.memory_space<semaphore_mem>>)
      %dma_wait3A = arith.constant 0 : i32
      %dma_wait3A_478 = tpu.memref_slice %arg6[%add3A_324, %dma_wait3A] : memref<50048x32xf32, #tpu.memory_space<vmem_shared>> -> memref<64x32xf32, #tpu.memory_space<vmem_shared>>
      %dma_wait3A_479 = arith.constant 0 : i32
      %dma_wait3A_480 = tpu.memref_slice %arg6[%add3A_324, %dma_wait3A_479] : memref<50048x32xf32, #tpu.memory_space<vmem_shared>> -> memref<64x32xf32, #tpu.memory_space<vmem_shared>>
      tpu.wait_dma2 semaphore(%run_scoped3A_473 : memref<!tpu.dma_semaphore, #tpu.memory_space<semaphore_mem>>) src(%arg14 : memref<64x32xf32, #tpu.memory_space<vmem>>) dst(%dma_wait3A_480 : memref<64x32xf32, #tpu.memory_space<vmem_shared>>)
      tpu.yield
    }) : () -> ()
    %add3A_325 = arith.constant 2688 : i32
    %add3A_326 = arith.addi %mul3A_240, %add3A_325 : i32
    "tpu.region"() ({
      %run_scoped3A_473 = tpu.sem_alloc : memref<!tpu.dma_semaphore, #tpu.memory_space<semaphore_mem>>
      %dma_start3A_474 = arith.constant 0 : i32
      %dma_start3A_475 = tpu.memref_slice %arg6[%add3A_326, %dma_start3A_474] : memref<50048x32xf32, #tpu.memory_space<vmem_shared>> -> memref<64x32xf32, #tpu.memory_space<vmem_shared>>
      %dma_start3A_476 = arith.constant 0 : i32
      %dma_start3A_477 = tpu.memref_slice %arg6[%add3A_326, %dma_start3A_476] : memref<50048x32xf32, #tpu.memory_space<vmem_shared>> -> memref<64x32xf32, #tpu.memory_space<vmem_shared>>
      tpu.enqueue_dma source(%arg14 : memref<64x32xf32, #tpu.memory_space<vmem>>) target(%dma_start3A_477 : memref<64x32xf32, #tpu.memory_space<vmem_shared>>) target_semaphore(%run_scoped3A_473 : memref<!tpu.dma_semaphore, #tpu.memory_space<semaphore_mem>>)
      %dma_wait3A = arith.constant 0 : i32
      %dma_wait3A_478 = tpu.memref_slice %arg6[%add3A_326, %dma_wait3A] : memref<50048x32xf32, #tpu.memory_space<vmem_shared>> -> memref<64x32xf32, #tpu.memory_space<vmem_shared>>
      %dma_wait3A_479 = arith.constant 0 : i32
      %dma_wait3A_480 = tpu.memref_slice %arg6[%add3A_326, %dma_wait3A_479] : memref<50048x32xf32, #tpu.memory_space<vmem_shared>> -> memref<64x32xf32, #tpu.memory_space<vmem_shared>>
      tpu.wait_dma2 semaphore(%run_scoped3A_473 : memref<!tpu.dma_semaphore, #tpu.memory_space<semaphore_mem>>) src(%arg14 : memref<64x32xf32, #tpu.memory_space<vmem>>) dst(%dma_wait3A_480 : memref<64x32xf32, #tpu.memory_space<vmem_shared>>)
      tpu.yield
    }) : () -> ()
    %add3A_327 = arith.constant 2752 : i32
    %add3A_328 = arith.addi %mul3A_240, %add3A_327 : i32
    "tpu.region"() ({
      %run_scoped3A_473 = tpu.sem_alloc : memref<!tpu.dma_semaphore, #tpu.memory_space<semaphore_mem>>
      %dma_start3A_474 = arith.constant 0 : i32
      %dma_start3A_475 = tpu.memref_slice %arg6[%add3A_328, %dma_start3A_474] : memref<50048x32xf32, #tpu.memory_space<vmem_shared>> -> memref<64x32xf32, #tpu.memory_space<vmem_shared>>
      %dma_start3A_476 = arith.constant 0 : i32
      %dma_start3A_477 = tpu.memref_slice %arg6[%add3A_328, %dma_start3A_476] : memref<50048x32xf32, #tpu.memory_space<vmem_shared>> -> memref<64x32xf32, #tpu.memory_space<vmem_shared>>
      tpu.enqueue_dma source(%arg14 : memref<64x32xf32, #tpu.memory_space<vmem>>) target(%dma_start3A_477 : memref<64x32xf32, #tpu.memory_space<vmem_shared>>) target_semaphore(%run_scoped3A_473 : memref<!tpu.dma_semaphore, #tpu.memory_space<semaphore_mem>>)
      %dma_wait3A = arith.constant 0 : i32
      %dma_wait3A_478 = tpu.memref_slice %arg6[%add3A_328, %dma_wait3A] : memref<50048x32xf32, #tpu.memory_space<vmem_shared>> -> memref<64x32xf32, #tpu.memory_space<vmem_shared>>
      %dma_wait3A_479 = arith.constant 0 : i32
      %dma_wait3A_480 = tpu.memref_slice %arg6[%add3A_328, %dma_wait3A_479] : memref<50048x32xf32, #tpu.memory_space<vmem_shared>> -> memref<64x32xf32, #tpu.memory_space<vmem_shared>>
      tpu.wait_dma2 semaphore(%run_scoped3A_473 : memref<!tpu.dma_semaphore, #tpu.memory_space<semaphore_mem>>) src(%arg14 : memref<64x32xf32, #tpu.memory_space<vmem>>) dst(%dma_wait3A_480 : memref<64x32xf32, #tpu.memory_space<vmem_shared>>)
      tpu.yield
    }) : () -> ()
    %add3A_329 = arith.constant 2816 : i32
    %add3A_330 = arith.addi %mul3A_240, %add3A_329 : i32
    "tpu.region"() ({
      %run_scoped3A_473 = tpu.sem_alloc : memref<!tpu.dma_semaphore, #tpu.memory_space<semaphore_mem>>
      %dma_start3A_474 = arith.constant 0 : i32
      %dma_start3A_475 = tpu.memref_slice %arg6[%add3A_330, %dma_start3A_474] : memref<50048x32xf32, #tpu.memory_space<vmem_shared>> -> memref<64x32xf32, #tpu.memory_space<vmem_shared>>
      %dma_start3A_476 = arith.constant 0 : i32
      %dma_start3A_477 = tpu.memref_slice %arg6[%add3A_330, %dma_start3A_476] : memref<50048x32xf32, #tpu.memory_space<vmem_shared>> -> memref<64x32xf32, #tpu.memory_space<vmem_shared>>
      tpu.enqueue_dma source(%arg14 : memref<64x32xf32, #tpu.memory_space<vmem>>) target(%dma_start3A_477 : memref<64x32xf32, #tpu.memory_space<vmem_shared>>) target_semaphore(%run_scoped3A_473 : memref<!tpu.dma_semaphore, #tpu.memory_space<semaphore_mem>>)
      %dma_wait3A = arith.constant 0 : i32
      %dma_wait3A_478 = tpu.memref_slice %arg6[%add3A_330, %dma_wait3A] : memref<50048x32xf32, #tpu.memory_space<vmem_shared>> -> memref<64x32xf32, #tpu.memory_space<vmem_shared>>
      %dma_wait3A_479 = arith.constant 0 : i32
      %dma_wait3A_480 = tpu.memref_slice %arg6[%add3A_330, %dma_wait3A_479] : memref<50048x32xf32, #tpu.memory_space<vmem_shared>> -> memref<64x32xf32, #tpu.memory_space<vmem_shared>>
      tpu.wait_dma2 semaphore(%run_scoped3A_473 : memref<!tpu.dma_semaphore, #tpu.memory_space<semaphore_mem>>) src(%arg14 : memref<64x32xf32, #tpu.memory_space<vmem>>) dst(%dma_wait3A_480 : memref<64x32xf32, #tpu.memory_space<vmem_shared>>)
      tpu.yield
    }) : () -> ()
    %add3A_331 = arith.constant 2880 : i32
    %add3A_332 = arith.addi %mul3A_240, %add3A_331 : i32
    "tpu.region"() ({
      %run_scoped3A_473 = tpu.sem_alloc : memref<!tpu.dma_semaphore, #tpu.memory_space<semaphore_mem>>
      %dma_start3A_474 = arith.constant 0 : i32
      %dma_start3A_475 = tpu.memref_slice %arg6[%add3A_332, %dma_start3A_474] : memref<50048x32xf32, #tpu.memory_space<vmem_shared>> -> memref<64x32xf32, #tpu.memory_space<vmem_shared>>
      %dma_start3A_476 = arith.constant 0 : i32
      %dma_start3A_477 = tpu.memref_slice %arg6[%add3A_332, %dma_start3A_476] : memref<50048x32xf32, #tpu.memory_space<vmem_shared>> -> memref<64x32xf32, #tpu.memory_space<vmem_shared>>
      tpu.enqueue_dma source(%arg14 : memref<64x32xf32, #tpu.memory_space<vmem>>) target(%dma_start3A_477 : memref<64x32xf32, #tpu.memory_space<vmem_shared>>) target_semaphore(%run_scoped3A_473 : memref<!tpu.dma_semaphore, #tpu.memory_space<semaphore_mem>>)
      %dma_wait3A = arith.constant 0 : i32
      %dma_wait3A_478 = tpu.memref_slice %arg6[%add3A_332, %dma_wait3A] : memref<50048x32xf32, #tpu.memory_space<vmem_shared>> -> memref<64x32xf32, #tpu.memory_space<vmem_shared>>
      %dma_wait3A_479 = arith.constant 0 : i32
      %dma_wait3A_480 = tpu.memref_slice %arg6[%add3A_332, %dma_wait3A_479] : memref<50048x32xf32, #tpu.memory_space<vmem_shared>> -> memref<64x32xf32, #tpu.memory_space<vmem_shared>>
      tpu.wait_dma2 semaphore(%run_scoped3A_473 : memref<!tpu.dma_semaphore, #tpu.memory_space<semaphore_mem>>) src(%arg14 : memref<64x32xf32, #tpu.memory_space<vmem>>) dst(%dma_wait3A_480 : memref<64x32xf32, #tpu.memory_space<vmem_shared>>)
      tpu.yield
    }) : () -> ()
    %add3A_333 = arith.constant 2944 : i32
    %add3A_334 = arith.addi %mul3A_240, %add3A_333 : i32
    "tpu.region"() ({
      %run_scoped3A_473 = tpu.sem_alloc : memref<!tpu.dma_semaphore, #tpu.memory_space<semaphore_mem>>
      %dma_start3A_474 = arith.constant 0 : i32
      %dma_start3A_475 = tpu.memref_slice %arg6[%add3A_334, %dma_start3A_474] : memref<50048x32xf32, #tpu.memory_space<vmem_shared>> -> memref<64x32xf32, #tpu.memory_space<vmem_shared>>
      %dma_start3A_476 = arith.constant 0 : i32
      %dma_start3A_477 = tpu.memref_slice %arg6[%add3A_334, %dma_start3A_476] : memref<50048x32xf32, #tpu.memory_space<vmem_shared>> -> memref<64x32xf32, #tpu.memory_space<vmem_shared>>
      tpu.enqueue_dma source(%arg14 : memref<64x32xf32, #tpu.memory_space<vmem>>) target(%dma_start3A_477 : memref<64x32xf32, #tpu.memory_space<vmem_shared>>) target_semaphore(%run_scoped3A_473 : memref<!tpu.dma_semaphore, #tpu.memory_space<semaphore_mem>>)
      %dma_wait3A = arith.constant 0 : i32
      %dma_wait3A_478 = tpu.memref_slice %arg6[%add3A_334, %dma_wait3A] : memref<50048x32xf32, #tpu.memory_space<vmem_shared>> -> memref<64x32xf32, #tpu.memory_space<vmem_shared>>
      %dma_wait3A_479 = arith.constant 0 : i32
      %dma_wait3A_480 = tpu.memref_slice %arg6[%add3A_334, %dma_wait3A_479] : memref<50048x32xf32, #tpu.memory_space<vmem_shared>> -> memref<64x32xf32, #tpu.memory_space<vmem_shared>>
      tpu.wait_dma2 semaphore(%run_scoped3A_473 : memref<!tpu.dma_semaphore, #tpu.memory_space<semaphore_mem>>) src(%arg14 : memref<64x32xf32, #tpu.memory_space<vmem>>) dst(%dma_wait3A_480 : memref<64x32xf32, #tpu.memory_space<vmem_shared>>)
      tpu.yield
    }) : () -> ()
    %add3A_335 = arith.constant 3008 : i32
    %add3A_336 = arith.addi %mul3A_240, %add3A_335 : i32
    "tpu.region"() ({
      %run_scoped3A_473 = tpu.sem_alloc : memref<!tpu.dma_semaphore, #tpu.memory_space<semaphore_mem>>
      %dma_start3A_474 = arith.constant 0 : i32
      %dma_start3A_475 = tpu.memref_slice %arg6[%add3A_336, %dma_start3A_474] : memref<50048x32xf32, #tpu.memory_space<vmem_shared>> -> memref<64x32xf32, #tpu.memory_space<vmem_shared>>
      %dma_start3A_476 = arith.constant 0 : i32
      %dma_start3A_477 = tpu.memref_slice %arg6[%add3A_336, %dma_start3A_476] : memref<50048x32xf32, #tpu.memory_space<vmem_shared>> -> memref<64x32xf32, #tpu.memory_space<vmem_shared>>
      tpu.enqueue_dma source(%arg14 : memref<64x32xf32, #tpu.memory_space<vmem>>) target(%dma_start3A_477 : memref<64x32xf32, #tpu.memory_space<vmem_shared>>) target_semaphore(%run_scoped3A_473 : memref<!tpu.dma_semaphore, #tpu.memory_space<semaphore_mem>>)
      %dma_wait3A = arith.constant 0 : i32
      %dma_wait3A_478 = tpu.memref_slice %arg6[%add3A_336, %dma_wait3A] : memref<50048x32xf32, #tpu.memory_space<vmem_shared>> -> memref<64x32xf32, #tpu.memory_space<vmem_shared>>
      %dma_wait3A_479 = arith.constant 0 : i32
      %dma_wait3A_480 = tpu.memref_slice %arg6[%add3A_336, %dma_wait3A_479] : memref<50048x32xf32, #tpu.memory_space<vmem_shared>> -> memref<64x32xf32, #tpu.memory_space<vmem_shared>>
      tpu.wait_dma2 semaphore(%run_scoped3A_473 : memref<!tpu.dma_semaphore, #tpu.memory_space<semaphore_mem>>) src(%arg14 : memref<64x32xf32, #tpu.memory_space<vmem>>) dst(%dma_wait3A_480 : memref<64x32xf32, #tpu.memory_space<vmem_shared>>)
      tpu.yield
    }) : () -> ()
    %add3A_337 = arith.constant 3072 : i32
    %add3A_338 = arith.addi %mul3A_240, %add3A_337 : i32
    "tpu.region"() ({
      %run_scoped3A_473 = tpu.sem_alloc : memref<!tpu.dma_semaphore, #tpu.memory_space<semaphore_mem>>
      %dma_start3A_474 = arith.constant 0 : i32
      %dma_start3A_475 = arith.constant 0 : i32
      %dma_start3A_476 = tpu.memref_slice %arg14[%dma_start3A_474, %dma_start3A_475] : memref<64x32xf32, #tpu.memory_space<vmem>> -> memref<56x32xf32, #tpu.memory_space<vmem>>
      %dma_start3A_477 = arith.constant 0 : i32
      %dma_start3A_478 = tpu.memref_slice %arg6[%add3A_338, %dma_start3A_477] : memref<50048x32xf32, #tpu.memory_space<vmem_shared>> -> memref<56x32xf32, #tpu.memory_space<vmem_shared>>
      %dma_start3A_479 = arith.constant 0 : i32
      %dma_start3A_480 = tpu.memref_slice %arg6[%add3A_338, %dma_start3A_479] : memref<50048x32xf32, #tpu.memory_space<vmem_shared>> -> memref<56x32xf32, #tpu.memory_space<vmem_shared>>
      %dma_start3A_481 = arith.constant 0 : i32
      %dma_start3A_482 = arith.constant 0 : i32
      %dma_start3A_483 = tpu.memref_slice %arg14[%dma_start3A_481, %dma_start3A_482] : memref<64x32xf32, #tpu.memory_space<vmem>> -> memref<56x32xf32, #tpu.memory_space<vmem>>
      tpu.enqueue_dma source(%dma_start3A_483 : memref<56x32xf32, #tpu.memory_space<vmem>>) target(%dma_start3A_480 : memref<56x32xf32, #tpu.memory_space<vmem_shared>>) target_semaphore(%run_scoped3A_473 : memref<!tpu.dma_semaphore, #tpu.memory_space<semaphore_mem>>)
      %dma_wait3A = arith.constant 0 : i32
      %dma_wait3A_484 = arith.constant 0 : i32
      %dma_wait3A_485 = tpu.memref_slice %arg14[%dma_wait3A, %dma_wait3A_484] : memref<64x32xf32, #tpu.memory_space<vmem>> -> memref<56x32xf32, #tpu.memory_space<vmem>>
      %dma_wait3A_486 = arith.constant 0 : i32
      %dma_wait3A_487 = tpu.memref_slice %arg6[%add3A_338, %dma_wait3A_486] : memref<50048x32xf32, #tpu.memory_space<vmem_shared>> -> memref<56x32xf32, #tpu.memory_space<vmem_shared>>
      %dma_wait3A_488 = arith.constant 0 : i32
      %dma_wait3A_489 = tpu.memref_slice %arg6[%add3A_338, %dma_wait3A_488] : memref<50048x32xf32, #tpu.memory_space<vmem_shared>> -> memref<56x32xf32, #tpu.memory_space<vmem_shared>>
      %dma_wait3A_490 = arith.constant 0 : i32
      %dma_wait3A_491 = arith.constant 0 : i32
      %dma_wait3A_492 = tpu.memref_slice %arg14[%dma_wait3A_490, %dma_wait3A_491] : memref<64x32xf32, #tpu.memory_space<vmem>> -> memref<56x32xf32, #tpu.memory_space<vmem>>
      tpu.wait_dma2 semaphore(%run_scoped3A_473 : memref<!tpu.dma_semaphore, #tpu.memory_space<semaphore_mem>>) src(%dma_wait3A_492 : memref<56x32xf32, #tpu.memory_space<vmem>>) dst(%dma_wait3A_489 : memref<56x32xf32, #tpu.memory_space<vmem_shared>>)
      tpu.yield
    }) : () -> ()
    %barrier3A_339 = arith.constant 0 : index
    tpu.barrier barrier_id(%barrier3A_339)
    "tpu.region"() ({
      %run_scoped3A_473 = tpu.sem_alloc : memref<!tpu.dma_semaphore, #tpu.memory_space<semaphore_mem>>
      %dma_start3A_474 = tpu.memref_slice %arg2[%mul3A_0] : memref<802816xi32, #tpu.memory_space<hbm>> -> memref<128xi32, #tpu.memory_space<hbm>>
      %dma_start3A_475 = tpu.memref_slice %arg2[%mul3A_0] : memref<802816xi32, #tpu.memory_space<hbm>> -> memref<128xi32, #tpu.memory_space<hbm>>
      tpu.enqueue_dma source(%dma_start3A_475 : memref<128xi32, #tpu.memory_space<hbm>>) target(%arg7 : memref<128xi32, #tpu.memory_space<vmem>>) target_semaphore(%run_scoped3A_473 : memref<!tpu.dma_semaphore, #tpu.memory_space<semaphore_mem>>)
      %dma_wait3A = tpu.memref_slice %arg2[%mul3A_0] : memref<802816xi32, #tpu.memory_space<hbm>> -> memref<128xi32, #tpu.memory_space<hbm>>
      %dma_wait3A_476 = tpu.memref_slice %arg2[%mul3A_0] : memref<802816xi32, #tpu.memory_space<hbm>> -> memref<128xi32, #tpu.memory_space<hbm>>
      tpu.wait_dma2 semaphore(%run_scoped3A_473 : memref<!tpu.dma_semaphore, #tpu.memory_space<semaphore_mem>>) src(%dma_wait3A_476 : memref<128xi32, #tpu.memory_space<hbm>>) dst(%arg7 : memref<128xi32, #tpu.memory_space<vmem>>)
      tpu.yield
    }) : () -> ()
    %run_scoped3A_340 = arith.constant 0 : i32
    "tpu.region"() ({
      %run_scoped3A_473 = tpu.sem_alloc : memref<!tpu.dma_semaphore, #tpu.memory_space<semaphore_mem>>
      %dma_start3A_474 = arith.constant 0 : i32
      %dma_start3A_475 = tpu.memref_slice %arg9[%run_scoped3A_340, %dma_start3A_474] : memref<2x128xi32, #tpu.memory_space<vmem>> -> memref<1x128xi32, #tpu.memory_space<vmem>>
      %dma_start3A_476 = tpu.memref_squeeze %dma_start3A_475 : memref<1x128xi32, #tpu.memory_space<vmem>> -> memref<128xi32, #tpu.memory_space<vmem>>
      %dma_start3A_477 = tpu.memref_slice %arg3[%mul3A_0] : memref<802816xi32, #tpu.memory_space<hbm>> -> memref<128xi32, #tpu.memory_space<hbm>>
      %dma_start3A_478 = arith.constant 0 : i32
      %dma_start3A_479 = tpu.memref_slice %arg9[%run_scoped3A_340, %dma_start3A_478] : memref<2x128xi32, #tpu.memory_space<vmem>> -> memref<1x128xi32, #tpu.memory_space<vmem>>
      %dma_start3A_480 = tpu.memref_squeeze %dma_start3A_479 : memref<1x128xi32, #tpu.memory_space<vmem>> -> memref<128xi32, #tpu.memory_space<vmem>>
      %dma_start3A_481 = tpu.memref_slice %arg3[%mul3A_0] : memref<802816xi32, #tpu.memory_space<hbm>> -> memref<128xi32, #tpu.memory_space<hbm>>
      tpu.enqueue_dma source(%dma_start3A_481 : memref<128xi32, #tpu.memory_space<hbm>>) target(%dma_start3A_480 : memref<128xi32, #tpu.memory_space<vmem>>) target_semaphore(%run_scoped3A_473 : memref<!tpu.dma_semaphore, #tpu.memory_space<semaphore_mem>>)
      %dma_wait3A = arith.constant 0 : i32
      %dma_wait3A_482 = tpu.memref_slice %arg9[%run_scoped3A_340, %dma_wait3A] : memref<2x128xi32, #tpu.memory_space<vmem>> -> memref<1x128xi32, #tpu.memory_space<vmem>>
      %dma_wait3A_483 = tpu.memref_squeeze %dma_wait3A_482 : memref<1x128xi32, #tpu.memory_space<vmem>> -> memref<128xi32, #tpu.memory_space<vmem>>
      %dma_wait3A_484 = tpu.memref_slice %arg3[%mul3A_0] : memref<802816xi32, #tpu.memory_space<hbm>> -> memref<128xi32, #tpu.memory_space<hbm>>
      %dma_wait3A_485 = arith.constant 0 : i32
      %dma_wait3A_486 = tpu.memref_slice %arg9[%run_scoped3A_340, %dma_wait3A_485] : memref<2x128xi32, #tpu.memory_space<vmem>> -> memref<1x128xi32, #tpu.memory_space<vmem>>
      %dma_wait3A_487 = tpu.memref_squeeze %dma_wait3A_486 : memref<1x128xi32, #tpu.memory_space<vmem>> -> memref<128xi32, #tpu.memory_space<vmem>>
      %dma_wait3A_488 = tpu.memref_slice %arg3[%mul3A_0] : memref<802816xi32, #tpu.memory_space<hbm>> -> memref<128xi32, #tpu.memory_space<hbm>>
      tpu.wait_dma2 semaphore(%run_scoped3A_473 : memref<!tpu.dma_semaphore, #tpu.memory_space<semaphore_mem>>) src(%dma_wait3A_488 : memref<128xi32, #tpu.memory_space<hbm>>) dst(%dma_wait3A_487 : memref<128xi32, #tpu.memory_space<vmem>>)
      tpu.yield
    }) : () -> ()
    %get3A_341 = arith.constant 0 : index
    %get3A_342 = tpu.vector_load %arg7[%get3A_341] {strides = array<i32>} : memref<128xi32, #tpu.memory_space<vmem>>, vector<16xi32>,
    %get3A_343 = vector.shape_cast %get3A_342 : vector<16xi32> to vector<16xi32>
    %mul3A_344 = arith.constant 4 : i32
    %mul3A_345 = vector.broadcast %mul3A_344 : i32 to vector<16xi32>
    %mul3A_346 = arith.muli %get3A_343, %mul3A_345 : vector<16xi32>
    %add3A_347 = vector.broadcast %add3A_236 : i32 to vector<16xi32>
    %add3A_348 = arith.addi %mul3A_346, %add3A_347 : vector<16xi32>
    %swap3A_349 = arith.constant 0 : index
    %swap3A_350 = tpu.vector_load %arg10[%swap3A_349] {strides = array<i32>} : memref<128xi32, #tpu.memory_space<vmem>>, vector<16xi32>,
    %swap3A_351 = vector.shape_cast %swap3A_350 : vector<16xi32> to vector<16xi32>
    %swap3A_352 = vector.shape_cast %add3A_348 : vector<16xi32> to vector<16xi32>
    tpu.vector_store %arg10[%swap3A_349], %swap3A_352 {strides = array<i32>} : memref<128xi32, #tpu.memory_space<vmem>>, vector<16xi32>,
    %get3A_353 = arith.constant 16 : index
    %get3A_354 = tpu.vector_load %arg7[%get3A_353] {strides = array<i32>} : memref<128xi32, #tpu.memory_space<vmem>>, vector<16xi32>,
    %get3A_355 = vector.shape_cast %get3A_354 : vector<16xi32> to vector<16xi32>
    %mul3A_356 = arith.constant 4 : i32
    %mul3A_357 = vector.broadcast %mul3A_356 : i32 to vector<16xi32>
    %mul3A_358 = arith.muli %get3A_355, %mul3A_357 : vector<16xi32>
    %add3A_359 = vector.broadcast %add3A_236 : i32 to vector<16xi32>
    %add3A_360 = arith.addi %mul3A_358, %add3A_359 : vector<16xi32>
    %swap3A_361 = arith.constant 16 : index
    %swap3A_362 = tpu.vector_load %arg10[%swap3A_361] {strides = array<i32>} : memref<128xi32, #tpu.memory_space<vmem>>, vector<16xi32>,
    %swap3A_363 = vector.shape_cast %swap3A_362 : vector<16xi32> to vector<16xi32>
    %swap3A_364 = vector.shape_cast %add3A_360 : vector<16xi32> to vector<16xi32>
    tpu.vector_store %arg10[%swap3A_361], %swap3A_364 {strides = array<i32>} : memref<128xi32, #tpu.memory_space<vmem>>, vector<16xi32>,
    %get3A_365 = arith.constant 32 : index
    %get3A_366 = tpu.vector_load %arg7[%get3A_365] {strides = array<i32>} : memref<128xi32, #tpu.memory_space<vmem>>, vector<16xi32>,
    %get3A_367 = vector.shape_cast %get3A_366 : vector<16xi32> to vector<16xi32>
    %mul3A_368 = arith.constant 4 : i32
    %mul3A_369 = vector.broadcast %mul3A_368 : i32 to vector<16xi32>
    %mul3A_370 = arith.muli %get3A_367, %mul3A_369 : vector<16xi32>
    %add3A_371 = vector.broadcast %add3A_236 : i32 to vector<16xi32>
    %add3A_372 = arith.addi %mul3A_370, %add3A_371 : vector<16xi32>
    %swap3A_373 = arith.constant 32 : index
    %swap3A_374 = tpu.vector_load %arg10[%swap3A_373] {strides = array<i32>} : memref<128xi32, #tpu.memory_space<vmem>>, vector<16xi32>,
    %swap3A_375 = vector.shape_cast %swap3A_374 : vector<16xi32> to vector<16xi32>
    %swap3A_376 = vector.shape_cast %add3A_372 : vector<16xi32> to vector<16xi32>
    tpu.vector_store %arg10[%swap3A_373], %swap3A_376 {strides = array<i32>} : memref<128xi32, #tpu.memory_space<vmem>>, vector<16xi32>,
    %get3A_377 = arith.constant 48 : index
    %get3A_378 = tpu.vector_load %arg7[%get3A_377] {strides = array<i32>} : memref<128xi32, #tpu.memory_space<vmem>>, vector<16xi32>,
    %get3A_379 = vector.shape_cast %get3A_378 : vector<16xi32> to vector<16xi32>
    %mul3A_380 = arith.constant 4 : i32
    %mul3A_381 = vector.broadcast %mul3A_380 : i32 to vector<16xi32>
    %mul3A_382 = arith.muli %get3A_379, %mul3A_381 : vector<16xi32>
    %add3A_383 = vector.broadcast %add3A_236 : i32 to vector<16xi32>
    %add3A_384 = arith.addi %mul3A_382, %add3A_383 : vector<16xi32>
    %swap3A_385 = arith.constant 48 : index
    %swap3A_386 = tpu.vector_load %arg10[%swap3A_385] {strides = array<i32>} : memref<128xi32, #tpu.memory_space<vmem>>, vector<16xi32>,
    %swap3A_387 = vector.shape_cast %swap3A_386 : vector<16xi32> to vector<16xi32>
    %swap3A_388 = vector.shape_cast %add3A_384 : vector<16xi32> to vector<16xi32>
    tpu.vector_store %arg10[%swap3A_385], %swap3A_388 {strides = array<i32>} : memref<128xi32, #tpu.memory_space<vmem>>, vector<16xi32>,
    %get3A_389 = arith.constant 64 : index
    %get3A_390 = tpu.vector_load %arg7[%get3A_389] {strides = array<i32>} : memref<128xi32, #tpu.memory_space<vmem>>, vector<16xi32>,
    %get3A_391 = vector.shape_cast %get3A_390 : vector<16xi32> to vector<16xi32>
    %mul3A_392 = arith.constant 4 : i32
    %mul3A_393 = vector.broadcast %mul3A_392 : i32 to vector<16xi32>
    %mul3A_394 = arith.muli %get3A_391, %mul3A_393 : vector<16xi32>
    %add3A_395 = vector.broadcast %add3A_236 : i32 to vector<16xi32>
    %add3A_396 = arith.addi %mul3A_394, %add3A_395 : vector<16xi32>
    %swap3A_397 = arith.constant 64 : index
    %swap3A_398 = tpu.vector_load %arg10[%swap3A_397] {strides = array<i32>} : memref<128xi32, #tpu.memory_space<vmem>>, vector<16xi32>,
    %swap3A_399 = vector.shape_cast %swap3A_398 : vector<16xi32> to vector<16xi32>
    %swap3A_400 = vector.shape_cast %add3A_396 : vector<16xi32> to vector<16xi32>
    tpu.vector_store %arg10[%swap3A_397], %swap3A_400 {strides = array<i32>} : memref<128xi32, #tpu.memory_space<vmem>>, vector<16xi32>,
    %get3A_401 = arith.constant 80 : index
    %get3A_402 = tpu.vector_load %arg7[%get3A_401] {strides = array<i32>} : memref<128xi32, #tpu.memory_space<vmem>>, vector<16xi32>,
    %get3A_403 = vector.shape_cast %get3A_402 : vector<16xi32> to vector<16xi32>
    %mul3A_404 = arith.constant 4 : i32
    %mul3A_405 = vector.broadcast %mul3A_404 : i32 to vector<16xi32>
    %mul3A_406 = arith.muli %get3A_403, %mul3A_405 : vector<16xi32>
    %add3A_407 = vector.broadcast %add3A_236 : i32 to vector<16xi32>
    %add3A_408 = arith.addi %mul3A_406, %add3A_407 : vector<16xi32>
    %swap3A_409 = arith.constant 80 : index
    %swap3A_410 = tpu.vector_load %arg10[%swap3A_409] {strides = array<i32>} : memref<128xi32, #tpu.memory_space<vmem>>, vector<16xi32>,
    %swap3A_411 = vector.shape_cast %swap3A_410 : vector<16xi32> to vector<16xi32>
    %swap3A_412 = vector.shape_cast %add3A_408 : vector<16xi32> to vector<16xi32>
    tpu.vector_store %arg10[%swap3A_409], %swap3A_412 {strides = array<i32>} : memref<128xi32, #tpu.memory_space<vmem>>, vector<16xi32>,
    %get3A_413 = arith.constant 96 : index
    %get3A_414 = tpu.vector_load %arg7[%get3A_413] {strides = array<i32>} : memref<128xi32, #tpu.memory_space<vmem>>, vector<16xi32>,
    %get3A_415 = vector.shape_cast %get3A_414 : vector<16xi32> to vector<16xi32>
    %mul3A_416 = arith.constant 4 : i32
    %mul3A_417 = vector.broadcast %mul3A_416 : i32 to vector<16xi32>
    %mul3A_418 = arith.muli %get3A_415, %mul3A_417 : vector<16xi32>
    %add3A_419 = vector.broadcast %add3A_236 : i32 to vector<16xi32>
    %add3A_420 = arith.addi %mul3A_418, %add3A_419 : vector<16xi32>
    %swap3A_421 = arith.constant 96 : index
    %swap3A_422 = tpu.vector_load %arg10[%swap3A_421] {strides = array<i32>} : memref<128xi32, #tpu.memory_space<vmem>>, vector<16xi32>,
    %swap3A_423 = vector.shape_cast %swap3A_422 : vector<16xi32> to vector<16xi32>
    %swap3A_424 = vector.shape_cast %add3A_420 : vector<16xi32> to vector<16xi32>
    tpu.vector_store %arg10[%swap3A_421], %swap3A_424 {strides = array<i32>} : memref<128xi32, #tpu.memory_space<vmem>>, vector<16xi32>,
    %get3A_425 = arith.constant 112 : index
    %get3A_426 = tpu.vector_load %arg7[%get3A_425] {strides = array<i32>} : memref<128xi32, #tpu.memory_space<vmem>>, vector<16xi32>,
    %get3A_427 = vector.shape_cast %get3A_426 : vector<16xi32> to vector<16xi32>
    %mul3A_428 = arith.constant 4 : i32
    %mul3A_429 = vector.broadcast %mul3A_428 : i32 to vector<16xi32>
    %mul3A_430 = arith.muli %get3A_427, %mul3A_429 : vector<16xi32>
    %add3A_431 = vector.broadcast %add3A_236 : i32 to vector<16xi32>
    %add3A_432 = arith.addi %mul3A_430, %add3A_431 : vector<16xi32>
    %swap3A_433 = arith.constant 112 : index
    %swap3A_434 = tpu.vector_load %arg10[%swap3A_433] {strides = array<i32>} : memref<128xi32, #tpu.memory_space<vmem>>, vector<16xi32>,
    %swap3A_435 = vector.shape_cast %swap3A_434 : vector<16xi32> to vector<16xi32>
    %swap3A_436 = vector.shape_cast %add3A_432 : vector<16xi32> to vector<16xi32>
    tpu.vector_store %arg10[%swap3A_433], %swap3A_436 {strides = array<i32>} : memref<128xi32, #tpu.memory_space<vmem>>, vector<16xi32>,
    %dma_start3A_437 = arith.constant 0 : i32
    %dma_start3A_438 = arith.constant 0 : i32
    %dma_start3A_439 = tpu.memref_slice %arg4[%dma_start3A_437, %dma_start3A_438] : memref<600000x32xf32, #tpu.memory_space<hbm>> -> memref<600000x32xf32, #tpu.memory_space<hbm>>
    tpu.enqueue_indirect_dma source(%dma_start3A_439 : memref<600000x32xf32, #tpu.memory_space<hbm>>) target(%arg12 : memref<128x32xf32, #tpu.memory_space<vmem>>) offsets(%arg10 : memref<128xi32, #tpu.memory_space<vmem>>) semaphore(%arg15 : memref<!tpu.dma_semaphore, #tpu.memory_space<semaphore_mem>>)
    %add3A_440 = arith.constant 128 : i32
    %add3A_441 = arith.addi %mul3A_0, %add3A_440 : i32
    %dma_start3A_442 = tpu.memref_slice %arg2[%add3A_441] : memref<802816xi32, #tpu.memory_space<hbm>> -> memref<128xi32, #tpu.memory_space<hbm>>
    %dma_start3A_443 = tpu.memref_slice %arg2[%add3A_441] : memref<802816xi32, #tpu.memory_space<hbm>> -> memref<128xi32, #tpu.memory_space<hbm>>
    tpu.enqueue_dma source(%dma_start3A_443 : memref<128xi32, #tpu.memory_space<hbm>>) target(%arg8 : memref<128xi32, #tpu.memory_space<vmem>>) target_semaphore(%arg18 : memref<!tpu.dma_semaphore, #tpu.memory_space<semaphore_mem>>)
    %add3A_444 = arith.constant 128 : i32
    %add3A_445 = arith.addi %mul3A_0, %add3A_444 : i32
    %dma_start3A_446 = arith.constant 1 : i32
    %dma_start3A_447 = arith.constant 0 : i32
    %dma_start3A_448 = tpu.memref_slice %arg9[%dma_start3A_446, %dma_start3A_447] : memref<2x128xi32, #tpu.memory_space<vmem>> -> memref<1x128xi32, #tpu.memory_space<vmem>>
    %dma_start3A_449 = tpu.memref_squeeze %dma_start3A_448 : memref<1x128xi32, #tpu.memory_space<vmem>> -> memref<128xi32, #tpu.memory_space<vmem>>
    %dma_start3A_450 = tpu.memref_slice %arg3[%add3A_445] : memref<802816xi32, #tpu.memory_space<hbm>> -> memref<128xi32, #tpu.memory_space<hbm>>
    %dma_start3A_451 = arith.constant 0 : i32
    %dma_start3A_452 = tpu.memref_slice %arg9[%dma_start3A_446, %dma_start3A_451] : memref<2x128xi32, #tpu.memory_space<vmem>> -> memref<1x128xi32, #tpu.memory_space<vmem>>
    %dma_start3A_453 = tpu.memref_squeeze %dma_start3A_452 : memref<1x128xi32, #tpu.memory_space<vmem>> -> memref<128xi32, #tpu.memory_space<vmem>>
    %dma_start3A_454 = tpu.memref_slice %arg3[%add3A_445] : memref<802816xi32, #tpu.memory_space<hbm>> -> memref<128xi32, #tpu.memory_space<hbm>>
    tpu.enqueue_dma source(%dma_start3A_454 : memref<128xi32, #tpu.memory_space<hbm>>) target(%dma_start3A_453 : memref<128xi32, #tpu.memory_space<vmem>>) target_semaphore(%arg18 : memref<!tpu.dma_semaphore, #tpu.memory_space<semaphore_mem>>)
    %scan3A_455 = arith.constant 0 : i32
    %scan3A_456 = arith.constant 0 : i32
    %scan3A_457 = arith.constant 196 : i32
    %scan3A_458 = arith.addi %scan3A_456, %scan3A_457 : i32
    %scan3A_459 = arith.constant 1 : i32
    scf.for %scan3A_473 = %scan3A_456 to %scan3A_458 step %scan3A_459  : i32 {
      %mul3A_474 = arith.constant 2 : i32
      %mul3A_475 = arith.muli %mul3A_474, %scan3A_473 : i32
      %add3A_476 = arith.constant 1 : i32
      %add3A_477 = arith.addi %mul3A_475, %add3A_476 : i32
      %mul3A_478 = arith.constant 128 : i32
      %mul3A_479 = arith.muli %add3A_477, %mul3A_478 : i32
      %add3A_480 = arith.addi %mul3A_0, %mul3A_479 : i32
      %dma_wait3A = tpu.memref_slice %arg2[%add3A_480] : memref<802816xi32, #tpu.memory_space<hbm>> -> memref<128xi32, #tpu.memory_space<hbm>>
      %dma_wait3A_481 = tpu.memref_slice %arg2[%add3A_480] : memref<802816xi32, #tpu.memory_space<hbm>> -> memref<128xi32, #tpu.memory_space<hbm>>
      tpu.wait_dma2 semaphore(%arg18 : memref<!tpu.dma_semaphore, #tpu.memory_space<semaphore_mem>>) src(%dma_wait3A_481 : memref<128xi32, #tpu.memory_space<hbm>>) dst(%arg8 : memref<128xi32, #tpu.memory_space<vmem>>)
      %mul3A_482 = arith.constant 128 : i32
      %mul3A_483 = arith.muli %add3A_477, %mul3A_482 : i32
      %add3A_484 = arith.addi %mul3A_0, %mul3A_483 : i32
      %dma_wait3A_485 = arith.constant 1 : i32
      %dma_wait3A_486 = arith.constant 0 : i32
      %dma_wait3A_487 = tpu.memref_slice %arg9[%dma_wait3A_485, %dma_wait3A_486] : memref<2x128xi32, #tpu.memory_space<vmem>> -> memref<1x128xi32, #tpu.memory_space<vmem>>
      %dma_wait3A_488 = tpu.memref_squeeze %dma_wait3A_487 : memref<1x128xi32, #tpu.memory_space<vmem>> -> memref<128xi32, #tpu.memory_space<vmem>>
      %dma_wait3A_489 = tpu.memref_slice %arg3[%add3A_484] : memref<802816xi32, #tpu.memory_space<hbm>> -> memref<128xi32, #tpu.memory_space<hbm>>
      %dma_wait3A_490 = arith.constant 0 : i32
      %dma_wait3A_491 = tpu.memref_slice %arg9[%dma_wait3A_485, %dma_wait3A_490] : memref<2x128xi32, #tpu.memory_space<vmem>> -> memref<1x128xi32, #tpu.memory_space<vmem>>
      %dma_wait3A_492 = tpu.memref_squeeze %dma_wait3A_491 : memref<1x128xi32, #tpu.memory_space<vmem>> -> memref<128xi32, #tpu.memory_space<vmem>>
      %dma_wait3A_493 = tpu.memref_slice %arg3[%add3A_484] : memref<802816xi32, #tpu.memory_space<hbm>> -> memref<128xi32, #tpu.memory_space<hbm>>
      tpu.wait_dma2 semaphore(%arg18 : memref<!tpu.dma_semaphore, #tpu.memory_space<semaphore_mem>>) src(%dma_wait3A_493 : memref<128xi32, #tpu.memory_space<hbm>>) dst(%dma_wait3A_492 : memref<128xi32, #tpu.memory_space<vmem>>)
      %get3A_494 = arith.constant 0 : index
      %get3A_495 = tpu.vector_load %arg8[%get3A_494] {strides = array<i32>} : memref<128xi32, #tpu.memory_space<vmem>>, vector<16xi32>,
      %get3A_496 = vector.shape_cast %get3A_495 : vector<16xi32> to vector<16xi32>
      %mul3A_497 = arith.constant 4 : i32
      %mul3A_498 = vector.broadcast %mul3A_497 : i32 to vector<16xi32>
      %mul3A_499 = arith.muli %get3A_496, %mul3A_498 : vector<16xi32>
      %add3A_500 = vector.broadcast %add3A_236 : i32 to vector<16xi32>
      %add3A_501 = arith.addi %mul3A_499, %add3A_500 : vector<16xi32>
      %swap3A_502 = arith.constant 0 : index
      %swap3A_503 = tpu.vector_load %arg11[%swap3A_502] {strides = array<i32>} : memref<128xi32, #tpu.memory_space<vmem>>, vector<16xi32>,
      %swap3A_504 = vector.shape_cast %swap3A_503 : vector<16xi32> to vector<16xi32>
      %swap3A_505 = vector.shape_cast %add3A_501 : vector<16xi32> to vector<16xi32>
      tpu.vector_store %arg11[%swap3A_502], %swap3A_505 {strides = array<i32>} : memref<128xi32, #tpu.memory_space<vmem>>, vector<16xi32>,
      %get3A_506 = arith.constant 16 : index
      %get3A_507 = tpu.vector_load %arg8[%get3A_506] {strides = array<i32>} : memref<128xi32, #tpu.memory_space<vmem>>, vector<16xi32>,
      %get3A_508 = vector.shape_cast %get3A_507 : vector<16xi32> to vector<16xi32>
      %mul3A_509 = arith.constant 4 : i32
      %mul3A_510 = vector.broadcast %mul3A_509 : i32 to vector<16xi32>
      %mul3A_511 = arith.muli %get3A_508, %mul3A_510 : vector<16xi32>
      %add3A_512 = vector.broadcast %add3A_236 : i32 to vector<16xi32>
      %add3A_513 = arith.addi %mul3A_511, %add3A_512 : vector<16xi32>
      %swap3A_514 = arith.constant 16 : index
      %swap3A_515 = tpu.vector_load %arg11[%swap3A_514] {strides = array<i32>} : memref<128xi32, #tpu.memory_space<vmem>>, vector<16xi32>,
      %swap3A_516 = vector.shape_cast %swap3A_515 : vector<16xi32> to vector<16xi32>
      %swap3A_517 = vector.shape_cast %add3A_513 : vector<16xi32> to vector<16xi32>
      tpu.vector_store %arg11[%swap3A_514], %swap3A_517 {strides = array<i32>} : memref<128xi32, #tpu.memory_space<vmem>>, vector<16xi32>,
      %get3A_518 = arith.constant 32 : index
      %get3A_519 = tpu.vector_load %arg8[%get3A_518] {strides = array<i32>} : memref<128xi32, #tpu.memory_space<vmem>>, vector<16xi32>,
      %get3A_520 = vector.shape_cast %get3A_519 : vector<16xi32> to vector<16xi32>
      %mul3A_521 = arith.constant 4 : i32
      %mul3A_522 = vector.broadcast %mul3A_521 : i32 to vector<16xi32>
      %mul3A_523 = arith.muli %get3A_520, %mul3A_522 : vector<16xi32>
      %add3A_524 = vector.broadcast %add3A_236 : i32 to vector<16xi32>
      %add3A_525 = arith.addi %mul3A_523, %add3A_524 : vector<16xi32>
      %swap3A_526 = arith.constant 32 : index
      %swap3A_527 = tpu.vector_load %arg11[%swap3A_526] {strides = array<i32>} : memref<128xi32, #tpu.memory_space<vmem>>, vector<16xi32>,
      %swap3A_528 = vector.shape_cast %swap3A_527 : vector<16xi32> to vector<16xi32>
      %swap3A_529 = vector.shape_cast %add3A_525 : vector<16xi32> to vector<16xi32>
      tpu.vector_store %arg11[%swap3A_526], %swap3A_529 {strides = array<i32>} : memref<128xi32, #tpu.memory_space<vmem>>, vector<16xi32>,
      %get3A_530 = arith.constant 48 : index
      %get3A_531 = tpu.vector_load %arg8[%get3A_530] {strides = array<i32>} : memref<128xi32, #tpu.memory_space<vmem>>, vector<16xi32>,
      %get3A_532 = vector.shape_cast %get3A_531 : vector<16xi32> to vector<16xi32>
      %mul3A_533 = arith.constant 4 : i32
      %mul3A_534 = vector.broadcast %mul3A_533 : i32 to vector<16xi32>
      %mul3A_535 = arith.muli %get3A_532, %mul3A_534 : vector<16xi32>
      %add3A_536 = vector.broadcast %add3A_236 : i32 to vector<16xi32>
      %add3A_537 = arith.addi %mul3A_535, %add3A_536 : vector<16xi32>
      %swap3A_538 = arith.constant 48 : index
      %swap3A_539 = tpu.vector_load %arg11[%swap3A_538] {strides = array<i32>} : memref<128xi32, #tpu.memory_space<vmem>>, vector<16xi32>,
      %swap3A_540 = vector.shape_cast %swap3A_539 : vector<16xi32> to vector<16xi32>
      %swap3A_541 = vector.shape_cast %add3A_537 : vector<16xi32> to vector<16xi32>
      tpu.vector_store %arg11[%swap3A_538], %swap3A_541 {strides = array<i32>} : memref<128xi32, #tpu.memory_space<vmem>>, vector<16xi32>,
      %get3A_542 = arith.constant 64 : index
      %get3A_543 = tpu.vector_load %arg8[%get3A_542] {strides = array<i32>} : memref<128xi32, #tpu.memory_space<vmem>>, vector<16xi32>,
      %get3A_544 = vector.shape_cast %get3A_543 : vector<16xi32> to vector<16xi32>
      %mul3A_545 = arith.constant 4 : i32
      %mul3A_546 = vector.broadcast %mul3A_545 : i32 to vector<16xi32>
      %mul3A_547 = arith.muli %get3A_544, %mul3A_546 : vector<16xi32>
      %add3A_548 = vector.broadcast %add3A_236 : i32 to vector<16xi32>
      %add3A_549 = arith.addi %mul3A_547, %add3A_548 : vector<16xi32>
      %swap3A_550 = arith.constant 64 : index
      %swap3A_551 = tpu.vector_load %arg11[%swap3A_550] {strides = array<i32>} : memref<128xi32, #tpu.memory_space<vmem>>, vector<16xi32>,
      %swap3A_552 = vector.shape_cast %swap3A_551 : vector<16xi32> to vector<16xi32>
      %swap3A_553 = vector.shape_cast %add3A_549 : vector<16xi32> to vector<16xi32>
      tpu.vector_store %arg11[%swap3A_550], %swap3A_553 {strides = array<i32>} : memref<128xi32, #tpu.memory_space<vmem>>, vector<16xi32>,
      %get3A_554 = arith.constant 80 : index
      %get3A_555 = tpu.vector_load %arg8[%get3A_554] {strides = array<i32>} : memref<128xi32, #tpu.memory_space<vmem>>, vector<16xi32>,
      %get3A_556 = vector.shape_cast %get3A_555 : vector<16xi32> to vector<16xi32>
      %mul3A_557 = arith.constant 4 : i32
      %mul3A_558 = vector.broadcast %mul3A_557 : i32 to vector<16xi32>
      %mul3A_559 = arith.muli %get3A_556, %mul3A_558 : vector<16xi32>
      %add3A_560 = vector.broadcast %add3A_236 : i32 to vector<16xi32>
      %add3A_561 = arith.addi %mul3A_559, %add3A_560 : vector<16xi32>
      %swap3A_562 = arith.constant 80 : index
      %swap3A_563 = tpu.vector_load %arg11[%swap3A_562] {strides = array<i32>} : memref<128xi32, #tpu.memory_space<vmem>>, vector<16xi32>,
      %swap3A_564 = vector.shape_cast %swap3A_563 : vector<16xi32> to vector<16xi32>
      %swap3A_565 = vector.shape_cast %add3A_561 : vector<16xi32> to vector<16xi32>
      tpu.vector_store %arg11[%swap3A_562], %swap3A_565 {strides = array<i32>} : memref<128xi32, #tpu.memory_space<vmem>>, vector<16xi32>,
      %get3A_566 = arith.constant 96 : index
      %get3A_567 = tpu.vector_load %arg8[%get3A_566] {strides = array<i32>} : memref<128xi32, #tpu.memory_space<vmem>>, vector<16xi32>,
      %get3A_568 = vector.shape_cast %get3A_567 : vector<16xi32> to vector<16xi32>
      %mul3A_569 = arith.constant 4 : i32
      %mul3A_570 = vector.broadcast %mul3A_569 : i32 to vector<16xi32>
      %mul3A_571 = arith.muli %get3A_568, %mul3A_570 : vector<16xi32>
      %add3A_572 = vector.broadcast %add3A_236 : i32 to vector<16xi32>
      %add3A_573 = arith.addi %mul3A_571, %add3A_572 : vector<16xi32>
      %swap3A_574 = arith.constant 96 : index
      %swap3A_575 = tpu.vector_load %arg11[%swap3A_574] {strides = array<i32>} : memref<128xi32, #tpu.memory_space<vmem>>, vector<16xi32>,
      %swap3A_576 = vector.shape_cast %swap3A_575 : vector<16xi32> to vector<16xi32>
      %swap3A_577 = vector.shape_cast %add3A_573 : vector<16xi32> to vector<16xi32>
      tpu.vector_store %arg11[%swap3A_574], %swap3A_577 {strides = array<i32>} : memref<128xi32, #tpu.memory_space<vmem>>, vector<16xi32>,
      %get3A_578 = arith.constant 112 : index
      %get3A_579 = tpu.vector_load %arg8[%get3A_578] {strides = array<i32>} : memref<128xi32, #tpu.memory_space<vmem>>, vector<16xi32>,
      %get3A_580 = vector.shape_cast %get3A_579 : vector<16xi32> to vector<16xi32>
      %mul3A_581 = arith.constant 4 : i32
      %mul3A_582 = vector.broadcast %mul3A_581 : i32 to vector<16xi32>
      %mul3A_583 = arith.muli %get3A_580, %mul3A_582 : vector<16xi32>
      %add3A_584 = vector.broadcast %add3A_236 : i32 to vector<16xi32>
      %add3A_585 = arith.addi %mul3A_583, %add3A_584 : vector<16xi32>
      %swap3A_586 = arith.constant 112 : index
      %swap3A_587 = tpu.vector_load %arg11[%swap3A_586] {strides = array<i32>} : memref<128xi32, #tpu.memory_space<vmem>>, vector<16xi32>,
      %swap3A_588 = vector.shape_cast %swap3A_587 : vector<16xi32> to vector<16xi32>
      %swap3A_589 = vector.shape_cast %add3A_585 : vector<16xi32> to vector<16xi32>
      tpu.vector_store %arg11[%swap3A_586], %swap3A_589 {strides = array<i32>} : memref<128xi32, #tpu.memory_space<vmem>>, vector<16xi32>,
      %dma_start3A_590 = arith.constant 0 : i32
      %dma_start3A_591 = arith.constant 0 : i32
      %dma_start3A_592 = tpu.memref_slice %arg4[%dma_start3A_590, %dma_start3A_591] : memref<600000x32xf32, #tpu.memory_space<hbm>> -> memref<600000x32xf32, #tpu.memory_space<hbm>>
      tpu.enqueue_indirect_dma source(%dma_start3A_592 : memref<600000x32xf32, #tpu.memory_space<hbm>>) target(%arg13 : memref<128x32xf32, #tpu.memory_space<vmem>>) offsets(%arg11 : memref<128xi32, #tpu.memory_space<vmem>>) semaphore(%arg16 : memref<!tpu.dma_semaphore, #tpu.memory_space<semaphore_mem>>)
      %dma_wait3A_593 = arith.constant 0 : i32
      %dma_wait3A_594 = arith.constant 0 : i32
      %dma_wait3A_595 = tpu.memref_slice %arg4[%dma_wait3A_593, %dma_wait3A_594] : memref<600000x32xf32, #tpu.memory_space<hbm>> -> memref<600000x32xf32, #tpu.memory_space<hbm>>
      tpu.wait_indirect_dma semaphore(%arg15 : memref<!tpu.dma_semaphore, #tpu.memory_space<semaphore_mem>>) src(%dma_wait3A_595 : memref<600000x32xf32, #tpu.memory_space<hbm>>) dst(%arg12 : memref<128x32xf32, #tpu.memory_space<vmem>>)
      %run_scoped3A_596 = arith.constant 0 : i32
      "tpu.region"() ({
        %run_scoped3A_611 = tpu.sem_alloc : memref<!tpu.dma_semaphore, #tpu.memory_space<semaphore_mem>>
        %dma_start3A_612 = arith.constant 0 : i32
        %dma_start3A_613 = tpu.memref_slice %arg9[%run_scoped3A_596, %dma_start3A_612] : memref<2x128xi32, #tpu.memory_space<vmem>> -> memref<1x128xi32, #tpu.memory_space<vmem>>
        %dma_start3A_614 = tpu.memref_squeeze %dma_start3A_613 : memref<1x128xi32, #tpu.memory_space<vmem>> -> memref<128xi32, #tpu.memory_space<vmem>>
        %dma_start3A_615 = arith.constant 0 : i32
        %dma_start3A_616 = arith.constant 0 : i32
        %dma_start3A_617 = tpu.memref_slice %arg6[%dma_start3A_615, %dma_start3A_616] : memref<50048x32xf32, #tpu.memory_space<vmem_shared>> -> memref<50048x32xf32, #tpu.memory_space<vmem_shared>>
        tpu.enqueue_indirect_dma source(%arg12 : memref<128x32xf32, #tpu.memory_space<vmem>>) target(%dma_start3A_617 : memref<50048x32xf32, #tpu.memory_space<vmem_shared>>) offsets(%dma_start3A_614 : memref<128xi32, #tpu.memory_space<vmem>>) semaphore(%run_scoped3A_611 : memref<!tpu.dma_semaphore, #tpu.memory_space<semaphore_mem>>) {add = true}
        %dma_wait3A_618 = arith.constant 0 : i32
        %dma_wait3A_619 = tpu.memref_slice %arg9[%run_scoped3A_596, %dma_wait3A_618] : memref<2x128xi32, #tpu.memory_space<vmem>> -> memref<1x128xi32, #tpu.memory_space<vmem>>
        %dma_wait3A_620 = tpu.memref_squeeze %dma_wait3A_619 : memref<1x128xi32, #tpu.memory_space<vmem>> -> memref<128xi32, #tpu.memory_space<vmem>>
        %dma_wait3A_621 = arith.constant 0 : i32
        %dma_wait3A_622 = arith.constant 0 : i32
        %dma_wait3A_623 = tpu.memref_slice %arg6[%dma_wait3A_621, %dma_wait3A_622] : memref<50048x32xf32, #tpu.memory_space<vmem_shared>> -> memref<50048x32xf32, #tpu.memory_space<vmem_shared>>
        tpu.wait_indirect_dma semaphore(%run_scoped3A_611 : memref<!tpu.dma_semaphore, #tpu.memory_space<semaphore_mem>>) src(%arg12 : memref<128x32xf32, #tpu.memory_space<vmem>>) dst(%dma_wait3A_623 : memref<50048x32xf32, #tpu.memory_space<vmem_shared>>)
        tpu.yield
      }) : () -> ()
      %lt3A_597 = arith.constant 195 : i32
      %lt3A_598 = arith.cmpi slt, %scan3A_473, %lt3A_597 : i32
      %convert_element_type3A_599 = arith.extui %lt3A_598 : i1 to i32
      %cond3A_600 = arith.constant 0 : i32
      %cond3A_601 = arith.cmpi ne, %convert_element_type3A_599, %cond3A_600 : i32
      scf.if %cond3A_601 {
        %add3A_611 = arith.constant 2 : i32
        %add3A_612 = arith.addi %mul3A_475, %add3A_611 : i32
        %mul3A_613 = arith.constant 128 : i32
        %mul3A_614 = arith.muli %add3A_612, %mul3A_613 : i32
        %add3A_615 = arith.addi %mul3A_0, %mul3A_614 : i32
        %dma_start3A_616 = tpu.memref_slice %arg2[%add3A_615] : memref<802816xi32, #tpu.memory_space<hbm>> -> memref<128xi32, #tpu.memory_space<hbm>>
        %dma_start3A_617 = tpu.memref_slice %arg2[%add3A_615] : memref<802816xi32, #tpu.memory_space<hbm>> -> memref<128xi32, #tpu.memory_space<hbm>>
        tpu.enqueue_dma source(%dma_start3A_617 : memref<128xi32, #tpu.memory_space<hbm>>) target(%arg7 : memref<128xi32, #tpu.memory_space<vmem>>) target_semaphore(%arg17 : memref<!tpu.dma_semaphore, #tpu.memory_space<semaphore_mem>>)
        %mul3A_618 = arith.constant 128 : i32
        %mul3A_619 = arith.muli %add3A_612, %mul3A_618 : i32
        %add3A_620 = arith.addi %mul3A_0, %mul3A_619 : i32
        %dma_start3A_621 = arith.constant 0 : i32
        %dma_start3A_622 = arith.constant 0 : i32
        %dma_start3A_623 = tpu.memref_slice %arg9[%dma_start3A_621, %dma_start3A_622] : memref<2x128xi32, #tpu.memory_space<vmem>> -> memref<1x128xi32, #tpu.memory_space<vmem>>
        %dma_start3A_624 = tpu.memref_squeeze %dma_start3A_623 : memref<1x128xi32, #tpu.memory_space<vmem>> -> memref<128xi32, #tpu.memory_space<vmem>>
        %dma_start3A_625 = tpu.memref_slice %arg3[%add3A_620] : memref<802816xi32, #tpu.memory_space<hbm>> -> memref<128xi32, #tpu.memory_space<hbm>>
        %dma_start3A_626 = arith.constant 0 : i32
        %dma_start3A_627 = tpu.memref_slice %arg9[%dma_start3A_621, %dma_start3A_626] : memref<2x128xi32, #tpu.memory_space<vmem>> -> memref<1x128xi32, #tpu.memory_space<vmem>>
        %dma_start3A_628 = tpu.memref_squeeze %dma_start3A_627 : memref<1x128xi32, #tpu.memory_space<vmem>> -> memref<128xi32, #tpu.memory_space<vmem>>
        %dma_start3A_629 = tpu.memref_slice %arg3[%add3A_620] : memref<802816xi32, #tpu.memory_space<hbm>> -> memref<128xi32, #tpu.memory_space<hbm>>
        tpu.enqueue_dma source(%dma_start3A_629 : memref<128xi32, #tpu.memory_space<hbm>>) target(%dma_start3A_628 : memref<128xi32, #tpu.memory_space<vmem>>) target_semaphore(%arg17 : memref<!tpu.dma_semaphore, #tpu.memory_space<semaphore_mem>>)
      } else {
      }
      %dma_wait3A_602 = arith.constant 0 : i32
      %dma_wait3A_603 = arith.constant 0 : i32
      %dma_wait3A_604 = tpu.memref_slice %arg4[%dma_wait3A_602, %dma_wait3A_603] : memref<600000x32xf32, #tpu.memory_space<hbm>> -> memref<600000x32xf32, #tpu.memory_space<hbm>>
      tpu.wait_indirect_dma semaphore(%arg16 : memref<!tpu.dma_semaphore, #tpu.memory_space<semaphore_mem>>) src(%dma_wait3A_604 : memref<600000x32xf32, #tpu.memory_space<hbm>>) dst(%arg13 : memref<128x32xf32, #tpu.memory_space<vmem>>)
      %run_scoped3A_605 = arith.constant 1 : i32
      "tpu.region"() ({
        %run_scoped3A_611 = tpu.sem_alloc : memref<!tpu.dma_semaphore, #tpu.memory_space<semaphore_mem>>
        %dma_start3A_612 = arith.constant 0 : i32
        %dma_start3A_613 = tpu.memref_slice %arg9[%run_scoped3A_605, %dma_start3A_612] : memref<2x128xi32, #tpu.memory_space<vmem>> -> memref<1x128xi32, #tpu.memory_space<vmem>>
        %dma_start3A_614 = tpu.memref_squeeze %dma_start3A_613 : memref<1x128xi32, #tpu.memory_space<vmem>> -> memref<128xi32, #tpu.memory_space<vmem>>
        %dma_start3A_615 = arith.constant 0 : i32
        %dma_start3A_616 = arith.constant 0 : i32
        %dma_start3A_617 = tpu.memref_slice %arg6[%dma_start3A_615, %dma_start3A_616] : memref<50048x32xf32, #tpu.memory_space<vmem_shared>> -> memref<50048x32xf32, #tpu.memory_space<vmem_shared>>
        tpu.enqueue_indirect_dma source(%arg13 : memref<128x32xf32, #tpu.memory_space<vmem>>) target(%dma_start3A_617 : memref<50048x32xf32, #tpu.memory_space<vmem_shared>>) offsets(%dma_start3A_614 : memref<128xi32, #tpu.memory_space<vmem>>) semaphore(%run_scoped3A_611 : memref<!tpu.dma_semaphore, #tpu.memory_space<semaphore_mem>>) {add = true}
        %dma_wait3A_618 = arith.constant 0 : i32
        %dma_wait3A_619 = tpu.memref_slice %arg9[%run_scoped3A_605, %dma_wait3A_618] : memref<2x128xi32, #tpu.memory_space<vmem>> -> memref<1x128xi32, #tpu.memory_space<vmem>>
        %dma_wait3A_620 = tpu.memref_squeeze %dma_wait3A_619 : memref<1x128xi32, #tpu.memory_space<vmem>> -> memref<128xi32, #tpu.memory_space<vmem>>
        %dma_wait3A_621 = arith.constant 0 : i32
        %dma_wait3A_622 = arith.constant 0 : i32
        %dma_wait3A_623 = tpu.memref_slice %arg6[%dma_wait3A_621, %dma_wait3A_622] : memref<50048x32xf32, #tpu.memory_space<vmem_shared>> -> memref<50048x32xf32, #tpu.memory_space<vmem_shared>>
        tpu.wait_indirect_dma semaphore(%run_scoped3A_611 : memref<!tpu.dma_semaphore, #tpu.memory_space<semaphore_mem>>) src(%arg13 : memref<128x32xf32, #tpu.memory_space<vmem>>) dst(%dma_wait3A_623 : memref<50048x32xf32, #tpu.memory_space<vmem_shared>>)
        tpu.yield
      }) : () -> ()
      %lt3A_606 = arith.constant 195 : i32
      %lt3A_607 = arith.cmpi slt, %scan3A_473, %lt3A_606 : i32
      %convert_element_type3A_608 = arith.extui %lt3A_607 : i1 to i32
      %cond3A_609 = arith.constant 0 : i32
      %cond3A_610 = arith.cmpi ne, %convert_element_type3A_608, %cond3A_609 : i32
      scf.if %cond3A_610 {
        %add3A_611 = arith.constant 2 : i32
        %add3A_612 = arith.addi %mul3A_475, %add3A_611 : i32
        %mul3A_613 = arith.constant 128 : i32
        %mul3A_614 = arith.muli %add3A_612, %mul3A_613 : i32
        %add3A_615 = arith.addi %mul3A_0, %mul3A_614 : i32
        %dma_wait3A_616 = tpu.memref_slice %arg2[%add3A_615] : memref<802816xi32, #tpu.memory_space<hbm>> -> memref<128xi32, #tpu.memory_space<hbm>>
        %dma_wait3A_617 = tpu.memref_slice %arg2[%add3A_615] : memref<802816xi32, #tpu.memory_space<hbm>> -> memref<128xi32, #tpu.memory_space<hbm>>
        tpu.wait_dma2 semaphore(%arg17 : memref<!tpu.dma_semaphore, #tpu.memory_space<semaphore_mem>>) src(%dma_wait3A_617 : memref<128xi32, #tpu.memory_space<hbm>>) dst(%arg7 : memref<128xi32, #tpu.memory_space<vmem>>)
        %mul3A_618 = arith.constant 128 : i32
        %mul3A_619 = arith.muli %add3A_612, %mul3A_618 : i32
        %add3A_620 = arith.addi %mul3A_0, %mul3A_619 : i32
        %dma_wait3A_621 = arith.constant 0 : i32
        %dma_wait3A_622 = arith.constant 0 : i32
        %dma_wait3A_623 = tpu.memref_slice %arg9[%dma_wait3A_621, %dma_wait3A_622] : memref<2x128xi32, #tpu.memory_space<vmem>> -> memref<1x128xi32, #tpu.memory_space<vmem>>
        %dma_wait3A_624 = tpu.memref_squeeze %dma_wait3A_623 : memref<1x128xi32, #tpu.memory_space<vmem>> -> memref<128xi32, #tpu.memory_space<vmem>>
        %dma_wait3A_625 = tpu.memref_slice %arg3[%add3A_620] : memref<802816xi32, #tpu.memory_space<hbm>> -> memref<128xi32, #tpu.memory_space<hbm>>
        %dma_wait3A_626 = arith.constant 0 : i32
        %dma_wait3A_627 = tpu.memref_slice %arg9[%dma_wait3A_621, %dma_wait3A_626] : memref<2x128xi32, #tpu.memory_space<vmem>> -> memref<1x128xi32, #tpu.memory_space<vmem>>
        %dma_wait3A_628 = tpu.memref_squeeze %dma_wait3A_627 : memref<1x128xi32, #tpu.memory_space<vmem>> -> memref<128xi32, #tpu.memory_space<vmem>>
        %dma_wait3A_629 = tpu.memref_slice %arg3[%add3A_620] : memref<802816xi32, #tpu.memory_space<hbm>> -> memref<128xi32, #tpu.memory_space<hbm>>
        tpu.wait_dma2 semaphore(%arg17 : memref<!tpu.dma_semaphore, #tpu.memory_space<semaphore_mem>>) src(%dma_wait3A_629 : memref<128xi32, #tpu.memory_space<hbm>>) dst(%dma_wait3A_628 : memref<128xi32, #tpu.memory_space<vmem>>)
        %get3A_630 = arith.constant 0 : index
        %get3A_631 = tpu.vector_load %arg7[%get3A_630] {strides = array<i32>} : memref<128xi32, #tpu.memory_space<vmem>>, vector<16xi32>,
        %get3A_632 = vector.shape_cast %get3A_631 : vector<16xi32> to vector<16xi32>
        %mul3A_633 = arith.constant 4 : i32
        %mul3A_634 = vector.broadcast %mul3A_633 : i32 to vector<16xi32>
        %mul3A_635 = arith.muli %get3A_632, %mul3A_634 : vector<16xi32>
        %add3A_636 = vector.broadcast %add3A_236 : i32 to vector<16xi32>
        %add3A_637 = arith.addi %mul3A_635, %add3A_636 : vector<16xi32>
        %swap3A_638 = arith.constant 0 : index
        %swap3A_639 = tpu.vector_load %arg10[%swap3A_638] {strides = array<i32>} : memref<128xi32, #tpu.memory_space<vmem>>, vector<16xi32>,
        %swap3A_640 = vector.shape_cast %swap3A_639 : vector<16xi32> to vector<16xi32>
        %swap3A_641 = vector.shape_cast %add3A_637 : vector<16xi32> to vector<16xi32>
        tpu.vector_store %arg10[%swap3A_638], %swap3A_641 {strides = array<i32>} : memref<128xi32, #tpu.memory_space<vmem>>, vector<16xi32>,
        %get3A_642 = arith.constant 16 : index
        %get3A_643 = tpu.vector_load %arg7[%get3A_642] {strides = array<i32>} : memref<128xi32, #tpu.memory_space<vmem>>, vector<16xi32>,
        %get3A_644 = vector.shape_cast %get3A_643 : vector<16xi32> to vector<16xi32>
        %mul3A_645 = arith.constant 4 : i32
        %mul3A_646 = vector.broadcast %mul3A_645 : i32 to vector<16xi32>
        %mul3A_647 = arith.muli %get3A_644, %mul3A_646 : vector<16xi32>
        %add3A_648 = vector.broadcast %add3A_236 : i32 to vector<16xi32>
        %add3A_649 = arith.addi %mul3A_647, %add3A_648 : vector<16xi32>
        %swap3A_650 = arith.constant 16 : index
        %swap3A_651 = tpu.vector_load %arg10[%swap3A_650] {strides = array<i32>} : memref<128xi32, #tpu.memory_space<vmem>>, vector<16xi32>,
        %swap3A_652 = vector.shape_cast %swap3A_651 : vector<16xi32> to vector<16xi32>
        %swap3A_653 = vector.shape_cast %add3A_649 : vector<16xi32> to vector<16xi32>
        tpu.vector_store %arg10[%swap3A_650], %swap3A_653 {strides = array<i32>} : memref<128xi32, #tpu.memory_space<vmem>>, vector<16xi32>,
        %get3A_654 = arith.constant 32 : index
        %get3A_655 = tpu.vector_load %arg7[%get3A_654] {strides = array<i32>} : memref<128xi32, #tpu.memory_space<vmem>>, vector<16xi32>,
        %get3A_656 = vector.shape_cast %get3A_655 : vector<16xi32> to vector<16xi32>
        %mul3A_657 = arith.constant 4 : i32
        %mul3A_658 = vector.broadcast %mul3A_657 : i32 to vector<16xi32>
        %mul3A_659 = arith.muli %get3A_656, %mul3A_658 : vector<16xi32>
        %add3A_660 = vector.broadcast %add3A_236 : i32 to vector<16xi32>
        %add3A_661 = arith.addi %mul3A_659, %add3A_660 : vector<16xi32>
        %swap3A_662 = arith.constant 32 : index
        %swap3A_663 = tpu.vector_load %arg10[%swap3A_662] {strides = array<i32>} : memref<128xi32, #tpu.memory_space<vmem>>, vector<16xi32>,
        %swap3A_664 = vector.shape_cast %swap3A_663 : vector<16xi32> to vector<16xi32>
        %swap3A_665 = vector.shape_cast %add3A_661 : vector<16xi32> to vector<16xi32>
        tpu.vector_store %arg10[%swap3A_662], %swap3A_665 {strides = array<i32>} : memref<128xi32, #tpu.memory_space<vmem>>, vector<16xi32>,
        %get3A_666 = arith.constant 48 : index
        %get3A_667 = tpu.vector_load %arg7[%get3A_666] {strides = array<i32>} : memref<128xi32, #tpu.memory_space<vmem>>, vector<16xi32>,
        %get3A_668 = vector.shape_cast %get3A_667 : vector<16xi32> to vector<16xi32>
        %mul3A_669 = arith.constant 4 : i32
        %mul3A_670 = vector.broadcast %mul3A_669 : i32 to vector<16xi32>
        %mul3A_671 = arith.muli %get3A_668, %mul3A_670 : vector<16xi32>
        %add3A_672 = vector.broadcast %add3A_236 : i32 to vector<16xi32>
        %add3A_673 = arith.addi %mul3A_671, %add3A_672 : vector<16xi32>
        %swap3A_674 = arith.constant 48 : index
        %swap3A_675 = tpu.vector_load %arg10[%swap3A_674] {strides = array<i32>} : memref<128xi32, #tpu.memory_space<vmem>>, vector<16xi32>,
        %swap3A_676 = vector.shape_cast %swap3A_675 : vector<16xi32> to vector<16xi32>
        %swap3A_677 = vector.shape_cast %add3A_673 : vector<16xi32> to vector<16xi32>
        tpu.vector_store %arg10[%swap3A_674], %swap3A_677 {strides = array<i32>} : memref<128xi32, #tpu.memory_space<vmem>>, vector<16xi32>,
        %get3A_678 = arith.constant 64 : index
        %get3A_679 = tpu.vector_load %arg7[%get3A_678] {strides = array<i32>} : memref<128xi32, #tpu.memory_space<vmem>>, vector<16xi32>,
        %get3A_680 = vector.shape_cast %get3A_679 : vector<16xi32> to vector<16xi32>
        %mul3A_681 = arith.constant 4 : i32
        %mul3A_682 = vector.broadcast %mul3A_681 : i32 to vector<16xi32>
        %mul3A_683 = arith.muli %get3A_680, %mul3A_682 : vector<16xi32>
        %add3A_684 = vector.broadcast %add3A_236 : i32 to vector<16xi32>
        %add3A_685 = arith.addi %mul3A_683, %add3A_684 : vector<16xi32>
        %swap3A_686 = arith.constant 64 : index
        %swap3A_687 = tpu.vector_load %arg10[%swap3A_686] {strides = array<i32>} : memref<128xi32, #tpu.memory_space<vmem>>, vector<16xi32>,
        %swap3A_688 = vector.shape_cast %swap3A_687 : vector<16xi32> to vector<16xi32>
        %swap3A_689 = vector.shape_cast %add3A_685 : vector<16xi32> to vector<16xi32>
        tpu.vector_store %arg10[%swap3A_686], %swap3A_689 {strides = array<i32>} : memref<128xi32, #tpu.memory_space<vmem>>, vector<16xi32>,
        %get3A_690 = arith.constant 80 : index
        %get3A_691 = tpu.vector_load %arg7[%get3A_690] {strides = array<i32>} : memref<128xi32, #tpu.memory_space<vmem>>, vector<16xi32>,
        %get3A_692 = vector.shape_cast %get3A_691 : vector<16xi32> to vector<16xi32>
        %mul3A_693 = arith.constant 4 : i32
        %mul3A_694 = vector.broadcast %mul3A_693 : i32 to vector<16xi32>
        %mul3A_695 = arith.muli %get3A_692, %mul3A_694 : vector<16xi32>
        %add3A_696 = vector.broadcast %add3A_236 : i32 to vector<16xi32>
        %add3A_697 = arith.addi %mul3A_695, %add3A_696 : vector<16xi32>
        %swap3A_698 = arith.constant 80 : index
        %swap3A_699 = tpu.vector_load %arg10[%swap3A_698] {strides = array<i32>} : memref<128xi32, #tpu.memory_space<vmem>>, vector<16xi32>,
        %swap3A_700 = vector.shape_cast %swap3A_699 : vector<16xi32> to vector<16xi32>
        %swap3A_701 = vector.shape_cast %add3A_697 : vector<16xi32> to vector<16xi32>
        tpu.vector_store %arg10[%swap3A_698], %swap3A_701 {strides = array<i32>} : memref<128xi32, #tpu.memory_space<vmem>>, vector<16xi32>,
        %get3A_702 = arith.constant 96 : index
        %get3A_703 = tpu.vector_load %arg7[%get3A_702] {strides = array<i32>} : memref<128xi32, #tpu.memory_space<vmem>>, vector<16xi32>,
        %get3A_704 = vector.shape_cast %get3A_703 : vector<16xi32> to vector<16xi32>
        %mul3A_705 = arith.constant 4 : i32
        %mul3A_706 = vector.broadcast %mul3A_705 : i32 to vector<16xi32>
        %mul3A_707 = arith.muli %get3A_704, %mul3A_706 : vector<16xi32>
        %add3A_708 = vector.broadcast %add3A_236 : i32 to vector<16xi32>
        %add3A_709 = arith.addi %mul3A_707, %add3A_708 : vector<16xi32>
        %swap3A_710 = arith.constant 96 : index
        %swap3A_711 = tpu.vector_load %arg10[%swap3A_710] {strides = array<i32>} : memref<128xi32, #tpu.memory_space<vmem>>, vector<16xi32>,
        %swap3A_712 = vector.shape_cast %swap3A_711 : vector<16xi32> to vector<16xi32>
        %swap3A_713 = vector.shape_cast %add3A_709 : vector<16xi32> to vector<16xi32>
        tpu.vector_store %arg10[%swap3A_710], %swap3A_713 {strides = array<i32>} : memref<128xi32, #tpu.memory_space<vmem>>, vector<16xi32>,
        %get3A_714 = arith.constant 112 : index
        %get3A_715 = tpu.vector_load %arg7[%get3A_714] {strides = array<i32>} : memref<128xi32, #tpu.memory_space<vmem>>, vector<16xi32>,
        %get3A_716 = vector.shape_cast %get3A_715 : vector<16xi32> to vector<16xi32>
        %mul3A_717 = arith.constant 4 : i32
        %mul3A_718 = vector.broadcast %mul3A_717 : i32 to vector<16xi32>
        %mul3A_719 = arith.muli %get3A_716, %mul3A_718 : vector<16xi32>
        %add3A_720 = vector.broadcast %add3A_236 : i32 to vector<16xi32>
        %add3A_721 = arith.addi %mul3A_719, %add3A_720 : vector<16xi32>
        %swap3A_722 = arith.constant 112 : index
        %swap3A_723 = tpu.vector_load %arg10[%swap3A_722] {strides = array<i32>} : memref<128xi32, #tpu.memory_space<vmem>>, vector<16xi32>,
        %swap3A_724 = vector.shape_cast %swap3A_723 : vector<16xi32> to vector<16xi32>
        %swap3A_725 = vector.shape_cast %add3A_721 : vector<16xi32> to vector<16xi32>
        tpu.vector_store %arg10[%swap3A_722], %swap3A_725 {strides = array<i32>} : memref<128xi32, #tpu.memory_space<vmem>>, vector<16xi32>,
        %dma_start3A_726 = arith.constant 0 : i32
        %dma_start3A_727 = arith.constant 0 : i32
        %dma_start3A_728 = tpu.memref_slice %arg4[%dma_start3A_726, %dma_start3A_727] : memref<600000x32xf32, #tpu.memory_space<hbm>> -> memref<600000x32xf32, #tpu.memory_space<hbm>>
        tpu.enqueue_indirect_dma source(%dma_start3A_728 : memref<600000x32xf32, #tpu.memory_space<hbm>>) target(%arg12 : memref<128x32xf32, #tpu.memory_space<vmem>>) offsets(%arg10 : memref<128xi32, #tpu.memory_space<vmem>>) semaphore(%arg15 : memref<!tpu.dma_semaphore, #tpu.memory_space<semaphore_mem>>)
        %add3A_729 = arith.constant 3 : i32
        %add3A_730 = arith.addi %mul3A_475, %add3A_729 : i32
        %mul3A_731 = arith.constant 128 : i32
        %mul3A_732 = arith.muli %add3A_730, %mul3A_731 : i32
        %add3A_733 = arith.addi %mul3A_0, %mul3A_732 : i32
        %dma_start3A_734 = tpu.memref_slice %arg2[%add3A_733] : memref<802816xi32, #tpu.memory_space<hbm>> -> memref<128xi32, #tpu.memory_space<hbm>>
        %dma_start3A_735 = tpu.memref_slice %arg2[%add3A_733] : memref<802816xi32, #tpu.memory_space<hbm>> -> memref<128xi32, #tpu.memory_space<hbm>>
        tpu.enqueue_dma source(%dma_start3A_735 : memref<128xi32, #tpu.memory_space<hbm>>) target(%arg8 : memref<128xi32, #tpu.memory_space<vmem>>) target_semaphore(%arg18 : memref<!tpu.dma_semaphore, #tpu.memory_space<semaphore_mem>>)
        %mul3A_736 = arith.constant 128 : i32
        %mul3A_737 = arith.muli %add3A_730, %mul3A_736 : i32
        %add3A_738 = arith.addi %mul3A_0, %mul3A_737 : i32
        %dma_start3A_739 = arith.constant 1 : i32
        %dma_start3A_740 = arith.constant 0 : i32
        %dma_start3A_741 = tpu.memref_slice %arg9[%dma_start3A_739, %dma_start3A_740] : memref<2x128xi32, #tpu.memory_space<vmem>> -> memref<1x128xi32, #tpu.memory_space<vmem>>
        %dma_start3A_742 = tpu.memref_squeeze %dma_start3A_741 : memref<1x128xi32, #tpu.memory_space<vmem>> -> memref<128xi32, #tpu.memory_space<vmem>>
        %dma_start3A_743 = tpu.memref_slice %arg3[%add3A_738] : memref<802816xi32, #tpu.memory_space<hbm>> -> memref<128xi32, #tpu.memory_space<hbm>>
        %dma_start3A_744 = arith.constant 0 : i32
        %dma_start3A_745 = tpu.memref_slice %arg9[%dma_start3A_739, %dma_start3A_744] : memref<2x128xi32, #tpu.memory_space<vmem>> -> memref<1x128xi32, #tpu.memory_space<vmem>>
        %dma_start3A_746 = tpu.memref_squeeze %dma_start3A_745 : memref<1x128xi32, #tpu.memory_space<vmem>> -> memref<128xi32, #tpu.memory_space<vmem>>
        %dma_start3A_747 = tpu.memref_slice %arg3[%add3A_738] : memref<802816xi32, #tpu.memory_space<hbm>> -> memref<128xi32, #tpu.memory_space<hbm>>
        tpu.enqueue_dma source(%dma_start3A_747 : memref<128xi32, #tpu.memory_space<hbm>>) target(%dma_start3A_746 : memref<128xi32, #tpu.memory_space<vmem>>) target_semaphore(%arg18 : memref<!tpu.dma_semaphore, #tpu.memory_space<semaphore_mem>>)
      } else {
      }
    }
    %scan3A_460 = arith.constant 196 : i32
    %barrier3A_461 = arith.constant 0 : index
    tpu.barrier barrier_id(%barrier3A_461)
    %lt3A_462 = arith.constant 15 : i32
    %lt3A_463 = arith.cmpi slt, %arg1, %lt3A_462 : i32
    %convert_element_type3A_464 = arith.extui %lt3A_463 : i1 to i32
    %cond3A_465 = arith.constant 0 : i32
    %cond3A_466 = arith.cmpi ne, %convert_element_type3A_464, %cond3A_465 : i32
    scf.if %cond3A_466 {
      %mul3A_473 = arith.constant 3128 : i32
      %mul3A_474 = arith.muli %arg1, %mul3A_473 : i32
      %mul3A_475 = arith.constant 3128 : i32
      %mul3A_476 = arith.muli %arg1, %mul3A_475 : i32
      %add3A_477 = arith.addi %mul3A_238, %mul3A_476 : i32
      "tpu.region"() ({
        %run_scoped3A_478 = tpu.sem_alloc : memref<!tpu.dma_semaphore, #tpu.memory_space<semaphore_mem>>
        %dma_start3A_479 = arith.constant 0 : i32
        %dma_start3A_480 = tpu.memref_slice %arg5[%add3A_477, %dma_start3A_479] : memref<200000x32xf32, #tpu.memory_space<hbm>> -> memref<3128x32xf32, #tpu.memory_space<hbm>>
        %dma_start3A_481 = arith.constant 0 : i32
        %dma_start3A_482 = tpu.memref_slice %arg6[%mul3A_474, %dma_start3A_481] : memref<50048x32xf32, #tpu.memory_space<vmem_shared>> -> memref<3128x32xf32, #tpu.memory_space<vmem_shared>>
        tpu.enqueue_dma source(%dma_start3A_482 : memref<3128x32xf32, #tpu.memory_space<vmem_shared>>) target(%dma_start3A_480 : memref<3128x32xf32, #tpu.memory_space<hbm>>) target_semaphore(%run_scoped3A_478 : memref<!tpu.dma_semaphore, #tpu.memory_space<semaphore_mem>>)
        %dma_wait3A = arith.constant 0 : i32
        %dma_wait3A_483 = tpu.memref_slice %arg5[%add3A_477, %dma_wait3A] : memref<200000x32xf32, #tpu.memory_space<hbm>> -> memref<3128x32xf32, #tpu.memory_space<hbm>>
        %dma_wait3A_484 = arith.constant 0 : i32
        %dma_wait3A_485 = tpu.memref_slice %arg6[%mul3A_474, %dma_wait3A_484] : memref<50048x32xf32, #tpu.memory_space<vmem_shared>> -> memref<3128x32xf32, #tpu.memory_space<vmem_shared>>
        tpu.wait_dma2 semaphore(%run_scoped3A_478 : memref<!tpu.dma_semaphore, #tpu.memory_space<semaphore_mem>>) src(%dma_wait3A_485 : memref<3128x32xf32, #tpu.memory_space<vmem_shared>>) dst(%dma_wait3A_483 : memref<3128x32xf32, #tpu.memory_space<hbm>>)
        tpu.yield
      }) : () -> ()
    } else {
    }
    %eq3A_467 = arith.constant 15 : i32
    %eq3A_468 = arith.cmpi eq, %arg1, %eq3A_467 : i32
    %convert_element_type3A_469 = arith.extui %eq3A_468 : i1 to i32
    %cond3A_470 = arith.constant 0 : i32
    %cond3A_471 = arith.cmpi ne, %convert_element_type3A_469, %cond3A_470 : i32
    scf.if %cond3A_471 {
      %add3A_473 = arith.constant 46920 : i32
      %add3A_474 = arith.addi %mul3A_238, %add3A_473 : i32
      "tpu.region"() ({
        %run_scoped3A_475 = tpu.sem_alloc : memref<!tpu.dma_semaphore, #tpu.memory_space<semaphore_mem>>
        %dma_start3A_476 = arith.constant 0 : i32
        %dma_start3A_477 = tpu.memref_slice %arg5[%add3A_474, %dma_start3A_476] : memref<200000x32xf32, #tpu.memory_space<hbm>> -> memref<3080x32xf32, #tpu.memory_space<hbm>>
        %dma_start3A_478 = arith.constant 46920 : i32
        %dma_start3A_479 = arith.constant 0 : i32
        %dma_start3A_480 = tpu.memref_slice %arg6[%dma_start3A_478, %dma_start3A_479] : memref<50048x32xf32, #tpu.memory_space<vmem_shared>> -> memref<3080x32xf32, #tpu.memory_space<vmem_shared>>
        tpu.enqueue_dma source(%dma_start3A_480 : memref<3080x32xf32, #tpu.memory_space<vmem_shared>>) target(%dma_start3A_477 : memref<3080x32xf32, #tpu.memory_space<hbm>>) target_semaphore(%run_scoped3A_475 : memref<!tpu.dma_semaphore, #tpu.memory_space<semaphore_mem>>)
        %dma_wait3A = arith.constant 0 : i32
        %dma_wait3A_481 = tpu.memref_slice %arg5[%add3A_474, %dma_wait3A] : memref<200000x32xf32, #tpu.memory_space<hbm>> -> memref<3080x32xf32, #tpu.memory_space<hbm>>
        %dma_wait3A_482 = arith.constant 46920 : i32
        %dma_wait3A_483 = arith.constant 0 : i32
        %dma_wait3A_484 = tpu.memref_slice %arg6[%dma_wait3A_482, %dma_wait3A_483] : memref<50048x32xf32, #tpu.memory_space<vmem_shared>> -> memref<3080x32xf32, #tpu.memory_space<vmem_shared>>
        tpu.wait_dma2 semaphore(%run_scoped3A_475 : memref<!tpu.dma_semaphore, #tpu.memory_space<semaphore_mem>>) src(%dma_wait3A_484 : memref<3080x32xf32, #tpu.memory_space<vmem_shared>>) dst(%dma_wait3A_481 : memref<3080x32xf32, #tpu.memory_space<hbm>>)
        tpu.yield
      }) : () -> ()
    } else {
    }
    %barrier3A_472 = arith.constant 0 : index
    tpu.barrier barrier_id(%barrier3A_472)
    return
  }
}

module attributes {stable_mosaic.version = 14 : i64} {
  func.func @_k1_body(%arg0: i32, %arg1: memref<2000x8xf32, #tpu.memory_space<vmem>>, %arg2: memref<4x2000x32xf32, #tpu.memory_space<vmem>>, %arg3: memref<8x64xf32, #tpu.memory_space<vmem>>, %arg4: memref<128x128xf32, #tpu.memory_space<vmem>>, %arg5: memref<1x128xf32, #tpu.memory_space<vmem>>, %arg6: memref<128x128xf32, #tpu.memory_space<vmem>>, %arg7: memref<1x128xf32, #tpu.memory_space<vmem>>, %arg8: memref<128x128xf32, #tpu.memory_space<vmem>>, %arg9: memref<1x128xf32, #tpu.memory_space<vmem>>, %arg10: memref<128x128xf32, #tpu.memory_space<vmem>>, %arg11: memref<1x128xf32, #tpu.memory_space<vmem>>, %arg12: memref<2000x128xf32, #tpu.memory_space<vmem>>, %arg13: memref<1x128xf32, #tpu.memory_space<vmem>>, %arg14: memref<1x128xf32, #tpu.memory_space<vmem>>) attributes {dimension_semantics = [#tpu.dimension_semantics<arbitrary>], iteration_bounds = array<i64: 25>, scalar_prefetch = 0 : i64, scratch_operands = 0 : i64, tpu.core_type = #tpu.core_type<tc>, window_params = [{transform_indices = @transform_0, window_bounds = array<i64: 2000, 8>}, {transform_indices = @transform_1, window_bounds = array<i64: 4, 2000, 32>}, {pipeline_mode = #tpu.pipeline_mode<synchronous>, transform_indices = @transform_2, window_bounds = array<i64: 8, 64>}, {pipeline_mode = #tpu.pipeline_mode<synchronous>, transform_indices = @transform_3, window_bounds = array<i64: 128, 128>}, {pipeline_mode = #tpu.pipeline_mode<synchronous>, transform_indices = @transform_4, window_bounds = array<i64: 1, 128>}, {pipeline_mode = #tpu.pipeline_mode<synchronous>, transform_indices = @transform_5, window_bounds = array<i64: 128, 128>}, {pipeline_mode = #tpu.pipeline_mode<synchronous>, transform_indices = @transform_6, window_bounds = array<i64: 1, 128>}, {pipeline_mode = #tpu.pipeline_mode<synchronous>, transform_indices = @transform_7, window_bounds = array<i64: 128, 128>}, {pipeline_mode = #tpu.pipeline_mode<synchronous>, transform_indices = @transform_8, window_bounds = array<i64: 1, 128>}, {pipeline_mode = #tpu.pipeline_mode<synchronous>, transform_indices = @transform_9, window_bounds = array<i64: 128, 128>}, {pipeline_mode = #tpu.pipeline_mode<synchronous>, transform_indices = @transform_10, window_bounds = array<i64: 1, 128>}, {transform_indices = @transform_11, window_bounds = array<i64: 2000, 128>}, {pipeline_mode = #tpu.pipeline_mode<synchronous>, transform_indices = @transform_12, window_bounds = array<i64: 1, 128>}, {pipeline_mode = #tpu.pipeline_mode<synchronous>, transform_indices = @transform_13, window_bounds = array<i64: 1, 128>}]} {
    %get3A = arith.constant 0 : index
    %get3A_0 = arith.constant 0 : index
    %get3A_1 = vector.load %arg1[%get3A, %get3A_0] : memref<2000x8xf32, #tpu.memory_space<vmem>>, vector<2000x8xf32>
    %get3A_2 = arith.constant 0 : index
    %get3A_3 = arith.constant 0 : index
    %get3A_4 = vector.load %arg3[%get3A_2, %get3A_3] : memref<8x64xf32, #tpu.memory_space<vmem>>, vector<8x64xf32>
    %convert_element_type3A = arith.truncf %get3A_1 : vector<2000x8xf32> to vector<2000x8xbf16>
    %convert_element_type3A_5 = arith.truncf %get3A_4 : vector<8x64xf32> to vector<8x64xbf16>
    %dot_general3A = arith.constant dense<0.000000e+00> : vector<2000x64xf32>
    %dot_general3A_6 = tpu.matmul %convert_element_type3A, %convert_element_type3A_5, %dot_general3A {dimension_numbers = #tpu.dot_dimension_numbers<[1], [0], [0], [1], [0, 0, 1, 1], [], []>, transpose_lhs_hint = false} : vector<2000x8xbf16>, vector<8x64xbf16>, vector<2000x64xf32> -> vector<2000x64xf32>
    %mul3A = arith.constant 6.28318548 : f32
    %mul3A_7 = vector.broadcast %mul3A : f32 to vector<2000x64xf32>
    %mul3A_8 = arith.mulf %mul3A_7, %dot_general3A_6 : vector<2000x64xf32>
    %cos3A = math.cos %mul3A_8 : vector<2000x64xf32>
    %sin3A = math.sin %mul3A_8 : vector<2000x64xf32>
    %concatenate3A = tpu.concatenate %cos3A, %sin3A in 1 : vector<2000x64xf32>, vector<2000x64xf32> -> vector<2000x128xf32>
    %get3A_9 = arith.constant 0 : index
    %get3A_10 = arith.constant 0 : index
    %get3A_11 = arith.constant 0 : index
    %get3A_12 = vector.load %arg2[%get3A_9, %get3A_10, %get3A_11] : memref<4x2000x32xf32, #tpu.memory_space<vmem>>, vector<4x2000x32xf32>
    %slice3A = vector.extract_strided_slice %get3A_12 {offsets = [0, 0, 0], sizes = [1, 2000, 32], strides = [1, 1, 1]} : vector<4x2000x32xf32> to vector<1x2000x32xf32>
    %squeeze3A = vector.shape_cast %slice3A : vector<1x2000x32xf32> to vector<2000x32xf32>
    %slice3A_13 = vector.extract_strided_slice %get3A_12 {offsets = [1, 0, 0], sizes = [1, 2000, 32], strides = [1, 1, 1]} : vector<4x2000x32xf32> to vector<1x2000x32xf32>
    %squeeze3A_14 = vector.shape_cast %slice3A_13 : vector<1x2000x32xf32> to vector<2000x32xf32>
    %slice3A_15 = vector.extract_strided_slice %get3A_12 {offsets = [2, 0, 0], sizes = [1, 2000, 32], strides = [1, 1, 1]} : vector<4x2000x32xf32> to vector<1x2000x32xf32>
    %squeeze3A_16 = vector.shape_cast %slice3A_15 : vector<1x2000x32xf32> to vector<2000x32xf32>
    %slice3A_17 = vector.extract_strided_slice %get3A_12 {offsets = [3, 0, 0], sizes = [1, 2000, 32], strides = [1, 1, 1]} : vector<4x2000x32xf32> to vector<1x2000x32xf32>
    %squeeze3A_18 = vector.shape_cast %slice3A_17 : vector<1x2000x32xf32> to vector<2000x32xf32>
    %concatenate3A_19 = tpu.concatenate %squeeze3A, %squeeze3A_14, %squeeze3A_16, %squeeze3A_18 in 1 : vector<2000x32xf32>, vector<2000x32xf32>, vector<2000x32xf32>, vector<2000x32xf32> -> vector<2000x128xf32>
    %get3A_20 = arith.constant 0 : index
    %get3A_21 = arith.constant 0 : index
    %get3A_22 = vector.load %arg9[%get3A_20, %get3A_21] : memref<1x128xf32, #tpu.memory_space<vmem>>, vector<1x128xf32>
    %add3A = vector.broadcast %get3A_22 : vector<1x128xf32> to vector<2000x128xf32>
    %add3A_23 = arith.addf %concatenate3A_19, %add3A : vector<2000x128xf32>
    %get3A_24 = arith.constant 0 : index
    %get3A_25 = arith.constant 0 : index
    %get3A_26 = vector.load %arg8[%get3A_24, %get3A_25] : memref<128x128xf32, #tpu.memory_space<vmem>>, vector<128x128xf32>
    %convert_element_type3A_27 = arith.truncf %add3A_23 : vector<2000x128xf32> to vector<2000x128xbf16>
    %convert_element_type3A_28 = arith.truncf %get3A_26 : vector<128x128xf32> to vector<128x128xbf16>
    %dot_general3A_29 = arith.constant dense<0.000000e+00> : vector<2000x128xf32>
    %dot_general3A_30 = tpu.matmul %convert_element_type3A_27, %convert_element_type3A_28, %dot_general3A_29 {dimension_numbers = #tpu.dot_dimension_numbers<[1], [0], [0], [1], [0, 0, 1, 1], [], []>, transpose_lhs_hint = false} : vector<2000x128xbf16>, vector<128x128xbf16>, vector<2000x128xf32> -> vector<2000x128xf32>
    %add3A_31 = arith.addf %add3A_23, %dot_general3A_30 : vector<2000x128xf32>
    %get3A_32 = arith.constant 0 : index
    %get3A_33 = arith.constant 0 : index
    %get3A_34 = vector.load %arg7[%get3A_32, %get3A_33] : memref<1x128xf32, #tpu.memory_space<vmem>>, vector<1x128xf32>
    %add3A_35 = vector.broadcast %get3A_34 : vector<1x128xf32> to vector<2000x128xf32>
    %add3A_36 = arith.addf %add3A_31, %add3A_35 : vector<2000x128xf32>
    %get3A_37 = arith.constant 0 : index
    %get3A_38 = arith.constant 0 : index
    %get3A_39 = vector.load %arg4[%get3A_37, %get3A_38] : memref<128x128xf32, #tpu.memory_space<vmem>>, vector<128x128xf32>
    %convert_element_type3A_40 = arith.truncf %concatenate3A : vector<2000x128xf32> to vector<2000x128xbf16>
    %convert_element_type3A_41 = arith.truncf %get3A_39 : vector<128x128xf32> to vector<128x128xbf16>
    %dot_general3A_42 = arith.constant dense<0.000000e+00> : vector<2000x128xf32>
    %dot_general3A_43 = tpu.matmul %convert_element_type3A_40, %convert_element_type3A_41, %dot_general3A_42 {dimension_numbers = #tpu.dot_dimension_numbers<[1], [0], [0], [1], [0, 0, 1, 1], [], []>, transpose_lhs_hint = false} : vector<2000x128xbf16>, vector<128x128xbf16>, vector<2000x128xf32> -> vector<2000x128xf32>
    %get3A_44 = arith.constant 0 : index
    %get3A_45 = arith.constant 0 : index
    %get3A_46 = vector.load %arg5[%get3A_44, %get3A_45] : memref<1x128xf32, #tpu.memory_space<vmem>>, vector<1x128xf32>
    %add3A_47 = vector.broadcast %get3A_46 : vector<1x128xf32> to vector<2000x128xf32>
    %add3A_48 = arith.addf %dot_general3A_43, %add3A_47 : vector<2000x128xf32>
    %add3A_49 = arith.addf %add3A_36, %add3A_48 : vector<2000x128xf32>
    %get3A_50 = arith.constant 0 : index
    %get3A_51 = arith.constant 0 : index
    %get3A_52 = vector.load %arg6[%get3A_50, %get3A_51] : memref<128x128xf32, #tpu.memory_space<vmem>>, vector<128x128xf32>
    %convert_element_type3A_53 = arith.truncf %add3A_48 : vector<2000x128xf32> to vector<2000x128xbf16>
    %convert_element_type3A_54 = arith.truncf %get3A_52 : vector<128x128xf32> to vector<128x128xbf16>
    %dot_general3A_55 = arith.constant dense<0.000000e+00> : vector<2000x128xf32>
    %dot_general3A_56 = tpu.matmul %convert_element_type3A_53, %convert_element_type3A_54, %dot_general3A_55 {dimension_numbers = #tpu.dot_dimension_numbers<[1], [0], [0], [1], [0, 0, 1, 1], [], []>, transpose_lhs_hint = false} : vector<2000x128xbf16>, vector<128x128xbf16>, vector<2000x128xf32> -> vector<2000x128xf32>
    %add3A_57 = arith.addf %add3A_49, %dot_general3A_56 : vector<2000x128xf32>
    %max3A = arith.constant 0.000000e+00 : f32
    %max3A_58 = vector.broadcast %max3A : f32 to vector<2000x128xf32>
    %max3A_59 = arith.maximumf %add3A_57, %max3A_58 : vector<2000x128xf32>
    %get3A_60 = arith.constant 0 : index
    %get3A_61 = arith.constant 0 : index
    %get3A_62 = vector.load %arg10[%get3A_60, %get3A_61] : memref<128x128xf32, #tpu.memory_space<vmem>>, vector<128x128xf32>
    %convert_element_type3A_63 = arith.truncf %max3A_59 : vector<2000x128xf32> to vector<2000x128xbf16>
    %convert_element_type3A_64 = arith.truncf %get3A_62 : vector<128x128xf32> to vector<128x128xbf16>
    %dot_general3A_65 = arith.constant dense<0.000000e+00> : vector<2000x128xf32>
    %dot_general3A_66 = tpu.matmul %convert_element_type3A_63, %convert_element_type3A_64, %dot_general3A_65 {dimension_numbers = #tpu.dot_dimension_numbers<[1], [0], [0], [1], [0, 0, 1, 1], [], []>, transpose_lhs_hint = false} : vector<2000x128xbf16>, vector<128x128xbf16>, vector<2000x128xf32> -> vector<2000x128xf32>
    %get3A_67 = arith.constant 0 : index
    %get3A_68 = arith.constant 0 : index
    %get3A_69 = vector.load %arg11[%get3A_67, %get3A_68] : memref<1x128xf32, #tpu.memory_space<vmem>>, vector<1x128xf32>
    %add3A_70 = vector.broadcast %get3A_69 : vector<1x128xf32> to vector<2000x128xf32>
    %add3A_71 = arith.addf %dot_general3A_66, %add3A_70 : vector<2000x128xf32>
    %max3A_72 = arith.constant 0.000000e+00 : f32
    %max3A_73 = vector.broadcast %max3A_72 : f32 to vector<2000x128xf32>
    %max3A_74 = arith.maximumf %add3A_71, %max3A_73 : vector<2000x128xf32>
    %swap3A = arith.constant 0 : index
    %swap3A_75 = arith.constant 0 : index
    %swap3A_76 = vector.load %arg12[%swap3A, %swap3A_75] : memref<2000x128xf32, #tpu.memory_space<vmem>>, vector<2000x128xf32>
    tpu.vector_store %arg12[%swap3A, %swap3A_75], %max3A_74 {strides = array<i32>} : memref<2000x128xf32, #tpu.memory_space<vmem>>, vector<2000x128xf32>,
    %reduce_sum3A = arith.constant dense<0.000000e+00> : vector<128xf32>
    %reduce_sum3A_77 = vector.multi_reduction <add>, %max3A_74, %reduce_sum3A [0] : vector<2000x128xf32> to vector<128xf32>
    %broadcast_in_dim3A = vector.shape_cast %reduce_sum3A_77 : vector<128xf32> to vector<1x128xf32>
    %mul3A_78 = arith.constant 5.000000e-04 : f32
    %mul3A_79 = vector.broadcast %mul3A_78 : f32 to vector<1x128xf32>
    %mul3A_80 = arith.mulf %broadcast_in_dim3A, %mul3A_79 : vector<1x128xf32>
    %sub3A = vector.broadcast %mul3A_80 : vector<1x128xf32> to vector<2000x128xf32>
    %sub3A_81 = arith.subf %max3A_74, %sub3A : vector<2000x128xf32>
    %mul3A_82 = arith.mulf %sub3A_81, %sub3A_81 : vector<2000x128xf32>
    %reduce_sum3A_83 = arith.constant dense<0.000000e+00> : vector<128xf32>
    %reduce_sum3A_84 = vector.multi_reduction <add>, %mul3A_82, %reduce_sum3A_83 [0] : vector<2000x128xf32> to vector<128xf32>
    %broadcast_in_dim3A_85 = vector.shape_cast %reduce_sum3A_84 : vector<128xf32> to vector<1x128xf32>
    %eq3A = arith.constant 0 : i32
    %eq3A_86 = arith.cmpi eq, %arg0, %eq3A : i32
    %convert_element_type3A_87 = arith.extui %eq3A_86 : i1 to i32
    %cond3A = arith.constant 0 : i32
    %cond3A_88 = arith.cmpi ne, %convert_element_type3A_87, %cond3A : i32
    scf.if %cond3A_88 {
      %swap3A_93 = arith.constant 0 : index
      %swap3A_94 = arith.constant 0 : index
      %swap3A_95 = vector.load %arg13[%swap3A_93, %swap3A_94] : memref<1x128xf32, #tpu.memory_space<vmem>>, vector<1x128xf32>
      tpu.vector_store %arg13[%swap3A_93, %swap3A_94], %broadcast_in_dim3A {strides = array<i32>} : memref<1x128xf32, #tpu.memory_space<vmem>>, vector<1x128xf32>,
      %swap3A_96 = arith.constant 0 : index
      %swap3A_97 = arith.constant 0 : index
      %swap3A_98 = vector.load %arg14[%swap3A_96, %swap3A_97] : memref<1x128xf32, #tpu.memory_space<vmem>>, vector<1x128xf32>
      tpu.vector_store %arg14[%swap3A_96, %swap3A_97], %broadcast_in_dim3A_85 {strides = array<i32>} : memref<1x128xf32, #tpu.memory_space<vmem>>, vector<1x128xf32>,
    } else {
    }
    %gt3A = arith.constant 0 : i32
    %gt3A_89 = arith.cmpi sgt, %arg0, %gt3A : i32
    %convert_element_type3A_90 = arith.extui %gt3A_89 : i1 to i32
    %cond3A_91 = arith.constant 0 : i32
    %cond3A_92 = arith.cmpi ne, %convert_element_type3A_90, %cond3A_91 : i32
    scf.if %cond3A_92 {
      %mul3A_93 = arith.constant 2000 : i32
      %mul3A_94 = arith.muli %arg0, %mul3A_93 : i32
      %convert_element_type3A_95 = arith.sitofp %mul3A_94 : i32 to f32
      %get3A_96 = arith.constant 0 : index
      %get3A_97 = arith.constant 0 : index
      %get3A_98 = vector.load %arg13[%get3A_96, %get3A_97] : memref<1x128xf32, #tpu.memory_space<vmem>>, vector<1x128xf32>
      %div3A = arith.constant 1.000000e+00 : f32
      %div3A_99 = arith.divf %div3A, %convert_element_type3A_95 : f32
      %mul3A_100 = vector.broadcast %div3A_99 : f32 to vector<1x128xf32>
      %mul3A_101 = arith.mulf %get3A_98, %mul3A_100 : vector<1x128xf32>
      %sub3A_102 = arith.subf %mul3A_80, %mul3A_101 : vector<1x128xf32>
      %get3A_103 = arith.constant 0 : index
      %get3A_104 = arith.constant 0 : index
      %get3A_105 = vector.load %arg14[%get3A_103, %get3A_104] : memref<1x128xf32, #tpu.memory_space<vmem>>, vector<1x128xf32>
      %add3A_106 = arith.addf %get3A_105, %broadcast_in_dim3A_85 : vector<1x128xf32>
      %mul3A_107 = arith.mulf %sub3A_102, %sub3A_102 : vector<1x128xf32>
      %mul3A_108 = arith.constant 2.000000e+03 : f32
      %mul3A_109 = arith.mulf %convert_element_type3A_95, %mul3A_108 : f32
      %add3A_110 = arith.constant 2.000000e+03 : f32
      %add3A_111 = arith.addf %convert_element_type3A_95, %add3A_110 : f32
      %div3A_112 = arith.divf %mul3A_109, %add3A_111 : f32
      %mul3A_113 = vector.broadcast %div3A_112 : f32 to vector<1x128xf32>
      %mul3A_114 = arith.mulf %mul3A_107, %mul3A_113 : vector<1x128xf32>
      %add3A_115 = arith.addf %add3A_106, %mul3A_114 : vector<1x128xf32>
      %swap3A_116 = arith.constant 0 : index
      %swap3A_117 = arith.constant 0 : index
      %swap3A_118 = vector.load %arg14[%swap3A_116, %swap3A_117] : memref<1x128xf32, #tpu.memory_space<vmem>>, vector<1x128xf32>
      tpu.vector_store %arg14[%swap3A_116, %swap3A_117], %add3A_115 {strides = array<i32>} : memref<1x128xf32, #tpu.memory_space<vmem>>, vector<1x128xf32>,
      %get3A_119 = arith.constant 0 : index
      %get3A_120 = arith.constant 0 : index
      %get3A_121 = vector.load %arg13[%get3A_119, %get3A_120] : memref<1x128xf32, #tpu.memory_space<vmem>>, vector<1x128xf32>
      %add3A_122 = arith.addf %get3A_121, %broadcast_in_dim3A : vector<1x128xf32>
      %swap3A_123 = arith.constant 0 : index
      %swap3A_124 = arith.constant 0 : index
      %swap3A_125 = vector.load %arg13[%swap3A_123, %swap3A_124] : memref<1x128xf32, #tpu.memory_space<vmem>>, vector<1x128xf32>
      tpu.vector_store %arg13[%swap3A_123, %swap3A_124], %add3A_122 {strides = array<i32>} : memref<1x128xf32, #tpu.memory_space<vmem>>, vector<1x128xf32>,
    } else {
    }
    return
  }
  func.func @transform_0(%arg0: i32) -> (i32, i32) {
    %c0_i32 = arith.constant 0 : i32
    %c0_i32_0 = arith.constant 0 : i32
    return %arg0, %c0_i32 : i32, i32
  }
  func.func @transform_1(%arg0: i32) -> (i32, i32, i32) {
    %c0_i32 = arith.constant 0 : i32
    %c0_i32_0 = arith.constant 0 : i32
    %c0_i32_1 = arith.constant 0 : i32
    return %c0_i32, %arg0, %c0_i32_0 : i32, i32, i32
  }
  func.func @transform_2(%arg0: i32) -> (i32, i32) {
    %c0_i32 = arith.constant 0 : i32
    %c0_i32_0 = arith.constant 0 : i32
    %c0_i32_1 = arith.constant 0 : i32
    return %c0_i32, %c0_i32_0 : i32, i32
  }
  func.func @transform_3(%arg0: i32) -> (i32, i32) {
    %c0_i32 = arith.constant 0 : i32
    %c0_i32_0 = arith.constant 0 : i32
    %c0_i32_1 = arith.constant 0 : i32
    return %c0_i32, %c0_i32_0 : i32, i32
  }
  func.func @transform_4(%arg0: i32) -> (i32, i32) {
    %c0_i32 = arith.constant 0 : i32
    %c0_i32_0 = arith.constant 0 : i32
    %c0_i32_1 = arith.constant 0 : i32
    return %c0_i32, %c0_i32_0 : i32, i32
  }
  func.func @transform_5(%arg0: i32) -> (i32, i32) {
    %c0_i32 = arith.constant 0 : i32
    %c0_i32_0 = arith.constant 0 : i32
    %c0_i32_1 = arith.constant 0 : i32
    return %c0_i32, %c0_i32_0 : i32, i32
  }
  func.func @transform_6(%arg0: i32) -> (i32, i32) {
    %c0_i32 = arith.constant 0 : i32
    %c0_i32_0 = arith.constant 0 : i32
    %c0_i32_1 = arith.constant 0 : i32
    return %c0_i32, %c0_i32_0 : i32, i32
  }
  func.func @transform_7(%arg0: i32) -> (i32, i32) {
    %c0_i32 = arith.constant 0 : i32
    %c0_i32_0 = arith.constant 0 : i32
    %c0_i32_1 = arith.constant 0 : i32
    return %c0_i32, %c0_i32_0 : i32, i32
  }
  func.func @transform_8(%arg0: i32) -> (i32, i32) {
    %c0_i32 = arith.constant 0 : i32
    %c0_i32_0 = arith.constant 0 : i32
    %c0_i32_1 = arith.constant 0 : i32
    return %c0_i32, %c0_i32_0 : i32, i32
  }
  func.func @transform_9(%arg0: i32) -> (i32, i32) {
    %c0_i32 = arith.constant 0 : i32
    %c0_i32_0 = arith.constant 0 : i32
    %c0_i32_1 = arith.constant 0 : i32
    return %c0_i32, %c0_i32_0 : i32, i32
  }
  func.func @transform_10(%arg0: i32) -> (i32, i32) {
    %c0_i32 = arith.constant 0 : i32
    %c0_i32_0 = arith.constant 0 : i32
    %c0_i32_1 = arith.constant 0 : i32
    return %c0_i32, %c0_i32_0 : i32, i32
  }
  func.func @transform_11(%arg0: i32) -> (i32, i32) {
    %c0_i32 = arith.constant 0 : i32
    %c0_i32_0 = arith.constant 0 : i32
    return %arg0, %c0_i32 : i32, i32
  }
  func.func @transform_12(%arg0: i32) -> (i32, i32) {
    %c0_i32 = arith.constant 0 : i32
    %c0_i32_0 = arith.constant 0 : i32
    %c0_i32_1 = arith.constant 0 : i32
    return %c0_i32, %c0_i32_0 : i32, i32
  }
  func.func @transform_13(%arg0: i32) -> (i32, i32) {
    %c0_i32 = arith.constant 0 : i32
    %c0_i32_0 = arith.constant 0 : i32
    %c0_i32_1 = arith.constant 0 : i32
    return %c0_i32, %c0_i32_0 : i32, i32
  }
}

module attributes {stable_mosaic.version = 14 : i64} {
  func.func @_k2_body(%arg0: i32, %arg1: memref<2000x128xf32, #tpu.memory_space<vmem>>, %arg2: memref<1x128xf32, #tpu.memory_space<vmem>>, %arg3: memref<1x128xf32, #tpu.memory_space<vmem>>, %arg4: memref<1x128xf32, #tpu.memory_space<vmem>>, %arg5: memref<1x128xf32, #tpu.memory_space<vmem>>, %arg6: memref<128x128xf32, #tpu.memory_space<vmem>>, %arg7: memref<1x128xf32, #tpu.memory_space<vmem>>, %arg8: memref<2000x128xf32, #tpu.memory_space<vmem>>, %arg9: memref<1x128xf32, #tpu.memory_space<vmem>>, %arg10: memref<1x128xf32, #tpu.memory_space<vmem>>) attributes {dimension_semantics = [#tpu.dimension_semantics<arbitrary>], iteration_bounds = array<i64: 25>, scalar_prefetch = 0 : i64, scratch_operands = 0 : i64, tpu.core_type = #tpu.core_type<tc>, window_params = [{transform_indices = @transform_0, window_bounds = array<i64: 2000, 128>}, {pipeline_mode = #tpu.pipeline_mode<synchronous>, transform_indices = @transform_1, window_bounds = array<i64: 1, 128>}, {pipeline_mode = #tpu.pipeline_mode<synchronous>, transform_indices = @transform_2, window_bounds = array<i64: 1, 128>}, {pipeline_mode = #tpu.pipeline_mode<synchronous>, transform_indices = @transform_3, window_bounds = array<i64: 1, 128>}, {pipeline_mode = #tpu.pipeline_mode<synchronous>, transform_indices = @transform_4, window_bounds = array<i64: 1, 128>}, {pipeline_mode = #tpu.pipeline_mode<synchronous>, transform_indices = @transform_5, window_bounds = array<i64: 128, 128>}, {pipeline_mode = #tpu.pipeline_mode<synchronous>, transform_indices = @transform_6, window_bounds = array<i64: 1, 128>}, {transform_indices = @transform_7, window_bounds = array<i64: 2000, 128>}, {pipeline_mode = #tpu.pipeline_mode<synchronous>, transform_indices = @transform_8, window_bounds = array<i64: 1, 128>}, {pipeline_mode = #tpu.pipeline_mode<synchronous>, transform_indices = @transform_9, window_bounds = array<i64: 1, 128>}]} {
    %get3A = arith.constant 0 : index
    %get3A_0 = arith.constant 0 : index
    %get3A_1 = vector.load %arg2[%get3A, %get3A_0] : memref<1x128xf32, #tpu.memory_space<vmem>>, vector<1x128xf32>
    %mul3A = arith.constant 2.000000e-05 : f32
    %mul3A_2 = vector.broadcast %mul3A : f32 to vector<1x128xf32>
    %mul3A_3 = arith.mulf %get3A_1, %mul3A_2 : vector<1x128xf32>
    %get3A_4 = arith.constant 0 : index
    %get3A_5 = arith.constant 0 : index
    %get3A_6 = vector.load %arg3[%get3A_4, %get3A_5] : memref<1x128xf32, #tpu.memory_space<vmem>>, vector<1x128xf32>
    %mul3A_7 = arith.constant 2.000000e-05 : f32
    %mul3A_8 = vector.broadcast %mul3A_7 : f32 to vector<1x128xf32>
    %mul3A_9 = arith.mulf %get3A_6, %mul3A_8 : vector<1x128xf32>
    %get3A_10 = arith.constant 0 : index
    %get3A_11 = arith.constant 0 : index
    %get3A_12 = vector.load %arg4[%get3A_10, %get3A_11] : memref<1x128xf32, #tpu.memory_space<vmem>>, vector<1x128xf32>
    %add3A = arith.constant 9.99999974E-6 : f32
    %add3A_13 = vector.broadcast %add3A : f32 to vector<1x128xf32>
    %add3A_14 = arith.addf %mul3A_9, %add3A_13 : vector<1x128xf32>
    %rsqrt3A = math.rsqrt %add3A_14 : vector<1x128xf32>
    %mul3A_15 = arith.mulf %get3A_12, %rsqrt3A : vector<1x128xf32>
    %get3A_16 = arith.constant 0 : index
    %get3A_17 = arith.constant 0 : index
    %get3A_18 = vector.load %arg5[%get3A_16, %get3A_17] : memref<1x128xf32, #tpu.memory_space<vmem>>, vector<1x128xf32>
    %mul3A_19 = arith.mulf %mul3A_3, %mul3A_15 : vector<1x128xf32>
    %sub3A = arith.subf %get3A_18, %mul3A_19 : vector<1x128xf32>
    %get3A_20 = arith.constant 0 : index
    %get3A_21 = arith.constant 0 : index
    %get3A_22 = vector.load %arg1[%get3A_20, %get3A_21] : memref<2000x128xf32, #tpu.memory_space<vmem>>, vector<2000x128xf32>
    %mul3A_23 = vector.broadcast %mul3A_15 : vector<1x128xf32> to vector<2000x128xf32>
    %mul3A_24 = arith.mulf %get3A_22, %mul3A_23 : vector<2000x128xf32>
    %add3A_25 = vector.broadcast %sub3A : vector<1x128xf32> to vector<2000x128xf32>
    %add3A_26 = arith.addf %mul3A_24, %add3A_25 : vector<2000x128xf32>
    %get3A_27 = arith.constant 0 : index
    %get3A_28 = arith.constant 0 : index
    %get3A_29 = vector.load %arg6[%get3A_27, %get3A_28] : memref<128x128xf32, #tpu.memory_space<vmem>>, vector<128x128xf32>
    %convert_element_type3A = arith.truncf %add3A_26 : vector<2000x128xf32> to vector<2000x128xbf16>
    %convert_element_type3A_30 = arith.truncf %get3A_29 : vector<128x128xf32> to vector<128x128xbf16>
    %dot_general3A = arith.constant dense<0.000000e+00> : vector<2000x128xf32>
    %dot_general3A_31 = tpu.matmul %convert_element_type3A, %convert_element_type3A_30, %dot_general3A {dimension_numbers = #tpu.dot_dimension_numbers<[1], [0], [0], [1], [0, 0, 1, 1], [], []>, transpose_lhs_hint = false} : vector<2000x128xbf16>, vector<128x128xbf16>, vector<2000x128xf32> -> vector<2000x128xf32>
    %get3A_32 = arith.constant 0 : index
    %get3A_33 = arith.constant 0 : index
    %get3A_34 = vector.load %arg7[%get3A_32, %get3A_33] : memref<1x128xf32, #tpu.memory_space<vmem>>, vector<1x128xf32>
    %add3A_35 = vector.broadcast %get3A_34 : vector<1x128xf32> to vector<2000x128xf32>
    %add3A_36 = arith.addf %dot_general3A_31, %add3A_35 : vector<2000x128xf32>
    %max3A = arith.constant 0.000000e+00 : f32
    %max3A_37 = vector.broadcast %max3A : f32 to vector<2000x128xf32>
    %max3A_38 = arith.maximumf %add3A_36, %max3A_37 : vector<2000x128xf32>
    %swap3A = arith.constant 0 : index
    %swap3A_39 = arith.constant 0 : index
    %swap3A_40 = vector.load %arg8[%swap3A, %swap3A_39] : memref<2000x128xf32, #tpu.memory_space<vmem>>, vector<2000x128xf32>
    tpu.vector_store %arg8[%swap3A, %swap3A_39], %max3A_38 {strides = array<i32>} : memref<2000x128xf32, #tpu.memory_space<vmem>>, vector<2000x128xf32>,
    %reduce_sum3A = arith.constant dense<0.000000e+00> : vector<128xf32>
    %reduce_sum3A_41 = vector.multi_reduction <add>, %max3A_38, %reduce_sum3A [0] : vector<2000x128xf32> to vector<128xf32>
    %broadcast_in_dim3A = vector.shape_cast %reduce_sum3A_41 : vector<128xf32> to vector<1x128xf32>
    %mul3A_42 = arith.constant 5.000000e-04 : f32
    %mul3A_43 = vector.broadcast %mul3A_42 : f32 to vector<1x128xf32>
    %mul3A_44 = arith.mulf %broadcast_in_dim3A, %mul3A_43 : vector<1x128xf32>
    %sub3A_45 = vector.broadcast %mul3A_44 : vector<1x128xf32> to vector<2000x128xf32>
    %sub3A_46 = arith.subf %max3A_38, %sub3A_45 : vector<2000x128xf32>
    %mul3A_47 = arith.mulf %sub3A_46, %sub3A_46 : vector<2000x128xf32>
    %reduce_sum3A_48 = arith.constant dense<0.000000e+00> : vector<128xf32>
    %reduce_sum3A_49 = vector.multi_reduction <add>, %mul3A_47, %reduce_sum3A_48 [0] : vector<2000x128xf32> to vector<128xf32>
    %broadcast_in_dim3A_50 = vector.shape_cast %reduce_sum3A_49 : vector<128xf32> to vector<1x128xf32>
    %eq3A = arith.constant 0 : i32
    %eq3A_51 = arith.cmpi eq, %arg0, %eq3A : i32
    %convert_element_type3A_52 = arith.extui %eq3A_51 : i1 to i32
    %cond3A = arith.constant 0 : i32
    %cond3A_53 = arith.cmpi ne, %convert_element_type3A_52, %cond3A : i32
    scf.if %cond3A_53 {
      %swap3A_58 = arith.constant 0 : index
      %swap3A_59 = arith.constant 0 : index
      %swap3A_60 = vector.load %arg9[%swap3A_58, %swap3A_59] : memref<1x128xf32, #tpu.memory_space<vmem>>, vector<1x128xf32>
      tpu.vector_store %arg9[%swap3A_58, %swap3A_59], %broadcast_in_dim3A {strides = array<i32>} : memref<1x128xf32, #tpu.memory_space<vmem>>, vector<1x128xf32>,
      %swap3A_61 = arith.constant 0 : index
      %swap3A_62 = arith.constant 0 : index
      %swap3A_63 = vector.load %arg10[%swap3A_61, %swap3A_62] : memref<1x128xf32, #tpu.memory_space<vmem>>, vector<1x128xf32>
      tpu.vector_store %arg10[%swap3A_61, %swap3A_62], %broadcast_in_dim3A_50 {strides = array<i32>} : memref<1x128xf32, #tpu.memory_space<vmem>>, vector<1x128xf32>,
    } else {
    }
    %gt3A = arith.constant 0 : i32
    %gt3A_54 = arith.cmpi sgt, %arg0, %gt3A : i32
    %convert_element_type3A_55 = arith.extui %gt3A_54 : i1 to i32
    %cond3A_56 = arith.constant 0 : i32
    %cond3A_57 = arith.cmpi ne, %convert_element_type3A_55, %cond3A_56 : i32
    scf.if %cond3A_57 {
      %mul3A_58 = arith.constant 2000 : i32
      %mul3A_59 = arith.muli %arg0, %mul3A_58 : i32
      %convert_element_type3A_60 = arith.sitofp %mul3A_59 : i32 to f32
      %get3A_61 = arith.constant 0 : index
      %get3A_62 = arith.constant 0 : index
      %get3A_63 = vector.load %arg9[%get3A_61, %get3A_62] : memref<1x128xf32, #tpu.memory_space<vmem>>, vector<1x128xf32>
      %div3A = arith.constant 1.000000e+00 : f32
      %div3A_64 = arith.divf %div3A, %convert_element_type3A_60 : f32
      %mul3A_65 = vector.broadcast %div3A_64 : f32 to vector<1x128xf32>
      %mul3A_66 = arith.mulf %get3A_63, %mul3A_65 : vector<1x128xf32>
      %sub3A_67 = arith.subf %mul3A_44, %mul3A_66 : vector<1x128xf32>
      %get3A_68 = arith.constant 0 : index
      %get3A_69 = arith.constant 0 : index
      %get3A_70 = vector.load %arg10[%get3A_68, %get3A_69] : memref<1x128xf32, #tpu.memory_space<vmem>>, vector<1x128xf32>
      %add3A_71 = arith.addf %get3A_70, %broadcast_in_dim3A_50 : vector<1x128xf32>
      %mul3A_72 = arith.mulf %sub3A_67, %sub3A_67 : vector<1x128xf32>
      %mul3A_73 = arith.constant 2.000000e+03 : f32
      %mul3A_74 = arith.mulf %convert_element_type3A_60, %mul3A_73 : f32
      %add3A_75 = arith.constant 2.000000e+03 : f32
      %add3A_76 = arith.addf %convert_element_type3A_60, %add3A_75 : f32
      %div3A_77 = arith.divf %mul3A_74, %add3A_76 : f32
      %mul3A_78 = vector.broadcast %div3A_77 : f32 to vector<1x128xf32>
      %mul3A_79 = arith.mulf %mul3A_72, %mul3A_78 : vector<1x128xf32>
      %add3A_80 = arith.addf %add3A_71, %mul3A_79 : vector<1x128xf32>
      %swap3A_81 = arith.constant 0 : index
      %swap3A_82 = arith.constant 0 : index
      %swap3A_83 = vector.load %arg10[%swap3A_81, %swap3A_82] : memref<1x128xf32, #tpu.memory_space<vmem>>, vector<1x128xf32>
      tpu.vector_store %arg10[%swap3A_81, %swap3A_82], %add3A_80 {strides = array<i32>} : memref<1x128xf32, #tpu.memory_space<vmem>>, vector<1x128xf32>,
      %get3A_84 = arith.constant 0 : index
      %get3A_85 = arith.constant 0 : index
      %get3A_86 = vector.load %arg9[%get3A_84, %get3A_85] : memref<1x128xf32, #tpu.memory_space<vmem>>, vector<1x128xf32>
      %add3A_87 = arith.addf %get3A_86, %broadcast_in_dim3A : vector<1x128xf32>
      %swap3A_88 = arith.constant 0 : index
      %swap3A_89 = arith.constant 0 : index
      %swap3A_90 = vector.load %arg9[%swap3A_88, %swap3A_89] : memref<1x128xf32, #tpu.memory_space<vmem>>, vector<1x128xf32>
      tpu.vector_store %arg9[%swap3A_88, %swap3A_89], %add3A_87 {strides = array<i32>} : memref<1x128xf32, #tpu.memory_space<vmem>>, vector<1x128xf32>,
    } else {
    }
    return
  }
  func.func @transform_0(%arg0: i32) -> (i32, i32) {
    %c0_i32 = arith.constant 0 : i32
    %c0_i32_0 = arith.constant 0 : i32
    return %arg0, %c0_i32 : i32, i32
  }
  func.func @transform_1(%arg0: i32) -> (i32, i32) {
    %c0_i32 = arith.constant 0 : i32
    %c0_i32_0 = arith.constant 0 : i32
    %c0_i32_1 = arith.constant 0 : i32
    return %c0_i32, %c0_i32_0 : i32, i32
  }
  func.func @transform_2(%arg0: i32) -> (i32, i32) {
    %c0_i32 = arith.constant 0 : i32
    %c0_i32_0 = arith.constant 0 : i32
    %c0_i32_1 = arith.constant 0 : i32
    return %c0_i32, %c0_i32_0 : i32, i32
  }
  func.func @transform_3(%arg0: i32) -> (i32, i32) {
    %c0_i32 = arith.constant 0 : i32
    %c0_i32_0 = arith.constant 0 : i32
    %c0_i32_1 = arith.constant 0 : i32
    return %c0_i32, %c0_i32_0 : i32, i32
  }
  func.func @transform_4(%arg0: i32) -> (i32, i32) {
    %c0_i32 = arith.constant 0 : i32
    %c0_i32_0 = arith.constant 0 : i32
    %c0_i32_1 = arith.constant 0 : i32
    return %c0_i32, %c0_i32_0 : i32, i32
  }
  func.func @transform_5(%arg0: i32) -> (i32, i32) {
    %c0_i32 = arith.constant 0 : i32
    %c0_i32_0 = arith.constant 0 : i32
    %c0_i32_1 = arith.constant 0 : i32
    return %c0_i32, %c0_i32_0 : i32, i32
  }
  func.func @transform_6(%arg0: i32) -> (i32, i32) {
    %c0_i32 = arith.constant 0 : i32
    %c0_i32_0 = arith.constant 0 : i32
    %c0_i32_1 = arith.constant 0 : i32
    return %c0_i32, %c0_i32_0 : i32, i32
  }
  func.func @transform_7(%arg0: i32) -> (i32, i32) {
    %c0_i32 = arith.constant 0 : i32
    %c0_i32_0 = arith.constant 0 : i32
    return %arg0, %c0_i32 : i32, i32
  }
  func.func @transform_8(%arg0: i32) -> (i32, i32) {
    %c0_i32 = arith.constant 0 : i32
    %c0_i32_0 = arith.constant 0 : i32
    %c0_i32_1 = arith.constant 0 : i32
    return %c0_i32, %c0_i32_0 : i32, i32
  }
  func.func @transform_9(%arg0: i32) -> (i32, i32) {
    %c0_i32 = arith.constant 0 : i32
    %c0_i32_0 = arith.constant 0 : i32
    %c0_i32_1 = arith.constant 0 : i32
    return %c0_i32, %c0_i32_0 : i32, i32
  }
}

module attributes {stable_mosaic.version = 14 : i64} {
  func.func @_k3_body(%arg0: i32, %arg1: memref<2000x128xf32, #tpu.memory_space<vmem>>, %arg2: memref<1x128xf32, #tpu.memory_space<vmem>>, %arg3: memref<1x128xf32, #tpu.memory_space<vmem>>, %arg4: memref<1x128xf32, #tpu.memory_space<vmem>>, %arg5: memref<1x128xf32, #tpu.memory_space<vmem>>, %arg6: memref<128x128xf32, #tpu.memory_space<vmem>>, %arg7: memref<1x128xf32, #tpu.memory_space<vmem>>, %arg8: memref<2000x128xf32, #tpu.memory_space<vmem>>, %arg9: memref<1x128xf32, #tpu.memory_space<vmem>>) attributes {dimension_semantics = [#tpu.dimension_semantics<arbitrary>], iteration_bounds = array<i64: 25>, scalar_prefetch = 0 : i64, scratch_operands = 0 : i64, tpu.core_type = #tpu.core_type<tc>, window_params = [{transform_indices = @transform_0, window_bounds = array<i64: 2000, 128>}, {pipeline_mode = #tpu.pipeline_mode<synchronous>, transform_indices = @transform_1, window_bounds = array<i64: 1, 128>}, {pipeline_mode = #tpu.pipeline_mode<synchronous>, transform_indices = @transform_2, window_bounds = array<i64: 1, 128>}, {pipeline_mode = #tpu.pipeline_mode<synchronous>, transform_indices = @transform_3, window_bounds = array<i64: 1, 128>}, {pipeline_mode = #tpu.pipeline_mode<synchronous>, transform_indices = @transform_4, window_bounds = array<i64: 1, 128>}, {pipeline_mode = #tpu.pipeline_mode<synchronous>, transform_indices = @transform_5, window_bounds = array<i64: 128, 128>}, {pipeline_mode = #tpu.pipeline_mode<synchronous>, transform_indices = @transform_6, window_bounds = array<i64: 1, 128>}, {transform_indices = @transform_7, window_bounds = array<i64: 2000, 128>}, {pipeline_mode = #tpu.pipeline_mode<synchronous>, transform_indices = @transform_8, window_bounds = array<i64: 1, 128>}]} {
    %get3A = arith.constant 0 : index
    %get3A_0 = arith.constant 0 : index
    %get3A_1 = vector.load %arg2[%get3A, %get3A_0] : memref<1x128xf32, #tpu.memory_space<vmem>>, vector<1x128xf32>
    %mul3A = arith.constant 2.000000e-05 : f32
    %mul3A_2 = vector.broadcast %mul3A : f32 to vector<1x128xf32>
    %mul3A_3 = arith.mulf %get3A_1, %mul3A_2 : vector<1x128xf32>
    %get3A_4 = arith.constant 0 : index
    %get3A_5 = arith.constant 0 : index
    %get3A_6 = vector.load %arg3[%get3A_4, %get3A_5] : memref<1x128xf32, #tpu.memory_space<vmem>>, vector<1x128xf32>
    %mul3A_7 = arith.constant 2.000000e-05 : f32
    %mul3A_8 = vector.broadcast %mul3A_7 : f32 to vector<1x128xf32>
    %mul3A_9 = arith.mulf %get3A_6, %mul3A_8 : vector<1x128xf32>
    %get3A_10 = arith.constant 0 : index
    %get3A_11 = arith.constant 0 : index
    %get3A_12 = vector.load %arg4[%get3A_10, %get3A_11] : memref<1x128xf32, #tpu.memory_space<vmem>>, vector<1x128xf32>
    %add3A = arith.constant 9.99999974E-6 : f32
    %add3A_13 = vector.broadcast %add3A : f32 to vector<1x128xf32>
    %add3A_14 = arith.addf %mul3A_9, %add3A_13 : vector<1x128xf32>
    %rsqrt3A = math.rsqrt %add3A_14 : vector<1x128xf32>
    %mul3A_15 = arith.mulf %get3A_12, %rsqrt3A : vector<1x128xf32>
    %get3A_16 = arith.constant 0 : index
    %get3A_17 = arith.constant 0 : index
    %get3A_18 = vector.load %arg5[%get3A_16, %get3A_17] : memref<1x128xf32, #tpu.memory_space<vmem>>, vector<1x128xf32>
    %mul3A_19 = arith.mulf %mul3A_3, %mul3A_15 : vector<1x128xf32>
    %sub3A = arith.subf %get3A_18, %mul3A_19 : vector<1x128xf32>
    %get3A_20 = arith.constant 0 : index
    %get3A_21 = arith.constant 0 : index
    %get3A_22 = vector.load %arg1[%get3A_20, %get3A_21] : memref<2000x128xf32, #tpu.memory_space<vmem>>, vector<2000x128xf32>
    %mul3A_23 = vector.broadcast %mul3A_15 : vector<1x128xf32> to vector<2000x128xf32>
    %mul3A_24 = arith.mulf %get3A_22, %mul3A_23 : vector<2000x128xf32>
    %add3A_25 = vector.broadcast %sub3A : vector<1x128xf32> to vector<2000x128xf32>
    %add3A_26 = arith.addf %mul3A_24, %add3A_25 : vector<2000x128xf32>
    %get3A_27 = arith.constant 0 : index
    %get3A_28 = arith.constant 0 : index
    %get3A_29 = vector.load %arg6[%get3A_27, %get3A_28] : memref<128x128xf32, #tpu.memory_space<vmem>>, vector<128x128xf32>
    %convert_element_type3A = arith.truncf %add3A_26 : vector<2000x128xf32> to vector<2000x128xbf16>
    %convert_element_type3A_30 = arith.truncf %get3A_29 : vector<128x128xf32> to vector<128x128xbf16>
    %dot_general3A = arith.constant dense<0.000000e+00> : vector<2000x128xf32>
    %dot_general3A_31 = tpu.matmul %convert_element_type3A, %convert_element_type3A_30, %dot_general3A {dimension_numbers = #tpu.dot_dimension_numbers<[1], [0], [0], [1], [0, 0, 1, 1], [], []>, transpose_lhs_hint = false} : vector<2000x128xbf16>, vector<128x128xbf16>, vector<2000x128xf32> -> vector<2000x128xf32>
    %get3A_32 = arith.constant 0 : index
    %get3A_33 = arith.constant 0 : index
    %get3A_34 = vector.load %arg7[%get3A_32, %get3A_33] : memref<1x128xf32, #tpu.memory_space<vmem>>, vector<1x128xf32>
    %add3A_35 = vector.broadcast %get3A_34 : vector<1x128xf32> to vector<2000x128xf32>
    %add3A_36 = arith.addf %dot_general3A_31, %add3A_35 : vector<2000x128xf32>
    %swap3A = arith.constant 0 : index
    %swap3A_37 = arith.constant 0 : index
    %swap3A_38 = vector.load %arg8[%swap3A, %swap3A_37] : memref<2000x128xf32, #tpu.memory_space<vmem>>, vector<2000x128xf32>
    tpu.vector_store %arg8[%swap3A, %swap3A_37], %add3A_36 {strides = array<i32>} : memref<2000x128xf32, #tpu.memory_space<vmem>>, vector<2000x128xf32>,
    %eq3A = arith.constant 0 : i32
    %eq3A_39 = arith.cmpi eq, %arg0, %eq3A : i32
    %convert_element_type3A_40 = arith.extui %eq3A_39 : i1 to i32
    %cond3A = arith.constant 0 : i32
    %cond3A_41 = arith.cmpi ne, %convert_element_type3A_40, %cond3A : i32
    scf.if %cond3A_41 {
      %broadcast_in_dim3A_49 = arith.constant 0xFF800000 : f32
      %broadcast_in_dim3A_50 = vector.broadcast %broadcast_in_dim3A_49 : f32 to vector<1x128xf32>
      %swap3A_51 = arith.constant 0 : index
      %swap3A_52 = arith.constant 0 : index
      %swap3A_53 = vector.load %arg9[%swap3A_51, %swap3A_52] : memref<1x128xf32, #tpu.memory_space<vmem>>, vector<1x128xf32>
      tpu.vector_store %arg9[%swap3A_51, %swap3A_52], %broadcast_in_dim3A_50 {strides = array<i32>} : memref<1x128xf32, #tpu.memory_space<vmem>>, vector<1x128xf32>,
    } else {
    }
    %get3A_42 = arith.constant 0 : index
    %get3A_43 = arith.constant 0 : index
    %get3A_44 = vector.load %arg9[%get3A_42, %get3A_43] : memref<1x128xf32, #tpu.memory_space<vmem>>, vector<1x128xf32>
    %reduce_max3A = arith.constant dense<0xFF800000> : vector<128xf32>
    %reduce_max3A_45 = vector.multi_reduction <maximumf>, %add3A_36, %reduce_max3A [0] : vector<2000x128xf32> to vector<128xf32>
    %broadcast_in_dim3A = vector.shape_cast %reduce_max3A_45 : vector<128xf32> to vector<1x128xf32>
    %max3A = arith.maximumf %get3A_44, %broadcast_in_dim3A : vector<1x128xf32>
    %swap3A_46 = arith.constant 0 : index
    %swap3A_47 = arith.constant 0 : index
    %swap3A_48 = vector.load %arg9[%swap3A_46, %swap3A_47] : memref<1x128xf32, #tpu.memory_space<vmem>>, vector<1x128xf32>
    tpu.vector_store %arg9[%swap3A_46, %swap3A_47], %max3A {strides = array<i32>} : memref<1x128xf32, #tpu.memory_space<vmem>>, vector<1x128xf32>,
    return
  }
  func.func @transform_0(%arg0: i32) -> (i32, i32) {
    %c0_i32 = arith.constant 0 : i32
    %c0_i32_0 = arith.constant 0 : i32
    return %arg0, %c0_i32 : i32, i32
  }
  func.func @transform_1(%arg0: i32) -> (i32, i32) {
    %c0_i32 = arith.constant 0 : i32
    %c0_i32_0 = arith.constant 0 : i32
    %c0_i32_1 = arith.constant 0 : i32
    return %c0_i32, %c0_i32_0 : i32, i32
  }
  func.func @transform_2(%arg0: i32) -> (i32, i32) {
    %c0_i32 = arith.constant 0 : i32
    %c0_i32_0 = arith.constant 0 : i32
    %c0_i32_1 = arith.constant 0 : i32
    return %c0_i32, %c0_i32_0 : i32, i32
  }
  func.func @transform_3(%arg0: i32) -> (i32, i32) {
    %c0_i32 = arith.constant 0 : i32
    %c0_i32_0 = arith.constant 0 : i32
    %c0_i32_1 = arith.constant 0 : i32
    return %c0_i32, %c0_i32_0 : i32, i32
  }
  func.func @transform_4(%arg0: i32) -> (i32, i32) {
    %c0_i32 = arith.constant 0 : i32
    %c0_i32_0 = arith.constant 0 : i32
    %c0_i32_1 = arith.constant 0 : i32
    return %c0_i32, %c0_i32_0 : i32, i32
  }
  func.func @transform_5(%arg0: i32) -> (i32, i32) {
    %c0_i32 = arith.constant 0 : i32
    %c0_i32_0 = arith.constant 0 : i32
    %c0_i32_1 = arith.constant 0 : i32
    return %c0_i32, %c0_i32_0 : i32, i32
  }
  func.func @transform_6(%arg0: i32) -> (i32, i32) {
    %c0_i32 = arith.constant 0 : i32
    %c0_i32_0 = arith.constant 0 : i32
    %c0_i32_1 = arith.constant 0 : i32
    return %c0_i32, %c0_i32_0 : i32, i32
  }
  func.func @transform_7(%arg0: i32) -> (i32, i32) {
    %c0_i32 = arith.constant 0 : i32
    %c0_i32_0 = arith.constant 0 : i32
    return %arg0, %c0_i32 : i32, i32
  }
  func.func @transform_8(%arg0: i32) -> (i32, i32) {
    %c0_i32 = arith.constant 0 : i32
    %c0_i32_0 = arith.constant 0 : i32
    %c0_i32_1 = arith.constant 0 : i32
    return %c0_i32, %c0_i32_0 : i32, i32
  }
}

module attributes {stable_mosaic.version = 14 : i64} {
  func.func @_k4_body(%arg0: i32, %arg1: memref<2000x128xf32, #tpu.memory_space<vmem>>, %arg2: memref<1x128xf32, #tpu.memory_space<vmem>>, %arg3: memref<128x128xf32, #tpu.memory_space<vmem>>, %arg4: memref<1x128xf32, #tpu.memory_space<vmem>>, %arg5: memref<128x128xf32, #tpu.memory_space<vmem>>, %arg6: memref<128x128xf32, #tpu.memory_space<vmem>>, %arg7: memref<1x128xf32, #tpu.memory_space<vmem>>, %arg8: memref<128x8xf32, #tpu.memory_space<vmem>>, %arg9: memref<1x8xf32, #tpu.memory_space<vmem>>, %arg10: memref<2000x8xf32, #tpu.memory_space<vmem>>, %arg11: memref<2000x256xf32, #tpu.memory_space<vmem>>) attributes {dimension_semantics = [#tpu.dimension_semantics<arbitrary>], iteration_bounds = array<i64: 25>, scalar_prefetch = 0 : i64, scratch_operands = 0 : i64, tpu.core_type = #tpu.core_type<tc>, window_params = [{transform_indices = @transform_0, window_bounds = array<i64: 2000, 128>}, {pipeline_mode = #tpu.pipeline_mode<synchronous>, transform_indices = @transform_1, window_bounds = array<i64: 1, 128>}, {pipeline_mode = #tpu.pipeline_mode<synchronous>, transform_indices = @transform_2, window_bounds = array<i64: 128, 128>}, {pipeline_mode = #tpu.pipeline_mode<synchronous>, transform_indices = @transform_3, window_bounds = array<i64: 1, 128>}, {pipeline_mode = #tpu.pipeline_mode<synchronous>, transform_indices = @transform_4, window_bounds = array<i64: 128, 128>}, {pipeline_mode = #tpu.pipeline_mode<synchronous>, transform_indices = @transform_5, window_bounds = array<i64: 128, 128>}, {pipeline_mode = #tpu.pipeline_mode<synchronous>, transform_indices = @transform_6, window_bounds = array<i64: 1, 128>}, {pipeline_mode = #tpu.pipeline_mode<synchronous>, transform_indices = @transform_7, window_bounds = array<i64: 128, 8>}, {pipeline_mode = #tpu.pipeline_mode<synchronous>, transform_indices = @transform_8, window_bounds = array<i64: 1, 8>}, {transform_indices = @transform_9, window_bounds = array<i64: 2000, 8>}, {transform_indices = @transform_10, window_bounds = array<i64: 2000, 256>}]} {
    %get3A = arith.constant 0 : index
    %get3A_0 = arith.constant 0 : index
    %get3A_1 = vector.load %arg2[%get3A, %get3A_0] : memref<1x128xf32, #tpu.memory_space<vmem>>, vector<1x128xf32>
    %get3A_2 = arith.constant 0 : index
    %get3A_3 = arith.constant 0 : index
    %get3A_4 = vector.load %arg3[%get3A_2, %get3A_3] : memref<128x128xf32, #tpu.memory_space<vmem>>, vector<128x128xf32>
    %convert_element_type3A = arith.truncf %get3A_1 : vector<1x128xf32> to vector<1x128xbf16>
    %convert_element_type3A_5 = arith.truncf %get3A_4 : vector<128x128xf32> to vector<128x128xbf16>
    %dot_general3A = arith.constant dense<0.000000e+00> : vector<1x128xf32>
    %dot_general3A_6 = tpu.matmul %convert_element_type3A, %convert_element_type3A_5, %dot_general3A {dimension_numbers = #tpu.dot_dimension_numbers<[1], [0], [0], [1], [0, 0, 1, 1], [], []>, transpose_lhs_hint = false} : vector<1x128xbf16>, vector<128x128xbf16>, vector<1x128xf32> -> vector<1x128xf32>
    %get3A_7 = arith.constant 0 : index
    %get3A_8 = arith.constant 0 : index
    %get3A_9 = vector.load %arg4[%get3A_7, %get3A_8] : memref<1x128xf32, #tpu.memory_space<vmem>>, vector<1x128xf32>
    %add3A = arith.addf %dot_general3A_6, %get3A_9 : vector<1x128xf32>
    %mul3A = arith.constant 2.000000e-01 : f32
    %mul3A_10 = vector.broadcast %mul3A : f32 to vector<1x128xf32>
    %mul3A_11 = arith.mulf %mul3A_10, %add3A : vector<1x128xf32>
    %max3A = arith.maximumf %add3A, %mul3A_11 : vector<1x128xf32>
    %get3A_12 = arith.constant 0 : index
    %get3A_13 = arith.constant 0 : index
    %get3A_14 = vector.load %arg1[%get3A_12, %get3A_13] : memref<2000x128xf32, #tpu.memory_space<vmem>>, vector<2000x128xf32>
    %get3A_15 = arith.constant 0 : index
    %get3A_16 = arith.constant 0 : index
    %get3A_17 = vector.load %arg5[%get3A_15, %get3A_16] : memref<128x128xf32, #tpu.memory_space<vmem>>, vector<128x128xf32>
    %convert_element_type3A_18 = arith.truncf %get3A_14 : vector<2000x128xf32> to vector<2000x128xbf16>
    %convert_element_type3A_19 = arith.truncf %get3A_17 : vector<128x128xf32> to vector<128x128xbf16>
    %dot_general3A_20 = arith.constant dense<0.000000e+00> : vector<2000x128xf32>
    %dot_general3A_21 = tpu.matmul %convert_element_type3A_18, %convert_element_type3A_19, %dot_general3A_20 {dimension_numbers = #tpu.dot_dimension_numbers<[1], [0], [0], [1], [0, 0, 1, 1], [], []>, transpose_lhs_hint = false} : vector<2000x128xbf16>, vector<128x128xbf16>, vector<2000x128xf32> -> vector<2000x128xf32>
    %get3A_22 = arith.constant 0 : index
    %get3A_23 = arith.constant 0 : index
    %get3A_24 = vector.load %arg6[%get3A_22, %get3A_23] : memref<128x128xf32, #tpu.memory_space<vmem>>, vector<128x128xf32>
    %convert_element_type3A_25 = arith.truncf %max3A : vector<1x128xf32> to vector<1x128xbf16>
    %convert_element_type3A_26 = arith.truncf %get3A_24 : vector<128x128xf32> to vector<128x128xbf16>
    %dot_general3A_27 = arith.constant dense<0.000000e+00> : vector<1x128xf32>
    %dot_general3A_28 = tpu.matmul %convert_element_type3A_25, %convert_element_type3A_26, %dot_general3A_27 {dimension_numbers = #tpu.dot_dimension_numbers<[1], [0], [0], [1], [0, 0, 1, 1], [], []>, transpose_lhs_hint = false} : vector<1x128xbf16>, vector<128x128xbf16>, vector<1x128xf32> -> vector<1x128xf32>
    %add3A_29 = vector.broadcast %dot_general3A_28 : vector<1x128xf32> to vector<2000x128xf32>
    %add3A_30 = arith.addf %dot_general3A_21, %add3A_29 : vector<2000x128xf32>
    %get3A_31 = arith.constant 0 : index
    %get3A_32 = arith.constant 0 : index
    %get3A_33 = vector.load %arg7[%get3A_31, %get3A_32] : memref<1x128xf32, #tpu.memory_space<vmem>>, vector<1x128xf32>
    %add3A_34 = vector.broadcast %get3A_33 : vector<1x128xf32> to vector<2000x128xf32>
    %add3A_35 = arith.addf %add3A_30, %add3A_34 : vector<2000x128xf32>
    %mul3A_36 = arith.constant 2.000000e-01 : f32
    %mul3A_37 = vector.broadcast %mul3A_36 : f32 to vector<2000x128xf32>
    %mul3A_38 = arith.mulf %mul3A_37, %add3A_35 : vector<2000x128xf32>
    %max3A_39 = arith.maximumf %add3A_35, %mul3A_38 : vector<2000x128xf32>
    %get3A_40 = arith.constant 0 : index
    %get3A_41 = arith.constant 0 : index
    %get3A_42 = vector.load %arg8[%get3A_40, %get3A_41] : memref<128x8xf32, #tpu.memory_space<vmem>>, vector<128x8xf32>
    %convert_element_type3A_43 = arith.truncf %max3A_39 : vector<2000x128xf32> to vector<2000x128xbf16>
    %convert_element_type3A_44 = arith.truncf %get3A_42 : vector<128x8xf32> to vector<128x8xbf16>
    %dot_general3A_45 = arith.constant dense<0.000000e+00> : vector<2000x8xf32>
    %dot_general3A_46 = tpu.matmul %convert_element_type3A_43, %convert_element_type3A_44, %dot_general3A_45 {dimension_numbers = #tpu.dot_dimension_numbers<[1], [0], [0], [1], [0, 0, 1, 1], [], []>, transpose_lhs_hint = false} : vector<2000x128xbf16>, vector<128x8xbf16>, vector<2000x8xf32> -> vector<2000x8xf32>
    %get3A_47 = arith.constant 0 : index
    %get3A_48 = arith.constant 0 : index
    %get3A_49 = vector.load %arg9[%get3A_47, %get3A_48] : memref<1x8xf32, #tpu.memory_space<vmem>>, vector<1x8xf32>
    %add3A_50 = vector.broadcast %get3A_49 : vector<1x8xf32> to vector<2000x8xf32>
    %add3A_51 = arith.addf %dot_general3A_46, %add3A_50 : vector<2000x8xf32>
    %tanh3A = math.tanh %add3A_51 : vector<2000x8xf32>
    %swap3A = arith.constant 0 : index
    %swap3A_52 = arith.constant 0 : index
    %swap3A_53 = vector.load %arg10[%swap3A, %swap3A_52] : memref<2000x8xf32, #tpu.memory_space<vmem>>, vector<2000x8xf32>
    tpu.vector_store %arg10[%swap3A, %swap3A_52], %tanh3A {strides = array<i32>} : memref<2000x8xf32, #tpu.memory_space<vmem>>, vector<2000x8xf32>,
    %broadcast_in_dim3A = vector.shape_cast %max3A : vector<1x128xf32> to vector<1x128xf32>
    %broadcast_in_dim3A_54 = vector.broadcast %broadcast_in_dim3A : vector<1x128xf32> to vector<2000x128xf32>
    %concatenate3A = tpu.concatenate %get3A_14, %broadcast_in_dim3A_54 in 1 : vector<2000x128xf32>, vector<2000x128xf32> -> vector<2000x256xf32>
    %swap3A_55 = arith.constant 0 : index
    %swap3A_56 = arith.constant 0 : index
    %swap3A_57 = vector.load %arg11[%swap3A_55, %swap3A_56] : memref<2000x256xf32, #tpu.memory_space<vmem>>, vector<2000x256xf32>
    tpu.vector_store %arg11[%swap3A_55, %swap3A_56], %concatenate3A {strides = array<i32>} : memref<2000x256xf32, #tpu.memory_space<vmem>>, vector<2000x256xf32>,
    return
  }
  func.func @transform_0(%arg0: i32) -> (i32, i32) {
    %c0_i32 = arith.constant 0 : i32
    %c0_i32_0 = arith.constant 0 : i32
    return %arg0, %c0_i32 : i32, i32
  }
  func.func @transform_1(%arg0: i32) -> (i32, i32) {
    %c0_i32 = arith.constant 0 : i32
    %c0_i32_0 = arith.constant 0 : i32
    %c0_i32_1 = arith.constant 0 : i32
    return %c0_i32, %c0_i32_0 : i32, i32
  }
  func.func @transform_2(%arg0: i32) -> (i32, i32) {
    %c0_i32 = arith.constant 0 : i32
    %c0_i32_0 = arith.constant 0 : i32
    %c0_i32_1 = arith.constant 0 : i32
    return %c0_i32, %c0_i32_0 : i32, i32
  }
  func.func @transform_3(%arg0: i32) -> (i32, i32) {
    %c0_i32 = arith.constant 0 : i32
    %c0_i32_0 = arith.constant 0 : i32
    %c0_i32_1 = arith.constant 0 : i32
    return %c0_i32, %c0_i32_0 : i32, i32
  }
  func.func @transform_4(%arg0: i32) -> (i32, i32) {
    %c0_i32 = arith.constant 0 : i32
    %c0_i32_0 = arith.constant 0 : i32
    %c0_i32_1 = arith.constant 0 : i32
    return %c0_i32, %c0_i32_0 : i32, i32
  }
  func.func @transform_5(%arg0: i32) -> (i32, i32) {
    %c0_i32 = arith.constant 0 : i32
    %c0_i32_0 = arith.constant 0 : i32
    %c0_i32_1 = arith.constant 0 : i32
    return %c0_i32, %c0_i32_0 : i32, i32
  }
  func.func @transform_6(%arg0: i32) -> (i32, i32) {
    %c0_i32 = arith.constant 0 : i32
    %c0_i32_0 = arith.constant 0 : i32
    %c0_i32_1 = arith.constant 0 : i32
    return %c0_i32, %c0_i32_0 : i32, i32
  }
  func.func @transform_7(%arg0: i32) -> (i32, i32) {
    %c0_i32 = arith.constant 0 : i32
    %c0_i32_0 = arith.constant 0 : i32
    %c0_i32_1 = arith.constant 0 : i32
    return %c0_i32, %c0_i32_0 : i32, i32
  }
  func.func @transform_8(%arg0: i32) -> (i32, i32) {
    %c0_i32 = arith.constant 0 : i32
    %c0_i32_0 = arith.constant 0 : i32
    %c0_i32_1 = arith.constant 0 : i32
    return %c0_i32, %c0_i32_0 : i32, i32
  }
  func.func @transform_9(%arg0: i32) -> (i32, i32) {
    %c0_i32 = arith.constant 0 : i32
    %c0_i32_0 = arith.constant 0 : i32
    return %arg0, %c0_i32 : i32, i32
  }
  func.func @transform_10(%arg0: i32) -> (i32, i32) {
    %c0_i32 = arith.constant 0 : i32
    %c0_i32_0 = arith.constant 0 : i32
    return %arg0, %c0_i32 : i32, i32
  }
}

</mosaic_0001>

<sc_bundles>
// kernel: kernel.7.cloned.1.call-start
scs
__scs_entry_jumppad:
0x0: {  	(pc) =	sbr.rel $0x88, $3  }
0x1: {  	(tag) =	ssettag $0x0;
	lr =	simm.s32 $0x1  }
0x2: {  	[smem:$0x3F86] =	sst lr;
	_ =	strace $0xD0000000  }
0x3: {  	_ = 	snop  }
0x4: {  	_ = 	snop  }
0x5: {  	_ = 	snop  }
0x6: {  	_ = 	snop  }
0x7: {  	_ = 	snop  }
__scs_overlays_trampoline_lowered:
0x8: {  	[smem:$0x3F95] =	sst s0  }
0x9: {  	[smem:$0x3F96] =	sst s1  }
0xa: {  	[smem:$0x3F97] =	sst s2  }
0xb: {  	[smem:$0x3F98] =	sst s3  }
0xc: {  	[smem:$0x3F99] =	sst s4  }
0xd: {  	[smem:$0x3F9A] =	sst s5  }
0xe: {  	[smem:$0x3F9B] =	sst s6  }
0xf: {  	[smem:$0x3F9C] =	sst s7  }
0x10: {  	[smem:$0x3F9D] =	sst s8  }
0x11: {  	[smem:$0x3F9E] =	sst s9;
	s0 =	simm.s32 @!p0 $0x0  }
0x12: {  	s1 =	sld [smem:$0x3F84];
	s0 =	simm.s32 @p0 $0x1  }
0x13: {  	[smem:$0x3F9F] =	sst s0;
	s0 =	simm.s32 @!p1 $0x0  }
0x14: {  	s2 =	sld [smem:$0x3F83];
	s0 =	simm.s32 @p1 $0x1  }
0x15: {  	[smem:$0x3FA0] =	sst s0;
	s0 =	simm.s32 @!p2 $0x0  }
0x16: {  	s3 =	sld [smem:$0x3FDB];
	s0 =	simm.s32 @p2 $0x1  }
0x17: {  	s4 =	simm.s32 $0x1BF5;
	[smem:$0x3FA2] =	sst s0  }
0x18: {  	s0 =	sld [smem:$0x3F85];
	_ =	swait.ge [sflag:s4], $0x0  }
0x19: {  	s7 =	sld [smem:$0x3F86]  }
0x1a: {  	s8 =	sadd.s32 $0xFFFFE003, lr  }
0x1b: {  	s9 =	sadd.s32 $0xFFFFFEF7, lr;
	s5 =	simm.s32 $0xFFFFFFFF;
	p2 =	slt.u32 s8, $0xFFFFF086  }
0x1c: {  	p1 =	slt.u32 s9, $0xF7A;
	s5 =	simm.s32 @!p2 $0x0  }
0x1d: {  	s5 =	simm.s32 @p1 $0x1;
	p0 =	seq.s32 s7, s2  }
0x1e: {  	s7 =	smul.u32 @!p0 $0xF7A, s2;
	p2 =	seq.s32 @!p0 s5, $0x0  }
0x1f: {  	s9 =	smul.u32 $0xF7A, s1;
	s8 =	simm.s32 @!p0 $0x1BF5;
	p2 =	por !p2, p0  }
0x20: {  	[sflag:s8] =	ssyncset.s32 @!p0 $0xFFFFF086;
	s6 =	sadd.s32 @!p0 s3, s7;
	s7 =	simm.s32 @!p0 $0x108  }
0x21: {  	s3 =	sadd.s32 s3, s9;
	s6 =	sadd.s32 @!p0 $0x88, s6;
	s7 =	simm.s32 @p2 $0x1082  }
0x22: {  	[simem:s7], [sflag:s8] =	dma.local @!p0 [hbm:s6], $0xF7A  }
0x23: {  	s9 =	sor.u32 $0xD0000000, s2;
	s6 =	simm.s32 $0x108;
	_ =	swait.ge @!p0 [sflag:s8], $0x0  }
0x24: {  	s3 =	sadd.s32 $0x88, s3;
	s6 =	simm.s32 @!p1 $0x1082;
	[sflag:s4] =	ssyncset.s32 $0xFFFFF086  }
0x25: {  	[simem:s6], [sflag:s4] =	dma.local [hbm:s3], $0xF7A  }
0x26: {  	[smem:$0x3F86] =	sst s1;
	(tag) =	ssettag s2;
	_ =	strace s9  }
0x27: {  	s1 =	sld [smem:$0x3F96]  }
0x28: {  	s2 =	sld [smem:$0x3F97]  }
0x29: {  	s4 =	sld [smem:$0x3F99]  }
0x2a: {  	p0 =	seq.s32 s5, $0x0;
	s5 =	sld [smem:$0x3F9A]  }
0x2b: {  	s6 =	sld [smem:$0x3F9B]  }
0x2c: {  	s7 =	sld [smem:$0x3F9C]  }
0x2d: {  	s3 =	simm.s32 $0x108;
	s8 =	sld [smem:$0x3F9D]  }
0x2e: {  	s3 =	simm.s32 @!p0 $0x1082;
	s9 =	sld [smem:$0x3F9E]  }
0x2f: {  	lr =	sadd.s32 s0, s3;
	s0 =	sld [smem:$0x3F95]  }
0x30: {  	s3 =	sld [smem:$0x3F98]  }
0x31: {  	[smem:$0x3FA1] =	sst s10  }
0x32: {  	s10 =	sld [smem:$0x3F9F];
	_ =	sdelay $0x3  }
0x33: {  	p0 =	seq.s32 s10, $0x1;
	s10 =	sld [smem:$0x3FA1];
	_ =	sdelay $0x3  }
0x34: {  	[smem:$0x3FA1] =	sst s10  }
0x35: {  	s10 =	sld [smem:$0x3FA0];
	_ =	sdelay $0x3  }
0x36: {  	p1 =	seq.s32 s10, $0x1;
	s10 =	sld [smem:$0x3FA1];
	_ =	sdelay $0x3  }
0x37: {  	[smem:$0x3FA1] =	sst s10  }
0x38: {  	s10 =	sld [smem:$0x3FA2]  }
0x39: {  	_ = 	snop;
	(pc) =	sbr.ind lr, $3  }
0x3a: {  	_ = 	snop  }
0x3b: {  	_ = 	snop  }
0x3c: {  	p2 =	seq.s32 s10, $0x1;
	s10 =	sld [smem:$0x3FA1]  }
0x3d: {  	_ =	shalt  }
0x3e: {  	_ =	shalt  }
0x3f: {  	_ =	shalt  }
0x40: {  	_ =	shalt  }
0x41: {  	_ =	shalt  }
0x42: {  	_ =	shalt  }
0x43: {  	_ =	shalt  }
0x44: {  	_ =	shalt  }
0x45: {  	_ =	shalt  }
0x46: {  	_ =	shalt  }
0x47: {  	_ =	shalt  }
0x48: {  	_ =	shalt  }
0x49: {  	_ =	shalt  }
0x4a: {  	_ =	shalt  }
0x4b: {  	_ =	shalt  }
0x4c: {  	_ =	shalt  }
0x4d: {  	_ =	shalt  }
0x4e: {  	_ =	shalt  }
0x4f: {  	_ =	shalt  }
0x50: {  	_ =	shalt  }
0x51: {  	_ =	shalt  }
0x52: {  	_ =	shalt  }
0x53: {  	_ =	shalt  }
0x54: {  	_ =	shalt  }
0x55: {  	_ =	shalt  }
0x56: {  	_ =	shalt  }
0x57: {  	_ =	shalt  }
0x58: {  	_ =	shalt  }
0x59: {  	_ =	shalt  }
0x5a: {  	_ =	shalt  }
0x5b: {  	_ =	shalt  }
0x5c: {  	_ =	shalt  }
0x5d: {  	_ =	shalt  }
0x5e: {  	_ =	shalt  }
0x5f: {  	_ =	shalt  }
0x60: {  	_ =	shalt  }
0x61: {  	_ =	shalt  }
0x62: {  	_ =	shalt  }
0x63: {  	_ =	shalt  }
0x64: {  	_ =	shalt  }
0x65: {  	_ =	shalt  }
0x66: {  	_ =	shalt  }
0x67: {  	_ =	shalt  }
0x68: {  	_ =	shalt  }
0x69: {  	_ =	shalt  }
0x6a: {  	_ =	shalt  }
0x6b: {  	_ =	shalt  }
0x6c: {  	_ =	shalt  }
0x6d: {  	_ =	shalt  }
0x6e: {  	_ =	shalt  }
0x6f: {  	_ =	shalt  }
0x70: {  	_ =	shalt  }
0x71: {  	_ =	shalt  }
0x72: {  	_ =	shalt  }
0x73: {  	_ =	shalt  }
0x74: {  	_ =	shalt  }
0x75: {  	_ =	shalt  }
0x76: {  	_ =	shalt  }
0x77: {  	_ =	shalt  }
0x78: {  	_ =	shalt  }
0x79: {  	_ =	shalt  }
0x7a: {  	_ =	shalt  }
0x7b: {  	_ =	shalt  }
0x7c: {  	_ =	shalt  }
0x7d: {  	_ =	shalt  }
0x7e: {  	_ =	shalt  }
0x7f: {  	_ =	shalt  }
0x80: {  	_ =	shalt  }
0x81: {  	_ =	shalt  }
0x82: {  	_ =	shalt  }
0x83: {  	_ =	shalt  }
0x84: {  	_ =	shalt  }
0x85: {  	_ =	shalt  }
0x86: {  	_ =	shalt  }
0x87: {  	_ =	shalt  }
.Lfunc_end0:
.L_simem_size_0:
called_computation_lowered:
.L_overlay_start_0:
0x88: {  	s2 =	sld [smem:$0x3FD9]  }
0x89: {  	s3 =	sld [smem:$0x3FFE];
	_ =	sdelay $0x1  }
0x8a: {  	s1 =	srdreg.scid  }
0x8b: {  	s0 =	sand.u32 $0x1, s1  }
0x8c: {  	s17 =	sshll.u32 s0, $0xA;
	s2 =	sadd.s32 s3, s2  }
0x8d: {  	s2 =	sadd.s32 s2, s17  }
0x8e: {  	[smem:$0x3FAD] =	sst s2  }
0x8f: {  	_ = 	snop  }
0x90: {  	s2 =	sld [smem:$0x3FC6];
	(tm) =	ssettm $0x1  }
0x91: {  	s18 =	sld [smem:$0x3FFB];
	_ =	sdelay $0x3  }
0x92: {  	_ =	strace s18  }
0x93: {  	s3 =	sld [smem:$0x3FFC];
	_ =	sdelay $0x3  }
0x94: {  	_ =	strace s3  }
0x95: {  	s3 =	sld [smem:$0x3FFD];
	_ =	sdelay $0x3  }
0x96: {  	_ =	strace s3  }
0x97: {  	_ =	strace $0x8FFFFFFF  }
0x98: {  	s19 =	sld [smem:$0x3FDB];
	_ =	sdelay $0x1  }
0x99: {  	s4 =	simm.s32 $_scs_section_size  }
0x9a: {  	s5 =	simm.s32 $_size__tile_overlayer_lowered;
	s6 =	simm.s32 $_tile_overlayer_lowered  }
0x9b: {  	s22 =	simm.s32 $0x1BFF;
	s21 =	sshll.u32 s6, $0x1;
	s3 =	sadd.s32 s4, s19  }
0x9c: {  	s7 =	simm.s32 $0x0;
	s20 =	sshll.u32 s5, $0x1;
	s5 =	sadd.s32 s21, s3  }
0x9d: {  	[timem:s7], [sflag:s22] =	dma.local [hbm:s5], s20  }
0x9e: {  	_ =	swait.ge [sflag:s22], s20  }
0x9f: {  	s4 =	ssub.s32 $0x0, s20;
	[sflag:s22] =	ssyncset.done $0x0  }
0xa0: {  	[sflag:s22] =	ssyncadd.s32 s4;
	_ =	sdelay $0x1  }
0xa1: {  	s23 =	simm.s32 $0x1B8B  }
0xa2: {  	_ =	swait.ge [sflag:s23], $0x1  }
0xa3: {  	[sflag:s23] =	ssyncset.done $0x0  }
0xa4: {  	s25 =	simm.s32 $0x1B8E;
	s24 =	sld [smem:$0x3FFE];
	[sflag:s23] =	ssyncadd.s32 $0xFFFFFFFF  }
0xa5: {  	s26 =	simm.s32 $execute0_lowered;
	[smem:$0x3FD2] =	sst s25  }
0xa6: {  	s5 =	sshll.u32 s26, $0x1;
	_ =	strace $0x80000046;
	[dreg:$0x1] =	wrdreg $0xFFFFFFFF  }
0xa7: {  	s28 =	simm.s32 $_size_execute0_lowered;
	s3 =	sadd.s32 s3, s5;
	[dreg:$0x0] =	wrdreg $0x0  }
0xa8: {  	s5 =	sshll.u32 s28, $0x1;
	[dreg:$0x2] =	wrdreg s3  }
0xa9: {  	[dreg:$0x3] =	wrdreg s5  }
0xaa: {  	[dreg:$0x4] =	wrdreg $0xC0  }
0xab: {  	_ =	task [dreg:s7], $0x5FFFF  }
0xac: {  	[dreg:$0x1] =	wrdreg $0xFFFFFFFF  }
0xad: {  	[dreg:$0x0] =	wrdreg $0x60  }
0xae: {  	[dreg:$0x2] =	wrdreg s24  }
0xaf: {  	[dreg:$0x3] =	wrdreg s2  }
0xb0: {  	[dreg:$0x4] =	wrdreg $0x0  }
0xb1: {  	[dreg:$0x5] =	wrdreg $0x9  }
0xb2: {  	_ =	task.clear_ibuf [dreg:s7], $0x6FFFF;
	_ =	strace $0x90000046  }
0xb3: {  	s29 =	simm.s32 $0x9;
	_ =	strace $0x80000048  }
0xb4: {  	_ =	swait.ge [sflag:s29], $0x1  }
0xb5: {  	[sflag:s29] =	ssyncadd.s32 $0xFFFFFFFF  }
0xb6: {  	_ =	strace $0x90000048  }
0xb7: {  	_ =	sfence  }
0xb8: {  	s30 =	sld [smem:$0x0];
	_ =	sdelay $0x2  }
0xb9: {  	s31 =	sshll.u32 s1, $0xD;
	s1 =	sshrl.u32 s1, $0x2  }
0xba: {  	s3 =	sand.u32 $0x4000, s31;
	s1 =	sadd.s32 s1, s30  }
0xbb: {  	s0 =	sor.u32 s3, s0;
	s1 =	sshll.u32 s1, $0x11  }
0xbc: {  	s0 =	sor.u32 s1, s0  }
0xbd: {  	s0 =	sadd.s32 $0x8F2B, s0  }
0xbe: {  	[sflag:s0] =	ssyncadd.remote.s32 $0x1  }
0xbf: {  	_ =	sfence.sel $0xFFFF  }
0xc0: {  	[dreg:$0x0] =	wrdreg $0xFFFFFFFF;
	(pc) =	sbr.abs _section_cstart, $3  }
0xc1: {  	[dreg:$0x1] =	wrdreg $0xFFFFFFFF  }
0xc2: {  	_ =	task.clear_ibuf [dreg:s7], $0x2FFFF;
	_ =	strace $0x9FFFFFFF  }
0xc3: {  	(tm) =	ssettm $0x7FFFFFFF  }
tec
execute0_lowered:
.L_overlay_start_1:
0x0: {  	(tag) =	ssettag $0x1  }
0x1: {  	s3 =	rddreg [dreg:$0x0]  }
0x2: {  	s1 =	rddreg [dreg:$0x1]  }
0x3: {  	s2 =	rddreg [dreg:$0x2];
	s16 =	stileid.u32  }
0x4: {  	s4 =	simm.s32 $0x0;
	s0 =	srdreg.scid;
	s10 =	smul.u32 $0xC400, s16  }
0x5: {  	[smem:$0x7FF] =	sst s4;
	s6 =	sadd.s32 $0x1BA00, s3;
	s5 =	smul.u32 $0x61C00, s16  }
0x6: {  	s0 =	sand.u32 $0x1, s0;
	s7 =	sadd.s32 $0x3200, s3;
	s10 =	sshrl.u32 s10, $0x3  }
0x7: {  	_ =	strace $0x80000047;
	s5 =	sshrl.u32 s5, $0x2;
	s21 =	sadd.s32 s6, s10  }
0x8: {  	s5 =	sadd.s32 s5, s2;
	s22 =	sadd.s32 s7, s10;
	[dreg:$0xa] =	wrdreg s21  }
0x9: {  	s8 =	sadd.s32 $0x34200, s3;
	s14 =	sadd.s32 $0x800, s5;
	[dreg:$0xb] =	wrdreg s22  }
0xa: {  	s12 =	smul.u32 $0xC38, s16;
	s15 =	sadd.s32 $0x1000, s5;
	[dreg:$0x4] =	wrdreg s14  }
0xb: {  	s25 =	smul.u32 $0x1880, s16;
	s17 =	sadd.s32 $0x1800, s5;
	[dreg:$0x5] =	wrdreg s15  }
0xc: {  	p0 =	seq.s32 s16, $0xF;
	s18 =	sadd.s32 $0x2000, s5;
	[dreg:$0x6] =	wrdreg s17  }
0xd: {  	s13 =	ssub.s32 $0x2, s0;
	s19 =	sadd.s32 $0x2800, s5;
	[dreg:$0x7] =	wrdreg s18  }
0xe: {  	s10 =	sor.u32 $0x10, s10;
	s20 =	sadd.s32 $0x3000, s5;
	[dreg:$0x8] =	wrdreg s19  }
0xf: {  	s11 =	smul.u32 $0xC350, s0;
	s26 =	sadd.s32 s6, s10;
	[dreg:$0x9] =	wrdreg s20  }
0x10: {  	s9 =	sshrl.u32 s13, $0x1;
	s10 =	sadd.s32 s7, s10;
	[dreg:$0xe] =	wrdreg s26  }
0x11: {  	s11 =	sadd.s32 s12, s11;
	s22 =	sadd.s32 $0x5000, s5;
	[dreg:$0xf] =	wrdreg s10  }
0x12: {  	s11 =	sshll.u32 s11, $0x2;
	s16 =	sadd.s32 $0xC000, s5;
	[dreg:$0x15] =	wrdreg s22  }
0x13: {  	s9 =	ssub.s32 s13, s9;
	s11 =	sadd.s32 s8, s11;
	[smem:$0x7E5] =	sst s16  }
0x14: {  	s17 =	smax.u32 s9, $0x1;
	[dreg:$0xc] =	wrdreg s11  }
0x15: {  	s18 =	sadd.s32 s25, s7;
	s20 =	sadd.s32 $0x4800, s5;
	[dreg:$0x13] =	wrdreg s17  }
0x16: {  	s19 =	sadd.s32 s25, s6;
	s25 =	sadd.s32 $0x6800, s5;
	[dreg:$0x14] =	wrdreg s20  }
0x17: {  	s26 =	sadd.s32 $0x7000, s5;
	[dreg:$0x18] =	wrdreg s25  }
0x18: {  	s7 =	sadd.s32 $0x7800, s5;
	[dreg:$0x19] =	wrdreg s26  }
0x19: {  	s9 =	sadd.s32 $0x8800, s5;
	[dreg:$0x1a] =	wrdreg s7  }
0x1a: {  	s13 =	smul.u32 $0x186A00, s0;
	s10 =	sadd.s32 $0x9000, s5;
	[dreg:$0x1c] =	wrdreg s9  }
0x1b: {  	s22 =	sadd.s32 $0xD800, s5;
	[dreg:$0x1d] =	wrdreg s10  }
0x1c: {  	s13 =	sshrl.u32 s13, $0x3;
	s16 =	sadd.s32 $0x14800, s5;
	[smem:$0x7E8] =	sst s22  }
0x1d: {  	s23 =	sadd.s32 s8, s13;
	s13 =	sadd.s32 $0x3800, s5;
	[smem:$0x7F6] =	sst s16  }
0x1e: {  	s11 =	sadd.s32 $0x9800, s5;
	[dreg:$0x10] =	wrdreg s13  }
0x1f: {  	s17 =	sadd.s32 $0xC800, s5;
	[dreg:$0x1e] =	wrdreg s11  }
0x20: {  	s20 =	sadd.s32 $0xD000, s5;
	[smem:$0x7E6] =	sst s17  }
0x21: {  	s25 =	sadd.s32 $0xF000, s5;
	[smem:$0x7E7] =	sst s20  }
0x22: {  	s26 =	sadd.s32 $0xF800, s5;
	[smem:$0x7EB] =	sst s25  }
0x23: {  	s7 =	sadd.s32 $0x10000, s5;
	[smem:$0x7EC] =	sst s26  }
0x24: {  	s3 =	sor.u32 $0x2, s0;
	s9 =	sadd.s32 $0x11000, s5;
	[smem:$0x7ED] =	sst s7  }
0x25: {  	s14 =	smul.u32 $0xC350, s3;
	s10 =	sadd.s32 $0x11800, s5;
	[smem:$0x7EF] =	sst s9  }
0x26: {  	s22 =	sadd.s32 $0x16000, s5;
	[smem:$0x7F0] =	sst s10  }
0x27: {  	s12 =	sadd.s32 s12, s14;
	s14 =	sadd.s32 $0x2DD20, s23;
	[smem:$0x7F9] =	sst s22  }
0x28: {  	s23 =	sadd.s32 $0x5800, s5;
	[dreg:$0x11] =	wrdreg s14  }
0x29: {  	s13 =	sadd.s32 $0xA800, s5;
	[dreg:$0x16] =	wrdreg s23  }
0x2a: {  	s28 =	simm.s32 $0x1;
	s11 =	sadd.s32 $0x12000, s5;
	[smem:$0x7E2] =	sst s13  }
0x2b: {  	s29 =	simm.s32 $0x2;
	s17 =	sadd.s32 $0x15000, s5;
	[smem:$0x7F1] =	sst s11  }
0x2c: {  	s30 =	simm.s32 $0x3;
	s20 =	sadd.s32 $0x15800, s5;
	[smem:$0x7F7] =	sst s17  }
0x2d: {  	s31 =	simm.s32 $0x0;
	s25 =	sadd.s32 $0x17800, s5;
	[smem:$0x7F8] =	sst s20  }
0x2e: {  	s21 =	sadd.s32 $0x4000, s5;
	s26 =	sadd.s32 $0x16E900, s2;
	[smem:$0x7FC] =	sst s25  }
0x2f: {  	s15 =	smul.u32 $0x186A00, s3;
	s14 =	sadd.s32 $0xB000, s5;
	[smem:$0x7FD] =	sst s26  }
0x30: {  	s16 =	simm.s32 $0x18A00;
	s23 =	sadd.s32 $0xE000, s5;
	[smem:$0x7E3] =	sst s14  }
0x31: {  	s12 =	sshll.u32 s12, $0x2;
	s13 =	sadd.s32 $0x13000, s5;
	[smem:$0x7E9] =	sst s23  }
0x32: {  	s24 =	sshrl.u32 s15, $0x3;
	s12 =	sadd.s32 s8, s12;
	[smem:$0x7F3] =	sst s13  }
0x33: {  	s8 =	sadd.s32 s8, s24;
	s24 =	sadd.s32 $0x6000, s5;
	[dreg:$0xd] =	wrdreg s12  }
0x34: {  	s7 =	sadd.s32 $0x18000, s5;
	s14 =	sadd.s32 $0x13800, s5;
	[dreg:$0x17] =	wrdreg s24  }
0x35: {  	s9 =	simm.s32 $0x5;
	s23 =	sadd.s32 $0x16800, s5;
	[smem:$0x7F4] =	sst s14  }
0x36: {  	s10 =	simm.s32 $0x18700;
	s15 =	sadd.s32 $0x2DD20, s8;
	[smem:$0x7FA] =	sst s23  }
0x37: {  	s11 =	simm.s32 $0x18800;
	s8 =	sadd.s32 $0x8000, s5;
	[dreg:$0x12] =	wrdreg s15  }
0x38: {  	s17 =	simm.s32 $0x18780;
	s12 =	sadd.s32 $0xA000, s5;
	[dreg:$0x1b] =	wrdreg s8  }
0x39: {  	s20 =	simm.s32 $0x18880;
	s24 =	sadd.s32 $0xE800, s5;
	[dreg:$0x1f] =	wrdreg s12  }
0x3a: {  	s25 =	simm.s32 $0x18980;
	s15 =	sadd.s32 $0xB800, s5;
	[smem:$0x7EA] =	sst s24  }
.Ltmp0:
0x3b: {  	s8 =	sadd.s32 $0x10800, s5;
	[smem:$0x7E4] =	sst s15;
	(pc) =	sbr.rel .LBB2_1-.Ltmp0, $4  }
0x3c: {  	s26 =	simm.s32 $0x19A00;
	s12 =	sadd.s32 $0x12800, s5;
	[smem:$0x7EE] =	sst s8  }
0x3d: {  	s13 =	simm.s32 $0x18900;
	s24 =	sadd.s32 $0x17000, s5;
	[smem:$0x7F2] =	sst s12  }
0x3e: {  	s15 =	sadd.s32 $0x14000, s5;
	[smem:$0x7FB] =	sst s24;
	s8 =	simm.s32 $0x1AA00  }
0x3f: {  	v2 =	vimm.f32 $0.0e+00;
	v0 =	vmov s0;
	v1 =	vmov s3;
	s12 =	simm.s32 $0x80;
	s24 =	simm.s32 $0x4;
	[smem:$0x7F5] =	sst s15  }
.LBB2_9:
0x40: {  	_ =	swait.ge [sflag:s29], $0x1000  }
0x41: {  	[sflag:s29] =	ssyncset.done $0x0  }
0x42: {  	[sflag:s29] =	ssyncadd.s32 $0xFFFFF000  }
0x43: {  	[spmem:s2] =	stream.indirect.scatter.add.f32 [tilespmem:s26], [sflag:$0x5], $0x20, s20, s12, $0xb8;
	[tilespmem:$0x1B200] =	vst v63  }
0x44: {  	_ =	swait.ge [sflag:s9], $0x1000  }
0x45: {  	[sflag:s9] =	ssyncset.done $0x0  }
0x46: {  	[sflag:s9] =	ssyncadd.s32 $0xFFFFF000  }
0x47: {  	[bflag:$0x0] =	sbarrier.arrive $0xFFFF  }
0x48: {  	s15 =	simm.s32 @p0 $0x1FC5;
	s21 =	rddreg [dreg:$0x12]  }
0x49: {  	[hbm:s21], [sflag:s15] =	dma.local @p0 [spmem:s0], $0x3020  }
0x4a: {  	s0 =	simm.s32 @p0 $0x5  }
0x4b: {  	_ =	swait.ge @p0 [sflag:s0], $0x3020  }
0x4c: {  	[sflag:s0] =	ssyncset.done @p0 $0x0  }
0x4d: {  	[sflag:s0] =	ssyncadd.s32 @p0 $0xFFFFCFE0;
	s0 =	rddreg [dreg:$0xd]  }
0x4e: {  	[hbm:s0], [sflag:s3] =	dma.local @!p0 [spmem:s14], $0x30E0  }
0x4f: {  	s0 =	simm.s32 @!p0 $0x5  }
0x50: {  	_ =	swait.ge @!p0 [sflag:s0], $0x30E0  }
0x51: {  	s31 =	sadd.s32 $0x1, s31;
	s23 =	rddreg [dreg:$0x13]  }
0x52: {  	p1 =	sne.s32 s31, s23  }
.Ltmp1:
0x53: {  	_ = 	snop;
	(pc) =	sbr.rel @!p1 .LBB2_10-.Ltmp1, $4  }
0x54: {  	[sflag:s0] =	ssyncset.done @!p0 $0x0  }
0x55: {  	[sflag:s0] =	ssyncadd.s32 @!p0 $0xFFFFCF20  }
0x56: {  	[bflag:$0x0] =	sbarrier.arrive $0xFFFF  }
0x57: {  	s21 =	smov.u32 s6  }
.LBB2_1:
0x58: {  	s0 =	sand.u32 $0x1F80, s4  }
0x59: {  	s3 =	sand.u32 $0x10, s4;
	s14 =	sshrl.u32 s0, $0x2  }
0x5a: {  	s0 =	simm.s32 $0x40;
	s14 =	sor.u32 s3, s14;
	s3 =	simm.s32 $0x0  }
.LBB2_2:
0x5b: {  	p1 =	sne.s32 s0, $0x1FC0  }
0x5c: {  	[tilespmem:s14+$0x1AA00] =	vst v2;
	s3 =	sadd.s32 $0x10, s3;
	s14 =	smov.u32 s0;
	s0 =	sadd.s32 $0x40, s0  }
.Ltmp2:
0x5d: {  	(pc) =	sbr.rel @p1 .LBB2_2-.Ltmp2, $4  }
0x5e: {  	_ = 	snop  }
0x5f: {  	s14 =	sand.u32 $0x1F80, s14  }
0x60: {  	s15 =	sand.u32 $0x10, s3;
	s14 =	sshrl.u32 s14, $0x2  }
0x61: {  	s14 =	sor.u32 s15, s14  }
0x62: {  	[tilespmem:s14+$0x1AA00] =	vst v2  }
0x63: {  	[spmem:s5] =	stream.linear.scatter [tilespmem:s8], [sflag:$0x5], $0x800, $0x38;
	[tilespmem:$0x1B200] =	vst v63  }
0x64: {  	_ =	swait.ge [sflag:s9], $0x800  }
0x65: {  	[sflag:s9] =	ssyncset.done $0x0  }
0x66: {  	s0 =	rddreg [dreg:$0x4];
	[sflag:s9] =	ssyncadd.s32 $0xFFFFF800  }
0x67: {  	[spmem:s0] =	stream.linear.scatter [tilespmem:s8], [sflag:$0x5], $0x800, $0x38;
	[tilespmem:$0x1B200] =	vst v63  }
0x68: {  	_ =	swait.ge [sflag:s9], $0x800  }
0x69: {  	[sflag:s9] =	ssyncset.done $0x0  }
0x6a: {  	s23 =	rddreg [dreg:$0x5];
	[sflag:s9] =	ssyncadd.s32 $0xFFFFF800  }
0x6b: {  	[spmem:s23] =	stream.linear.scatter [tilespmem:s8], [sflag:$0x5], $0x800, $0x38;
	[tilespmem:$0x1B200] =	vst v63  }
0x6c: {  	_ =	swait.ge [sflag:s9], $0x800  }
0x6d: {  	[sflag:s9] =	ssyncset.done $0x0  }
0x6e: {  	s3 =	rddreg [dreg:$0x6];
	[sflag:s9] =	ssyncadd.s32 $0xFFFFF800  }
0x6f: {  	[spmem:s3] =	stream.linear.scatter [tilespmem:s8], [sflag:$0x5], $0x800, $0x38;
	[tilespmem:$0x1B200] =	vst v63  }
0x70: {  	_ =	swait.ge [sflag:s9], $0x800  }
0x71: {  	[sflag:s9] =	ssyncset.done $0x0  }
0x72: {  	s6 =	rddreg [dreg:$0x7];
	[sflag:s9] =	ssyncadd.s32 $0xFFFFF800  }
0x73: {  	[spmem:s6] =	stream.linear.scatter [tilespmem:s8], [sflag:$0x5], $0x800, $0x38;
	[tilespmem:$0x1B200] =	vst v63  }
0x74: {  	_ =	swait.ge [sflag:s9], $0x800  }
0x75: {  	[sflag:s9] =	ssyncset.done $0x0  }
0x76: {  	s14 =	rddreg [dreg:$0x8];
	[sflag:s9] =	ssyncadd.s32 $0xFFFFF800  }
0x77: {  	[spmem:s14] =	stream.linear.scatter [tilespmem:s8], [sflag:$0x5], $0x800, $0x38;
	[tilespmem:$0x1B200] =	vst v63  }
0x78: {  	_ =	swait.ge [sflag:s9], $0x800  }
0x79: {  	[sflag:s9] =	ssyncset.done $0x0  }
0x7a: {  	s15 =	rddreg [dreg:$0x9];
	[sflag:s9] =	ssyncadd.s32 $0xFFFFF800  }
0x7b: {  	[spmem:s15] =	stream.linear.scatter [tilespmem:s8], [sflag:$0x5], $0x800, $0x38;
	[tilespmem:$0x1B200] =	vst v63  }
0x7c: {  	_ =	swait.ge [sflag:s9], $0x800  }
0x7d: {  	[sflag:s9] =	ssyncset.done $0x0  }
0x7e: {  	s22 =	rddreg [dreg:$0x10];
	[sflag:s9] =	ssyncadd.s32 $0xFFFFF800  }
0x7f: {  	[spmem:s22] =	stream.linear.scatter [tilespmem:s8], [sflag:$0x5], $0x800, $0x38;
	[tilespmem:$0x1B200] =	vst v63  }
0x80: {  	_ =	swait.ge [sflag:s9], $0x800  }
0x81: {  	[sflag:s9] =	ssyncset.done $0x0  }
0x82: {  	[sflag:s9] =	ssyncadd.s32 $0xFFFFF800  }
0x83: {  	[spmem:s21] =	stream.linear.scatter [tilespmem:s8], [sflag:$0x5], $0x800, $0x38;
	[tilespmem:$0x1B200] =	vst v63  }
0x84: {  	_ =	swait.ge [sflag:s9], $0x800  }
0x85: {  	[sflag:s9] =	ssyncset.done $0x0  }
0x86: {  	s23 =	rddreg [dreg:$0x14];
	[sflag:s9] =	ssyncadd.s32 $0xFFFFF800  }
0x87: {  	[spmem:s23] =	stream.linear.scatter [tilespmem:s8], [sflag:$0x5], $0x800, $0x38;
	[tilespmem:$0x1B200] =	vst v63  }
0x88: {  	_ =	swait.ge [sflag:s9], $0x800  }
0x89: {  	[sflag:s9] =	ssyncset.done $0x0  }
0x8a: {  	s3 =	rddreg [dreg:$0x15];
	[sflag:s9] =	ssyncadd.s32 $0xFFFFF800  }
0x8b: {  	[spmem:s3] =	stream.linear.scatter [tilespmem:s8], [sflag:$0x5], $0x800, $0x38;
	[tilespmem:$0x1B200] =	vst v63  }
0x8c: {  	_ =	swait.ge [sflag:s9], $0x800  }
0x8d: {  	[sflag:s9] =	ssyncset.done $0x0  }
0x8e: {  	s6 =	rddreg [dreg:$0x16];
	[sflag:s9] =	ssyncadd.s32 $0xFFFFF800  }
0x8f: {  	[spmem:s6] =	stream.linear.scatter [tilespmem:s8], [sflag:$0x5], $0x800, $0x38;
	[tilespmem:$0x1B200] =	vst v63  }
0x90: {  	_ =	swait.ge [sflag:s9], $0x800  }
0x91: {  	[sflag:s9] =	ssyncset.done $0x0  }
0x92: {  	s14 =	rddreg [dreg:$0x17];
	[sflag:s9] =	ssyncadd.s32 $0xFFFFF800  }
0x93: {  	[spmem:s14] =	stream.linear.scatter [tilespmem:s8], [sflag:$0x5], $0x800, $0x38;
	[tilespmem:$0x1B200] =	vst v63  }
0x94: {  	_ =	swait.ge [sflag:s9], $0x800  }
0x95: {  	[sflag:s9] =	ssyncset.done $0x0  }
0x96: {  	s15 =	rddreg [dreg:$0x18];
	[sflag:s9] =	ssyncadd.s32 $0xFFFFF800  }
0x97: {  	[spmem:s15] =	stream.linear.scatter [tilespmem:s8], [sflag:$0x5], $0x800, $0x38;
	[tilespmem:$0x1B200] =	vst v63  }
0x98: {  	_ =	swait.ge [sflag:s9], $0x800  }
0x99: {  	[sflag:s9] =	ssyncset.done $0x0  }
0x9a: {  	s22 =	rddreg [dreg:$0x19];
	[sflag:s9] =	ssyncadd.s32 $0xFFFFF800  }
0x9b: {  	[spmem:s22] =	stream.linear.scatter [tilespmem:s8], [sflag:$0x5], $0x800, $0x38;
	[tilespmem:$0x1B200] =	vst v63  }
0x9c: {  	_ =	swait.ge [sflag:s9], $0x800  }
0x9d: {  	[sflag:s9] =	ssyncset.done $0x0  }
0x9e: {  	s23 =	rddreg [dreg:$0x1a];
	[sflag:s9] =	ssyncadd.s32 $0xFFFFF800  }
0x9f: {  	[spmem:s23] =	stream.linear.scatter [tilespmem:s8], [sflag:$0x5], $0x800, $0x38;
	[tilespmem:$0x1B200] =	vst v63  }
0xa0: {  	_ =	swait.ge [sflag:s9], $0x800  }
0xa1: {  	[sflag:s9] =	ssyncset.done $0x0  }
0xa2: {  	s3 =	rddreg [dreg:$0x1b];
	[sflag:s9] =	ssyncadd.s32 $0xFFFFF800  }
0xa3: {  	[spmem:s3] =	stream.linear.scatter [tilespmem:s8], [sflag:$0x5], $0x800, $0x38;
	[tilespmem:$0x1B200] =	vst v63  }
0xa4: {  	_ =	swait.ge [sflag:s9], $0x800  }
0xa5: {  	[sflag:s9] =	ssyncset.done $0x0  }
0xa6: {  	s6 =	rddreg [dreg:$0x1c];
	[sflag:s9] =	ssyncadd.s32 $0xFFFFF800  }
0xa7: {  	[spmem:s6] =	stream.linear.scatter [tilespmem:s8], [sflag:$0x5], $0x800, $0x38;
	[tilespmem:$0x1B200] =	vst v63  }
0xa8: {  	_ =	swait.ge [sflag:s9], $0x800  }
0xa9: {  	[sflag:s9] =	ssyncset.done $0x0  }
0xaa: {  	s14 =	rddreg [dreg:$0x1d];
	[sflag:s9] =	ssyncadd.s32 $0xFFFFF800  }
0xab: {  	[spmem:s14] =	stream.linear.scatter [tilespmem:s8], [sflag:$0x5], $0x800, $0x38;
	[tilespmem:$0x1B200] =	vst v63  }
0xac: {  	_ =	swait.ge [sflag:s9], $0x800  }
0xad: {  	[sflag:s9] =	ssyncset.done $0x0  }
0xae: {  	s15 =	rddreg [dreg:$0x1e];
	[sflag:s9] =	ssyncadd.s32 $0xFFFFF800  }
0xaf: {  	[spmem:s15] =	stream.linear.scatter [tilespmem:s8], [sflag:$0x5], $0x800, $0x38;
	[tilespmem:$0x1B200] =	vst v63  }
0xb0: {  	_ =	swait.ge [sflag:s9], $0x800  }
0xb1: {  	[sflag:s9] =	ssyncset.done $0x0  }
0xb2: {  	s22 =	rddreg [dreg:$0x1f];
	[sflag:s9] =	ssyncadd.s32 $0xFFFFF800  }
0xb3: {  	[spmem:s22] =	stream.linear.scatter [tilespmem:s8], [sflag:$0x5], $0x800, $0x38;
	[tilespmem:$0x1B200] =	vst v63  }
0xb4: {  	_ =	swait.ge [sflag:s9], $0x800  }
0xb5: {  	s23 =	sld [smem:$0x7E2]  }
0xb6: {  	[sflag:s9] =	ssyncset.done $0x0  }
0xb7: {  	[sflag:s9] =	ssyncadd.s32 $0xFFFFF800  }
0xb8: {  	[spmem:s23] =	stream.linear.scatter [tilespmem:s8], [sflag:$0x5], $0x800, $0x38;
	[tilespmem:$0x1B200] =	vst v63  }
0xb9: {  	_ =	swait.ge [sflag:s9], $0x800  }
0xba: {  	s3 =	sld [smem:$0x7E3]  }
0xbb: {  	[sflag:s9] =	ssyncset.done $0x0  }
0xbc: {  	[sflag:s9] =	ssyncadd.s32 $0xFFFFF800  }
0xbd: {  	[spmem:s3] =	stream.linear.scatter [tilespmem:s8], [sflag:$0x5], $0x800, $0x38;
	[tilespmem:$0x1B200] =	vst v63  }
0xbe: {  	_ =	swait.ge [sflag:s9], $0x800  }
0xbf: {  	s6 =	sld [smem:$0x7E4]  }
0xc0: {  	[sflag:s9] =	ssyncset.done $0x0  }
0xc1: {  	[sflag:s9] =	ssyncadd.s32 $0xFFFFF800  }
0xc2: {  	[spmem:s6] =	stream.linear.scatter [tilespmem:s8], [sflag:$0x5], $0x800, $0x38;
	[tilespmem:$0x1B200] =	vst v63  }
0xc3: {  	_ =	swait.ge [sflag:s9], $0x800  }
0xc4: {  	s14 =	sld [smem:$0x7E5]  }
0xc5: {  	[sflag:s9] =	ssyncset.done $0x0  }
0xc6: {  	[sflag:s9] =	ssyncadd.s32 $0xFFFFF800  }
0xc7: {  	[spmem:s14] =	stream.linear.scatter [tilespmem:s8], [sflag:$0x5], $0x800, $0x38;
	[tilespmem:$0x1B200] =	vst v63  }
0xc8: {  	_ =	swait.ge [sflag:s9], $0x800  }
0xc9: {  	s15 =	sld [smem:$0x7E6]  }
0xca: {  	[sflag:s9] =	ssyncset.done $0x0  }
0xcb: {  	[sflag:s9] =	ssyncadd.s32 $0xFFFFF800  }
0xcc: {  	[spmem:s15] =	stream.linear.scatter [tilespmem:s8], [sflag:$0x5], $0x800, $0x38;
	[tilespmem:$0x1B200] =	vst v63  }
0xcd: {  	_ =	swait.ge [sflag:s9], $0x800  }
0xce: {  	s22 =	sld [smem:$0x7E7]  }
0xcf: {  	[sflag:s9] =	ssyncset.done $0x0  }
0xd0: {  	[sflag:s9] =	ssyncadd.s32 $0xFFFFF800  }
0xd1: {  	[spmem:s22] =	stream.linear.scatter [tilespmem:s8], [sflag:$0x5], $0x800, $0x38;
	[tilespmem:$0x1B200] =	vst v63  }
0xd2: {  	_ =	swait.ge [sflag:s9], $0x800  }
0xd3: {  	s23 =	sld [smem:$0x7E8]  }
0xd4: {  	[sflag:s9] =	ssyncset.done $0x0  }
0xd5: {  	[sflag:s9] =	ssyncadd.s32 $0xFFFFF800  }
0xd6: {  	[spmem:s23] =	stream.linear.scatter [tilespmem:s8], [sflag:$0x5], $0x800, $0x38;
	[tilespmem:$0x1B200] =	vst v63  }
0xd7: {  	_ =	swait.ge [sflag:s9], $0x800  }
0xd8: {  	s3 =	sld [smem:$0x7E9]  }
0xd9: {  	[sflag:s9] =	ssyncset.done $0x0  }
0xda: {  	[sflag:s9] =	ssyncadd.s32 $0xFFFFF800  }
0xdb: {  	[spmem:s3] =	stream.linear.scatter [tilespmem:s8], [sflag:$0x5], $0x800, $0x38;
	[tilespmem:$0x1B200] =	vst v63  }
0xdc: {  	_ =	swait.ge [sflag:s9], $0x800  }
0xdd: {  	s6 =	sld [smem:$0x7EA]  }
0xde: {  	[sflag:s9] =	ssyncset.done $0x0  }
0xdf: {  	[sflag:s9] =	ssyncadd.s32 $0xFFFFF800  }
0xe0: {  	[spmem:s6] =	stream.linear.scatter [tilespmem:s8], [sflag:$0x5], $0x800, $0x38;
	[tilespmem:$0x1B200] =	vst v63  }
0xe1: {  	_ =	swait.ge [sflag:s9], $0x800  }
0xe2: {  	s14 =	sld [smem:$0x7EB]  }
0xe3: {  	[sflag:s9] =	ssyncset.done $0x0  }
0xe4: {  	[sflag:s9] =	ssyncadd.s32 $0xFFFFF800  }
0xe5: {  	[spmem:s14] =	stream.linear.scatter [tilespmem:s8], [sflag:$0x5], $0x800, $0x38;
	[tilespmem:$0x1B200] =	vst v63  }
0xe6: {  	_ =	swait.ge [sflag:s9], $0x800  }
0xe7: {  	s15 =	sld [smem:$0x7EC]  }
0xe8: {  	[sflag:s9] =	ssyncset.done $0x0  }
0xe9: {  	[sflag:s9] =	ssyncadd.s32 $0xFFFFF800  }
0xea: {  	[spmem:s15] =	stream.linear.scatter [tilespmem:s8], [sflag:$0x5], $0x800, $0x38;
	[tilespmem:$0x1B200] =	vst v63  }
0xeb: {  	_ =	swait.ge [sflag:s9], $0x800  }
0xec: {  	s22 =	sld [smem:$0x7ED]  }
0xed: {  	[sflag:s9] =	ssyncset.done $0x0  }
0xee: {  	[sflag:s9] =	ssyncadd.s32 $0xFFFFF800  }
0xef: {  	[spmem:s22] =	stream.linear.scatter [tilespmem:s8], [sflag:$0x5], $0x800, $0x38;
	[tilespmem:$0x1B200] =	vst v63  }
0xf0: {  	_ =	swait.ge [sflag:s9], $0x800  }
0xf1: {  	s23 =	sld [smem:$0x7EE]  }
0xf2: {  	[sflag:s9] =	ssyncset.done $0x0  }
0xf3: {  	[sflag:s9] =	ssyncadd.s32 $0xFFFFF800  }
0xf4: {  	[spmem:s23] =	stream.linear.scatter [tilespmem:s8], [sflag:$0x5], $0x800, $0x38;
	[tilespmem:$0x1B200] =	vst v63  }
0xf5: {  	_ =	swait.ge [sflag:s9], $0x800  }
0xf6: {  	s3 =	sld [smem:$0x7EF]  }
0xf7: {  	[sflag:s9] =	ssyncset.done $0x0  }
0xf8: {  	[sflag:s9] =	ssyncadd.s32 $0xFFFFF800  }
0xf9: {  	[spmem:s3] =	stream.linear.scatter [tilespmem:s8], [sflag:$0x5], $0x800, $0x38;
	[tilespmem:$0x1B200] =	vst v63  }
0xfa: {  	_ =	swait.ge [sflag:s9], $0x800  }
0xfb: {  	s6 =	sld [smem:$0x7F0]  }
0xfc: {  	[sflag:s9] =	ssyncset.done $0x0  }
0xfd: {  	[sflag:s9] =	ssyncadd.s32 $0xFFFFF800  }
0xfe: {  	[spmem:s6] =	stream.linear.scatter [tilespmem:s8], [sflag:$0x5], $0x800, $0x38;
	[tilespmem:$0x1B200] =	vst v63  }
0xff: {  	_ =	swait.ge [sflag:s9], $0x800  }
0x100: {  	s14 =	sld [smem:$0x7F1]  }
0x101: {  	[sflag:s9] =	ssyncset.done $0x0  }
0x102: {  	[sflag:s9] =	ssyncadd.s32 $0xFFFFF800  }
0x103: {  	[spmem:s14] =	stream.linear.scatter [tilespmem:s8], [sflag:$0x5], $0x800, $0x38;
	[tilespmem:$0x1B200] =	vst v63  }
0x104: {  	_ =	swait.ge [sflag:s9], $0x800  }
0x105: {  	s15 =	sld [smem:$0x7F2]  }
0x106: {  	[sflag:s9] =	ssyncset.done $0x0  }
0x107: {  	[sflag:s9] =	ssyncadd.s32 $0xFFFFF800  }
0x108: {  	[spmem:s15] =	stream.linear.scatter [tilespmem:s8], [sflag:$0x5], $0x800, $0x38;
	[tilespmem:$0x1B200] =	vst v63  }
0x109: {  	_ =	swait.ge [sflag:s9], $0x800  }
0x10a: {  	s22 =	sld [smem:$0x7F3]  }
0x10b: {  	[sflag:s9] =	ssyncset.done $0x0  }
0x10c: {  	[sflag:s9] =	ssyncadd.s32 $0xFFFFF800  }
0x10d: {  	[spmem:s22] =	stream.linear.scatter [tilespmem:s8], [sflag:$0x5], $0x800, $0x38;
	[tilespmem:$0x1B200] =	vst v63  }
0x10e: {  	_ =	swait.ge [sflag:s9], $0x800  }
0x10f: {  	s23 =	sld [smem:$0x7F4]  }
0x110: {  	[sflag:s9] =	ssyncset.done $0x0  }
0x111: {  	[sflag:s9] =	ssyncadd.s32 $0xFFFFF800  }
0x112: {  	[spmem:s23] =	stream.linear.scatter [tilespmem:s8], [sflag:$0x5], $0x800, $0x38;
	[tilespmem:$0x1B200] =	vst v63  }
0x113: {  	_ =	swait.ge [sflag:s9], $0x800  }
0x114: {  	s3 =	sld [smem:$0x7F5]  }
0x115: {  	[sflag:s9] =	ssyncset.done $0x0  }
0x116: {  	[sflag:s9] =	ssyncadd.s32 $0xFFFFF800  }
0x117: {  	[spmem:s3] =	stream.linear.scatter [tilespmem:s8], [sflag:$0x5], $0x800, $0x38;
	[tilespmem:$0x1B200] =	vst v63  }
0x118: {  	_ =	swait.ge [sflag:s9], $0x800  }
0x119: {  	s6 =	sld [smem:$0x7F6]  }
0x11a: {  	[sflag:s9] =	ssyncset.done $0x0  }
0x11b: {  	[sflag:s9] =	ssyncadd.s32 $0xFFFFF800  }
0x11c: {  	[spmem:s6] =	stream.linear.scatter [tilespmem:s8], [sflag:$0x5], $0x800, $0x38;
	[tilespmem:$0x1B200] =	vst v63  }
0x11d: {  	_ =	swait.ge [sflag:s9], $0x800  }
0x11e: {  	s14 =	sld [smem:$0x7F7]  }
0x11f: {  	[sflag:s9] =	ssyncset.done $0x0  }
0x120: {  	[sflag:s9] =	ssyncadd.s32 $0xFFFFF800  }
0x121: {  	[spmem:s14] =	stream.linear.scatter [tilespmem:s8], [sflag:$0x5], $0x800, $0x38;
	[tilespmem:$0x1B200] =	vst v63  }
0x122: {  	_ =	swait.ge [sflag:s9], $0x800  }
0x123: {  	s15 =	sld [smem:$0x7F8]  }
0x124: {  	[sflag:s9] =	ssyncset.done $0x0  }
0x125: {  	[sflag:s9] =	ssyncadd.s32 $0xFFFFF800  }
0x126: {  	[spmem:s15] =	stream.linear.scatter [tilespmem:s8], [sflag:$0x5], $0x800, $0x38;
	[tilespmem:$0x1B200] =	vst v63  }
0x127: {  	_ =	swait.ge [sflag:s9], $0x800  }
0x128: {  	s22 =	sld [smem:$0x7F9]  }
0x129: {  	[sflag:s9] =	ssyncset.done $0x0  }
0x12a: {  	[sflag:s9] =	ssyncadd.s32 $0xFFFFF800  }
0x12b: {  	[spmem:s22] =	stream.linear.scatter [tilespmem:s8], [sflag:$0x5], $0x800, $0x38;
	[tilespmem:$0x1B200] =	vst v63  }
0x12c: {  	_ =	swait.ge [sflag:s9], $0x800  }
0x12d: {  	s23 =	sld [smem:$0x7FA]  }
0x12e: {  	[sflag:s9] =	ssyncset.done $0x0  }
0x12f: {  	[sflag:s9] =	ssyncadd.s32 $0xFFFFF800  }
0x130: {  	[spmem:s23] =	stream.linear.scatter [tilespmem:s8], [sflag:$0x5], $0x800, $0x38;
	[tilespmem:$0x1B200] =	vst v63  }
0x131: {  	_ =	swait.ge [sflag:s9], $0x800  }
0x132: {  	s3 =	sld [smem:$0x7FB]  }
0x133: {  	[sflag:s9] =	ssyncset.done $0x0  }
0x134: {  	[sflag:s9] =	ssyncadd.s32 $0xFFFFF800  }
0x135: {  	[spmem:s3] =	stream.linear.scatter [tilespmem:s8], [sflag:$0x5], $0x800, $0x38;
	[tilespmem:$0x1B200] =	vst v63  }
0x136: {  	_ =	swait.ge [sflag:s9], $0x800  }
0x137: {  	s6 =	sld [smem:$0x7FC]  }
0x138: {  	[sflag:s9] =	ssyncset.done $0x0  }
0x139: {  	[sflag:s9] =	ssyncadd.s32 $0xFFFFF800  }
0x13a: {  	[spmem:s6] =	stream.linear.scatter [tilespmem:s8], [sflag:$0x5], $0x800, $0x38;
	[tilespmem:$0x1B200] =	vst v63  }
0x13b: {  	_ =	swait.ge [sflag:s9], $0x800  }
0x13c: {  	[sflag:s9] =	ssyncset.done $0x0  }
0x13d: {  	[sflag:s9] =	ssyncadd.s32 $0xFFFFF800  }
0x13e: {  	[spmem:s7] =	stream.linear.scatter [tilespmem:s8], [sflag:$0x5], $0x700, $0x38;
	[tilespmem:$0x1B200] =	vst v63  }
0x13f: {  	_ =	swait.ge [sflag:s9], $0x700  }
0x140: {  	[sflag:s9] =	ssyncset.done $0x0  }
0x141: {  	[sflag:s9] =	ssyncadd.s32 $0xFFFFF900  }
0x142: {  	[bflag:$0x0] =	sbarrier.arrive $0xFFFF  }
0x143: {  	s14 =	rddreg [dreg:$0xa]  }
0x144: {  	[tilespmem:s10], [sflag:$0x5] =	stream.linear.gather [hbm4b:s14+s4], $0x80, $0x38;
	[tilespmem:$0x1B200] =	vst v63  }
0x145: {  	_ =	swait.ge [sflag:s9], $0x80  }
0x146: {  	[sflag:s9] =	ssyncset.done $0x0  }
0x147: {  	s15 =	rddreg [dreg:$0xb];
	[sflag:s9] =	ssyncadd.s32 $0xFFFFFF80  }
0x148: {  	[tilespmem:s11], [sflag:$0x5] =	stream.linear.gather [hbm4b:s15+s4], $0x80, $0x38;
	[tilespmem:$0x1B200] =	vst v63  }
0x149: {  	_ =	swait.ge [sflag:s9], $0x80  }
0x14a: {  	[sflag:s9] =	ssyncset.done $0x0  }
0x14b: {  	[sflag:s9] =	ssyncadd.s32 $0xFFFFFF80  }
0x14c: {  	v3 =	vld [tilespmem:$0x18700]  }
0x14d: {  	v4 =	vld [tilespmem:$0x18710]  }
0x14e: {  	v5 =	vld [tilespmem:$0x18720]  }
0x14f: {  	v6 =	vld [tilespmem:$0x18730]  }
0x150: {  	v7 =	vld [tilespmem:$0x18740]  }
0x151: {  	v8 =	vld [tilespmem:$0x18750];
	v3 =	vshll.u32 v3, $0x2  }
0x152: {  	v9 =	vld [tilespmem:$0x18760];
	v4 =	vshll.u32 v4, $0x2;
	v3 =	vor.u32 v0, v3  }
0x153: {  	v58 =	vld [tilespmem:$0x18770];
	v57 =	vshll.u32 v5, $0x2;
	[tilespmem:$0x18900] =	vst v3;
	v3 =	vor.u32 v0, v4  }
0x154: {  	v59 =	vshll.u32 v6, $0x2;
	[tilespmem:$0x18910] =	vst v3;
	v3 =	vor.u32 v0, v57  }
0x155: {  	v60 =	vshll.u32 v7, $0x2;
	[tilespmem:$0x18920] =	vst v3;
	v3 =	vor.u32 v0, v59  }
0x156: {  	v61 =	vshll.u32 v8, $0x2;
	[tilespmem:$0x18930] =	vst v3;
	v3 =	vor.u32 v0, v60  }
0x157: {  	v62 =	vshll.u32 v9, $0x2;
	[tilespmem:$0x18940] =	vst v3;
	v3 =	vor.u32 v0, v61  }
0x158: {  	v63 =	vshll.u32 v58, $0x2;
	[tilespmem:$0x18950] =	vst v3;
	v3 =	vor.u32 v0, v62  }
0x159: {  	[tilespmem:$0x18960] =	vst v3;
	v3 =	vor.u32 v0, v63  }
0x15a: {  	[tilespmem:$0x18970] =	vst v3  }
0x15b: {  	[tilespmem:s16], [sflag:$0x1] =	stream.indirect.gather [hbm4b:s1+s12], $0x20, s13, s12, $0xb8;
	[tilespmem:$0x1B200] =	vst v63  }
0x15c: {  	s22 =	rddreg [dreg:$0xe]  }
0x15d: {  	[tilespmem:s17], [sflag:$0x4] =	stream.linear.gather [hbm4b:s22+s4], $0x80, $0x38;
	[tilespmem:$0x1B200] =	vst v63  }
0x15e: {  	s0 =	simm.s32 $0xFFFFE7A0;
	s23 =	rddreg [dreg:$0xf]  }
0x15f: {  	[tilespmem:s20], [sflag:$0x4] =	stream.linear.gather [hbm4b:s23+s4], $0x80, $0x38;
	[tilespmem:$0x1B200] =	vst v63  }
.LBB2_4:
0x160: {  	_ =	swait.ge [sflag:s24], $0x80  }
0x161: {  	[sflag:s24] =	ssyncset.done $0x0  }
0x162: {  	[sflag:s24] =	ssyncadd.s32 $0xFFFFFF80  }
0x163: {  	_ =	swait.ge [sflag:s24], $0x80  }
0x164: {  	[sflag:s24] =	ssyncset.done $0x0  }
0x165: {  	[sflag:s24] =	ssyncadd.s32 $0xFFFFFF80  }
0x166: {  	v3 =	vld [tilespmem:$0x18780]  }
0x167: {  	v4 =	vld [tilespmem:$0x18790]  }
0x168: {  	v5 =	vld [tilespmem:$0x187A0]  }
0x169: {  	v6 =	vld [tilespmem:$0x187B0]  }
0x16a: {  	v7 =	vld [tilespmem:$0x187C0]  }
0x16b: {  	v8 =	vld [tilespmem:$0x187D0];
	v3 =	vshll.u32 v3, $0x2  }
0x16c: {  	v9 =	vld [tilespmem:$0x187E0];
	v4 =	vshll.u32 v4, $0x2;
	v3 =	vor.u32 v0, v3  }
0x16d: {  	v58 =	vld [tilespmem:$0x187F0];
	v57 =	vshll.u32 v5, $0x2;
	[tilespmem:$0x18980] =	vst v3;
	v3 =	vor.u32 v0, v4  }
0x16e: {  	v59 =	vshll.u32 v6, $0x2;
	[tilespmem:$0x18990] =	vst v3;
	v3 =	vor.u32 v0, v57  }
0x16f: {  	v60 =	vshll.u32 v7, $0x2;
	[tilespmem:$0x189A0] =	vst v3;
	v3 =	vor.u32 v0, v59  }
0x170: {  	v61 =	vshll.u32 v8, $0x2;
	[tilespmem:$0x189B0] =	vst v3;
	v3 =	vor.u32 v0, v60  }
0x171: {  	v62 =	vshll.u32 v9, $0x2;
	[tilespmem:$0x189C0] =	vst v3;
	v3 =	vor.u32 v0, v61  }
0x172: {  	v63 =	vshll.u32 v58, $0x2;
	[tilespmem:$0x189D0] =	vst v3;
	v3 =	vor.u32 v0, v62  }
0x173: {  	[tilespmem:$0x189E0] =	vst v3;
	v3 =	vor.u32 v0, v63  }
0x174: {  	[tilespmem:$0x189F0] =	vst v3  }
0x175: {  	[tilespmem:s26], [sflag:$0x2] =	stream.indirect.gather [hbm4b:s1+s12], $0x20, s25, s12, $0xb8;
	[tilespmem:$0x1B200] =	vst v63  }
0x176: {  	_ =	swait.ge [sflag:s28], $0x1000  }
0x177: {  	p1 =	seq.s32 s0, $0x0;
	[sflag:s28] =	ssyncset.done $0x0  }
.Ltmp3:
0x178: {  	[sflag:s28] =	ssyncadd.s32 $0xFFFFF000;
	(pc) =	sbr.rel @p1 .LBB2_6-.Ltmp3, $4  }
0x179: {  	[spmem:s2] =	stream.indirect.scatter.add.f32 [tilespmem:s16], [sflag:$0x5], $0x20, s11, s12, $0xb8;
	[tilespmem:$0x1B200] =	vst v63  }
0x17a: {  	_ =	swait.ge [sflag:s9], $0x1000  }
0x17b: {  	[sflag:s9] =	ssyncset.done $0x0  }
0x17c: {  	[sflag:s9] =	ssyncadd.s32 $0xFFFFF000  }
0x17d: {  	s3 =	sadd.s32 s0, s19  }
0x17e: {  	s22 =	sadd.s32 s0, s18;
	s14 =	sadd.s32 $0x1880, s3  }
0x17f: {  	[tilespmem:s10], [sflag:$0x3] =	stream.linear.gather [hbm4b:s14+s4], $0x80, $0x38;
	[tilespmem:$0x1B200] =	vst v63  }
0x180: {  	s15 =	sadd.s32 $0x1880, s22  }
0x181: {  	[tilespmem:s11], [sflag:$0x3] =	stream.linear.gather [hbm4b:s15+s4], $0x80, $0x38;
	[tilespmem:$0x1B200] =	vst v63  }
0x182: {  	_ =	swait.ge [sflag:s29], $0x1000  }
0x183: {  	[sflag:s29] =	ssyncset.done $0x0  }
0x184: {  	[sflag:s29] =	ssyncadd.s32 $0xFFFFF000  }
0x185: {  	[spmem:s2] =	stream.indirect.scatter.add.f32 [tilespmem:s26], [sflag:$0x5], $0x20, s20, s12, $0xb8;
	[tilespmem:$0x1B200] =	vst v63  }
0x186: {  	_ =	swait.ge [sflag:s9], $0x1000  }
0x187: {  	[sflag:s9] =	ssyncset.done $0x0  }
0x188: {  	[sflag:s9] =	ssyncadd.s32 $0xFFFFF000  }
0x189: {  	_ =	swait.ge [sflag:s30], $0x80  }
0x18a: {  	[sflag:s30] =	ssyncset.done $0x0  }
0x18b: {  	[sflag:s30] =	ssyncadd.s32 $0xFFFFFF80  }
0x18c: {  	_ =	swait.ge [sflag:s30], $0x80  }
0x18d: {  	[sflag:s30] =	ssyncset.done $0x0  }
0x18e: {  	[sflag:s30] =	ssyncadd.s32 $0xFFFFFF80  }
0x18f: {  	v3 =	vld [tilespmem:$0x18700]  }
0x190: {  	v4 =	vld [tilespmem:$0x18710]  }
0x191: {  	v5 =	vld [tilespmem:$0x18720]  }
0x192: {  	v6 =	vld [tilespmem:$0x18730]  }
0x193: {  	v7 =	vld [tilespmem:$0x18740]  }
0x194: {  	v8 =	vld [tilespmem:$0x18750];
	v3 =	vshll.u32 v3, $0x2  }
0x195: {  	v9 =	vld [tilespmem:$0x18760];
	v4 =	vshll.u32 v4, $0x2;
	v3 =	vor.u32 v0, v3  }
0x196: {  	v58 =	vld [tilespmem:$0x18770];
	v57 =	vshll.u32 v5, $0x2;
	[tilespmem:$0x18900] =	vst v3;
	v3 =	vor.u32 v0, v4  }
0x197: {  	v59 =	vshll.u32 v6, $0x2;
	[tilespmem:$0x18910] =	vst v3;
	v3 =	vor.u32 v0, v57  }
0x198: {  	v60 =	vshll.u32 v7, $0x2;
	[tilespmem:$0x18920] =	vst v3;
	v3 =	vor.u32 v0, v59  }
0x199: {  	v61 =	vshll.u32 v8, $0x2;
	[tilespmem:$0x18930] =	vst v3;
	v3 =	vor.u32 v0, v60  }
0x19a: {  	v62 =	vshll.u32 v9, $0x2;
	[tilespmem:$0x18940] =	vst v3;
	v3 =	vor.u32 v0, v61  }
0x19b: {  	v63 =	vshll.u32 v58, $0x2;
	[tilespmem:$0x18950] =	vst v3;
	v3 =	vor.u32 v0, v62  }
0x19c: {  	[tilespmem:$0x18960] =	vst v3;
	v3 =	vor.u32 v0, v63  }
0x19d: {  	[tilespmem:$0x18970] =	vst v3  }
0x19e: {  	[tilespmem:s16], [sflag:$0x1] =	stream.indirect.gather [hbm4b:s1+s12], $0x20, s13, s12, $0xb8;
	[tilespmem:$0x1B200] =	vst v63  }
.Ltmp4:
0x19f: {  	_ = 	snop;
	(pc) =	sbr.rel .LBB2_4-.Ltmp4, $4  }
0x1a0: {  	s3 =	sadd.s32 $0x1890, s3  }
0x1a1: {  	[tilespmem:s17], [sflag:$0x4] =	stream.linear.gather [hbm4b:s3+s4], $0x80, $0x38;
	[tilespmem:$0x1B200] =	vst v63  }
0x1a2: {  	s0 =	sadd.s32 $0x20, s0;
	s23 =	sadd.s32 $0x1890, s22  }
0x1a3: {  	[tilespmem:s20], [sflag:$0x4] =	stream.linear.gather [hbm4b:s23+s4], $0x80, $0x38;
	[tilespmem:$0x1B200] =	vst v63  }
.LBB2_6:
0x1a4: {  	_ =	swait.ge [sflag:s29], $0x1000  }
0x1a5: {  	[sflag:s29] =	ssyncset.done $0x0  }
0x1a6: {  	[sflag:s29] =	ssyncadd.s32 $0xFFFFF000  }
0x1a7: {  	[spmem:s2] =	stream.indirect.scatter.add.f32 [tilespmem:s26], [sflag:$0x5], $0x20, s20, s12, $0xb8;
	[tilespmem:$0x1B200] =	vst v63  }
0x1a8: {  	_ =	swait.ge [sflag:s9], $0x1000  }
0x1a9: {  	[sflag:s9] =	ssyncset.done $0x0  }
0x1aa: {  	[sflag:s9] =	ssyncadd.s32 $0xFFFFF000  }
0x1ab: {  	[bflag:$0x0] =	sbarrier.arrive $0xFFFF  }
0x1ac: {  	s0 =	sld [smem:$0x7FD];
	_ =	sdelay $0x2  }
0x1ad: {  	s3 =	simm.s32 @p0 $0x1FC5;
	s14 =	rddreg [dreg:$0x11];
	s0 =	sshrl.u32 @p0 s0, $0x3  }
0x1ae: {  	[hbm:s14], [sflag:s3] =	dma.local @p0 [spmem:s0], $0x3020  }
0x1af: {  	s3 =	simm.s32 @p0 $0x5  }
0x1b0: {  	s14 =	stileid.u32;
	_ =	swait.ge @p0 [sflag:s3], $0x3020  }
0x1b1: {  	s14 =	sshll.u32 @!p0 s14, $0x6;
	[sflag:s3] =	ssyncset.done @p0 $0x0;
	s15 =	rddreg [dreg:$0xc]  }
0x1b2: {  	[sflag:s3] =	ssyncadd.s32 @p0 $0xFFFFCFE0;
	s3 =	sor.u32 @!p0 $0x1C05, s14;
	s14 =	sshrl.u32 @!p0 s5, $0x3  }
0x1b3: {  	[hbm:s15], [sflag:s3] =	dma.local @!p0 [spmem:s14], $0x30E0  }
0x1b4: {  	s15 =	simm.s32 @!p0 $0x5  }
0x1b5: {  	_ =	swait.ge @!p0 [sflag:s15], $0x30E0  }
0x1b6: {  	[sflag:s15] =	ssyncset.done @!p0 $0x0  }
0x1b7: {  	[sflag:s15] =	ssyncadd.s32 @!p0 $0xFFFFCF20  }
0x1b8: {  	[bflag:$0x0] =	sbarrier.arrive $0xFFFF  }
0x1b9: {  	[spmem:s5] =	stream.linear.scatter [tilespmem:s8], [sflag:$0x5], $0x800, $0x38;
	[tilespmem:$0x1B200] =	vst v63  }
0x1ba: {  	_ =	swait.ge [sflag:s9], $0x800  }
0x1bb: {  	[sflag:s9] =	ssyncset.done $0x0  }
0x1bc: {  	s22 =	rddreg [dreg:$0x4];
	[sflag:s9] =	ssyncadd.s32 $0xFFFFF800  }
0x1bd: {  	[spmem:s22] =	stream.linear.scatter [tilespmem:s8], [sflag:$0x5], $0x800, $0x38;
	[tilespmem:$0x1B200] =	vst v63  }
0x1be: {  	_ =	swait.ge [sflag:s9], $0x800  }
0x1bf: {  	[sflag:s9] =	ssyncset.done $0x0  }
0x1c0: {  	s23 =	rddreg [dreg:$0x5];
	[sflag:s9] =	ssyncadd.s32 $0xFFFFF800  }
0x1c1: {  	[spmem:s23] =	stream.linear.scatter [tilespmem:s8], [sflag:$0x5], $0x800, $0x38;
	[tilespmem:$0x1B200] =	vst v63  }
0x1c2: {  	_ =	swait.ge [sflag:s9], $0x800  }
0x1c3: {  	[sflag:s9] =	ssyncset.done $0x0  }
0x1c4: {  	s6 =	rddreg [dreg:$0x6];
	[sflag:s9] =	ssyncadd.s32 $0xFFFFF800  }
0x1c5: {  	[spmem:s6] =	stream.linear.scatter [tilespmem:s8], [sflag:$0x5], $0x800, $0x38;
	[tilespmem:$0x1B200] =	vst v63  }
0x1c6: {  	_ =	swait.ge [sflag:s9], $0x800  }
0x1c7: {  	[sflag:s9] =	ssyncset.done $0x0  }
0x1c8: {  	s22 =	rddreg [dreg:$0x7];
	[sflag:s9] =	ssyncadd.s32 $0xFFFFF800  }
0x1c9: {  	[spmem:s22] =	stream.linear.scatter [tilespmem:s8], [sflag:$0x5], $0x800, $0x38;
	[tilespmem:$0x1B200] =	vst v63  }
0x1ca: {  	_ =	swait.ge [sflag:s9], $0x800  }
0x1cb: {  	[sflag:s9] =	ssyncset.done $0x0  }
0x1cc: {  	s23 =	rddreg [dreg:$0x8];
	[sflag:s9] =	ssyncadd.s32 $0xFFFFF800  }
0x1cd: {  	[spmem:s23] =	stream.linear.scatter [tilespmem:s8], [sflag:$0x5], $0x800, $0x38;
	[tilespmem:$0x1B200] =	vst v63  }
0x1ce: {  	_ =	swait.ge [sflag:s9], $0x800  }
0x1cf: {  	[sflag:s9] =	ssyncset.done $0x0  }
0x1d0: {  	s6 =	rddreg [dreg:$0x9];
	[sflag:s9] =	ssyncadd.s32 $0xFFFFF800  }
0x1d1: {  	[spmem:s6] =	stream.linear.scatter [tilespmem:s8], [sflag:$0x5], $0x800, $0x38;
	[tilespmem:$0x1B200] =	vst v63  }
0x1d2: {  	_ =	swait.ge [sflag:s9], $0x800  }
0x1d3: {  	[sflag:s9] =	ssyncset.done $0x0  }
0x1d4: {  	s22 =	rddreg [dreg:$0x10];
	[sflag:s9] =	ssyncadd.s32 $0xFFFFF800  }
0x1d5: {  	[spmem:s22] =	stream.linear.scatter [tilespmem:s8], [sflag:$0x5], $0x800, $0x38;
	[tilespmem:$0x1B200] =	vst v63  }
0x1d6: {  	_ =	swait.ge [sflag:s9], $0x800  }
0x1d7: {  	[sflag:s9] =	ssyncset.done $0x0  }
0x1d8: {  	[sflag:s9] =	ssyncadd.s32 $0xFFFFF800  }
0x1d9: {  	[spmem:s21] =	stream.linear.scatter [tilespmem:s8], [sflag:$0x5], $0x800, $0x38;
	[tilespmem:$0x1B200] =	vst v63  }
0x1da: {  	_ =	swait.ge [sflag:s9], $0x800  }
0x1db: {  	[sflag:s9] =	ssyncset.done $0x0  }
0x1dc: {  	s23 =	rddreg [dreg:$0x14];
	[sflag:s9] =	ssyncadd.s32 $0xFFFFF800  }
0x1dd: {  	[spmem:s23] =	stream.linear.scatter [tilespmem:s8], [sflag:$0x5], $0x800, $0x38;
	[tilespmem:$0x1B200] =	vst v63  }
0x1de: {  	_ =	swait.ge [sflag:s9], $0x800  }
0x1df: {  	[sflag:s9] =	ssyncset.done $0x0  }
0x1e0: {  	s6 =	smov.u32 s21;
	s21 =	rddreg [dreg:$0x15];
	[sflag:s9] =	ssyncadd.s32 $0xFFFFF800  }
0x1e1: {  	[spmem:s21] =	stream.linear.scatter [tilespmem:s8], [sflag:$0x5], $0x800, $0x38;
	[tilespmem:$0x1B200] =	vst v63  }
0x1e2: {  	_ =	swait.ge [sflag:s9], $0x800  }
0x1e3: {  	[sflag:s9] =	ssyncset.done $0x0  }
0x1e4: {  	s22 =	rddreg [dreg:$0x16];
	[sflag:s9] =	ssyncadd.s32 $0xFFFFF800  }
0x1e5: {  	[spmem:s22] =	stream.linear.scatter [tilespmem:s8], [sflag:$0x5], $0x800, $0x38;
	[tilespmem:$0x1B200] =	vst v63  }
0x1e6: {  	_ =	swait.ge [sflag:s9], $0x800  }
0x1e7: {  	[sflag:s9] =	ssyncset.done $0x0  }
0x1e8: {  	s23 =	rddreg [dreg:$0x17];
	[sflag:s9] =	ssyncadd.s32 $0xFFFFF800  }
0x1e9: {  	[spmem:s23] =	stream.linear.scatter [tilespmem:s8], [sflag:$0x5], $0x800, $0x38;
	[tilespmem:$0x1B200] =	vst v63  }
0x1ea: {  	_ =	swait.ge [sflag:s9], $0x800  }
0x1eb: {  	[sflag:s9] =	ssyncset.done $0x0  }
0x1ec: {  	s21 =	rddreg [dreg:$0x18];
	[sflag:s9] =	ssyncadd.s32 $0xFFFFF800  }
0x1ed: {  	[spmem:s21] =	stream.linear.scatter [tilespmem:s8], [sflag:$0x5], $0x800, $0x38;
	[tilespmem:$0x1B200] =	vst v63  }
0x1ee: {  	_ =	swait.ge [sflag:s9], $0x800  }
0x1ef: {  	[sflag:s9] =	ssyncset.done $0x0  }
0x1f0: {  	s22 =	rddreg [dreg:$0x19];
	[sflag:s9] =	ssyncadd.s32 $0xFFFFF800  }
0x1f1: {  	[spmem:s22] =	stream.linear.scatter [tilespmem:s8], [sflag:$0x5], $0x800, $0x38;
	[tilespmem:$0x1B200] =	vst v63  }
0x1f2: {  	_ =	swait.ge [sflag:s9], $0x800  }
0x1f3: {  	[sflag:s9] =	ssyncset.done $0x0  }
0x1f4: {  	s23 =	rddreg [dreg:$0x1a];
	[sflag:s9] =	ssyncadd.s32 $0xFFFFF800  }
0x1f5: {  	[spmem:s23] =	stream.linear.scatter [tilespmem:s8], [sflag:$0x5], $0x800, $0x38;
	[tilespmem:$0x1B200] =	vst v63  }
0x1f6: {  	_ =	swait.ge [sflag:s9], $0x800  }
0x1f7: {  	[sflag:s9] =	ssyncset.done $0x0  }
0x1f8: {  	s21 =	rddreg [dreg:$0x1b];
	[sflag:s9] =	ssyncadd.s32 $0xFFFFF800  }
0x1f9: {  	[spmem:s21] =	stream.linear.scatter [tilespmem:s8], [sflag:$0x5], $0x800, $0x38;
	[tilespmem:$0x1B200] =	vst v63  }
0x1fa: {  	_ =	swait.ge [sflag:s9], $0x800  }
0x1fb: {  	[sflag:s9] =	ssyncset.done $0x0  }
0x1fc: {  	s22 =	rddreg [dreg:$0x1c];
	[sflag:s9] =	ssyncadd.s32 $0xFFFFF800  }
0x1fd: {  	[spmem:s22] =	stream.linear.scatter [tilespmem:s8], [sflag:$0x5], $0x800, $0x38;
	[tilespmem:$0x1B200] =	vst v63  }
0x1fe: {  	_ =	swait.ge [sflag:s9], $0x800  }
0x1ff: {  	[sflag:s9] =	ssyncset.done $0x0  }
0x200: {  	s23 =	rddreg [dreg:$0x1d];
	[sflag:s9] =	ssyncadd.s32 $0xFFFFF800  }
0x201: {  	[spmem:s23] =	stream.linear.scatter [tilespmem:s8], [sflag:$0x5], $0x800, $0x38;
	[tilespmem:$0x1B200] =	vst v63  }
0x202: {  	_ =	swait.ge [sflag:s9], $0x800  }
0x203: {  	[sflag:s9] =	ssyncset.done $0x0  }
0x204: {  	s21 =	rddreg [dreg:$0x1e];
	[sflag:s9] =	ssyncadd.s32 $0xFFFFF800  }
0x205: {  	[spmem:s21] =	stream.linear.scatter [tilespmem:s8], [sflag:$0x5], $0x800, $0x38;
	[tilespmem:$0x1B200] =	vst v63  }
0x206: {  	_ =	swait.ge [sflag:s9], $0x800  }
0x207: {  	[sflag:s9] =	ssyncset.done $0x0  }
0x208: {  	s22 =	rddreg [dreg:$0x1f];
	[sflag:s9] =	ssyncadd.s32 $0xFFFFF800  }
0x209: {  	[spmem:s22] =	stream.linear.scatter [tilespmem:s8], [sflag:$0x5], $0x800, $0x38;
	[tilespmem:$0x1B200] =	vst v63  }
0x20a: {  	_ =	swait.ge [sflag:s9], $0x800  }
0x20b: {  	s23 =	sld [smem:$0x7E2]  }
0x20c: {  	[sflag:s9] =	ssyncset.done $0x0  }
0x20d: {  	[sflag:s9] =	ssyncadd.s32 $0xFFFFF800  }
0x20e: {  	[spmem:s23] =	stream.linear.scatter [tilespmem:s8], [sflag:$0x5], $0x800, $0x38;
	[tilespmem:$0x1B200] =	vst v63  }
0x20f: {  	_ =	swait.ge [sflag:s9], $0x800  }
0x210: {  	s21 =	sld [smem:$0x7E3]  }
0x211: {  	[sflag:s9] =	ssyncset.done $0x0  }
0x212: {  	[sflag:s9] =	ssyncadd.s32 $0xFFFFF800  }
0x213: {  	[spmem:s21] =	stream.linear.scatter [tilespmem:s8], [sflag:$0x5], $0x800, $0x38;
	[tilespmem:$0x1B200] =	vst v63  }
0x214: {  	_ =	swait.ge [sflag:s9], $0x800  }
0x215: {  	s22 =	sld [smem:$0x7E4]  }
0x216: {  	[sflag:s9] =	ssyncset.done $0x0  }
0x217: {  	[sflag:s9] =	ssyncadd.s32 $0xFFFFF800  }
0x218: {  	[spmem:s22] =	stream.linear.scatter [tilespmem:s8], [sflag:$0x5], $0x800, $0x38;
	[tilespmem:$0x1B200] =	vst v63  }
0x219: {  	_ =	swait.ge [sflag:s9], $0x800  }
0x21a: {  	s23 =	sld [smem:$0x7E5]  }
0x21b: {  	[sflag:s9] =	ssyncset.done $0x0  }
0x21c: {  	[sflag:s9] =	ssyncadd.s32 $0xFFFFF800  }
0x21d: {  	[spmem:s23] =	stream.linear.scatter [tilespmem:s8], [sflag:$0x5], $0x800, $0x38;
	[tilespmem:$0x1B200] =	vst v63  }
0x21e: {  	_ =	swait.ge [sflag:s9], $0x800  }
0x21f: {  	s21 =	sld [smem:$0x7E6]  }
0x220: {  	[sflag:s9] =	ssyncset.done $0x0  }
0x221: {  	[sflag:s9] =	ssyncadd.s32 $0xFFFFF800  }
0x222: {  	[spmem:s21] =	stream.linear.scatter [tilespmem:s8], [sflag:$0x5], $0x800, $0x38;
	[tilespmem:$0x1B200] =	vst v63  }
0x223: {  	_ =	swait.ge [sflag:s9], $0x800  }
0x224: {  	s22 =	sld [smem:$0x7E7]  }
0x225: {  	[sflag:s9] =	ssyncset.done $0x0  }
0x226: {  	[sflag:s9] =	ssyncadd.s32 $0xFFFFF800  }
0x227: {  	[spmem:s22] =	stream.linear.scatter [tilespmem:s8], [sflag:$0x5], $0x800, $0x38;
	[tilespmem:$0x1B200] =	vst v63  }
0x228: {  	_ =	swait.ge [sflag:s9], $0x800  }
0x229: {  	s23 =	sld [smem:$0x7E8]  }
0x22a: {  	[sflag:s9] =	ssyncset.done $0x0  }
0x22b: {  	[sflag:s9] =	ssyncadd.s32 $0xFFFFF800  }
0x22c: {  	[spmem:s23] =	stream.linear.scatter [tilespmem:s8], [sflag:$0x5], $0x800, $0x38;
	[tilespmem:$0x1B200] =	vst v63  }
0x22d: {  	_ =	swait.ge [sflag:s9], $0x800  }
0x22e: {  	s21 =	sld [smem:$0x7E9]  }
0x22f: {  	[sflag:s9] =	ssyncset.done $0x0  }
0x230: {  	[sflag:s9] =	ssyncadd.s32 $0xFFFFF800  }
0x231: {  	[spmem:s21] =	stream.linear.scatter [tilespmem:s8], [sflag:$0x5], $0x800, $0x38;
	[tilespmem:$0x1B200] =	vst v63  }
0x232: {  	_ =	swait.ge [sflag:s9], $0x800  }
0x233: {  	s22 =	sld [smem:$0x7EA]  }
0x234: {  	[sflag:s9] =	ssyncset.done $0x0  }
0x235: {  	[sflag:s9] =	ssyncadd.s32 $0xFFFFF800  }
0x236: {  	[spmem:s22] =	stream.linear.scatter [tilespmem:s8], [sflag:$0x5], $0x800, $0x38;
	[tilespmem:$0x1B200] =	vst v63  }
0x237: {  	_ =	swait.ge [sflag:s9], $0x800  }
0x238: {  	s23 =	sld [smem:$0x7EB]  }
0x239: {  	[sflag:s9] =	ssyncset.done $0x0  }
0x23a: {  	[sflag:s9] =	ssyncadd.s32 $0xFFFFF800  }
0x23b: {  	[spmem:s23] =	stream.linear.scatter [tilespmem:s8], [sflag:$0x5], $0x800, $0x38;
	[tilespmem:$0x1B200] =	vst v63  }
0x23c: {  	_ =	swait.ge [sflag:s9], $0x800  }
0x23d: {  	s21 =	sld [smem:$0x7EC]  }
0x23e: {  	[sflag:s9] =	ssyncset.done $0x0  }
0x23f: {  	[sflag:s9] =	ssyncadd.s32 $0xFFFFF800  }
0x240: {  	[spmem:s21] =	stream.linear.scatter [tilespmem:s8], [sflag:$0x5], $0x800, $0x38;
	[tilespmem:$0x1B200] =	vst v63  }
0x241: {  	_ =	swait.ge [sflag:s9], $0x800  }
0x242: {  	s22 =	sld [smem:$0x7ED]  }
0x243: {  	[sflag:s9] =	ssyncset.done $0x0  }
0x244: {  	[sflag:s9] =	ssyncadd.s32 $0xFFFFF800  }
0x245: {  	[spmem:s22] =	stream.linear.scatter [tilespmem:s8], [sflag:$0x5], $0x800, $0x38;
	[tilespmem:$0x1B200] =	vst v63  }
0x246: {  	_ =	swait.ge [sflag:s9], $0x800  }
0x247: {  	s23 =	sld [smem:$0x7EE]  }
0x248: {  	[sflag:s9] =	ssyncset.done $0x0  }
0x249: {  	[sflag:s9] =	ssyncadd.s32 $0xFFFFF800  }
0x24a: {  	[spmem:s23] =	stream.linear.scatter [tilespmem:s8], [sflag:$0x5], $0x800, $0x38;
	[tilespmem:$0x1B200] =	vst v63  }
0x24b: {  	_ =	swait.ge [sflag:s9], $0x800  }
0x24c: {  	s21 =	sld [smem:$0x7EF]  }
0x24d: {  	[sflag:s9] =	ssyncset.done $0x0  }
0x24e: {  	[sflag:s9] =	ssyncadd.s32 $0xFFFFF800  }
0x24f: {  	[spmem:s21] =	stream.linear.scatter [tilespmem:s8], [sflag:$0x5], $0x800, $0x38;
	[tilespmem:$0x1B200] =	vst v63  }
0x250: {  	_ =	swait.ge [sflag:s9], $0x800  }
0x251: {  	s22 =	sld [smem:$0x7F0]  }
0x252: {  	[sflag:s9] =	ssyncset.done $0x0  }
0x253: {  	[sflag:s9] =	ssyncadd.s32 $0xFFFFF800  }
0x254: {  	[spmem:s22] =	stream.linear.scatter [tilespmem:s8], [sflag:$0x5], $0x800, $0x38;
	[tilespmem:$0x1B200] =	vst v63  }
0x255: {  	_ =	swait.ge [sflag:s9], $0x800  }
0x256: {  	s23 =	sld [smem:$0x7F1]  }
0x257: {  	[sflag:s9] =	ssyncset.done $0x0  }
0x258: {  	[sflag:s9] =	ssyncadd.s32 $0xFFFFF800  }
0x259: {  	[spmem:s23] =	stream.linear.scatter [tilespmem:s8], [sflag:$0x5], $0x800, $0x38;
	[tilespmem:$0x1B200] =	vst v63  }
0x25a: {  	_ =	swait.ge [sflag:s9], $0x800  }
0x25b: {  	s21 =	sld [smem:$0x7F2]  }
0x25c: {  	[sflag:s9] =	ssyncset.done $0x0  }
0x25d: {  	[sflag:s9] =	ssyncadd.s32 $0xFFFFF800  }
0x25e: {  	[spmem:s21] =	stream.linear.scatter [tilespmem:s8], [sflag:$0x5], $0x800, $0x38;
	[tilespmem:$0x1B200] =	vst v63  }
0x25f: {  	_ =	swait.ge [sflag:s9], $0x800  }
0x260: {  	s22 =	sld [smem:$0x7F3]  }
0x261: {  	[sflag:s9] =	ssyncset.done $0x0  }
0x262: {  	[sflag:s9] =	ssyncadd.s32 $0xFFFFF800  }
0x263: {  	[spmem:s22] =	stream.linear.scatter [tilespmem:s8], [sflag:$0x5], $0x800, $0x38;
	[tilespmem:$0x1B200] =	vst v63  }
0x264: {  	_ =	swait.ge [sflag:s9], $0x800  }
0x265: {  	s23 =	sld [smem:$0x7F4]  }
0x266: {  	[sflag:s9] =	ssyncset.done $0x0  }
0x267: {  	[sflag:s9] =	ssyncadd.s32 $0xFFFFF800  }
0x268: {  	[spmem:s23] =	stream.linear.scatter [tilespmem:s8], [sflag:$0x5], $0x800, $0x38;
	[tilespmem:$0x1B200] =	vst v63  }
0x269: {  	_ =	swait.ge [sflag:s9], $0x800  }
0x26a: {  	s21 =	sld [smem:$0x7F5]  }
0x26b: {  	[sflag:s9] =	ssyncset.done $0x0  }
0x26c: {  	[sflag:s9] =	ssyncadd.s32 $0xFFFFF800  }
0x26d: {  	[spmem:s21] =	stream.linear.scatter [tilespmem:s8], [sflag:$0x5], $0x800, $0x38;
	[tilespmem:$0x1B200] =	vst v63  }
0x26e: {  	_ =	swait.ge [sflag:s9], $0x800  }
0x26f: {  	s22 =	sld [smem:$0x7F6]  }
0x270: {  	[sflag:s9] =	ssyncset.done $0x0  }
0x271: {  	[sflag:s9] =	ssyncadd.s32 $0xFFFFF800  }
0x272: {  	[spmem:s22] =	stream.linear.scatter [tilespmem:s8], [sflag:$0x5], $0x800, $0x38;
	[tilespmem:$0x1B200] =	vst v63  }
0x273: {  	_ =	swait.ge [sflag:s9], $0x800  }
0x274: {  	s23 =	sld [smem:$0x7F7]  }
0x275: {  	[sflag:s9] =	ssyncset.done $0x0  }
0x276: {  	[sflag:s9] =	ssyncadd.s32 $0xFFFFF800  }
0x277: {  	[spmem:s23] =	stream.linear.scatter [tilespmem:s8], [sflag:$0x5], $0x800, $0x38;
	[tilespmem:$0x1B200] =	vst v63  }
0x278: {  	_ =	swait.ge [sflag:s9], $0x800  }
0x279: {  	s21 =	sld [smem:$0x7F8]  }
0x27a: {  	[sflag:s9] =	ssyncset.done $0x0  }
0x27b: {  	[sflag:s9] =	ssyncadd.s32 $0xFFFFF800  }
0x27c: {  	[spmem:s21] =	stream.linear.scatter [tilespmem:s8], [sflag:$0x5], $0x800, $0x38;
	[tilespmem:$0x1B200] =	vst v63  }
0x27d: {  	_ =	swait.ge [sflag:s9], $0x800  }
0x27e: {  	s22 =	sld [smem:$0x7F9]  }
0x27f: {  	[sflag:s9] =	ssyncset.done $0x0  }
0x280: {  	[sflag:s9] =	ssyncadd.s32 $0xFFFFF800  }
0x281: {  	[spmem:s22] =	stream.linear.scatter [tilespmem:s8], [sflag:$0x5], $0x800, $0x38;
	[tilespmem:$0x1B200] =	vst v63  }
0x282: {  	_ =	swait.ge [sflag:s9], $0x800  }
0x283: {  	s23 =	sld [smem:$0x7FA]  }
0x284: {  	[sflag:s9] =	ssyncset.done $0x0  }
0x285: {  	[sflag:s9] =	ssyncadd.s32 $0xFFFFF800  }
0x286: {  	[spmem:s23] =	stream.linear.scatter [tilespmem:s8], [sflag:$0x5], $0x800, $0x38;
	[tilespmem:$0x1B200] =	vst v63  }
0x287: {  	_ =	swait.ge [sflag:s9], $0x800  }
0x288: {  	s21 =	sld [smem:$0x7FB]  }
0x289: {  	[sflag:s9] =	ssyncset.done $0x0  }
0x28a: {  	[sflag:s9] =	ssyncadd.s32 $0xFFFFF800  }
0x28b: {  	[spmem:s21] =	stream.linear.scatter [tilespmem:s8], [sflag:$0x5], $0x800, $0x38;
	[tilespmem:$0x1B200] =	vst v63  }
0x28c: {  	_ =	swait.ge [sflag:s9], $0x800  }
0x28d: {  	s22 =	sld [smem:$0x7FC]  }
0x28e: {  	[sflag:s9] =	ssyncset.done $0x0  }
0x28f: {  	[sflag:s9] =	ssyncadd.s32 $0xFFFFF800  }
0x290: {  	[spmem:s22] =	stream.linear.scatter [tilespmem:s8], [sflag:$0x5], $0x800, $0x38;
	[tilespmem:$0x1B200] =	vst v63  }
0x291: {  	_ =	swait.ge [sflag:s9], $0x800  }
0x292: {  	[sflag:s9] =	ssyncset.done $0x0  }
0x293: {  	[sflag:s9] =	ssyncadd.s32 $0xFFFFF800  }
0x294: {  	[spmem:s7] =	stream.linear.scatter [tilespmem:s8], [sflag:$0x5], $0x700, $0x38;
	[tilespmem:$0x1B200] =	vst v63  }
0x295: {  	_ =	swait.ge [sflag:s9], $0x700  }
0x296: {  	[sflag:s9] =	ssyncset.done $0x0  }
0x297: {  	[sflag:s9] =	ssyncadd.s32 $0xFFFFF900  }
0x298: {  	[bflag:$0x0] =	sbarrier.arrive $0xFFFF  }
0x299: {  	s23 =	rddreg [dreg:$0xa]  }
0x29a: {  	[tilespmem:s10], [sflag:$0x5] =	stream.linear.gather [hbm4b:s23+s4], $0x80, $0x38;
	[tilespmem:$0x1B200] =	vst v63  }
0x29b: {  	_ =	swait.ge [sflag:s9], $0x80  }
0x29c: {  	[sflag:s9] =	ssyncset.done $0x0  }
0x29d: {  	s21 =	rddreg [dreg:$0xb];
	[sflag:s9] =	ssyncadd.s32 $0xFFFFFF80  }
0x29e: {  	[tilespmem:s11], [sflag:$0x5] =	stream.linear.gather [hbm4b:s21+s4], $0x80, $0x38;
	[tilespmem:$0x1B200] =	vst v63  }
0x29f: {  	_ =	swait.ge [sflag:s9], $0x80  }
0x2a0: {  	[sflag:s9] =	ssyncset.done $0x0  }
0x2a1: {  	[sflag:s9] =	ssyncadd.s32 $0xFFFFFF80  }
0x2a2: {  	v3 =	vld [tilespmem:$0x18700]  }
0x2a3: {  	v4 =	vld [tilespmem:$0x18710]  }
0x2a4: {  	v5 =	vld [tilespmem:$0x18720]  }
0x2a5: {  	v6 =	vld [tilespmem:$0x18730]  }
0x2a6: {  	v7 =	vld [tilespmem:$0x18740]  }
0x2a7: {  	v8 =	vld [tilespmem:$0x18750];
	v3 =	vshll.u32 v3, $0x2  }
0x2a8: {  	v9 =	vld [tilespmem:$0x18760];
	v4 =	vshll.u32 v4, $0x2;
	v3 =	vor.u32 v1, v3  }
0x2a9: {  	v58 =	vld [tilespmem:$0x18770];
	v57 =	vshll.u32 v5, $0x2;
	[tilespmem:$0x18900] =	vst v3;
	v3 =	vor.u32 v1, v4  }
0x2aa: {  	v59 =	vshll.u32 v6, $0x2;
	[tilespmem:$0x18910] =	vst v3;
	v3 =	vor.u32 v1, v57  }
0x2ab: {  	v60 =	vshll.u32 v7, $0x2;
	[tilespmem:$0x18920] =	vst v3;
	v3 =	vor.u32 v1, v59  }
0x2ac: {  	v61 =	vshll.u32 v8, $0x2;
	[tilespmem:$0x18930] =	vst v3;
	v3 =	vor.u32 v1, v60  }
0x2ad: {  	v62 =	vshll.u32 v9, $0x2;
	[tilespmem:$0x18940] =	vst v3;
	v3 =	vor.u32 v1, v61  }
0x2ae: {  	v63 =	vshll.u32 v58, $0x2;
	[tilespmem:$0x18950] =	vst v3;
	v3 =	vor.u32 v1, v62  }
0x2af: {  	[tilespmem:$0x18960] =	vst v3;
	v3 =	vor.u32 v1, v63  }
0x2b0: {  	[tilespmem:$0x18970] =	vst v3  }
0x2b1: {  	[tilespmem:s16], [sflag:$0x1] =	stream.indirect.gather [hbm4b:s1+s12], $0x20, s13, s12, $0xb8;
	[tilespmem:$0x1B200] =	vst v63  }
0x2b2: {  	s22 =	rddreg [dreg:$0xe]  }
0x2b3: {  	[tilespmem:s17], [sflag:$0x4] =	stream.linear.gather [hbm4b:s22+s4], $0x80, $0x38;
	[tilespmem:$0x1B200] =	vst v63  }
0x2b4: {  	s15 =	simm.s32 $0xFFFFE7A0;
	s23 =	rddreg [dreg:$0xf]  }
0x2b5: {  	[tilespmem:s20], [sflag:$0x4] =	stream.linear.gather [hbm4b:s23+s4], $0x80, $0x38;
	[tilespmem:$0x1B200] =	vst v63  }
.LBB2_7:
0x2b6: {  	_ =	swait.ge [sflag:s24], $0x80  }
0x2b7: {  	[sflag:s24] =	ssyncset.done $0x0  }
0x2b8: {  	[sflag:s24] =	ssyncadd.s32 $0xFFFFFF80  }
0x2b9: {  	_ =	swait.ge [sflag:s24], $0x80  }
0x2ba: {  	[sflag:s24] =	ssyncset.done $0x0  }
0x2bb: {  	[sflag:s24] =	ssyncadd.s32 $0xFFFFFF80  }
0x2bc: {  	v3 =	vld [tilespmem:$0x18780]  }
0x2bd: {  	v4 =	vld [tilespmem:$0x18790]  }
0x2be: {  	v5 =	vld [tilespmem:$0x187A0]  }
0x2bf: {  	v6 =	vld [tilespmem:$0x187B0]  }
0x2c0: {  	v7 =	vld [tilespmem:$0x187C0]  }
0x2c1: {  	v8 =	vld [tilespmem:$0x187D0];
	v3 =	vshll.u32 v3, $0x2  }
0x2c2: {  	v9 =	vld [tilespmem:$0x187E0];
	v4 =	vshll.u32 v4, $0x2;
	v3 =	vor.u32 v1, v3  }
0x2c3: {  	v58 =	vld [tilespmem:$0x187F0];
	v57 =	vshll.u32 v5, $0x2;
	[tilespmem:$0x18980] =	vst v3;
	v3 =	vor.u32 v1, v4  }
0x2c4: {  	v59 =	vshll.u32 v6, $0x2;
	[tilespmem:$0x18990] =	vst v3;
	v3 =	vor.u32 v1, v57  }
0x2c5: {  	v60 =	vshll.u32 v7, $0x2;
	[tilespmem:$0x189A0] =	vst v3;
	v3 =	vor.u32 v1, v59  }
0x2c6: {  	v61 =	vshll.u32 v8, $0x2;
	[tilespmem:$0x189B0] =	vst v3;
	v3 =	vor.u32 v1, v60  }
0x2c7: {  	v62 =	vshll.u32 v9, $0x2;
	[tilespmem:$0x189C0] =	vst v3;
	v3 =	vor.u32 v1, v61  }
0x2c8: {  	v63 =	vshll.u32 v58, $0x2;
	[tilespmem:$0x189D0] =	vst v3;
	v3 =	vor.u32 v1, v62  }
0x2c9: {  	[tilespmem:$0x189E0] =	vst v3;
	v3 =	vor.u32 v1, v63  }
0x2ca: {  	[tilespmem:$0x189F0] =	vst v3  }
0x2cb: {  	[tilespmem:s26], [sflag:$0x2] =	stream.indirect.gather [hbm4b:s1+s12], $0x20, s25, s12, $0xb8;
	[tilespmem:$0x1B200] =	vst v63  }
0x2cc: {  	_ =	swait.ge [sflag:s28], $0x1000  }
0x2cd: {  	p1 =	seq.s32 s15, $0x0;
	[sflag:s28] =	ssyncset.done $0x0  }
.Ltmp5:
0x2ce: {  	[sflag:s28] =	ssyncadd.s32 $0xFFFFF000;
	(pc) =	sbr.rel @p1 .LBB2_9-.Ltmp5, $4  }
0x2cf: {  	[spmem:s2] =	stream.indirect.scatter.add.f32 [tilespmem:s16], [sflag:$0x5], $0x20, s11, s12, $0xb8;
	[tilespmem:$0x1B200] =	vst v63  }
0x2d0: {  	_ =	swait.ge [sflag:s9], $0x1000  }
0x2d1: {  	[sflag:s9] =	ssyncset.done $0x0  }
0x2d2: {  	[sflag:s9] =	ssyncadd.s32 $0xFFFFF000  }
0x2d3: {  	s21 =	sadd.s32 s15, s19  }
0x2d4: {  	s22 =	sadd.s32 $0x1880, s21  }
0x2d5: {  	[tilespmem:s10], [sflag:$0x3] =	stream.linear.gather [hbm4b:s22+s4], $0x80, $0x38;
	[tilespmem:$0x1B200] =	vst v63  }
0x2d6: {  	s22 =	sadd.s32 s15, s18  }
0x2d7: {  	s23 =	sadd.s32 $0x1880, s22  }
0x2d8: {  	[tilespmem:s11], [sflag:$0x3] =	stream.linear.gather [hbm4b:s23+s4], $0x80, $0x38;
	[tilespmem:$0x1B200] =	vst v63  }
0x2d9: {  	_ =	swait.ge [sflag:s29], $0x1000  }
0x2da: {  	[sflag:s29] =	ssyncset.done $0x0  }
0x2db: {  	[sflag:s29] =	ssyncadd.s32 $0xFFFFF000  }
0x2dc: {  	[spmem:s2] =	stream.indirect.scatter.add.f32 [tilespmem:s26], [sflag:$0x5], $0x20, s20, s12, $0xb8;
	[tilespmem:$0x1B200] =	vst v63  }
0x2dd: {  	_ =	swait.ge [sflag:s9], $0x1000  }
0x2de: {  	[sflag:s9] =	ssyncset.done $0x0  }
0x2df: {  	[sflag:s9] =	ssyncadd.s32 $0xFFFFF000  }
0x2e0: {  	_ =	swait.ge [sflag:s30], $0x80  }
0x2e1: {  	[sflag:s30] =	ssyncset.done $0x0  }
0x2e2: {  	[sflag:s30] =	ssyncadd.s32 $0xFFFFFF80  }
0x2e3: {  	_ =	swait.ge [sflag:s30], $0x80  }
0x2e4: {  	[sflag:s30] =	ssyncset.done $0x0  }
0x2e5: {  	[sflag:s30] =	ssyncadd.s32 $0xFFFFFF80  }
0x2e6: {  	v3 =	vld [tilespmem:$0x18700]  }
0x2e7: {  	v4 =	vld [tilespmem:$0x18710]  }
0x2e8: {  	v5 =	vld [tilespmem:$0x18720]  }
0x2e9: {  	v6 =	vld [tilespmem:$0x18730]  }
0x2ea: {  	v7 =	vld [tilespmem:$0x18740]  }
0x2eb: {  	v8 =	vld [tilespmem:$0x18750];
	v3 =	vshll.u32 v3, $0x2  }
0x2ec: {  	v9 =	vld [tilespmem:$0x18760];
	v4 =	vshll.u32 v4, $0x2;
	v3 =	vor.u32 v1, v3  }
0x2ed: {  	v58 =	vld [tilespmem:$0x18770];
	v57 =	vshll.u32 v5, $0x2;
	[tilespmem:$0x18900] =	vst v3;
	v3 =	vor.u32 v1, v4  }
0x2ee: {  	v59 =	vshll.u32 v6, $0x2;
	[tilespmem:$0x18910] =	vst v3;
	v3 =	vor.u32 v1, v57  }
0x2ef: {  	v60 =	vshll.u32 v7, $0x2;
	[tilespmem:$0x18920] =	vst v3;
	v3 =	vor.u32 v1, v59  }
0x2f0: {  	v61 =	vshll.u32 v8, $0x2;
	[tilespmem:$0x18930] =	vst v3;
	v3 =	vor.u32 v1, v60  }
0x2f1: {  	v62 =	vshll.u32 v9, $0x2;
	[tilespmem:$0x18940] =	vst v3;
	v3 =	vor.u32 v1, v61  }
0x2f2: {  	v63 =	vshll.u32 v58, $0x2;
	[tilespmem:$0x18950] =	vst v3;
	v3 =	vor.u32 v1, v62  }
0x2f3: {  	[tilespmem:$0x18960] =	vst v3;
	v3 =	vor.u32 v1, v63  }
0x2f4: {  	[tilespmem:$0x18970] =	vst v3  }
0x2f5: {  	[tilespmem:s16], [sflag:$0x1] =	stream.indirect.gather [hbm4b:s1+s12], $0x20, s13, s12, $0xb8;
	[tilespmem:$0x1B200] =	vst v63  }
.Ltmp6:
0x2f6: {  	_ = 	snop;
	(pc) =	sbr.rel .LBB2_7-.Ltmp6, $4  }
0x2f7: {  	s21 =	sadd.s32 $0x1890, s21  }
0x2f8: {  	[tilespmem:s17], [sflag:$0x4] =	stream.linear.gather [hbm4b:s21+s4], $0x80, $0x38;
	[tilespmem:$0x1B200] =	vst v63  }
0x2f9: {  	s15 =	sadd.s32 $0x20, s15;
	s23 =	sadd.s32 $0x1890, s22  }
0x2fa: {  	[tilespmem:s20], [sflag:$0x4] =	stream.linear.gather [hbm4b:s23+s4], $0x80, $0x38;
	[tilespmem:$0x1B200] =	vst v63  }
.LBB2_10:
0x2fb: {  	_ =	sfence.sel $0x180000  }
0x2fc: {  	[bflag:$0x0] =	sbarrier.arrive $0xFFFF  }
0x2fd: {  	_ =	strace $0x90000047  }
0x2fe: {  	s0 =	stileid.u32;
	[bflag:$0x2] =	sbarrier.arrive $0xFFFF  }
0x2ff: {  	p0 =	sne.s32 s0, $0x0;
	s0 =	rddreg [dreg:$0x3]  }
0x300: {  	s0 =	sadd.s32 @!p0 $0x100000, s0  }
0x301: {  	[sflag:s0] =	ssyncadd.tile.s32 @!p0 $0x1;
	_ =	shalt  }
.Lfunc_end2:
_tile_overlayer_lowered:
.L_overlay_start_2:
0x302: {  	(tag) =	ssettag $0x2  }
0x303: {  	s0 =	rddreg [dreg:$0x0];
	s2 =	stileid.u32  }
0x304: {  	s1 =	rddreg [dreg:$0x1];
	p0 =	sne.s32 s2, $0x0  }
0x305: {  	s3 =	rddreg [dreg:$0x2];
	[bflag:$0x3] =	sbarrier.arrive $0xFFFF;
	s2 =	simm.s32 @!p0 $0x1C05  }
0x306: {  	[timem:s3], [sflag:s2] =	dma.local @!p0 [hbm:s0], s1  }
0x307: {  	s0 =	simm.s32 @!p0 $0x5  }
0x308: {  	_ =	swait.ge @!p0 [sflag:s0], s1  }
0x309: {  	s1 =	ssub.s32 @!p0 $0x0, s1;
	[sflag:s0] =	ssyncset.done @!p0 $0x0  }
0x30a: {  	[sflag:s0] =	ssyncadd.s32 @!p0 s1  }
0x30b: {  	[bflag:$0x3] =	sbarrier.arrive $0xFFFF  }
0x30c: {  	_ =	shalt  }

</sc_bundles>
